<compile_context>
chip_gen: v7x
topology: tpu7x:2x2x1
jax: 0.10.2.dev20260603
libtpu: 0.0.44.dev20260713+nightly
codegen_flags: <defaults>
</compile_context>

<pallas_src>
import functools

import jax
import jax.numpy as jnp
from jax import lax
from jax.experimental import pallas as pl
from jax.experimental.pallas import tpu as pltpu
from jax.experimental.pallas import tpu_sc as plsc

NC, EC, NT, ET = 10000, 160000, 16, 128
CFEAT, CEDGE, TFEAT, TEDGE = 256, 16, 64, 16
H = 256
NOPS, OPEMB = 32, 4
NPAD = 10240
NSC, NTILE = 2, 16
ROWS_PT = NPAD // NTILE



def _sc_mesh():
    return plsc.VectorSubcoreMesh(core_axis_name="c", subcore_axis_name="s")


def _make_segsum(W):
    EPT = EC // NTILE
    NCH = EPT // 128
    REM = EPT - NCH * 128

    @functools.partial(
        pl.kernel,
        out_type=(
            jax.ShapeDtypeStruct((NPAD, W), jnp.float32),
            jax.ShapeDtypeStruct((NPAD, W), jnp.float32),
        ),
        mesh=_sc_mesh(),
        scratch_types=[
            pltpu.VMEM((128,), jnp.int32),
            pltpu.VMEM((REM,), jnp.int32),
            pltpu.VMEM((128, W), jnp.float32),
            pltpu.VMEM((REM, W), jnp.float32),
            pltpu.VMEM_SHARED((NPAD, W), jnp.float32),
        ],
        compiler_params=pltpu.CompilerParams(use_tc_tiling_on_sc=False),
    )
    def segsum(tab_a, tab_b, srcL, dstL, z, out_a, out_b,
               idx_v, idx_r, rows_v, rows_r, acc):
        c = lax.axis_index("c")
        s = lax.axis_index("s")
        r0 = s * ROWS_PT
        pltpu.sync_copy(z.at[pl.ds(r0, ROWS_PT)], acc.at[pl.ds(r0, ROWS_PT)])
        plsc.subcore_barrier()

        def run(tab):
            @pl.loop(0, NCH)
            def _(k):
                base = s * EPT + k * 128
                pltpu.sync_copy(srcL.at[pl.ds(base, 128)], idx_v)
                pltpu.sync_copy(tab.at[idx_v], rows_v)
                pltpu.sync_copy(dstL.at[pl.ds(base, 128)], idx_v)
                pltpu.sync_copy(rows_v, acc.at[idx_v], add=True)

            base = s * EPT + NCH * 128
            pltpu.sync_copy(srcL.at[pl.ds(base, REM)], idx_r)
            pltpu.sync_copy(tab.at[idx_r], rows_r)
            pltpu.sync_copy(dstL.at[pl.ds(base, REM)], idx_r)
            pltpu.sync_copy(rows_r, acc.at[idx_r], add=True)

        @pl.when(c == 0)
        def _():
            run(tab_a)

        @pl.when(c == 1)
        def _():
            run(tab_b)

        plsc.subcore_barrier()

        @pl.when(c == 0)
        def _():
            pltpu.sync_copy(acc.at[pl.ds(r0, ROWS_PT)],
                            out_a.at[pl.ds(r0, ROWS_PT)])

        @pl.when(c == 1)
        def _():
            pltpu.sync_copy(acc.at[pl.ds(r0, ROWS_PT)],
                            out_b.at[pl.ds(r0, ROWS_PT)])

    return segsum


def _make_sc_prep():
    EPC = EC // NSC
    EPT = EPC // NTILE
    NCH = EPT // 128
    REM = EPT - NCH * 128

    @functools.partial(
        pl.kernel,
        out_type=(
            jax.ShapeDtypeStruct((NSC, NPAD, 48), jnp.float32),
            jax.ShapeDtypeStruct((NSC, NPAD, 16), jnp.float32),
        ),
        mesh=_sc_mesh(),
        scratch_types=[
            pltpu.VMEM((128,), jnp.int32),
            pltpu.VMEM((REM,), jnp.int32),
            pltpu.VMEM((128, 48), jnp.float32),
            pltpu.VMEM((REM, 48), jnp.float32),
            pltpu.VMEM((128, 16), jnp.float32),
            pltpu.VMEM((REM, 16), jnp.float32),
            pltpu.VMEM_SHARED((NPAD, 48), jnp.float32),
            pltpu.VMEM_SHARED((NPAD, 16), jnp.float32),
        ],
        compiler_params=pltpu.CompilerParams(use_tc_tiling_on_sc=False),
    )
    def prep(srcL, dstL, vals48, zA, zB, onesC, outA, outB,
             idx_v, idx_r, val_v, val_r, one_v, one_r, accA, accB):
        c = lax.axis_index("c")
        s = lax.axis_index("s")
        r0 = s * ROWS_PT
        pltpu.sync_copy(zA.at[pl.ds(r0, ROWS_PT)], accA.at[pl.ds(r0, ROWS_PT)])
        pltpu.sync_copy(zB.at[pl.ds(r0, ROWS_PT)], accB.at[pl.ds(r0, ROWS_PT)])
        pltpu.sync_copy(onesC, one_v)
        pltpu.sync_copy(onesC.at[pl.ds(0, REM)], one_r)
        plsc.subcore_barrier()

        e0 = c * EPC + s * EPT

        @pl.loop(0, NCH)
        def _(k):
            base = e0 + k * 128
            pltpu.sync_copy(dstL.at[pl.ds(base, 128)], idx_v)
            pltpu.sync_copy(vals48.at[pl.ds(base, 128)], val_v)
            pltpu.sync_copy(val_v, accA.at[idx_v], add=True)
            pltpu.sync_copy(srcL.at[pl.ds(base, 128)], idx_v)
            pltpu.sync_copy(one_v, accB.at[idx_v], add=True)

        base = e0 + NCH * 128
        pltpu.sync_copy(dstL.at[pl.ds(base, REM)], idx_r)
        pltpu.sync_copy(vals48.at[pl.ds(base, REM)], val_r)
        pltpu.sync_copy(val_r, accA.at[idx_r], add=True)
        pltpu.sync_copy(srcL.at[pl.ds(base, REM)], idx_r)
        pltpu.sync_copy(one_r, accB.at[idx_r], add=True)

        plsc.subcore_barrier()

        @pl.when(c == 0)
        def _():
            pltpu.sync_copy(accA.at[pl.ds(r0, ROWS_PT)],
                            outA.at[0, pl.ds(r0, ROWS_PT)])
            pltpu.sync_copy(accB.at[pl.ds(r0, ROWS_PT)],
                            outB.at[0, pl.ds(r0, ROWS_PT)])

        @pl.when(c == 1)
        def _():
            pltpu.sync_copy(accA.at[pl.ds(r0, ROWS_PT)],
                            outA.at[1, pl.ds(r0, ROWS_PT)])
            pltpu.sync_copy(accB.at[pl.ds(r0, ROWS_PT)],
                            outB.at[1, pl.ds(r0, ROWS_PT)])

    return prep



_EBLK = 2000
_NBLK = 1000
_PBLK = 1024


def _vals48_body(ef_ref, out_ref):
    ef = ef_ref[...]
    out_ref[...] = jnp.concatenate(
        [jax.nn.sigmoid(ef), ef, jnp.ones_like(ef)], axis=1)


def _build_vals48(cedge_feats):
    return pl.pallas_call(
        _vals48_body,
        grid=(EC // _EBLK,),
        in_specs=[pl.BlockSpec((_EBLK, CEDGE), lambda i: (i, 0))],
        out_specs=pl.BlockSpec((_EBLK, 48), lambda i: (i, 0)),
        out_shape=jax.ShapeDtypeStruct((EC, 48), jnp.float32),
    )(cedge_feats)


def _degs_body(dA_ref, oB_ref, hEs_ref, hEl_ref, di_ref, do_ref):
    dA = dA_ref[0] + dA_ref[1]
    oB = oB_ref[0] + oB_ref[1]
    hEs_ref[...] = dA[:, 0:16]
    hEl_ref[...] = dA[:, 16:32]
    di_ref[...] = lax.rsqrt(jnp.maximum(dA[:, 32:33], 1.0))
    do_ref[...] = lax.rsqrt(jnp.maximum(oB[:, 0:1], 1.0))


def _build_degs(dsums, osums):
    return pl.pallas_call(
        _degs_body,
        grid=(NPAD // _PBLK,),
        in_specs=[
            pl.BlockSpec((NSC, _PBLK, 48), lambda i: (0, i, 0)),
            pl.BlockSpec((NSC, _PBLK, 16), lambda i: (0, i, 0)),
        ],
        out_specs=[
            pl.BlockSpec((_PBLK, 16), lambda i: (i, 0)),
            pl.BlockSpec((_PBLK, 16), lambda i: (i, 0)),
            pl.BlockSpec((_PBLK, 1), lambda i: (i, 0)),
            pl.BlockSpec((_PBLK, 1), lambda i: (i, 0)),
        ],
        out_shape=[
            jax.ShapeDtypeStruct((NPAD, 16), jnp.float32),
            jax.ShapeDtypeStruct((NPAD, 16), jnp.float32),
            jax.ShapeDtypeStruct((NPAD, 1), jnp.float32),
            jax.ShapeDtypeStruct((NPAD, 1), jnp.float32),
        ],
    )(dsums, osums)


def _feat0_body(cf_ref, ct_ref, emb_ref, do_ref, sa_ref, sb_ref):
    cf = cf_ref[...]
    ct = ct_ref[...]
    oh = (ct == lax.broadcasted_iota(jnp.int32, (ct.shape[0], NOPS), 1))
    emb = jnp.dot(oh.astype(jnp.float32), emb_ref[...],
                  preferred_element_type=jnp.float32)
    f0 = jnp.concatenate([cf, emb], axis=1) * do_ref[...]
    s0 = jax.nn.sigmoid(f0)
    zpad = jnp.zeros((cf.shape[0], 14), jnp.float32)
    sa_ref[...] = jnp.concatenate([s0[:, :130], zpad], axis=1)
    sb_ref[...] = jnp.concatenate([s0[:, 130:260], zpad], axis=1)


def _build_feat0(cfeats, ctypes2d, op_emb, dout_isqrt):
    return pl.pallas_call(
        _feat0_body,
        grid=(NC // _NBLK,),
        in_specs=[
            pl.BlockSpec((_NBLK, CFEAT), lambda i: (i, 0)),
            pl.BlockSpec((_NBLK, 1), lambda i: (i, 0)),
            pl.BlockSpec((NOPS, OPEMB), lambda i: (0, 0)),
            pl.BlockSpec((_NBLK, 1), lambda i: (i, 0)),
        ],
        out_specs=[
            pl.BlockSpec((_NBLK, 144), lambda i: (i, 0)),
            pl.BlockSpec((_NBLK, 144), lambda i: (i, 0)),
        ],
        out_shape=[
            jax.ShapeDtypeStruct((NC, 144), jnp.float32),
            jax.ShapeDtypeStruct((NC, 144), jnp.float32),
        ],
    )(cfeats, ctypes2d, op_emb, dout_isqrt)


def _layer_core(res, last, ha_ref, hb_ref, he_ref, wa_ref, wb_ref, we_ref,
                b_ref, di_ref, do_ref, f_ref, sa_ref, sb_ref, fo_ref):
    h = (jnp.dot(ha_ref[...], wa_ref[...], preferred_element_type=jnp.float32)
         + jnp.dot(hb_ref[...], wb_ref[...], preferred_element_type=jnp.float32)
         + jnp.dot(he_ref[...], we_ref[...], preferred_element_type=jnp.float32))
    rst = jax.nn.sigmoid(h * di_ref[...] + b_ref[...])
    x = f_ref[...] + rst if res else rst
    fn = x * do_ref[...]
    if last:
        sa_ref[...] = fn[:, :128]
        sb_ref[...] = fn[:, 128:]
    else:
        sn = jax.nn.sigmoid(fn)
        sa_ref[...] = sn[:, :128]
        sb_ref[...] = sn[:, 128:]
        fo_ref[...] = fn


def _make_layer_body(res, last):
    if last:
        def body(ha, hb, he, wa, wb, we, b, di, do, f, sa, sb):
            _layer_core(res, last, ha, hb, he, wa, wb, we, b, di, do, f,
                        sa, sb, None)
    else:
        def body(ha, hb, he, wa, wb, we, b, di, do, f, sa, sb, fo):
            _layer_core(res, last, ha, hb, he, wa, wb, we, b, di, do, f,
                        sa, sb, fo)
    return body


def _build_layer(res, last, Wa, ha, hb, hE, wa, wb, we, b2, di, do, f):
    nout = 2 if last else 3
    outs = [
        jax.ShapeDtypeStruct((NC, 128), jnp.float32),
        jax.ShapeDtypeStruct((NC, 128), jnp.float32),
        jax.ShapeDtypeStruct((NC, 256), jnp.float32),
    ][:nout]
    out_specs = [
        pl.BlockSpec((_NBLK, 128), lambda i: (i, 0)),
        pl.BlockSpec((_NBLK, 128), lambda i: (i, 0)),
        pl.BlockSpec((_NBLK, 256), lambda i: (i, 0)),
    ][:nout]
    return pl.pallas_call(
        _make_layer_body(res, last),
        grid=(NC // _NBLK,),
        in_specs=[
            pl.BlockSpec((_NBLK, Wa), lambda i: (i, 0)),
            pl.BlockSpec((_NBLK, Wa), lambda i: (i, 0)),
            pl.BlockSpec((_NBLK, 16), lambda i: (i, 0)),
            pl.BlockSpec((Wa, H), lambda i: (0, 0)),
            pl.BlockSpec((Wa, H), lambda i: (0, 0)),
            pl.BlockSpec((16, H), lambda i: (0, 0)),
            pl.BlockSpec((1, H), lambda i: (0, 0)),
            pl.BlockSpec((_NBLK, 1), lambda i: (i, 0)),
            pl.BlockSpec((_NBLK, 1), lambda i: (i, 0)),
            pl.BlockSpec((_NBLK, 256), lambda i: (i, 0)),
        ],
        out_specs=out_specs,
        out_shape=outs,
    )(ha, hb, hE, wa, wb, we, b2, di, do, f)


def _tstack_body(tf_ref, tef_ref, tsrcC_ref, tsrcR_ref, tdstR_ref,
                 tw0, tb0, tw1, tb1, tw2, tb2, tw3, tb3, out_ref):
    tws = [tw0[...], tw1[...], tw2[...], tw3[...]]
    tbs = [tb0[...], tb1[...], tb2[...], tb3[...]]
    Os = (tsrcC_ref[...] == lax.broadcasted_iota(jnp.int32, (ET, NT), 1)
          ).astype(jnp.float32)
    OsR = (lax.broadcasted_iota(jnp.int32, (NT, ET), 0) == tsrcR_ref[...]
           ).astype(jnp.float32)
    Od = (lax.broadcasted_iota(jnp.int32, (NT, ET), 0) == tdstR_ref[...]
          ).astype(jnp.float32)
    ones_e = jnp.ones((ET, 1), jnp.float32)
    tdo = lax.rsqrt(jnp.maximum(
        jnp.dot(OsR, ones_e, preferred_element_type=jnp.float32), 1.0))
    tdi = lax.rsqrt(jnp.maximum(
        jnp.dot(Od, ones_e, preferred_element_type=jnp.float32), 1.0))
    tef = tef_ref[...]
    tx = tf_ref[...]
    tres = [False, True, True, False]
    for l in range(4):
        fl = tx * tdo
        g = jnp.dot(Os, fl, preferred_element_type=jnp.float32)
        m = jnp.concatenate([g, tef], axis=1)
        if l < 3:
            m = jax.nn.sigmoid(m)
        hh = jnp.dot(Od, m, preferred_element_type=jnp.float32)
        rst = jnp.dot(hh, tws[l], preferred_element_type=jnp.float32) * tdi \
            + tbs[l]
        if l < 3:
            rst = jax.nn.sigmoid(rst)
        if tres[l]:
            rst = fl + rst
        tx = rst
    out_ref[...] = tx


def _build_tstack(tfeats, tedge_feats, tsrcC, tsrcR, tdstR, tWs, tbs):
    ins = [tfeats, tedge_feats, tsrcC, tsrcR, tdstR]
    for w, b in zip(tWs, tbs):
        ins += [w, b.reshape(1, H)]
    return pl.pallas_call(
        _tstack_body,
        out_shape=jax.ShapeDtypeStruct((NT, H), jnp.float32),
    )(*ins)


def _final_body(ha_ref, hb_ref, he_ref, wa_ref, wb_ref, we_ref, b_ref,
                di_ref, tf_ref, fwc_ref, fwt_ref, fb_ref, out_ref):
    h = (jnp.dot(ha_ref[...], wa_ref[...], preferred_element_type=jnp.float32)
         + jnp.dot(hb_ref[...], wb_ref[...], preferred_element_type=jnp.float32)
         + jnp.dot(he_ref[...], we_ref[...], preferred_element_type=jnp.float32))
    c_emb = h * di_ref[...] + b_ref[...]
    tvec = jnp.dot(tf_ref[...], fwt_ref[...], preferred_element_type=jnp.float32)
    z = (jnp.dot(c_emb, fwc_ref[...], preferred_element_type=jnp.float32)
         + tvec + fb_ref[...])
    m = jnp.max(z, axis=1, keepdims=True)
    out_ref[...] = z - m - jnp.log(
        jnp.sum(jnp.exp(z - m), axis=1, keepdims=True))


def _build_final(ha, hb, hE, wa, wb, we, b2, di, t_flat, fWc, fWt, fb2):
    return pl.pallas_call(
        _final_body,
        grid=(NC // _NBLK,),
        in_specs=[
            pl.BlockSpec((_NBLK, 128), lambda i: (i, 0)),
            pl.BlockSpec((_NBLK, 128), lambda i: (i, 0)),
            pl.BlockSpec((_NBLK, 16), lambda i: (i, 0)),
            pl.BlockSpec((128, H), lambda i: (0, 0)),
            pl.BlockSpec((128, H), lambda i: (0, 0)),
            pl.BlockSpec((16, H), lambda i: (0, 0)),
            pl.BlockSpec((1, H), lambda i: (0, 0)),
            pl.BlockSpec((_NBLK, 1), lambda i: (i, 0)),
            pl.BlockSpec((1, NT * H), lambda i: (0, 0)),
            pl.BlockSpec((H, 6), lambda i: (0, 0)),
            pl.BlockSpec((NT * H, 6), lambda i: (0, 0)),
            pl.BlockSpec((1, 6), lambda i: (0, 0)),
        ],
        out_specs=pl.BlockSpec((_NBLK, 6), lambda i: (i, 0)),
        out_shape=jax.ShapeDtypeStruct((NC, 6), jnp.float32),
    )(ha, hb, hE, wa, wb, we, b2, di, t_flat, fWc, fWt, fb2)



_segsum144 = _make_segsum(144)
_segsum128 = _make_segsum(128)
_sc_prep = _make_sc_prep()


def _pad_rows(w, rows):
    return jnp.concatenate(
        [w, jnp.zeros((rows - w.shape[0], w.shape[1]), w.dtype)], axis=0)


def kernel(cfeats, cedge_feats, ctypes, tfeats, tedge_feats, cedge_index,
           tedge_index, op_emb, cW0, cb0, cW1, cb1, cW2, cb2, cW3, cb3,
           cW4, cb4, cW5, cb5, tW0, tb0, tW1, tb1, tW2, tb2, tW3, tb3,
           fW, fb):
    f32 = jnp.float32
    src = cedge_index[0].astype(jnp.int32)
    dst = cedge_index[1].astype(jnp.int32)

    vals48 = _build_vals48(cedge_feats)
    dsums, osums = _sc_prep(src, dst, vals48,
                            jnp.zeros((NPAD, 48), f32),
                            jnp.zeros((NPAD, 16), f32),
                            jnp.ones((128, 16), f32))
    hE_sig, hE_lin, di, do = _build_degs(dsums, osums)
    hE_sig, hE_lin = hE_sig[:NC], hE_lin[:NC]
    di_n, do_n = di[:NC], do[:NC]

    s_a, s_b = _build_feat0(
        cfeats, ctypes.astype(jnp.int32).reshape(NC, 1), op_emb, do_n)

    z144 = jnp.zeros((NPAD, 144), f32)
    z128 = jnp.zeros((NPAD, 128), f32)

    cWs = [cW0, cW1, cW2, cW3, cW4, cW5]
    cbs = [cb0, cb1, cb2, cb3, cb4, cb5]
    f_prev = jnp.zeros((NC, 256), f32)
    for l in range(5):
        if l == 0:
            ha, hb = _segsum144(s_a, s_b, src, dst, z144)
            wa = _pad_rows(cW0[:130], 144)
            wb = _pad_rows(cW0[130:260], 144)
            we = cW0[260:276]
            Wa = 144
        else:
            ha, hb = _segsum128(s_a, s_b, src, dst, z128)
            wa, wb, we = cWs[l][:128], cWs[l][128:256], cWs[l][256:272]
            Wa = 128
        res = l in (1, 2, 3, 4)
        outs = _build_layer(res, l == 4, Wa, ha[:NC], hb[:NC], hE_sig,
                            wa, wb, we, cbs[l].reshape(1, H), di_n, do_n,
                            f_prev)
        if l == 4:
            s_a, s_b = outs
        else:
            s_a, s_b, f_prev = outs

    ha, hb = _segsum128(s_a, s_b, src, dst, z128)

    t_emb = _build_tstack(
        tfeats, tedge_feats,
        tedge_index[0].astype(jnp.int32).reshape(ET, 1),
        tedge_index[0].astype(jnp.int32).reshape(1, ET),
        tedge_index[1].astype(jnp.int32).reshape(1, ET),
        [tW0, tW1, tW2, tW3], [tb0, tb1, tb2, tb3])
    t_flat = t_emb.reshape(1, NT * H)

    return _build_final(ha[:NC], hb[:NC], hE_lin,
                        cW5[:128], cW5[128:256], cW5[256:272],
                        cb5.reshape(1, H), di_n, t_flat,
                        fW[:H], fW[H:], fb.reshape(1, 6))

# --- scband reference (transcript-rebuilt; emitter-appended) ---
"""Pipeline reference for scband-model-34024730919642 (READ-ONLY COPY).

The authoritative reference and input builder live on the scoring server;
editing this copy changes nothing except your own understanding.
"""

import jax, jax.numpy as jnp
import numpy as np

NC, EC, NT, ET = 10000, 160000, 16, 128
CFEAT, CEDGE, TFEAT, TEDGE = 256, 16, 64, 16
H = 256
NOPS, OPEMB = 32, 4


def _gconv(src, dst, n, feat, edge_feat, W, b, act, residual):
    ones = jnp.ones(src.shape[0], dtype=jnp.float32)
    out_deg = jnp.maximum(jax.ops.segment_sum(ones, src, num_segments=n), 1.0)
    feat = feat * (out_deg ** -0.5)[:, None]
    m = jnp.concatenate([feat[src], edge_feat], axis=1)
    if act is not None:
        m = act(m)
    h = jax.ops.segment_sum(m, dst, num_segments=n)
    rst = h @ W
    in_deg = jnp.maximum(jax.ops.segment_sum(ones, dst, num_segments=n), 1.0)
    rst = rst * (in_deg ** -0.5)[:, None] + b
    if act is not None:
        rst = act(rst)
    if residual:
        rst = feat + rst
    return rst


def _glorot(key, shape):
    lim = (6.0 / (shape[0] + shape[1])) ** 0.5
    return jax.random.uniform(key, shape, dtype=jnp.float32, minval=-lim, maxval=lim)


def setup_inputs(seed: int = 0):
    key = jax.random.key(seed)
    ks = jax.random.split(key, 32)
    inp = {}
    inp["cfeats"] = jax.random.normal(ks[0], (NC, CFEAT), dtype=jnp.float32)
    inp["cedge_feats"] = jax.random.normal(ks[1], (EC, CEDGE), dtype=jnp.float32)
    inp["ctypes"] = jax.random.randint(ks[2], (NC,), 0, NOPS)
    inp["tfeats"] = jax.random.normal(ks[3], (NT, TFEAT), dtype=jnp.float32)
    inp["tedge_feats"] = jax.random.normal(ks[4], (ET, TEDGE), dtype=jnp.float32)
    inp["cedge_index"] = jax.random.randint(ks[5], (2, EC), 0, NC)
    inp["tedge_index"] = jax.random.randint(ks[6], (2, ET), 0, NT)
    inp["op_emb"] = jax.random.normal(ks[7], (NOPS, OPEMB), dtype=jnp.float32) * 0.05
    cins = [CFEAT + OPEMB + CEDGE, H + CEDGE, H + CEDGE, H + CEDGE, H + CEDGE, H + CEDGE]
    for i, cin in enumerate(cins):
        inp[f"cW{i}"] = _glorot(ks[8 + i], (cin, H))
        inp[f"cb{i}"] = jnp.zeros((H,), dtype=jnp.float32)
    tins = [TFEAT + TEDGE, H + TEDGE, H + TEDGE, H + TEDGE]
    for i, tin in enumerate(tins):
        inp[f"tW{i}"] = _glorot(ks[16 + i], (tin, H))
        inp[f"tb{i}"] = jnp.zeros((H,), dtype=jnp.float32)
    inp["fW"] = _glorot(ks[22], (H + NT * H, 6))
    inp["fb"] = jnp.zeros((6,), dtype=jnp.float32)
    return inp


def _forward(cfeats, cedge_feats, ctypes, tfeats, tedge_feats, cedge_index, tedge_index, op_emb, cWs, cbs, tWs, tbs, fW, fb):
    emb = op_emb[ctypes]
    x = jnp.concatenate([cfeats, emb], axis=1)
    csrc, cdst = cedge_index[0], cedge_index[1]
    c_acts = [jax.nn.sigmoid] * 5 + [None]
    c_res = [False, True, True, True, True, False]
    for W, b, act, res in zip(cWs, cbs, c_acts, c_res):
        x = _gconv(csrc, cdst, NC, x, cedge_feats, W, b, act, res)
    c_embedding = x
    x = tfeats
    tsrc, tdst = tedge_index[0], tedge_index[1]
    t_acts = [jax.nn.sigmoid] * 3 + [None]
    t_res = [False, True, True, False]
    for W, b, act, res in zip(tWs, tbs, t_acts, t_res):
        x = _gconv(tsrc, tdst, NT, x, tedge_feats, W, b, act, res)
    t_embedding = x
    rep = jnp.tile(t_embedding.reshape(1, -1), (c_embedding.shape[0], 1))
    x = jnp.concatenate([c_embedding, rep], axis=1)
    return jax.nn.log_softmax(x @ fW + fb, axis=-1)


def reference(cfeats, cedge_feats, ctypes, tfeats, tedge_feats, cedge_index, tedge_index, op_emb, cW0, cb0, cW1, cb1, cW2, cb2, cW3, cb3, cW4, cb4, cW5, cb5, tW0, tb0, tW1, tb1, tW2, tb2, tW3, tb3, fW, fb):
    cWs = [cW0, cW1, cW2, cW3, cW4, cW5]
    cbs = [cb0, cb1, cb2, cb3, cb4, cb5]
    tWs = [tW0, tW1, tW2, tW3]
    tbs = [tb0, tb1, tb2, tb3]
    return _forward(cfeats, cedge_feats, ctypes, tfeats, tedge_feats, cedge_index, tedge_index, op_emb, cWs, cbs, tWs, tbs, fW, fb)

if __name__ == "__main__":
    import jax
    _d = setup_inputs()
    print(jax.jit(kernel)(*tuple(_d.values())))

</pallas_src>

<mosaic_0001>
#map = affine_map<(d0, d1) -> (0)>
#map1 = affine_map<(d0, d1) -> (0, 0)>
#map2 = affine_map<(d0, d1) -> (0, 0, 0)>
module attributes {stable_mosaic.version = 14 : i64} {
  func.func @prep(%arg0: i32, %arg1: i32, %arg2: memref<160000xi32, #tpu.memory_space<hbm>>, %arg3: memref<160000xi32, #tpu.memory_space<hbm>>, %arg4: memref<160000x48xf32, #tpu.memory_space<hbm>>, %arg5: memref<10240x48xf32, #tpu.memory_space<hbm>>, %arg6: memref<10240x16xf32, #tpu.memory_space<hbm>>, %arg7: memref<128x16xf32, #tpu.memory_space<hbm>>, %arg8: memref<2x10240x48xf32, #tpu.memory_space<hbm>>, %arg9: memref<2x10240x16xf32, #tpu.memory_space<hbm>>, %arg10: memref<128xi32, #tpu.memory_space<vmem>>, %arg11: memref<8xi32, #tpu.memory_space<vmem>>, %arg12: memref<128x48xf32, #tpu.memory_space<vmem>>, %arg13: memref<8x48xf32, #tpu.memory_space<vmem>>, %arg14: memref<128x16xf32, #tpu.memory_space<vmem>>, %arg15: memref<8x16xf32, #tpu.memory_space<vmem>>, %arg16: memref<10240x48xf32, #tpu.memory_space<vmem_shared>>, %arg17: memref<10240x16xf32, #tpu.memory_space<vmem_shared>>) attributes {dimension_semantics = [#tpu.dimension_semantics<core_parallel>, #tpu.dimension_semantics<subcore_parallel>], iteration_bounds = array<i64: 2, 16>, scalar_prefetch = 0 : i64, scratch_operands = 8 : i64, tpu.core_type = #tpu.core_type<sc_vector_subcore>, window_params = [{transform_indices = #map}, {transform_indices = #map}, {transform_indices = #map1}, {transform_indices = #map1}, {transform_indices = #map1}, {transform_indices = #map1}, {transform_indices = #map2}, {transform_indices = #map2}]} {
    %mul3A = arith.constant 640 : i32
    %mul3A_0 = arith.muli %arg1, %mul3A : i32
    "tpu.region"() ({
      %run_scoped3A = tpu.sem_alloc : memref<!tpu.dma_semaphore, #tpu.memory_space<semaphore_mem>>
      %dma_start3A = arith.constant 0 : i32
      %dma_start3A_19 = tpu.memref_slice %arg16[%mul3A_0, %dma_start3A] : memref<10240x48xf32, #tpu.memory_space<vmem_shared>> -> memref<640x48xf32, #tpu.memory_space<vmem_shared>>
      %dma_start3A_20 = arith.constant 0 : i32
      %dma_start3A_21 = tpu.memref_slice %arg5[%mul3A_0, %dma_start3A_20] : memref<10240x48xf32, #tpu.memory_space<hbm>> -> memref<640x48xf32, #tpu.memory_space<hbm>>
      tpu.enqueue_dma source(%dma_start3A_21 : memref<640x48xf32, #tpu.memory_space<hbm>>) target(%dma_start3A_19 : memref<640x48xf32, #tpu.memory_space<vmem_shared>>) target_semaphore(%run_scoped3A : memref<!tpu.dma_semaphore, #tpu.memory_space<semaphore_mem>>)
      %dma_wait3A = arith.constant 0 : i32
      %dma_wait3A_22 = tpu.memref_slice %arg16[%mul3A_0, %dma_wait3A] : memref<10240x48xf32, #tpu.memory_space<vmem_shared>> -> memref<640x48xf32, #tpu.memory_space<vmem_shared>>
      %dma_wait3A_23 = arith.constant 0 : i32
      %dma_wait3A_24 = tpu.memref_slice %arg5[%mul3A_0, %dma_wait3A_23] : memref<10240x48xf32, #tpu.memory_space<hbm>> -> memref<640x48xf32, #tpu.memory_space<hbm>>
      tpu.wait_dma2 semaphore(%run_scoped3A : memref<!tpu.dma_semaphore, #tpu.memory_space<semaphore_mem>>) src(%dma_wait3A_24 : memref<640x48xf32, #tpu.memory_space<hbm>>) dst(%dma_wait3A_22 : memref<640x48xf32, #tpu.memory_space<vmem_shared>>)
      tpu.yield
    }) : () -> ()
    "tpu.region"() ({
      %run_scoped3A = tpu.sem_alloc : memref<!tpu.dma_semaphore, #tpu.memory_space<semaphore_mem>>
      %dma_start3A = arith.constant 0 : i32
      %dma_start3A_19 = tpu.memref_slice %arg17[%mul3A_0, %dma_start3A] : memref<10240x16xf32, #tpu.memory_space<vmem_shared>> -> memref<640x16xf32, #tpu.memory_space<vmem_shared>>
      %dma_start3A_20 = arith.constant 0 : i32
      %dma_start3A_21 = tpu.memref_slice %arg6[%mul3A_0, %dma_start3A_20] : memref<10240x16xf32, #tpu.memory_space<hbm>> -> memref<640x16xf32, #tpu.memory_space<hbm>>
      tpu.enqueue_dma source(%dma_start3A_21 : memref<640x16xf32, #tpu.memory_space<hbm>>) target(%dma_start3A_19 : memref<640x16xf32, #tpu.memory_space<vmem_shared>>) target_semaphore(%run_scoped3A : memref<!tpu.dma_semaphore, #tpu.memory_space<semaphore_mem>>)
      %dma_wait3A = arith.constant 0 : i32
      %dma_wait3A_22 = tpu.memref_slice %arg17[%mul3A_0, %dma_wait3A] : memref<10240x16xf32, #tpu.memory_space<vmem_shared>> -> memref<640x16xf32, #tpu.memory_space<vmem_shared>>
      %dma_wait3A_23 = arith.constant 0 : i32
      %dma_wait3A_24 = tpu.memref_slice %arg6[%mul3A_0, %dma_wait3A_23] : memref<10240x16xf32, #tpu.memory_space<hbm>> -> memref<640x16xf32, #tpu.memory_space<hbm>>
      tpu.wait_dma2 semaphore(%run_scoped3A : memref<!tpu.dma_semaphore, #tpu.memory_space<semaphore_mem>>) src(%dma_wait3A_24 : memref<640x16xf32, #tpu.memory_space<hbm>>) dst(%dma_wait3A_22 : memref<640x16xf32, #tpu.memory_space<vmem_shared>>)
      tpu.yield
    }) : () -> ()
    "tpu.region"() ({
      %run_scoped3A = tpu.sem_alloc : memref<!tpu.dma_semaphore, #tpu.memory_space<semaphore_mem>>
      tpu.enqueue_dma source(%arg7 : memref<128x16xf32, #tpu.memory_space<hbm>>) target(%arg14 : memref<128x16xf32, #tpu.memory_space<vmem>>) target_semaphore(%run_scoped3A : memref<!tpu.dma_semaphore, #tpu.memory_space<semaphore_mem>>)
      tpu.wait_dma2 semaphore(%run_scoped3A : memref<!tpu.dma_semaphore, #tpu.memory_space<semaphore_mem>>) src(%arg7 : memref<128x16xf32, #tpu.memory_space<hbm>>) dst(%arg14 : memref<128x16xf32, #tpu.memory_space<vmem>>)
      tpu.yield
    }) : () -> ()
    "tpu.region"() ({
      %run_scoped3A = tpu.sem_alloc : memref<!tpu.dma_semaphore, #tpu.memory_space<semaphore_mem>>
      %dma_start3A = arith.constant 0 : i32
      %dma_start3A_19 = arith.constant 0 : i32
      %dma_start3A_20 = tpu.memref_slice %arg7[%dma_start3A, %dma_start3A_19] : memref<128x16xf32, #tpu.memory_space<hbm>> -> memref<8x16xf32, #tpu.memory_space<hbm>>
      %dma_start3A_21 = arith.constant 0 : i32
      %dma_start3A_22 = arith.constant 0 : i32
      %dma_start3A_23 = tpu.memref_slice %arg7[%dma_start3A_21, %dma_start3A_22] : memref<128x16xf32, #tpu.memory_space<hbm>> -> memref<8x16xf32, #tpu.memory_space<hbm>>
      tpu.enqueue_dma source(%dma_start3A_23 : memref<8x16xf32, #tpu.memory_space<hbm>>) target(%arg15 : memref<8x16xf32, #tpu.memory_space<vmem>>) target_semaphore(%run_scoped3A : memref<!tpu.dma_semaphore, #tpu.memory_space<semaphore_mem>>)
      %dma_wait3A = arith.constant 0 : i32
      %dma_wait3A_24 = arith.constant 0 : i32
      %dma_wait3A_25 = tpu.memref_slice %arg7[%dma_wait3A, %dma_wait3A_24] : memref<128x16xf32, #tpu.memory_space<hbm>> -> memref<8x16xf32, #tpu.memory_space<hbm>>
      %dma_wait3A_26 = arith.constant 0 : i32
      %dma_wait3A_27 = arith.constant 0 : i32
      %dma_wait3A_28 = tpu.memref_slice %arg7[%dma_wait3A_26, %dma_wait3A_27] : memref<128x16xf32, #tpu.memory_space<hbm>> -> memref<8x16xf32, #tpu.memory_space<hbm>>
      tpu.wait_dma2 semaphore(%run_scoped3A : memref<!tpu.dma_semaphore, #tpu.memory_space<semaphore_mem>>) src(%dma_wait3A_28 : memref<8x16xf32, #tpu.memory_space<hbm>>) dst(%arg15 : memref<8x16xf32, #tpu.memory_space<vmem>>)
      tpu.yield
    }) : () -> ()
    %barrier3A = arith.constant 0 : index
    tpu.barrier barrier_id(%barrier3A)
    %mul3A_1 = arith.constant 80000 : i32
    %mul3A_2 = arith.muli %arg0, %mul3A_1 : i32
    %mul3A_3 = arith.constant 5000 : i32
    %mul3A_4 = arith.muli %arg1, %mul3A_3 : i32
    %add3A = arith.addi %mul3A_2, %mul3A_4 : i32
    %scan3A = arith.constant 0 : i32
    %scan3A_5 = arith.constant 39 : i32
    %scan3A_6 = arith.addi %scan3A, %scan3A_5 : i32
    %scan3A_7 = arith.constant 1 : i32
    scf.for %scan3A_19 = %scan3A to %scan3A_6 step %scan3A_7  : i32 {
      %mul3A_20 = arith.constant 1 : i32
      %mul3A_21 = arith.muli %scan3A_19, %mul3A_20 : i32
      %add3A_22 = arith.constant 0 : i32
      %add3A_23 = arith.addi %add3A_22, %mul3A_21 : i32
      %mul3A_24 = arith.constant 128 : i32
      %mul3A_25 = arith.muli %add3A_23, %mul3A_24 : i32
      %add3A_26 = arith.addi %add3A, %mul3A_25 : i32
      "tpu.region"() ({
        %run_scoped3A = tpu.sem_alloc : memref<!tpu.dma_semaphore, #tpu.memory_space<semaphore_mem>>
        %dma_start3A = tpu.memref_slice %arg3[%add3A_26] : memref<160000xi32, #tpu.memory_space<hbm>> -> memref<128xi32, #tpu.memory_space<hbm>>
        %dma_start3A_27 = tpu.memref_slice %arg3[%add3A_26] : memref<160000xi32, #tpu.memory_space<hbm>> -> memref<128xi32, #tpu.memory_space<hbm>>
        tpu.enqueue_dma source(%dma_start3A_27 : memref<128xi32, #tpu.memory_space<hbm>>) target(%arg10 : memref<128xi32, #tpu.memory_space<vmem>>) target_semaphore(%run_scoped3A : memref<!tpu.dma_semaphore, #tpu.memory_space<semaphore_mem>>)
        %dma_wait3A = tpu.memref_slice %arg3[%add3A_26] : memref<160000xi32, #tpu.memory_space<hbm>> -> memref<128xi32, #tpu.memory_space<hbm>>
        %dma_wait3A_28 = tpu.memref_slice %arg3[%add3A_26] : memref<160000xi32, #tpu.memory_space<hbm>> -> memref<128xi32, #tpu.memory_space<hbm>>
        tpu.wait_dma2 semaphore(%run_scoped3A : memref<!tpu.dma_semaphore, #tpu.memory_space<semaphore_mem>>) src(%dma_wait3A_28 : memref<128xi32, #tpu.memory_space<hbm>>) dst(%arg10 : memref<128xi32, #tpu.memory_space<vmem>>)
        tpu.yield
      }) : () -> ()
      "tpu.region"() ({
        %run_scoped3A = tpu.sem_alloc : memref<!tpu.dma_semaphore, #tpu.memory_space<semaphore_mem>>
        %dma_start3A = arith.constant 0 : i32
        %dma_start3A_27 = tpu.memref_slice %arg4[%add3A_26, %dma_start3A] : memref<160000x48xf32, #tpu.memory_space<hbm>> -> memref<128x48xf32, #tpu.memory_space<hbm>>
        %dma_start3A_28 = arith.constant 0 : i32
        %dma_start3A_29 = tpu.memref_slice %arg4[%add3A_26, %dma_start3A_28] : memref<160000x48xf32, #tpu.memory_space<hbm>> -> memref<128x48xf32, #tpu.memory_space<hbm>>
        tpu.enqueue_dma source(%dma_start3A_29 : memref<128x48xf32, #tpu.memory_space<hbm>>) target(%arg12 : memref<128x48xf32, #tpu.memory_space<vmem>>) target_semaphore(%run_scoped3A : memref<!tpu.dma_semaphore, #tpu.memory_space<semaphore_mem>>)
        %dma_wait3A = arith.constant 0 : i32
        %dma_wait3A_30 = tpu.memref_slice %arg4[%add3A_26, %dma_wait3A] : memref<160000x48xf32, #tpu.memory_space<hbm>> -> memref<128x48xf32, #tpu.memory_space<hbm>>
        %dma_wait3A_31 = arith.constant 0 : i32
        %dma_wait3A_32 = tpu.memref_slice %arg4[%add3A_26, %dma_wait3A_31] : memref<160000x48xf32, #tpu.memory_space<hbm>> -> memref<128x48xf32, #tpu.memory_space<hbm>>
        tpu.wait_dma2 semaphore(%run_scoped3A : memref<!tpu.dma_semaphore, #tpu.memory_space<semaphore_mem>>) src(%dma_wait3A_32 : memref<128x48xf32, #tpu.memory_space<hbm>>) dst(%arg12 : memref<128x48xf32, #tpu.memory_space<vmem>>)
        tpu.yield
      }) : () -> ()
      "tpu.region"() ({
        %run_scoped3A = tpu.sem_alloc : memref<!tpu.dma_semaphore, #tpu.memory_space<semaphore_mem>>
        %dma_start3A = arith.constant 0 : i32
        %dma_start3A_27 = arith.constant 0 : i32
        %dma_start3A_28 = tpu.memref_slice %arg16[%dma_start3A, %dma_start3A_27] : memref<10240x48xf32, #tpu.memory_space<vmem_shared>> -> memref<10240x48xf32, #tpu.memory_space<vmem_shared>>
        tpu.enqueue_indirect_dma source(%arg12 : memref<128x48xf32, #tpu.memory_space<vmem>>) target(%dma_start3A_28 : memref<10240x48xf32, #tpu.memory_space<vmem_shared>>) offsets(%arg10 : memref<128xi32, #tpu.memory_space<vmem>>) semaphore(%run_scoped3A : memref<!tpu.dma_semaphore, #tpu.memory_space<semaphore_mem>>) {add = true}
        %dma_wait3A = arith.constant 0 : i32
        %dma_wait3A_29 = arith.constant 0 : i32
        %dma_wait3A_30 = tpu.memref_slice %arg16[%dma_wait3A, %dma_wait3A_29] : memref<10240x48xf32, #tpu.memory_space<vmem_shared>> -> memref<10240x48xf32, #tpu.memory_space<vmem_shared>>
        tpu.wait_indirect_dma semaphore(%run_scoped3A : memref<!tpu.dma_semaphore, #tpu.memory_space<semaphore_mem>>) src(%arg12 : memref<128x48xf32, #tpu.memory_space<vmem>>) dst(%dma_wait3A_30 : memref<10240x48xf32, #tpu.memory_space<vmem_shared>>)
        tpu.yield
      }) : () -> ()
      "tpu.region"() ({
        %run_scoped3A = tpu.sem_alloc : memref<!tpu.dma_semaphore, #tpu.memory_space<semaphore_mem>>
        %dma_start3A = tpu.memref_slice %arg2[%add3A_26] : memref<160000xi32, #tpu.memory_space<hbm>> -> memref<128xi32, #tpu.memory_space<hbm>>
        %dma_start3A_27 = tpu.memref_slice %arg2[%add3A_26] : memref<160000xi32, #tpu.memory_space<hbm>> -> memref<128xi32, #tpu.memory_space<hbm>>
        tpu.enqueue_dma source(%dma_start3A_27 : memref<128xi32, #tpu.memory_space<hbm>>) target(%arg10 : memref<128xi32, #tpu.memory_space<vmem>>) target_semaphore(%run_scoped3A : memref<!tpu.dma_semaphore, #tpu.memory_space<semaphore_mem>>)
        %dma_wait3A = tpu.memref_slice %arg2[%add3A_26] : memref<160000xi32, #tpu.memory_space<hbm>> -> memref<128xi32, #tpu.memory_space<hbm>>
        %dma_wait3A_28 = tpu.memref_slice %arg2[%add3A_26] : memref<160000xi32, #tpu.memory_space<hbm>> -> memref<128xi32, #tpu.memory_space<hbm>>
        tpu.wait_dma2 semaphore(%run_scoped3A : memref<!tpu.dma_semaphore, #tpu.memory_space<semaphore_mem>>) src(%dma_wait3A_28 : memref<128xi32, #tpu.memory_space<hbm>>) dst(%arg10 : memref<128xi32, #tpu.memory_space<vmem>>)
        tpu.yield
      }) : () -> ()
      "tpu.region"() ({
        %run_scoped3A = tpu.sem_alloc : memref<!tpu.dma_semaphore, #tpu.memory_space<semaphore_mem>>
        %dma_start3A = arith.constant 0 : i32
        %dma_start3A_27 = arith.constant 0 : i32
        %dma_start3A_28 = tpu.memref_slice %arg17[%dma_start3A, %dma_start3A_27] : memref<10240x16xf32, #tpu.memory_space<vmem_shared>> -> memref<10240x16xf32, #tpu.memory_space<vmem_shared>>
        tpu.enqueue_indirect_dma source(%arg14 : memref<128x16xf32, #tpu.memory_space<vmem>>) target(%dma_start3A_28 : memref<10240x16xf32, #tpu.memory_space<vmem_shared>>) offsets(%arg10 : memref<128xi32, #tpu.memory_space<vmem>>) semaphore(%run_scoped3A : memref<!tpu.dma_semaphore, #tpu.memory_space<semaphore_mem>>) {add = true}
        %dma_wait3A = arith.constant 0 : i32
        %dma_wait3A_29 = arith.constant 0 : i32
        %dma_wait3A_30 = tpu.memref_slice %arg17[%dma_wait3A, %dma_wait3A_29] : memref<10240x16xf32, #tpu.memory_space<vmem_shared>> -> memref<10240x16xf32, #tpu.memory_space<vmem_shared>>
        tpu.wait_indirect_dma semaphore(%run_scoped3A : memref<!tpu.dma_semaphore, #tpu.memory_space<semaphore_mem>>) src(%arg14 : memref<128x16xf32, #tpu.memory_space<vmem>>) dst(%dma_wait3A_30 : memref<10240x16xf32, #tpu.memory_space<vmem_shared>>)
        tpu.yield
      }) : () -> ()
    }
    %scan3A_8 = arith.constant 39 : i32
    %add3A_9 = arith.constant 4992 : i32
    %add3A_10 = arith.addi %add3A, %add3A_9 : i32
    "tpu.region"() ({
      %run_scoped3A = tpu.sem_alloc : memref<!tpu.dma_semaphore, #tpu.memory_space<semaphore_mem>>
      %dma_start3A = tpu.memref_slice %arg3[%add3A_10] : memref<160000xi32, #tpu.memory_space<hbm>> -> memref<8xi32, #tpu.memory_space<hbm>>
      %dma_start3A_19 = tpu.memref_slice %arg3[%add3A_10] : memref<160000xi32, #tpu.memory_space<hbm>> -> memref<8xi32, #tpu.memory_space<hbm>>
      tpu.enqueue_dma source(%dma_start3A_19 : memref<8xi32, #tpu.memory_space<hbm>>) target(%arg11 : memref<8xi32, #tpu.memory_space<vmem>>) target_semaphore(%run_scoped3A : memref<!tpu.dma_semaphore, #tpu.memory_space<semaphore_mem>>)
      %dma_wait3A = tpu.memref_slice %arg3[%add3A_10] : memref<160000xi32, #tpu.memory_space<hbm>> -> memref<8xi32, #tpu.memory_space<hbm>>
      %dma_wait3A_20 = tpu.memref_slice %arg3[%add3A_10] : memref<160000xi32, #tpu.memory_space<hbm>> -> memref<8xi32, #tpu.memory_space<hbm>>
      tpu.wait_dma2 semaphore(%run_scoped3A : memref<!tpu.dma_semaphore, #tpu.memory_space<semaphore_mem>>) src(%dma_wait3A_20 : memref<8xi32, #tpu.memory_space<hbm>>) dst(%arg11 : memref<8xi32, #tpu.memory_space<vmem>>)
      tpu.yield
    }) : () -> ()
    "tpu.region"() ({
      %run_scoped3A = tpu.sem_alloc : memref<!tpu.dma_semaphore, #tpu.memory_space<semaphore_mem>>
      %dma_start3A = arith.constant 0 : i32
      %dma_start3A_19 = tpu.memref_slice %arg4[%add3A_10, %dma_start3A] : memref<160000x48xf32, #tpu.memory_space<hbm>> -> memref<8x48xf32, #tpu.memory_space<hbm>>
      %dma_start3A_20 = arith.constant 0 : i32
      %dma_start3A_21 = tpu.memref_slice %arg4[%add3A_10, %dma_start3A_20] : memref<160000x48xf32, #tpu.memory_space<hbm>> -> memref<8x48xf32, #tpu.memory_space<hbm>>
      tpu.enqueue_dma source(%dma_start3A_21 : memref<8x48xf32, #tpu.memory_space<hbm>>) target(%arg13 : memref<8x48xf32, #tpu.memory_space<vmem>>) target_semaphore(%run_scoped3A : memref<!tpu.dma_semaphore, #tpu.memory_space<semaphore_mem>>)
      %dma_wait3A = arith.constant 0 : i32
      %dma_wait3A_22 = tpu.memref_slice %arg4[%add3A_10, %dma_wait3A] : memref<160000x48xf32, #tpu.memory_space<hbm>> -> memref<8x48xf32, #tpu.memory_space<hbm>>
      %dma_wait3A_23 = arith.constant 0 : i32
      %dma_wait3A_24 = tpu.memref_slice %arg4[%add3A_10, %dma_wait3A_23] : memref<160000x48xf32, #tpu.memory_space<hbm>> -> memref<8x48xf32, #tpu.memory_space<hbm>>
      tpu.wait_dma2 semaphore(%run_scoped3A : memref<!tpu.dma_semaphore, #tpu.memory_space<semaphore_mem>>) src(%dma_wait3A_24 : memref<8x48xf32, #tpu.memory_space<hbm>>) dst(%arg13 : memref<8x48xf32, #tpu.memory_space<vmem>>)
      tpu.yield
    }) : () -> ()
    "tpu.region"() ({
      %run_scoped3A = tpu.sem_alloc : memref<!tpu.dma_semaphore, #tpu.memory_space<semaphore_mem>>
      %dma_start3A = arith.constant 0 : i32
      %dma_start3A_19 = arith.constant 0 : i32
      %dma_start3A_20 = tpu.memref_slice %arg16[%dma_start3A, %dma_start3A_19] : memref<10240x48xf32, #tpu.memory_space<vmem_shared>> -> memref<10240x48xf32, #tpu.memory_space<vmem_shared>>
      tpu.enqueue_indirect_dma source(%arg13 : memref<8x48xf32, #tpu.memory_space<vmem>>) target(%dma_start3A_20 : memref<10240x48xf32, #tpu.memory_space<vmem_shared>>) offsets(%arg11 : memref<8xi32, #tpu.memory_space<vmem>>) semaphore(%run_scoped3A : memref<!tpu.dma_semaphore, #tpu.memory_space<semaphore_mem>>) {add = true}
      %dma_wait3A = arith.constant 0 : i32
      %dma_wait3A_21 = arith.constant 0 : i32
      %dma_wait3A_22 = tpu.memref_slice %arg16[%dma_wait3A, %dma_wait3A_21] : memref<10240x48xf32, #tpu.memory_space<vmem_shared>> -> memref<10240x48xf32, #tpu.memory_space<vmem_shared>>
      tpu.wait_indirect_dma semaphore(%run_scoped3A : memref<!tpu.dma_semaphore, #tpu.memory_space<semaphore_mem>>) src(%arg13 : memref<8x48xf32, #tpu.memory_space<vmem>>) dst(%dma_wait3A_22 : memref<10240x48xf32, #tpu.memory_space<vmem_shared>>)
      tpu.yield
    }) : () -> ()
    "tpu.region"() ({
      %run_scoped3A = tpu.sem_alloc : memref<!tpu.dma_semaphore, #tpu.memory_space<semaphore_mem>>
      %dma_start3A = tpu.memref_slice %arg2[%add3A_10] : memref<160000xi32, #tpu.memory_space<hbm>> -> memref<8xi32, #tpu.memory_space<hbm>>
      %dma_start3A_19 = tpu.memref_slice %arg2[%add3A_10] : memref<160000xi32, #tpu.memory_space<hbm>> -> memref<8xi32, #tpu.memory_space<hbm>>
      tpu.enqueue_dma source(%dma_start3A_19 : memref<8xi32, #tpu.memory_space<hbm>>) target(%arg11 : memref<8xi32, #tpu.memory_space<vmem>>) target_semaphore(%run_scoped3A : memref<!tpu.dma_semaphore, #tpu.memory_space<semaphore_mem>>)
      %dma_wait3A = tpu.memref_slice %arg2[%add3A_10] : memref<160000xi32, #tpu.memory_space<hbm>> -> memref<8xi32, #tpu.memory_space<hbm>>
      %dma_wait3A_20 = tpu.memref_slice %arg2[%add3A_10] : memref<160000xi32, #tpu.memory_space<hbm>> -> memref<8xi32, #tpu.memory_space<hbm>>
      tpu.wait_dma2 semaphore(%run_scoped3A : memref<!tpu.dma_semaphore, #tpu.memory_space<semaphore_mem>>) src(%dma_wait3A_20 : memref<8xi32, #tpu.memory_space<hbm>>) dst(%arg11 : memref<8xi32, #tpu.memory_space<vmem>>)
      tpu.yield
    }) : () -> ()
    "tpu.region"() ({
      %run_scoped3A = tpu.sem_alloc : memref<!tpu.dma_semaphore, #tpu.memory_space<semaphore_mem>>
      %dma_start3A = arith.constant 0 : i32
      %dma_start3A_19 = arith.constant 0 : i32
      %dma_start3A_20 = tpu.memref_slice %arg17[%dma_start3A, %dma_start3A_19] : memref<10240x16xf32, #tpu.memory_space<vmem_shared>> -> memref<10240x16xf32, #tpu.memory_space<vmem_shared>>
      tpu.enqueue_indirect_dma source(%arg15 : memref<8x16xf32, #tpu.memory_space<vmem>>) target(%dma_start3A_20 : memref<10240x16xf32, #tpu.memory_space<vmem_shared>>) offsets(%arg11 : memref<8xi32, #tpu.memory_space<vmem>>) semaphore(%run_scoped3A : memref<!tpu.dma_semaphore, #tpu.memory_space<semaphore_mem>>) {add = true}
      %dma_wait3A = arith.constant 0 : i32
      %dma_wait3A_21 = arith.constant 0 : i32
      %dma_wait3A_22 = tpu.memref_slice %arg17[%dma_wait3A, %dma_wait3A_21] : memref<10240x16xf32, #tpu.memory_space<vmem_shared>> -> memref<10240x16xf32, #tpu.memory_space<vmem_shared>>
      tpu.wait_indirect_dma semaphore(%run_scoped3A : memref<!tpu.dma_semaphore, #tpu.memory_space<semaphore_mem>>) src(%arg15 : memref<8x16xf32, #tpu.memory_space<vmem>>) dst(%dma_wait3A_22 : memref<10240x16xf32, #tpu.memory_space<vmem_shared>>)
      tpu.yield
    }) : () -> ()
    %barrier3A_11 = arith.constant 0 : index
    tpu.barrier barrier_id(%barrier3A_11)
    %eq3A = arith.constant 0 : i32
    %eq3A_12 = arith.cmpi eq, %arg0, %eq3A : i32
    %convert_element_type3A = arith.extui %eq3A_12 : i1 to i32
    %cond3A = arith.constant 0 : i32
    %cond3A_13 = arith.cmpi ne, %convert_element_type3A, %cond3A : i32
    scf.if %cond3A_13 {
      %run_scoped3A = arith.constant 0 : i32
      "tpu.region"() ({
        %run_scoped3A_20 = tpu.sem_alloc : memref<!tpu.dma_semaphore, #tpu.memory_space<semaphore_mem>>
        %dma_start3A = arith.constant 0 : i32
        %dma_start3A_21 = tpu.memref_slice %arg8[%run_scoped3A, %mul3A_0, %dma_start3A] : memref<2x10240x48xf32, #tpu.memory_space<hbm>> -> memref<1x640x48xf32, #tpu.memory_space<hbm>>
        %dma_start3A_22 = tpu.memref_squeeze %dma_start3A_21 : memref<1x640x48xf32, #tpu.memory_space<hbm>> -> memref<640x48xf32, #tpu.memory_space<hbm>>
        %dma_start3A_23 = arith.constant 0 : i32
        %dma_start3A_24 = tpu.memref_slice %arg16[%mul3A_0, %dma_start3A_23] : memref<10240x48xf32, #tpu.memory_space<vmem_shared>> -> memref<640x48xf32, #tpu.memory_space<vmem_shared>>
        tpu.enqueue_dma source(%dma_start3A_24 : memref<640x48xf32, #tpu.memory_space<vmem_shared>>) target(%dma_start3A_22 : memref<640x48xf32, #tpu.memory_space<hbm>>) target_semaphore(%run_scoped3A_20 : memref<!tpu.dma_semaphore, #tpu.memory_space<semaphore_mem>>)
        %dma_wait3A = arith.constant 0 : i32
        %dma_wait3A_25 = tpu.memref_slice %arg8[%run_scoped3A, %mul3A_0, %dma_wait3A] : memref<2x10240x48xf32, #tpu.memory_space<hbm>> -> memref<1x640x48xf32, #tpu.memory_space<hbm>>
        %dma_wait3A_26 = tpu.memref_squeeze %dma_wait3A_25 : memref<1x640x48xf32, #tpu.memory_space<hbm>> -> memref<640x48xf32, #tpu.memory_space<hbm>>
        %dma_wait3A_27 = arith.constant 0 : i32
        %dma_wait3A_28 = tpu.memref_slice %arg16[%mul3A_0, %dma_wait3A_27] : memref<10240x48xf32, #tpu.memory_space<vmem_shared>> -> memref<640x48xf32, #tpu.memory_space<vmem_shared>>
        tpu.wait_dma2 semaphore(%run_scoped3A_20 : memref<!tpu.dma_semaphore, #tpu.memory_space<semaphore_mem>>) src(%dma_wait3A_28 : memref<640x48xf32, #tpu.memory_space<vmem_shared>>) dst(%dma_wait3A_26 : memref<640x48xf32, #tpu.memory_space<hbm>>)
        tpu.yield
      }) : () -> ()
      %run_scoped3A_19 = arith.constant 0 : i32
      "tpu.region"() ({
        %run_scoped3A_20 = tpu.sem_alloc : memref<!tpu.dma_semaphore, #tpu.memory_space<semaphore_mem>>
        %dma_start3A = arith.constant 0 : i32
        %dma_start3A_21 = tpu.memref_slice %arg9[%run_scoped3A_19, %mul3A_0, %dma_start3A] : memref<2x10240x16xf32, #tpu.memory_space<hbm>> -> memref<1x640x16xf32, #tpu.memory_space<hbm>>
        %dma_start3A_22 = tpu.memref_squeeze %dma_start3A_21 : memref<1x640x16xf32, #tpu.memory_space<hbm>> -> memref<640x16xf32, #tpu.memory_space<hbm>>
        %dma_start3A_23 = arith.constant 0 : i32
        %dma_start3A_24 = tpu.memref_slice %arg17[%mul3A_0, %dma_start3A_23] : memref<10240x16xf32, #tpu.memory_space<vmem_shared>> -> memref<640x16xf32, #tpu.memory_space<vmem_shared>>
        tpu.enqueue_dma source(%dma_start3A_24 : memref<640x16xf32, #tpu.memory_space<vmem_shared>>) target(%dma_start3A_22 : memref<640x16xf32, #tpu.memory_space<hbm>>) target_semaphore(%run_scoped3A_20 : memref<!tpu.dma_semaphore, #tpu.memory_space<semaphore_mem>>)
        %dma_wait3A = arith.constant 0 : i32
        %dma_wait3A_25 = tpu.memref_slice %arg9[%run_scoped3A_19, %mul3A_0, %dma_wait3A] : memref<2x10240x16xf32, #tpu.memory_space<hbm>> -> memref<1x640x16xf32, #tpu.memory_space<hbm>>
        %dma_wait3A_26 = tpu.memref_squeeze %dma_wait3A_25 : memref<1x640x16xf32, #tpu.memory_space<hbm>> -> memref<640x16xf32, #tpu.memory_space<hbm>>
        %dma_wait3A_27 = arith.constant 0 : i32
        %dma_wait3A_28 = tpu.memref_slice %arg17[%mul3A_0, %dma_wait3A_27] : memref<10240x16xf32, #tpu.memory_space<vmem_shared>> -> memref<640x16xf32, #tpu.memory_space<vmem_shared>>
        tpu.wait_dma2 semaphore(%run_scoped3A_20 : memref<!tpu.dma_semaphore, #tpu.memory_space<semaphore_mem>>) src(%dma_wait3A_28 : memref<640x16xf32, #tpu.memory_space<vmem_shared>>) dst(%dma_wait3A_26 : memref<640x16xf32, #tpu.memory_space<hbm>>)
        tpu.yield
      }) : () -> ()
    } else {
    }
    %eq3A_14 = arith.constant 1 : i32
    %eq3A_15 = arith.cmpi eq, %arg0, %eq3A_14 : i32
    %convert_element_type3A_16 = arith.extui %eq3A_15 : i1 to i32
    %cond3A_17 = arith.constant 0 : i32
    %cond3A_18 = arith.cmpi ne, %convert_element_type3A_16, %cond3A_17 : i32
    scf.if %cond3A_18 {
      %run_scoped3A = arith.constant 1 : i32
      "tpu.region"() ({
        %run_scoped3A_20 = tpu.sem_alloc : memref<!tpu.dma_semaphore, #tpu.memory_space<semaphore_mem>>
        %dma_start3A = arith.constant 0 : i32
        %dma_start3A_21 = tpu.memref_slice %arg8[%run_scoped3A, %mul3A_0, %dma_start3A] : memref<2x10240x48xf32, #tpu.memory_space<hbm>> -> memref<1x640x48xf32, #tpu.memory_space<hbm>>
        %dma_start3A_22 = tpu.memref_squeeze %dma_start3A_21 : memref<1x640x48xf32, #tpu.memory_space<hbm>> -> memref<640x48xf32, #tpu.memory_space<hbm>>
        %dma_start3A_23 = arith.constant 0 : i32
        %dma_start3A_24 = tpu.memref_slice %arg16[%mul3A_0, %dma_start3A_23] : memref<10240x48xf32, #tpu.memory_space<vmem_shared>> -> memref<640x48xf32, #tpu.memory_space<vmem_shared>>
        tpu.enqueue_dma source(%dma_start3A_24 : memref<640x48xf32, #tpu.memory_space<vmem_shared>>) target(%dma_start3A_22 : memref<640x48xf32, #tpu.memory_space<hbm>>) target_semaphore(%run_scoped3A_20 : memref<!tpu.dma_semaphore, #tpu.memory_space<semaphore_mem>>)
        %dma_wait3A = arith.constant 0 : i32
        %dma_wait3A_25 = tpu.memref_slice %arg8[%run_scoped3A, %mul3A_0, %dma_wait3A] : memref<2x10240x48xf32, #tpu.memory_space<hbm>> -> memref<1x640x48xf32, #tpu.memory_space<hbm>>
        %dma_wait3A_26 = tpu.memref_squeeze %dma_wait3A_25 : memref<1x640x48xf32, #tpu.memory_space<hbm>> -> memref<640x48xf32, #tpu.memory_space<hbm>>
        %dma_wait3A_27 = arith.constant 0 : i32
        %dma_wait3A_28 = tpu.memref_slice %arg16[%mul3A_0, %dma_wait3A_27] : memref<10240x48xf32, #tpu.memory_space<vmem_shared>> -> memref<640x48xf32, #tpu.memory_space<vmem_shared>>
        tpu.wait_dma2 semaphore(%run_scoped3A_20 : memref<!tpu.dma_semaphore, #tpu.memory_space<semaphore_mem>>) src(%dma_wait3A_28 : memref<640x48xf32, #tpu.memory_space<vmem_shared>>) dst(%dma_wait3A_26 : memref<640x48xf32, #tpu.memory_space<hbm>>)
        tpu.yield
      }) : () -> ()
      %run_scoped3A_19 = arith.constant 1 : i32
      "tpu.region"() ({
        %run_scoped3A_20 = tpu.sem_alloc : memref<!tpu.dma_semaphore, #tpu.memory_space<semaphore_mem>>
        %dma_start3A = arith.constant 0 : i32
        %dma_start3A_21 = tpu.memref_slice %arg9[%run_scoped3A_19, %mul3A_0, %dma_start3A] : memref<2x10240x16xf32, #tpu.memory_space<hbm>> -> memref<1x640x16xf32, #tpu.memory_space<hbm>>
        %dma_start3A_22 = tpu.memref_squeeze %dma_start3A_21 : memref<1x640x16xf32, #tpu.memory_space<hbm>> -> memref<640x16xf32, #tpu.memory_space<hbm>>
        %dma_start3A_23 = arith.constant 0 : i32
        %dma_start3A_24 = tpu.memref_slice %arg17[%mul3A_0, %dma_start3A_23] : memref<10240x16xf32, #tpu.memory_space<vmem_shared>> -> memref<640x16xf32, #tpu.memory_space<vmem_shared>>
        tpu.enqueue_dma source(%dma_start3A_24 : memref<640x16xf32, #tpu.memory_space<vmem_shared>>) target(%dma_start3A_22 : memref<640x16xf32, #tpu.memory_space<hbm>>) target_semaphore(%run_scoped3A_20 : memref<!tpu.dma_semaphore, #tpu.memory_space<semaphore_mem>>)
        %dma_wait3A = arith.constant 0 : i32
        %dma_wait3A_25 = tpu.memref_slice %arg9[%run_scoped3A_19, %mul3A_0, %dma_wait3A] : memref<2x10240x16xf32, #tpu.memory_space<hbm>> -> memref<1x640x16xf32, #tpu.memory_space<hbm>>
        %dma_wait3A_26 = tpu.memref_squeeze %dma_wait3A_25 : memref<1x640x16xf32, #tpu.memory_space<hbm>> -> memref<640x16xf32, #tpu.memory_space<hbm>>
        %dma_wait3A_27 = arith.constant 0 : i32
        %dma_wait3A_28 = tpu.memref_slice %arg17[%mul3A_0, %dma_wait3A_27] : memref<10240x16xf32, #tpu.memory_space<vmem_shared>> -> memref<640x16xf32, #tpu.memory_space<vmem_shared>>
        tpu.wait_dma2 semaphore(%run_scoped3A_20 : memref<!tpu.dma_semaphore, #tpu.memory_space<semaphore_mem>>) src(%dma_wait3A_28 : memref<640x16xf32, #tpu.memory_space<vmem_shared>>) dst(%dma_wait3A_26 : memref<640x16xf32, #tpu.memory_space<hbm>>)
        tpu.yield
      }) : () -> ()
    } else {
    }
    return
  }
}

#map = affine_map<(d0, d1) -> (0, 0)>
#map1 = affine_map<(d0, d1) -> (0)>
module attributes {stable_mosaic.version = 14 : i64} {
  func.func @segsum(%arg0: i32, %arg1: i32, %arg2: memref<10000x128xf32, #tpu.memory_space<hbm>>, %arg3: memref<10000x128xf32, #tpu.memory_space<hbm>>, %arg4: memref<160000xi32, #tpu.memory_space<hbm>>, %arg5: memref<160000xi32, #tpu.memory_space<hbm>>, %arg6: memref<10240x128xf32, #tpu.memory_space<hbm>>, %arg7: memref<10240x128xf32, #tpu.memory_space<hbm>>, %arg8: memref<10240x128xf32, #tpu.memory_space<hbm>>, %arg9: memref<128xi32, #tpu.memory_space<vmem>>, %arg10: memref<16xi32, #tpu.memory_space<vmem>>, %arg11: memref<128x128xf32, #tpu.memory_space<vmem>>, %arg12: memref<16x128xf32, #tpu.memory_space<vmem>>, %arg13: memref<10240x128xf32, #tpu.memory_space<vmem_shared>>) attributes {dimension_semantics = [#tpu.dimension_semantics<core_parallel>, #tpu.dimension_semantics<subcore_parallel>], iteration_bounds = array<i64: 2, 16>, scalar_prefetch = 0 : i64, scratch_operands = 5 : i64, tpu.core_type = #tpu.core_type<sc_vector_subcore>, window_params = [{transform_indices = #map}, {transform_indices = #map}, {transform_indices = #map1}, {transform_indices = #map1}, {transform_indices = #map}, {transform_indices = #map}, {transform_indices = #map}]} {
    %mul3A = arith.constant 640 : i32
    %mul3A_0 = arith.muli %arg1, %mul3A : i32
    "tpu.region"() ({
      %run_scoped3A = tpu.sem_alloc : memref<!tpu.dma_semaphore, #tpu.memory_space<semaphore_mem>>
      %dma_start3A = arith.constant 0 : i32
      %dma_start3A_19 = tpu.memref_slice %arg13[%mul3A_0, %dma_start3A] : memref<10240x128xf32, #tpu.memory_space<vmem_shared>> -> memref<640x128xf32, #tpu.memory_space<vmem_shared>>
      %dma_start3A_20 = arith.constant 0 : i32
      %dma_start3A_21 = tpu.memref_slice %arg6[%mul3A_0, %dma_start3A_20] : memref<10240x128xf32, #tpu.memory_space<hbm>> -> memref<640x128xf32, #tpu.memory_space<hbm>>
      tpu.enqueue_dma source(%dma_start3A_21 : memref<640x128xf32, #tpu.memory_space<hbm>>) target(%dma_start3A_19 : memref<640x128xf32, #tpu.memory_space<vmem_shared>>) target_semaphore(%run_scoped3A : memref<!tpu.dma_semaphore, #tpu.memory_space<semaphore_mem>>)
      %dma_wait3A = arith.constant 0 : i32
      %dma_wait3A_22 = tpu.memref_slice %arg13[%mul3A_0, %dma_wait3A] : memref<10240x128xf32, #tpu.memory_space<vmem_shared>> -> memref<640x128xf32, #tpu.memory_space<vmem_shared>>
      %dma_wait3A_23 = arith.constant 0 : i32
      %dma_wait3A_24 = tpu.memref_slice %arg6[%mul3A_0, %dma_wait3A_23] : memref<10240x128xf32, #tpu.memory_space<hbm>> -> memref<640x128xf32, #tpu.memory_space<hbm>>
      tpu.wait_dma2 semaphore(%run_scoped3A : memref<!tpu.dma_semaphore, #tpu.memory_space<semaphore_mem>>) src(%dma_wait3A_24 : memref<640x128xf32, #tpu.memory_space<hbm>>) dst(%dma_wait3A_22 : memref<640x128xf32, #tpu.memory_space<vmem_shared>>)
      tpu.yield
    }) : () -> ()
    %barrier3A = arith.constant 0 : index
    tpu.barrier barrier_id(%barrier3A)
    %eq3A = arith.constant 0 : i32
    %eq3A_1 = arith.cmpi eq, %arg0, %eq3A : i32
    %convert_element_type3A = arith.extui %eq3A_1 : i1 to i32
    %cond3A = arith.constant 0 : i32
    %cond3A_2 = arith.cmpi ne, %convert_element_type3A, %cond3A : i32
    scf.if %cond3A_2 {
      %scan3A = arith.constant 0 : i32
      %scan3A_19 = arith.constant 78 : i32
      %scan3A_20 = arith.addi %scan3A, %scan3A_19 : i32
      %scan3A_21 = arith.constant 1 : i32
      scf.for %scan3A_26 = %scan3A to %scan3A_20 step %scan3A_21  : i32 {
        %mul3A_27 = arith.constant 1 : i32
        %mul3A_28 = arith.muli %scan3A_26, %mul3A_27 : i32
        %add3A_29 = arith.constant 0 : i32
        %add3A_30 = arith.addi %add3A_29, %mul3A_28 : i32
        %mul3A_31 = arith.constant 10000 : i32
        %mul3A_32 = arith.muli %arg1, %mul3A_31 : i32
        %mul3A_33 = arith.constant 128 : i32
        %mul3A_34 = arith.muli %add3A_30, %mul3A_33 : i32
        %add3A_35 = arith.addi %mul3A_32, %mul3A_34 : i32
        "tpu.region"() ({
          %run_scoped3A = tpu.sem_alloc : memref<!tpu.dma_semaphore, #tpu.memory_space<semaphore_mem>>
          %dma_start3A = tpu.memref_slice %arg4[%add3A_35] : memref<160000xi32, #tpu.memory_space<hbm>> -> memref<128xi32, #tpu.memory_space<hbm>>
          %dma_start3A_36 = tpu.memref_slice %arg4[%add3A_35] : memref<160000xi32, #tpu.memory_space<hbm>> -> memref<128xi32, #tpu.memory_space<hbm>>
          tpu.enqueue_dma source(%dma_start3A_36 : memref<128xi32, #tpu.memory_space<hbm>>) target(%arg9 : memref<128xi32, #tpu.memory_space<vmem>>) target_semaphore(%run_scoped3A : memref<!tpu.dma_semaphore, #tpu.memory_space<semaphore_mem>>)
          %dma_wait3A = tpu.memref_slice %arg4[%add3A_35] : memref<160000xi32, #tpu.memory_space<hbm>> -> memref<128xi32, #tpu.memory_space<hbm>>
          %dma_wait3A_37 = tpu.memref_slice %arg4[%add3A_35] : memref<160000xi32, #tpu.memory_space<hbm>> -> memref<128xi32, #tpu.memory_space<hbm>>
          tpu.wait_dma2 semaphore(%run_scoped3A : memref<!tpu.dma_semaphore, #tpu.memory_space<semaphore_mem>>) src(%dma_wait3A_37 : memref<128xi32, #tpu.memory_space<hbm>>) dst(%arg9 : memref<128xi32, #tpu.memory_space<vmem>>)
          tpu.yield
        }) : () -> ()
        "tpu.region"() ({
          %run_scoped3A = tpu.sem_alloc : memref<!tpu.dma_semaphore, #tpu.memory_space<semaphore_mem>>
          %dma_start3A = arith.constant 0 : i32
          %dma_start3A_36 = arith.constant 0 : i32
          %dma_start3A_37 = tpu.memref_slice %arg2[%dma_start3A, %dma_start3A_36] : memref<10000x128xf32, #tpu.memory_space<hbm>> -> memref<10000x128xf32, #tpu.memory_space<hbm>>
          tpu.enqueue_indirect_dma source(%dma_start3A_37 : memref<10000x128xf32, #tpu.memory_space<hbm>>) target(%arg11 : memref<128x128xf32, #tpu.memory_space<vmem>>) offsets(%arg9 : memref<128xi32, #tpu.memory_space<vmem>>) semaphore(%run_scoped3A : memref<!tpu.dma_semaphore, #tpu.memory_space<semaphore_mem>>)
          %dma_wait3A = arith.constant 0 : i32
          %dma_wait3A_38 = arith.constant 0 : i32
          %dma_wait3A_39 = tpu.memref_slice %arg2[%dma_wait3A, %dma_wait3A_38] : memref<10000x128xf32, #tpu.memory_space<hbm>> -> memref<10000x128xf32, #tpu.memory_space<hbm>>
          tpu.wait_indirect_dma semaphore(%run_scoped3A : memref<!tpu.dma_semaphore, #tpu.memory_space<semaphore_mem>>) src(%dma_wait3A_39 : memref<10000x128xf32, #tpu.memory_space<hbm>>) dst(%arg11 : memref<128x128xf32, #tpu.memory_space<vmem>>)
          tpu.yield
        }) : () -> ()
        "tpu.region"() ({
          %run_scoped3A = tpu.sem_alloc : memref<!tpu.dma_semaphore, #tpu.memory_space<semaphore_mem>>
          %dma_start3A = tpu.memref_slice %arg5[%add3A_35] : memref<160000xi32, #tpu.memory_space<hbm>> -> memref<128xi32, #tpu.memory_space<hbm>>
          %dma_start3A_36 = tpu.memref_slice %arg5[%add3A_35] : memref<160000xi32, #tpu.memory_space<hbm>> -> memref<128xi32, #tpu.memory_space<hbm>>
          tpu.enqueue_dma source(%dma_start3A_36 : memref<128xi32, #tpu.memory_space<hbm>>) target(%arg9 : memref<128xi32, #tpu.memory_space<vmem>>) target_semaphore(%run_scoped3A : memref<!tpu.dma_semaphore, #tpu.memory_space<semaphore_mem>>)
          %dma_wait3A = tpu.memref_slice %arg5[%add3A_35] : memref<160000xi32, #tpu.memory_space<hbm>> -> memref<128xi32, #tpu.memory_space<hbm>>
          %dma_wait3A_37 = tpu.memref_slice %arg5[%add3A_35] : memref<160000xi32, #tpu.memory_space<hbm>> -> memref<128xi32, #tpu.memory_space<hbm>>
          tpu.wait_dma2 semaphore(%run_scoped3A : memref<!tpu.dma_semaphore, #tpu.memory_space<semaphore_mem>>) src(%dma_wait3A_37 : memref<128xi32, #tpu.memory_space<hbm>>) dst(%arg9 : memref<128xi32, #tpu.memory_space<vmem>>)
          tpu.yield
        }) : () -> ()
        "tpu.region"() ({
          %run_scoped3A = tpu.sem_alloc : memref<!tpu.dma_semaphore, #tpu.memory_space<semaphore_mem>>
          %dma_start3A = arith.constant 0 : i32
          %dma_start3A_36 = arith.constant 0 : i32
          %dma_start3A_37 = tpu.memref_slice %arg13[%dma_start3A, %dma_start3A_36] : memref<10240x128xf32, #tpu.memory_space<vmem_shared>> -> memref<10240x128xf32, #tpu.memory_space<vmem_shared>>
          tpu.enqueue_indirect_dma source(%arg11 : memref<128x128xf32, #tpu.memory_space<vmem>>) target(%dma_start3A_37 : memref<10240x128xf32, #tpu.memory_space<vmem_shared>>) offsets(%arg9 : memref<128xi32, #tpu.memory_space<vmem>>) semaphore(%run_scoped3A : memref<!tpu.dma_semaphore, #tpu.memory_space<semaphore_mem>>) {add = true}
          %dma_wait3A = arith.constant 0 : i32
          %dma_wait3A_38 = arith.constant 0 : i32
          %dma_wait3A_39 = tpu.memref_slice %arg13[%dma_wait3A, %dma_wait3A_38] : memref<10240x128xf32, #tpu.memory_space<vmem_shared>> -> memref<10240x128xf32, #tpu.memory_space<vmem_shared>>
          tpu.wait_indirect_dma semaphore(%run_scoped3A : memref<!tpu.dma_semaphore, #tpu.memory_space<semaphore_mem>>) src(%arg11 : memref<128x128xf32, #tpu.memory_space<vmem>>) dst(%dma_wait3A_39 : memref<10240x128xf32, #tpu.memory_space<vmem_shared>>)
          tpu.yield
        }) : () -> ()
      }
      %scan3A_22 = arith.constant 78 : i32
      %mul3A_23 = arith.constant 10000 : i32
      %mul3A_24 = arith.muli %arg1, %mul3A_23 : i32
      %add3A = arith.constant 9984 : i32
      %add3A_25 = arith.addi %mul3A_24, %add3A : i32
      "tpu.region"() ({
        %run_scoped3A = tpu.sem_alloc : memref<!tpu.dma_semaphore, #tpu.memory_space<semaphore_mem>>
        %dma_start3A = tpu.memref_slice %arg4[%add3A_25] : memref<160000xi32, #tpu.memory_space<hbm>> -> memref<16xi32, #tpu.memory_space<hbm>>
        %dma_start3A_26 = tpu.memref_slice %arg4[%add3A_25] : memref<160000xi32, #tpu.memory_space<hbm>> -> memref<16xi32, #tpu.memory_space<hbm>>
        tpu.enqueue_dma source(%dma_start3A_26 : memref<16xi32, #tpu.memory_space<hbm>>) target(%arg10 : memref<16xi32, #tpu.memory_space<vmem>>) target_semaphore(%run_scoped3A : memref<!tpu.dma_semaphore, #tpu.memory_space<semaphore_mem>>)
        %dma_wait3A = tpu.memref_slice %arg4[%add3A_25] : memref<160000xi32, #tpu.memory_space<hbm>> -> memref<16xi32, #tpu.memory_space<hbm>>
        %dma_wait3A_27 = tpu.memref_slice %arg4[%add3A_25] : memref<160000xi32, #tpu.memory_space<hbm>> -> memref<16xi32, #tpu.memory_space<hbm>>
        tpu.wait_dma2 semaphore(%run_scoped3A : memref<!tpu.dma_semaphore, #tpu.memory_space<semaphore_mem>>) src(%dma_wait3A_27 : memref<16xi32, #tpu.memory_space<hbm>>) dst(%arg10 : memref<16xi32, #tpu.memory_space<vmem>>)
        tpu.yield
      }) : () -> ()
      "tpu.region"() ({
        %run_scoped3A = tpu.sem_alloc : memref<!tpu.dma_semaphore, #tpu.memory_space<semaphore_mem>>
        %dma_start3A = arith.constant 0 : i32
        %dma_start3A_26 = arith.constant 0 : i32
        %dma_start3A_27 = tpu.memref_slice %arg2[%dma_start3A, %dma_start3A_26] : memref<10000x128xf32, #tpu.memory_space<hbm>> -> memref<10000x128xf32, #tpu.memory_space<hbm>>
        tpu.enqueue_indirect_dma source(%dma_start3A_27 : memref<10000x128xf32, #tpu.memory_space<hbm>>) target(%arg12 : memref<16x128xf32, #tpu.memory_space<vmem>>) offsets(%arg10 : memref<16xi32, #tpu.memory_space<vmem>>) semaphore(%run_scoped3A : memref<!tpu.dma_semaphore, #tpu.memory_space<semaphore_mem>>)
        %dma_wait3A = arith.constant 0 : i32
        %dma_wait3A_28 = arith.constant 0 : i32
        %dma_wait3A_29 = tpu.memref_slice %arg2[%dma_wait3A, %dma_wait3A_28] : memref<10000x128xf32, #tpu.memory_space<hbm>> -> memref<10000x128xf32, #tpu.memory_space<hbm>>
        tpu.wait_indirect_dma semaphore(%run_scoped3A : memref<!tpu.dma_semaphore, #tpu.memory_space<semaphore_mem>>) src(%dma_wait3A_29 : memref<10000x128xf32, #tpu.memory_space<hbm>>) dst(%arg12 : memref<16x128xf32, #tpu.memory_space<vmem>>)
        tpu.yield
      }) : () -> ()
      "tpu.region"() ({
        %run_scoped3A = tpu.sem_alloc : memref<!tpu.dma_semaphore, #tpu.memory_space<semaphore_mem>>
        %dma_start3A = tpu.memref_slice %arg5[%add3A_25] : memref<160000xi32, #tpu.memory_space<hbm>> -> memref<16xi32, #tpu.memory_space<hbm>>
        %dma_start3A_26 = tpu.memref_slice %arg5[%add3A_25] : memref<160000xi32, #tpu.memory_space<hbm>> -> memref<16xi32, #tpu.memory_space<hbm>>
        tpu.enqueue_dma source(%dma_start3A_26 : memref<16xi32, #tpu.memory_space<hbm>>) target(%arg10 : memref<16xi32, #tpu.memory_space<vmem>>) target_semaphore(%run_scoped3A : memref<!tpu.dma_semaphore, #tpu.memory_space<semaphore_mem>>)
        %dma_wait3A = tpu.memref_slice %arg5[%add3A_25] : memref<160000xi32, #tpu.memory_space<hbm>> -> memref<16xi32, #tpu.memory_space<hbm>>
        %dma_wait3A_27 = tpu.memref_slice %arg5[%add3A_25] : memref<160000xi32, #tpu.memory_space<hbm>> -> memref<16xi32, #tpu.memory_space<hbm>>
        tpu.wait_dma2 semaphore(%run_scoped3A : memref<!tpu.dma_semaphore, #tpu.memory_space<semaphore_mem>>) src(%dma_wait3A_27 : memref<16xi32, #tpu.memory_space<hbm>>) dst(%arg10 : memref<16xi32, #tpu.memory_space<vmem>>)
        tpu.yield
      }) : () -> ()
      "tpu.region"() ({
        %run_scoped3A = tpu.sem_alloc : memref<!tpu.dma_semaphore, #tpu.memory_space<semaphore_mem>>
        %dma_start3A = arith.constant 0 : i32
        %dma_start3A_26 = arith.constant 0 : i32
        %dma_start3A_27 = tpu.memref_slice %arg13[%dma_start3A, %dma_start3A_26] : memref<10240x128xf32, #tpu.memory_space<vmem_shared>> -> memref<10240x128xf32, #tpu.memory_space<vmem_shared>>
        tpu.enqueue_indirect_dma source(%arg12 : memref<16x128xf32, #tpu.memory_space<vmem>>) target(%dma_start3A_27 : memref<10240x128xf32, #tpu.memory_space<vmem_shared>>) offsets(%arg10 : memref<16xi32, #tpu.memory_space<vmem>>) semaphore(%run_scoped3A : memref<!tpu.dma_semaphore, #tpu.memory_space<semaphore_mem>>) {add = true}
        %dma_wait3A = arith.constant 0 : i32
        %dma_wait3A_28 = arith.constant 0 : i32
        %dma_wait3A_29 = tpu.memref_slice %arg13[%dma_wait3A, %dma_wait3A_28] : memref<10240x128xf32, #tpu.memory_space<vmem_shared>> -> memref<10240x128xf32, #tpu.memory_space<vmem_shared>>
        tpu.wait_indirect_dma semaphore(%run_scoped3A : memref<!tpu.dma_semaphore, #tpu.memory_space<semaphore_mem>>) src(%arg12 : memref<16x128xf32, #tpu.memory_space<vmem>>) dst(%dma_wait3A_29 : memref<10240x128xf32, #tpu.memory_space<vmem_shared>>)
        tpu.yield
      }) : () -> ()
    } else {
    }
    %eq3A_3 = arith.constant 1 : i32
    %eq3A_4 = arith.cmpi eq, %arg0, %eq3A_3 : i32
    %convert_element_type3A_5 = arith.extui %eq3A_4 : i1 to i32
    %cond3A_6 = arith.constant 0 : i32
    %cond3A_7 = arith.cmpi ne, %convert_element_type3A_5, %cond3A_6 : i32
    scf.if %cond3A_7 {
      %scan3A = arith.constant 0 : i32
      %scan3A_19 = arith.constant 78 : i32
      %scan3A_20 = arith.addi %scan3A, %scan3A_19 : i32
      %scan3A_21 = arith.constant 1 : i32
      scf.for %scan3A_26 = %scan3A to %scan3A_20 step %scan3A_21  : i32 {
        %mul3A_27 = arith.constant 1 : i32
        %mul3A_28 = arith.muli %scan3A_26, %mul3A_27 : i32
        %add3A_29 = arith.constant 0 : i32
        %add3A_30 = arith.addi %add3A_29, %mul3A_28 : i32
        %mul3A_31 = arith.constant 10000 : i32
        %mul3A_32 = arith.muli %arg1, %mul3A_31 : i32
        %mul3A_33 = arith.constant 128 : i32
        %mul3A_34 = arith.muli %add3A_30, %mul3A_33 : i32
        %add3A_35 = arith.addi %mul3A_32, %mul3A_34 : i32
        "tpu.region"() ({
          %run_scoped3A = tpu.sem_alloc : memref<!tpu.dma_semaphore, #tpu.memory_space<semaphore_mem>>
          %dma_start3A = tpu.memref_slice %arg4[%add3A_35] : memref<160000xi32, #tpu.memory_space<hbm>> -> memref<128xi32, #tpu.memory_space<hbm>>
          %dma_start3A_36 = tpu.memref_slice %arg4[%add3A_35] : memref<160000xi32, #tpu.memory_space<hbm>> -> memref<128xi32, #tpu.memory_space<hbm>>
          tpu.enqueue_dma source(%dma_start3A_36 : memref<128xi32, #tpu.memory_space<hbm>>) target(%arg9 : memref<128xi32, #tpu.memory_space<vmem>>) target_semaphore(%run_scoped3A : memref<!tpu.dma_semaphore, #tpu.memory_space<semaphore_mem>>)
          %dma_wait3A = tpu.memref_slice %arg4[%add3A_35] : memref<160000xi32, #tpu.memory_space<hbm>> -> memref<128xi32, #tpu.memory_space<hbm>>
          %dma_wait3A_37 = tpu.memref_slice %arg4[%add3A_35] : memref<160000xi32, #tpu.memory_space<hbm>> -> memref<128xi32, #tpu.memory_space<hbm>>
          tpu.wait_dma2 semaphore(%run_scoped3A : memref<!tpu.dma_semaphore, #tpu.memory_space<semaphore_mem>>) src(%dma_wait3A_37 : memref<128xi32, #tpu.memory_space<hbm>>) dst(%arg9 : memref<128xi32, #tpu.memory_space<vmem>>)
          tpu.yield
        }) : () -> ()
        "tpu.region"() ({
          %run_scoped3A = tpu.sem_alloc : memref<!tpu.dma_semaphore, #tpu.memory_space<semaphore_mem>>
          %dma_start3A = arith.constant 0 : i32
          %dma_start3A_36 = arith.constant 0 : i32
          %dma_start3A_37 = tpu.memref_slice %arg3[%dma_start3A, %dma_start3A_36] : memref<10000x128xf32, #tpu.memory_space<hbm>> -> memref<10000x128xf32, #tpu.memory_space<hbm>>
          tpu.enqueue_indirect_dma source(%dma_start3A_37 : memref<10000x128xf32, #tpu.memory_space<hbm>>) target(%arg11 : memref<128x128xf32, #tpu.memory_space<vmem>>) offsets(%arg9 : memref<128xi32, #tpu.memory_space<vmem>>) semaphore(%run_scoped3A : memref<!tpu.dma_semaphore, #tpu.memory_space<semaphore_mem>>)
          %dma_wait3A = arith.constant 0 : i32
          %dma_wait3A_38 = arith.constant 0 : i32
          %dma_wait3A_39 = tpu.memref_slice %arg3[%dma_wait3A, %dma_wait3A_38] : memref<10000x128xf32, #tpu.memory_space<hbm>> -> memref<10000x128xf32, #tpu.memory_space<hbm>>
          tpu.wait_indirect_dma semaphore(%run_scoped3A : memref<!tpu.dma_semaphore, #tpu.memory_space<semaphore_mem>>) src(%dma_wait3A_39 : memref<10000x128xf32, #tpu.memory_space<hbm>>) dst(%arg11 : memref<128x128xf32, #tpu.memory_space<vmem>>)
          tpu.yield
        }) : () -> ()
        "tpu.region"() ({
          %run_scoped3A = tpu.sem_alloc : memref<!tpu.dma_semaphore, #tpu.memory_space<semaphore_mem>>
          %dma_start3A = tpu.memref_slice %arg5[%add3A_35] : memref<160000xi32, #tpu.memory_space<hbm>> -> memref<128xi32, #tpu.memory_space<hbm>>
          %dma_start3A_36 = tpu.memref_slice %arg5[%add3A_35] : memref<160000xi32, #tpu.memory_space<hbm>> -> memref<128xi32, #tpu.memory_space<hbm>>
          tpu.enqueue_dma source(%dma_start3A_36 : memref<128xi32, #tpu.memory_space<hbm>>) target(%arg9 : memref<128xi32, #tpu.memory_space<vmem>>) target_semaphore(%run_scoped3A : memref<!tpu.dma_semaphore, #tpu.memory_space<semaphore_mem>>)
          %dma_wait3A = tpu.memref_slice %arg5[%add3A_35] : memref<160000xi32, #tpu.memory_space<hbm>> -> memref<128xi32, #tpu.memory_space<hbm>>
          %dma_wait3A_37 = tpu.memref_slice %arg5[%add3A_35] : memref<160000xi32, #tpu.memory_space<hbm>> -> memref<128xi32, #tpu.memory_space<hbm>>
          tpu.wait_dma2 semaphore(%run_scoped3A : memref<!tpu.dma_semaphore, #tpu.memory_space<semaphore_mem>>) src(%dma_wait3A_37 : memref<128xi32, #tpu.memory_space<hbm>>) dst(%arg9 : memref<128xi32, #tpu.memory_space<vmem>>)
          tpu.yield
        }) : () -> ()
        "tpu.region"() ({
          %run_scoped3A = tpu.sem_alloc : memref<!tpu.dma_semaphore, #tpu.memory_space<semaphore_mem>>
          %dma_start3A = arith.constant 0 : i32
          %dma_start3A_36 = arith.constant 0 : i32
          %dma_start3A_37 = tpu.memref_slice %arg13[%dma_start3A, %dma_start3A_36] : memref<10240x128xf32, #tpu.memory_space<vmem_shared>> -> memref<10240x128xf32, #tpu.memory_space<vmem_shared>>
          tpu.enqueue_indirect_dma source(%arg11 : memref<128x128xf32, #tpu.memory_space<vmem>>) target(%dma_start3A_37 : memref<10240x128xf32, #tpu.memory_space<vmem_shared>>) offsets(%arg9 : memref<128xi32, #tpu.memory_space<vmem>>) semaphore(%run_scoped3A : memref<!tpu.dma_semaphore, #tpu.memory_space<semaphore_mem>>) {add = true}
          %dma_wait3A = arith.constant 0 : i32
          %dma_wait3A_38 = arith.constant 0 : i32
          %dma_wait3A_39 = tpu.memref_slice %arg13[%dma_wait3A, %dma_wait3A_38] : memref<10240x128xf32, #tpu.memory_space<vmem_shared>> -> memref<10240x128xf32, #tpu.memory_space<vmem_shared>>
          tpu.wait_indirect_dma semaphore(%run_scoped3A : memref<!tpu.dma_semaphore, #tpu.memory_space<semaphore_mem>>) src(%arg11 : memref<128x128xf32, #tpu.memory_space<vmem>>) dst(%dma_wait3A_39 : memref<10240x128xf32, #tpu.memory_space<vmem_shared>>)
          tpu.yield
        }) : () -> ()
      }
      %scan3A_22 = arith.constant 78 : i32
      %mul3A_23 = arith.constant 10000 : i32
      %mul3A_24 = arith.muli %arg1, %mul3A_23 : i32
      %add3A = arith.constant 9984 : i32
      %add3A_25 = arith.addi %mul3A_24, %add3A : i32
      "tpu.region"() ({
        %run_scoped3A = tpu.sem_alloc : memref<!tpu.dma_semaphore, #tpu.memory_space<semaphore_mem>>
        %dma_start3A = tpu.memref_slice %arg4[%add3A_25] : memref<160000xi32, #tpu.memory_space<hbm>> -> memref<16xi32, #tpu.memory_space<hbm>>
        %dma_start3A_26 = tpu.memref_slice %arg4[%add3A_25] : memref<160000xi32, #tpu.memory_space<hbm>> -> memref<16xi32, #tpu.memory_space<hbm>>
        tpu.enqueue_dma source(%dma_start3A_26 : memref<16xi32, #tpu.memory_space<hbm>>) target(%arg10 : memref<16xi32, #tpu.memory_space<vmem>>) target_semaphore(%run_scoped3A : memref<!tpu.dma_semaphore, #tpu.memory_space<semaphore_mem>>)
        %dma_wait3A = tpu.memref_slice %arg4[%add3A_25] : memref<160000xi32, #tpu.memory_space<hbm>> -> memref<16xi32, #tpu.memory_space<hbm>>
        %dma_wait3A_27 = tpu.memref_slice %arg4[%add3A_25] : memref<160000xi32, #tpu.memory_space<hbm>> -> memref<16xi32, #tpu.memory_space<hbm>>
        tpu.wait_dma2 semaphore(%run_scoped3A : memref<!tpu.dma_semaphore, #tpu.memory_space<semaphore_mem>>) src(%dma_wait3A_27 : memref<16xi32, #tpu.memory_space<hbm>>) dst(%arg10 : memref<16xi32, #tpu.memory_space<vmem>>)
        tpu.yield
      }) : () -> ()
      "tpu.region"() ({
        %run_scoped3A = tpu.sem_alloc : memref<!tpu.dma_semaphore, #tpu.memory_space<semaphore_mem>>
        %dma_start3A = arith.constant 0 : i32
        %dma_start3A_26 = arith.constant 0 : i32
        %dma_start3A_27 = tpu.memref_slice %arg3[%dma_start3A, %dma_start3A_26] : memref<10000x128xf32, #tpu.memory_space<hbm>> -> memref<10000x128xf32, #tpu.memory_space<hbm>>
        tpu.enqueue_indirect_dma source(%dma_start3A_27 : memref<10000x128xf32, #tpu.memory_space<hbm>>) target(%arg12 : memref<16x128xf32, #tpu.memory_space<vmem>>) offsets(%arg10 : memref<16xi32, #tpu.memory_space<vmem>>) semaphore(%run_scoped3A : memref<!tpu.dma_semaphore, #tpu.memory_space<semaphore_mem>>)
        %dma_wait3A = arith.constant 0 : i32
        %dma_wait3A_28 = arith.constant 0 : i32
        %dma_wait3A_29 = tpu.memref_slice %arg3[%dma_wait3A, %dma_wait3A_28] : memref<10000x128xf32, #tpu.memory_space<hbm>> -> memref<10000x128xf32, #tpu.memory_space<hbm>>
        tpu.wait_indirect_dma semaphore(%run_scoped3A : memref<!tpu.dma_semaphore, #tpu.memory_space<semaphore_mem>>) src(%dma_wait3A_29 : memref<10000x128xf32, #tpu.memory_space<hbm>>) dst(%arg12 : memref<16x128xf32, #tpu.memory_space<vmem>>)
        tpu.yield
      }) : () -> ()
      "tpu.region"() ({
        %run_scoped3A = tpu.sem_alloc : memref<!tpu.dma_semaphore, #tpu.memory_space<semaphore_mem>>
        %dma_start3A = tpu.memref_slice %arg5[%add3A_25] : memref<160000xi32, #tpu.memory_space<hbm>> -> memref<16xi32, #tpu.memory_space<hbm>>
        %dma_start3A_26 = tpu.memref_slice %arg5[%add3A_25] : memref<160000xi32, #tpu.memory_space<hbm>> -> memref<16xi32, #tpu.memory_space<hbm>>
        tpu.enqueue_dma source(%dma_start3A_26 : memref<16xi32, #tpu.memory_space<hbm>>) target(%arg10 : memref<16xi32, #tpu.memory_space<vmem>>) target_semaphore(%run_scoped3A : memref<!tpu.dma_semaphore, #tpu.memory_space<semaphore_mem>>)
        %dma_wait3A = tpu.memref_slice %arg5[%add3A_25] : memref<160000xi32, #tpu.memory_space<hbm>> -> memref<16xi32, #tpu.memory_space<hbm>>
        %dma_wait3A_27 = tpu.memref_slice %arg5[%add3A_25] : memref<160000xi32, #tpu.memory_space<hbm>> -> memref<16xi32, #tpu.memory_space<hbm>>
        tpu.wait_dma2 semaphore(%run_scoped3A : memref<!tpu.dma_semaphore, #tpu.memory_space<semaphore_mem>>) src(%dma_wait3A_27 : memref<16xi32, #tpu.memory_space<hbm>>) dst(%arg10 : memref<16xi32, #tpu.memory_space<vmem>>)
        tpu.yield
      }) : () -> ()
      "tpu.region"() ({
        %run_scoped3A = tpu.sem_alloc : memref<!tpu.dma_semaphore, #tpu.memory_space<semaphore_mem>>
        %dma_start3A = arith.constant 0 : i32
        %dma_start3A_26 = arith.constant 0 : i32
        %dma_start3A_27 = tpu.memref_slice %arg13[%dma_start3A, %dma_start3A_26] : memref<10240x128xf32, #tpu.memory_space<vmem_shared>> -> memref<10240x128xf32, #tpu.memory_space<vmem_shared>>
        tpu.enqueue_indirect_dma source(%arg12 : memref<16x128xf32, #tpu.memory_space<vmem>>) target(%dma_start3A_27 : memref<10240x128xf32, #tpu.memory_space<vmem_shared>>) offsets(%arg10 : memref<16xi32, #tpu.memory_space<vmem>>) semaphore(%run_scoped3A : memref<!tpu.dma_semaphore, #tpu.memory_space<semaphore_mem>>) {add = true}
        %dma_wait3A = arith.constant 0 : i32
        %dma_wait3A_28 = arith.constant 0 : i32
        %dma_wait3A_29 = tpu.memref_slice %arg13[%dma_wait3A, %dma_wait3A_28] : memref<10240x128xf32, #tpu.memory_space<vmem_shared>> -> memref<10240x128xf32, #tpu.memory_space<vmem_shared>>
        tpu.wait_indirect_dma semaphore(%run_scoped3A : memref<!tpu.dma_semaphore, #tpu.memory_space<semaphore_mem>>) src(%arg12 : memref<16x128xf32, #tpu.memory_space<vmem>>) dst(%dma_wait3A_29 : memref<10240x128xf32, #tpu.memory_space<vmem_shared>>)
        tpu.yield
      }) : () -> ()
    } else {
    }
    %barrier3A_8 = arith.constant 0 : index
    tpu.barrier barrier_id(%barrier3A_8)
    %eq3A_9 = arith.constant 0 : i32
    %eq3A_10 = arith.cmpi eq, %arg0, %eq3A_9 : i32
    %convert_element_type3A_11 = arith.extui %eq3A_10 : i1 to i32
    %cond3A_12 = arith.constant 0 : i32
    %cond3A_13 = arith.cmpi ne, %convert_element_type3A_11, %cond3A_12 : i32
    scf.if %cond3A_13 {
      "tpu.region"() ({
        %run_scoped3A = tpu.sem_alloc : memref<!tpu.dma_semaphore, #tpu.memory_space<semaphore_mem>>
        %dma_start3A = arith.constant 0 : i32
        %dma_start3A_19 = tpu.memref_slice %arg7[%mul3A_0, %dma_start3A] : memref<10240x128xf32, #tpu.memory_space<hbm>> -> memref<640x128xf32, #tpu.memory_space<hbm>>
        %dma_start3A_20 = arith.constant 0 : i32
        %dma_start3A_21 = tpu.memref_slice %arg13[%mul3A_0, %dma_start3A_20] : memref<10240x128xf32, #tpu.memory_space<vmem_shared>> -> memref<640x128xf32, #tpu.memory_space<vmem_shared>>
        tpu.enqueue_dma source(%dma_start3A_21 : memref<640x128xf32, #tpu.memory_space<vmem_shared>>) target(%dma_start3A_19 : memref<640x128xf32, #tpu.memory_space<hbm>>) target_semaphore(%run_scoped3A : memref<!tpu.dma_semaphore, #tpu.memory_space<semaphore_mem>>)
        %dma_wait3A = arith.constant 0 : i32
        %dma_wait3A_22 = tpu.memref_slice %arg7[%mul3A_0, %dma_wait3A] : memref<10240x128xf32, #tpu.memory_space<hbm>> -> memref<640x128xf32, #tpu.memory_space<hbm>>
        %dma_wait3A_23 = arith.constant 0 : i32
        %dma_wait3A_24 = tpu.memref_slice %arg13[%mul3A_0, %dma_wait3A_23] : memref<10240x128xf32, #tpu.memory_space<vmem_shared>> -> memref<640x128xf32, #tpu.memory_space<vmem_shared>>
        tpu.wait_dma2 semaphore(%run_scoped3A : memref<!tpu.dma_semaphore, #tpu.memory_space<semaphore_mem>>) src(%dma_wait3A_24 : memref<640x128xf32, #tpu.memory_space<vmem_shared>>) dst(%dma_wait3A_22 : memref<640x128xf32, #tpu.memory_space<hbm>>)
        tpu.yield
      }) : () -> ()
    } else {
    }
    %eq3A_14 = arith.constant 1 : i32
    %eq3A_15 = arith.cmpi eq, %arg0, %eq3A_14 : i32
    %convert_element_type3A_16 = arith.extui %eq3A_15 : i1 to i32
    %cond3A_17 = arith.constant 0 : i32
    %cond3A_18 = arith.cmpi ne, %convert_element_type3A_16, %cond3A_17 : i32
    scf.if %cond3A_18 {
      "tpu.region"() ({
        %run_scoped3A = tpu.sem_alloc : memref<!tpu.dma_semaphore, #tpu.memory_space<semaphore_mem>>
        %dma_start3A = arith.constant 0 : i32
        %dma_start3A_19 = tpu.memref_slice %arg8[%mul3A_0, %dma_start3A] : memref<10240x128xf32, #tpu.memory_space<hbm>> -> memref<640x128xf32, #tpu.memory_space<hbm>>
        %dma_start3A_20 = arith.constant 0 : i32
        %dma_start3A_21 = tpu.memref_slice %arg13[%mul3A_0, %dma_start3A_20] : memref<10240x128xf32, #tpu.memory_space<vmem_shared>> -> memref<640x128xf32, #tpu.memory_space<vmem_shared>>
        tpu.enqueue_dma source(%dma_start3A_21 : memref<640x128xf32, #tpu.memory_space<vmem_shared>>) target(%dma_start3A_19 : memref<640x128xf32, #tpu.memory_space<hbm>>) target_semaphore(%run_scoped3A : memref<!tpu.dma_semaphore, #tpu.memory_space<semaphore_mem>>)
        %dma_wait3A = arith.constant 0 : i32
        %dma_wait3A_22 = tpu.memref_slice %arg8[%mul3A_0, %dma_wait3A] : memref<10240x128xf32, #tpu.memory_space<hbm>> -> memref<640x128xf32, #tpu.memory_space<hbm>>
        %dma_wait3A_23 = arith.constant 0 : i32
        %dma_wait3A_24 = tpu.memref_slice %arg13[%mul3A_0, %dma_wait3A_23] : memref<10240x128xf32, #tpu.memory_space<vmem_shared>> -> memref<640x128xf32, #tpu.memory_space<vmem_shared>>
        tpu.wait_dma2 semaphore(%run_scoped3A : memref<!tpu.dma_semaphore, #tpu.memory_space<semaphore_mem>>) src(%dma_wait3A_24 : memref<640x128xf32, #tpu.memory_space<vmem_shared>>) dst(%dma_wait3A_22 : memref<640x128xf32, #tpu.memory_space<hbm>>)
        tpu.yield
      }) : () -> ()
    } else {
    }
    return
  }
}

#map = affine_map<(d0, d1) -> (0, 0)>
#map1 = affine_map<(d0, d1) -> (0)>
module attributes {stable_mosaic.version = 14 : i64} {
  func.func @segsum(%arg0: i32, %arg1: i32, %arg2: memref<10000x128xf32, #tpu.memory_space<hbm>>, %arg3: memref<10000x128xf32, #tpu.memory_space<hbm>>, %arg4: memref<160000xi32, #tpu.memory_space<hbm>>, %arg5: memref<160000xi32, #tpu.memory_space<hbm>>, %arg6: memref<10240x128xf32, #tpu.memory_space<hbm>>, %arg7: memref<10240x128xf32, #tpu.memory_space<hbm>>, %arg8: memref<10240x128xf32, #tpu.memory_space<hbm>>, %arg9: memref<128xi32, #tpu.memory_space<vmem>>, %arg10: memref<16xi32, #tpu.memory_space<vmem>>, %arg11: memref<128x128xf32, #tpu.memory_space<vmem>>, %arg12: memref<16x128xf32, #tpu.memory_space<vmem>>, %arg13: memref<10240x128xf32, #tpu.memory_space<vmem_shared>>) attributes {dimension_semantics = [#tpu.dimension_semantics<core_parallel>, #tpu.dimension_semantics<subcore_parallel>], iteration_bounds = array<i64: 2, 16>, scalar_prefetch = 0 : i64, scratch_operands = 5 : i64, tpu.core_type = #tpu.core_type<sc_vector_subcore>, window_params = [{transform_indices = #map}, {transform_indices = #map}, {transform_indices = #map1}, {transform_indices = #map1}, {transform_indices = #map}, {transform_indices = #map}, {transform_indices = #map}]} {
    %mul3A = arith.constant 640 : i32
    %mul3A_0 = arith.muli %arg1, %mul3A : i32
    "tpu.region"() ({
      %run_scoped3A = tpu.sem_alloc : memref<!tpu.dma_semaphore, #tpu.memory_space<semaphore_mem>>
      %dma_start3A = arith.constant 0 : i32
      %dma_start3A_19 = tpu.memref_slice %arg13[%mul3A_0, %dma_start3A] : memref<10240x128xf32, #tpu.memory_space<vmem_shared>> -> memref<640x128xf32, #tpu.memory_space<vmem_shared>>
      %dma_start3A_20 = arith.constant 0 : i32
      %dma_start3A_21 = tpu.memref_slice %arg6[%mul3A_0, %dma_start3A_20] : memref<10240x128xf32, #tpu.memory_space<hbm>> -> memref<640x128xf32, #tpu.memory_space<hbm>>
      tpu.enqueue_dma source(%dma_start3A_21 : memref<640x128xf32, #tpu.memory_space<hbm>>) target(%dma_start3A_19 : memref<640x128xf32, #tpu.memory_space<vmem_shared>>) target_semaphore(%run_scoped3A : memref<!tpu.dma_semaphore, #tpu.memory_space<semaphore_mem>>)
      %dma_wait3A = arith.constant 0 : i32
      %dma_wait3A_22 = tpu.memref_slice %arg13[%mul3A_0, %dma_wait3A] : memref<10240x128xf32, #tpu.memory_space<vmem_shared>> -> memref<640x128xf32, #tpu.memory_space<vmem_shared>>
      %dma_wait3A_23 = arith.constant 0 : i32
      %dma_wait3A_24 = tpu.memref_slice %arg6[%mul3A_0, %dma_wait3A_23] : memref<10240x128xf32, #tpu.memory_space<hbm>> -> memref<640x128xf32, #tpu.memory_space<hbm>>
      tpu.wait_dma2 semaphore(%run_scoped3A : memref<!tpu.dma_semaphore, #tpu.memory_space<semaphore_mem>>) src(%dma_wait3A_24 : memref<640x128xf32, #tpu.memory_space<hbm>>) dst(%dma_wait3A_22 : memref<640x128xf32, #tpu.memory_space<vmem_shared>>)
      tpu.yield
    }) : () -> ()
    %barrier3A = arith.constant 0 : index
    tpu.barrier barrier_id(%barrier3A)
    %eq3A = arith.constant 0 : i32
    %eq3A_1 = arith.cmpi eq, %arg0, %eq3A : i32
    %convert_element_type3A = arith.extui %eq3A_1 : i1 to i32
    %cond3A = arith.constant 0 : i32
    %cond3A_2 = arith.cmpi ne, %convert_element_type3A, %cond3A : i32
    scf.if %cond3A_2 {
      %scan3A = arith.constant 0 : i32
      %scan3A_19 = arith.constant 78 : i32
      %scan3A_20 = arith.addi %scan3A, %scan3A_19 : i32
      %scan3A_21 = arith.constant 1 : i32
      scf.for %scan3A_26 = %scan3A to %scan3A_20 step %scan3A_21  : i32 {
        %mul3A_27 = arith.constant 1 : i32
        %mul3A_28 = arith.muli %scan3A_26, %mul3A_27 : i32
        %add3A_29 = arith.constant 0 : i32
        %add3A_30 = arith.addi %add3A_29, %mul3A_28 : i32
        %mul3A_31 = arith.constant 10000 : i32
        %mul3A_32 = arith.muli %arg1, %mul3A_31 : i32
        %mul3A_33 = arith.constant 128 : i32
        %mul3A_34 = arith.muli %add3A_30, %mul3A_33 : i32
        %add3A_35 = arith.addi %mul3A_32, %mul3A_34 : i32
        "tpu.region"() ({
          %run_scoped3A = tpu.sem_alloc : memref<!tpu.dma_semaphore, #tpu.memory_space<semaphore_mem>>
          %dma_start3A = tpu.memref_slice %arg4[%add3A_35] : memref<160000xi32, #tpu.memory_space<hbm>> -> memref<128xi32, #tpu.memory_space<hbm>>
          %dma_start3A_36 = tpu.memref_slice %arg4[%add3A_35] : memref<160000xi32, #tpu.memory_space<hbm>> -> memref<128xi32, #tpu.memory_space<hbm>>
          tpu.enqueue_dma source(%dma_start3A_36 : memref<128xi32, #tpu.memory_space<hbm>>) target(%arg9 : memref<128xi32, #tpu.memory_space<vmem>>) target_semaphore(%run_scoped3A : memref<!tpu.dma_semaphore, #tpu.memory_space<semaphore_mem>>)
          %dma_wait3A = tpu.memref_slice %arg4[%add3A_35] : memref<160000xi32, #tpu.memory_space<hbm>> -> memref<128xi32, #tpu.memory_space<hbm>>
          %dma_wait3A_37 = tpu.memref_slice %arg4[%add3A_35] : memref<160000xi32, #tpu.memory_space<hbm>> -> memref<128xi32, #tpu.memory_space<hbm>>
          tpu.wait_dma2 semaphore(%run_scoped3A : memref<!tpu.dma_semaphore, #tpu.memory_space<semaphore_mem>>) src(%dma_wait3A_37 : memref<128xi32, #tpu.memory_space<hbm>>) dst(%arg9 : memref<128xi32, #tpu.memory_space<vmem>>)
          tpu.yield
        }) : () -> ()
        "tpu.region"() ({
          %run_scoped3A = tpu.sem_alloc : memref<!tpu.dma_semaphore, #tpu.memory_space<semaphore_mem>>
          %dma_start3A = arith.constant 0 : i32
          %dma_start3A_36 = arith.constant 0 : i32
          %dma_start3A_37 = tpu.memref_slice %arg2[%dma_start3A, %dma_start3A_36] : memref<10000x128xf32, #tpu.memory_space<hbm>> -> memref<10000x128xf32, #tpu.memory_space<hbm>>
          tpu.enqueue_indirect_dma source(%dma_start3A_37 : memref<10000x128xf32, #tpu.memory_space<hbm>>) target(%arg11 : memref<128x128xf32, #tpu.memory_space<vmem>>) offsets(%arg9 : memref<128xi32, #tpu.memory_space<vmem>>) semaphore(%run_scoped3A : memref<!tpu.dma_semaphore, #tpu.memory_space<semaphore_mem>>)
          %dma_wait3A = arith.constant 0 : i32
          %dma_wait3A_38 = arith.constant 0 : i32
          %dma_wait3A_39 = tpu.memref_slice %arg2[%dma_wait3A, %dma_wait3A_38] : memref<10000x128xf32, #tpu.memory_space<hbm>> -> memref<10000x128xf32, #tpu.memory_space<hbm>>
          tpu.wait_indirect_dma semaphore(%run_scoped3A : memref<!tpu.dma_semaphore, #tpu.memory_space<semaphore_mem>>) src(%dma_wait3A_39 : memref<10000x128xf32, #tpu.memory_space<hbm>>) dst(%arg11 : memref<128x128xf32, #tpu.memory_space<vmem>>)
          tpu.yield
        }) : () -> ()
        "tpu.region"() ({
          %run_scoped3A = tpu.sem_alloc : memref<!tpu.dma_semaphore, #tpu.memory_space<semaphore_mem>>
          %dma_start3A = tpu.memref_slice %arg5[%add3A_35] : memref<160000xi32, #tpu.memory_space<hbm>> -> memref<128xi32, #tpu.memory_space<hbm>>
          %dma_start3A_36 = tpu.memref_slice %arg5[%add3A_35] : memref<160000xi32, #tpu.memory_space<hbm>> -> memref<128xi32, #tpu.memory_space<hbm>>
          tpu.enqueue_dma source(%dma_start3A_36 : memref<128xi32, #tpu.memory_space<hbm>>) target(%arg9 : memref<128xi32, #tpu.memory_space<vmem>>) target_semaphore(%run_scoped3A : memref<!tpu.dma_semaphore, #tpu.memory_space<semaphore_mem>>)
          %dma_wait3A = tpu.memref_slice %arg5[%add3A_35] : memref<160000xi32, #tpu.memory_space<hbm>> -> memref<128xi32, #tpu.memory_space<hbm>>
          %dma_wait3A_37 = tpu.memref_slice %arg5[%add3A_35] : memref<160000xi32, #tpu.memory_space<hbm>> -> memref<128xi32, #tpu.memory_space<hbm>>
          tpu.wait_dma2 semaphore(%run_scoped3A : memref<!tpu.dma_semaphore, #tpu.memory_space<semaphore_mem>>) src(%dma_wait3A_37 : memref<128xi32, #tpu.memory_space<hbm>>) dst(%arg9 : memref<128xi32, #tpu.memory_space<vmem>>)
          tpu.yield
        }) : () -> ()
        "tpu.region"() ({
          %run_scoped3A = tpu.sem_alloc : memref<!tpu.dma_semaphore, #tpu.memory_space<semaphore_mem>>
          %dma_start3A = arith.constant 0 : i32
          %dma_start3A_36 = arith.constant 0 : i32
          %dma_start3A_37 = tpu.memref_slice %arg13[%dma_start3A, %dma_start3A_36] : memref<10240x128xf32, #tpu.memory_space<vmem_shared>> -> memref<10240x128xf32, #tpu.memory_space<vmem_shared>>
          tpu.enqueue_indirect_dma source(%arg11 : memref<128x128xf32, #tpu.memory_space<vmem>>) target(%dma_start3A_37 : memref<10240x128xf32, #tpu.memory_space<vmem_shared>>) offsets(%arg9 : memref<128xi32, #tpu.memory_space<vmem>>) semaphore(%run_scoped3A : memref<!tpu.dma_semaphore, #tpu.memory_space<semaphore_mem>>) {add = true}
          %dma_wait3A = arith.constant 0 : i32
          %dma_wait3A_38 = arith.constant 0 : i32
          %dma_wait3A_39 = tpu.memref_slice %arg13[%dma_wait3A, %dma_wait3A_38] : memref<10240x128xf32, #tpu.memory_space<vmem_shared>> -> memref<10240x128xf32, #tpu.memory_space<vmem_shared>>
          tpu.wait_indirect_dma semaphore(%run_scoped3A : memref<!tpu.dma_semaphore, #tpu.memory_space<semaphore_mem>>) src(%arg11 : memref<128x128xf32, #tpu.memory_space<vmem>>) dst(%dma_wait3A_39 : memref<10240x128xf32, #tpu.memory_space<vmem_shared>>)
          tpu.yield
        }) : () -> ()
      }
      %scan3A_22 = arith.constant 78 : i32
      %mul3A_23 = arith.constant 10000 : i32
      %mul3A_24 = arith.muli %arg1, %mul3A_23 : i32
      %add3A = arith.constant 9984 : i32
      %add3A_25 = arith.addi %mul3A_24, %add3A : i32
      "tpu.region"() ({
        %run_scoped3A = tpu.sem_alloc : memref<!tpu.dma_semaphore, #tpu.memory_space<semaphore_mem>>
        %dma_start3A = tpu.memref_slice %arg4[%add3A_25] : memref<160000xi32, #tpu.memory_space<hbm>> -> memref<16xi32, #tpu.memory_space<hbm>>
        %dma_start3A_26 = tpu.memref_slice %arg4[%add3A_25] : memref<160000xi32, #tpu.memory_space<hbm>> -> memref<16xi32, #tpu.memory_space<hbm>>
        tpu.enqueue_dma source(%dma_start3A_26 : memref<16xi32, #tpu.memory_space<hbm>>) target(%arg10 : memref<16xi32, #tpu.memory_space<vmem>>) target_semaphore(%run_scoped3A : memref<!tpu.dma_semaphore, #tpu.memory_space<semaphore_mem>>)
        %dma_wait3A = tpu.memref_slice %arg4[%add3A_25] : memref<160000xi32, #tpu.memory_space<hbm>> -> memref<16xi32, #tpu.memory_space<hbm>>
        %dma_wait3A_27 = tpu.memref_slice %arg4[%add3A_25] : memref<160000xi32, #tpu.memory_space<hbm>> -> memref<16xi32, #tpu.memory_space<hbm>>
        tpu.wait_dma2 semaphore(%run_scoped3A : memref<!tpu.dma_semaphore, #tpu.memory_space<semaphore_mem>>) src(%dma_wait3A_27 : memref<16xi32, #tpu.memory_space<hbm>>) dst(%arg10 : memref<16xi32, #tpu.memory_space<vmem>>)
        tpu.yield
      }) : () -> ()
      "tpu.region"() ({
        %run_scoped3A = tpu.sem_alloc : memref<!tpu.dma_semaphore, #tpu.memory_space<semaphore_mem>>
        %dma_start3A = arith.constant 0 : i32
        %dma_start3A_26 = arith.constant 0 : i32
        %dma_start3A_27 = tpu.memref_slice %arg2[%dma_start3A, %dma_start3A_26] : memref<10000x128xf32, #tpu.memory_space<hbm>> -> memref<10000x128xf32, #tpu.memory_space<hbm>>
        tpu.enqueue_indirect_dma source(%dma_start3A_27 : memref<10000x128xf32, #tpu.memory_space<hbm>>) target(%arg12 : memref<16x128xf32, #tpu.memory_space<vmem>>) offsets(%arg10 : memref<16xi32, #tpu.memory_space<vmem>>) semaphore(%run_scoped3A : memref<!tpu.dma_semaphore, #tpu.memory_space<semaphore_mem>>)
        %dma_wait3A = arith.constant 0 : i32
        %dma_wait3A_28 = arith.constant 0 : i32
        %dma_wait3A_29 = tpu.memref_slice %arg2[%dma_wait3A, %dma_wait3A_28] : memref<10000x128xf32, #tpu.memory_space<hbm>> -> memref<10000x128xf32, #tpu.memory_space<hbm>>
        tpu.wait_indirect_dma semaphore(%run_scoped3A : memref<!tpu.dma_semaphore, #tpu.memory_space<semaphore_mem>>) src(%dma_wait3A_29 : memref<10000x128xf32, #tpu.memory_space<hbm>>) dst(%arg12 : memref<16x128xf32, #tpu.memory_space<vmem>>)
        tpu.yield
      }) : () -> ()
      "tpu.region"() ({
        %run_scoped3A = tpu.sem_alloc : memref<!tpu.dma_semaphore, #tpu.memory_space<semaphore_mem>>
        %dma_start3A = tpu.memref_slice %arg5[%add3A_25] : memref<160000xi32, #tpu.memory_space<hbm>> -> memref<16xi32, #tpu.memory_space<hbm>>
        %dma_start3A_26 = tpu.memref_slice %arg5[%add3A_25] : memref<160000xi32, #tpu.memory_space<hbm>> -> memref<16xi32, #tpu.memory_space<hbm>>
        tpu.enqueue_dma source(%dma_start3A_26 : memref<16xi32, #tpu.memory_space<hbm>>) target(%arg10 : memref<16xi32, #tpu.memory_space<vmem>>) target_semaphore(%run_scoped3A : memref<!tpu.dma_semaphore, #tpu.memory_space<semaphore_mem>>)
        %dma_wait3A = tpu.memref_slice %arg5[%add3A_25] : memref<160000xi32, #tpu.memory_space<hbm>> -> memref<16xi32, #tpu.memory_space<hbm>>
        %dma_wait3A_27 = tpu.memref_slice %arg5[%add3A_25] : memref<160000xi32, #tpu.memory_space<hbm>> -> memref<16xi32, #tpu.memory_space<hbm>>
        tpu.wait_dma2 semaphore(%run_scoped3A : memref<!tpu.dma_semaphore, #tpu.memory_space<semaphore_mem>>) src(%dma_wait3A_27 : memref<16xi32, #tpu.memory_space<hbm>>) dst(%arg10 : memref<16xi32, #tpu.memory_space<vmem>>)
        tpu.yield
      }) : () -> ()
      "tpu.region"() ({
        %run_scoped3A = tpu.sem_alloc : memref<!tpu.dma_semaphore, #tpu.memory_space<semaphore_mem>>
        %dma_start3A = arith.constant 0 : i32
        %dma_start3A_26 = arith.constant 0 : i32
        %dma_start3A_27 = tpu.memref_slice %arg13[%dma_start3A, %dma_start3A_26] : memref<10240x128xf32, #tpu.memory_space<vmem_shared>> -> memref<10240x128xf32, #tpu.memory_space<vmem_shared>>
        tpu.enqueue_indirect_dma source(%arg12 : memref<16x128xf32, #tpu.memory_space<vmem>>) target(%dma_start3A_27 : memref<10240x128xf32, #tpu.memory_space<vmem_shared>>) offsets(%arg10 : memref<16xi32, #tpu.memory_space<vmem>>) semaphore(%run_scoped3A : memref<!tpu.dma_semaphore, #tpu.memory_space<semaphore_mem>>) {add = true}
        %dma_wait3A = arith.constant 0 : i32
        %dma_wait3A_28 = arith.constant 0 : i32
        %dma_wait3A_29 = tpu.memref_slice %arg13[%dma_wait3A, %dma_wait3A_28] : memref<10240x128xf32, #tpu.memory_space<vmem_shared>> -> memref<10240x128xf32, #tpu.memory_space<vmem_shared>>
        tpu.wait_indirect_dma semaphore(%run_scoped3A : memref<!tpu.dma_semaphore, #tpu.memory_space<semaphore_mem>>) src(%arg12 : memref<16x128xf32, #tpu.memory_space<vmem>>) dst(%dma_wait3A_29 : memref<10240x128xf32, #tpu.memory_space<vmem_shared>>)
        tpu.yield
      }) : () -> ()
    } else {
    }
    %eq3A_3 = arith.constant 1 : i32
    %eq3A_4 = arith.cmpi eq, %arg0, %eq3A_3 : i32
    %convert_element_type3A_5 = arith.extui %eq3A_4 : i1 to i32
    %cond3A_6 = arith.constant 0 : i32
    %cond3A_7 = arith.cmpi ne, %convert_element_type3A_5, %cond3A_6 : i32
    scf.if %cond3A_7 {
      %scan3A = arith.constant 0 : i32
      %scan3A_19 = arith.constant 78 : i32
      %scan3A_20 = arith.addi %scan3A, %scan3A_19 : i32
      %scan3A_21 = arith.constant 1 : i32
      scf.for %scan3A_26 = %scan3A to %scan3A_20 step %scan3A_21  : i32 {
        %mul3A_27 = arith.constant 1 : i32
        %mul3A_28 = arith.muli %scan3A_26, %mul3A_27 : i32
        %add3A_29 = arith.constant 0 : i32
        %add3A_30 = arith.addi %add3A_29, %mul3A_28 : i32
        %mul3A_31 = arith.constant 10000 : i32
        %mul3A_32 = arith.muli %arg1, %mul3A_31 : i32
        %mul3A_33 = arith.constant 128 : i32
        %mul3A_34 = arith.muli %add3A_30, %mul3A_33 : i32
        %add3A_35 = arith.addi %mul3A_32, %mul3A_34 : i32
        "tpu.region"() ({
          %run_scoped3A = tpu.sem_alloc : memref<!tpu.dma_semaphore, #tpu.memory_space<semaphore_mem>>
          %dma_start3A = tpu.memref_slice %arg4[%add3A_35] : memref<160000xi32, #tpu.memory_space<hbm>> -> memref<128xi32, #tpu.memory_space<hbm>>
          %dma_start3A_36 = tpu.memref_slice %arg4[%add3A_35] : memref<160000xi32, #tpu.memory_space<hbm>> -> memref<128xi32, #tpu.memory_space<hbm>>
          tpu.enqueue_dma source(%dma_start3A_36 : memref<128xi32, #tpu.memory_space<hbm>>) target(%arg9 : memref<128xi32, #tpu.memory_space<vmem>>) target_semaphore(%run_scoped3A : memref<!tpu.dma_semaphore, #tpu.memory_space<semaphore_mem>>)
          %dma_wait3A = tpu.memref_slice %arg4[%add3A_35] : memref<160000xi32, #tpu.memory_space<hbm>> -> memref<128xi32, #tpu.memory_space<hbm>>
          %dma_wait3A_37 = tpu.memref_slice %arg4[%add3A_35] : memref<160000xi32, #tpu.memory_space<hbm>> -> memref<128xi32, #tpu.memory_space<hbm>>
          tpu.wait_dma2 semaphore(%run_scoped3A : memref<!tpu.dma_semaphore, #tpu.memory_space<semaphore_mem>>) src(%dma_wait3A_37 : memref<128xi32, #tpu.memory_space<hbm>>) dst(%arg9 : memref<128xi32, #tpu.memory_space<vmem>>)
          tpu.yield
        }) : () -> ()
        "tpu.region"() ({
          %run_scoped3A = tpu.sem_alloc : memref<!tpu.dma_semaphore, #tpu.memory_space<semaphore_mem>>
          %dma_start3A = arith.constant 0 : i32
          %dma_start3A_36 = arith.constant 0 : i32
          %dma_start3A_37 = tpu.memref_slice %arg3[%dma_start3A, %dma_start3A_36] : memref<10000x128xf32, #tpu.memory_space<hbm>> -> memref<10000x128xf32, #tpu.memory_space<hbm>>
          tpu.enqueue_indirect_dma source(%dma_start3A_37 : memref<10000x128xf32, #tpu.memory_space<hbm>>) target(%arg11 : memref<128x128xf32, #tpu.memory_space<vmem>>) offsets(%arg9 : memref<128xi32, #tpu.memory_space<vmem>>) semaphore(%run_scoped3A : memref<!tpu.dma_semaphore, #tpu.memory_space<semaphore_mem>>)
          %dma_wait3A = arith.constant 0 : i32
          %dma_wait3A_38 = arith.constant 0 : i32
          %dma_wait3A_39 = tpu.memref_slice %arg3[%dma_wait3A, %dma_wait3A_38] : memref<10000x128xf32, #tpu.memory_space<hbm>> -> memref<10000x128xf32, #tpu.memory_space<hbm>>
          tpu.wait_indirect_dma semaphore(%run_scoped3A : memref<!tpu.dma_semaphore, #tpu.memory_space<semaphore_mem>>) src(%dma_wait3A_39 : memref<10000x128xf32, #tpu.memory_space<hbm>>) dst(%arg11 : memref<128x128xf32, #tpu.memory_space<vmem>>)
          tpu.yield
        }) : () -> ()
        "tpu.region"() ({
          %run_scoped3A = tpu.sem_alloc : memref<!tpu.dma_semaphore, #tpu.memory_space<semaphore_mem>>
          %dma_start3A = tpu.memref_slice %arg5[%add3A_35] : memref<160000xi32, #tpu.memory_space<hbm>> -> memref<128xi32, #tpu.memory_space<hbm>>
          %dma_start3A_36 = tpu.memref_slice %arg5[%add3A_35] : memref<160000xi32, #tpu.memory_space<hbm>> -> memref<128xi32, #tpu.memory_space<hbm>>
          tpu.enqueue_dma source(%dma_start3A_36 : memref<128xi32, #tpu.memory_space<hbm>>) target(%arg9 : memref<128xi32, #tpu.memory_space<vmem>>) target_semaphore(%run_scoped3A : memref<!tpu.dma_semaphore, #tpu.memory_space<semaphore_mem>>)
          %dma_wait3A = tpu.memref_slice %arg5[%add3A_35] : memref<160000xi32, #tpu.memory_space<hbm>> -> memref<128xi32, #tpu.memory_space<hbm>>
          %dma_wait3A_37 = tpu.memref_slice %arg5[%add3A_35] : memref<160000xi32, #tpu.memory_space<hbm>> -> memref<128xi32, #tpu.memory_space<hbm>>
          tpu.wait_dma2 semaphore(%run_scoped3A : memref<!tpu.dma_semaphore, #tpu.memory_space<semaphore_mem>>) src(%dma_wait3A_37 : memref<128xi32, #tpu.memory_space<hbm>>) dst(%arg9 : memref<128xi32, #tpu.memory_space<vmem>>)
          tpu.yield
        }) : () -> ()
        "tpu.region"() ({
          %run_scoped3A = tpu.sem_alloc : memref<!tpu.dma_semaphore, #tpu.memory_space<semaphore_mem>>
          %dma_start3A = arith.constant 0 : i32
          %dma_start3A_36 = arith.constant 0 : i32
          %dma_start3A_37 = tpu.memref_slice %arg13[%dma_start3A, %dma_start3A_36] : memref<10240x128xf32, #tpu.memory_space<vmem_shared>> -> memref<10240x128xf32, #tpu.memory_space<vmem_shared>>
          tpu.enqueue_indirect_dma source(%arg11 : memref<128x128xf32, #tpu.memory_space<vmem>>) target(%dma_start3A_37 : memref<10240x128xf32, #tpu.memory_space<vmem_shared>>) offsets(%arg9 : memref<128xi32, #tpu.memory_space<vmem>>) semaphore(%run_scoped3A : memref<!tpu.dma_semaphore, #tpu.memory_space<semaphore_mem>>) {add = true}
          %dma_wait3A = arith.constant 0 : i32
          %dma_wait3A_38 = arith.constant 0 : i32
          %dma_wait3A_39 = tpu.memref_slice %arg13[%dma_wait3A, %dma_wait3A_38] : memref<10240x128xf32, #tpu.memory_space<vmem_shared>> -> memref<10240x128xf32, #tpu.memory_space<vmem_shared>>
          tpu.wait_indirect_dma semaphore(%run_scoped3A : memref<!tpu.dma_semaphore, #tpu.memory_space<semaphore_mem>>) src(%arg11 : memref<128x128xf32, #tpu.memory_space<vmem>>) dst(%dma_wait3A_39 : memref<10240x128xf32, #tpu.memory_space<vmem_shared>>)
          tpu.yield
        }) : () -> ()
      }
      %scan3A_22 = arith.constant 78 : i32
      %mul3A_23 = arith.constant 10000 : i32
      %mul3A_24 = arith.muli %arg1, %mul3A_23 : i32
      %add3A = arith.constant 9984 : i32
      %add3A_25 = arith.addi %mul3A_24, %add3A : i32
      "tpu.region"() ({
        %run_scoped3A = tpu.sem_alloc : memref<!tpu.dma_semaphore, #tpu.memory_space<semaphore_mem>>
        %dma_start3A = tpu.memref_slice %arg4[%add3A_25] : memref<160000xi32, #tpu.memory_space<hbm>> -> memref<16xi32, #tpu.memory_space<hbm>>
        %dma_start3A_26 = tpu.memref_slice %arg4[%add3A_25] : memref<160000xi32, #tpu.memory_space<hbm>> -> memref<16xi32, #tpu.memory_space<hbm>>
        tpu.enqueue_dma source(%dma_start3A_26 : memref<16xi32, #tpu.memory_space<hbm>>) target(%arg10 : memref<16xi32, #tpu.memory_space<vmem>>) target_semaphore(%run_scoped3A : memref<!tpu.dma_semaphore, #tpu.memory_space<semaphore_mem>>)
        %dma_wait3A = tpu.memref_slice %arg4[%add3A_25] : memref<160000xi32, #tpu.memory_space<hbm>> -> memref<16xi32, #tpu.memory_space<hbm>>
        %dma_wait3A_27 = tpu.memref_slice %arg4[%add3A_25] : memref<160000xi32, #tpu.memory_space<hbm>> -> memref<16xi32, #tpu.memory_space<hbm>>
        tpu.wait_dma2 semaphore(%run_scoped3A : memref<!tpu.dma_semaphore, #tpu.memory_space<semaphore_mem>>) src(%dma_wait3A_27 : memref<16xi32, #tpu.memory_space<hbm>>) dst(%arg10 : memref<16xi32, #tpu.memory_space<vmem>>)
        tpu.yield
      }) : () -> ()
      "tpu.region"() ({
        %run_scoped3A = tpu.sem_alloc : memref<!tpu.dma_semaphore, #tpu.memory_space<semaphore_mem>>
        %dma_start3A = arith.constant 0 : i32
        %dma_start3A_26 = arith.constant 0 : i32
        %dma_start3A_27 = tpu.memref_slice %arg3[%dma_start3A, %dma_start3A_26] : memref<10000x128xf32, #tpu.memory_space<hbm>> -> memref<10000x128xf32, #tpu.memory_space<hbm>>
        tpu.enqueue_indirect_dma source(%dma_start3A_27 : memref<10000x128xf32, #tpu.memory_space<hbm>>) target(%arg12 : memref<16x128xf32, #tpu.memory_space<vmem>>) offsets(%arg10 : memref<16xi32, #tpu.memory_space<vmem>>) semaphore(%run_scoped3A : memref<!tpu.dma_semaphore, #tpu.memory_space<semaphore_mem>>)
        %dma_wait3A = arith.constant 0 : i32
        %dma_wait3A_28 = arith.constant 0 : i32
        %dma_wait3A_29 = tpu.memref_slice %arg3[%dma_wait3A, %dma_wait3A_28] : memref<10000x128xf32, #tpu.memory_space<hbm>> -> memref<10000x128xf32, #tpu.memory_space<hbm>>
        tpu.wait_indirect_dma semaphore(%run_scoped3A : memref<!tpu.dma_semaphore, #tpu.memory_space<semaphore_mem>>) src(%dma_wait3A_29 : memref<10000x128xf32, #tpu.memory_space<hbm>>) dst(%arg12 : memref<16x128xf32, #tpu.memory_space<vmem>>)
        tpu.yield
      }) : () -> ()
      "tpu.region"() ({
        %run_scoped3A = tpu.sem_alloc : memref<!tpu.dma_semaphore, #tpu.memory_space<semaphore_mem>>
        %dma_start3A = tpu.memref_slice %arg5[%add3A_25] : memref<160000xi32, #tpu.memory_space<hbm>> -> memref<16xi32, #tpu.memory_space<hbm>>
        %dma_start3A_26 = tpu.memref_slice %arg5[%add3A_25] : memref<160000xi32, #tpu.memory_space<hbm>> -> memref<16xi32, #tpu.memory_space<hbm>>
        tpu.enqueue_dma source(%dma_start3A_26 : memref<16xi32, #tpu.memory_space<hbm>>) target(%arg10 : memref<16xi32, #tpu.memory_space<vmem>>) target_semaphore(%run_scoped3A : memref<!tpu.dma_semaphore, #tpu.memory_space<semaphore_mem>>)
        %dma_wait3A = tpu.memref_slice %arg5[%add3A_25] : memref<160000xi32, #tpu.memory_space<hbm>> -> memref<16xi32, #tpu.memory_space<hbm>>
        %dma_wait3A_27 = tpu.memref_slice %arg5[%add3A_25] : memref<160000xi32, #tpu.memory_space<hbm>> -> memref<16xi32, #tpu.memory_space<hbm>>
        tpu.wait_dma2 semaphore(%run_scoped3A : memref<!tpu.dma_semaphore, #tpu.memory_space<semaphore_mem>>) src(%dma_wait3A_27 : memref<16xi32, #tpu.memory_space<hbm>>) dst(%arg10 : memref<16xi32, #tpu.memory_space<vmem>>)
        tpu.yield
      }) : () -> ()
      "tpu.region"() ({
        %run_scoped3A = tpu.sem_alloc : memref<!tpu.dma_semaphore, #tpu.memory_space<semaphore_mem>>
        %dma_start3A = arith.constant 0 : i32
        %dma_start3A_26 = arith.constant 0 : i32
        %dma_start3A_27 = tpu.memref_slice %arg13[%dma_start3A, %dma_start3A_26] : memref<10240x128xf32, #tpu.memory_space<vmem_shared>> -> memref<10240x128xf32, #tpu.memory_space<vmem_shared>>
        tpu.enqueue_indirect_dma source(%arg12 : memref<16x128xf32, #tpu.memory_space<vmem>>) target(%dma_start3A_27 : memref<10240x128xf32, #tpu.memory_space<vmem_shared>>) offsets(%arg10 : memref<16xi32, #tpu.memory_space<vmem>>) semaphore(%run_scoped3A : memref<!tpu.dma_semaphore, #tpu.memory_space<semaphore_mem>>) {add = true}
        %dma_wait3A = arith.constant 0 : i32
        %dma_wait3A_28 = arith.constant 0 : i32
        %dma_wait3A_29 = tpu.memref_slice %arg13[%dma_wait3A, %dma_wait3A_28] : memref<10240x128xf32, #tpu.memory_space<vmem_shared>> -> memref<10240x128xf32, #tpu.memory_space<vmem_shared>>
        tpu.wait_indirect_dma semaphore(%run_scoped3A : memref<!tpu.dma_semaphore, #tpu.memory_space<semaphore_mem>>) src(%arg12 : memref<16x128xf32, #tpu.memory_space<vmem>>) dst(%dma_wait3A_29 : memref<10240x128xf32, #tpu.memory_space<vmem_shared>>)
        tpu.yield
      }) : () -> ()
    } else {
    }
    %barrier3A_8 = arith.constant 0 : index
    tpu.barrier barrier_id(%barrier3A_8)
    %eq3A_9 = arith.constant 0 : i32
    %eq3A_10 = arith.cmpi eq, %arg0, %eq3A_9 : i32
    %convert_element_type3A_11 = arith.extui %eq3A_10 : i1 to i32
    %cond3A_12 = arith.constant 0 : i32
    %cond3A_13 = arith.cmpi ne, %convert_element_type3A_11, %cond3A_12 : i32
    scf.if %cond3A_13 {
      "tpu.region"() ({
        %run_scoped3A = tpu.sem_alloc : memref<!tpu.dma_semaphore, #tpu.memory_space<semaphore_mem>>
        %dma_start3A = arith.constant 0 : i32
        %dma_start3A_19 = tpu.memref_slice %arg7[%mul3A_0, %dma_start3A] : memref<10240x128xf32, #tpu.memory_space<hbm>> -> memref<640x128xf32, #tpu.memory_space<hbm>>
        %dma_start3A_20 = arith.constant 0 : i32
        %dma_start3A_21 = tpu.memref_slice %arg13[%mul3A_0, %dma_start3A_20] : memref<10240x128xf32, #tpu.memory_space<vmem_shared>> -> memref<640x128xf32, #tpu.memory_space<vmem_shared>>
        tpu.enqueue_dma source(%dma_start3A_21 : memref<640x128xf32, #tpu.memory_space<vmem_shared>>) target(%dma_start3A_19 : memref<640x128xf32, #tpu.memory_space<hbm>>) target_semaphore(%run_scoped3A : memref<!tpu.dma_semaphore, #tpu.memory_space<semaphore_mem>>)
        %dma_wait3A = arith.constant 0 : i32
        %dma_wait3A_22 = tpu.memref_slice %arg7[%mul3A_0, %dma_wait3A] : memref<10240x128xf32, #tpu.memory_space<hbm>> -> memref<640x128xf32, #tpu.memory_space<hbm>>
        %dma_wait3A_23 = arith.constant 0 : i32
        %dma_wait3A_24 = tpu.memref_slice %arg13[%mul3A_0, %dma_wait3A_23] : memref<10240x128xf32, #tpu.memory_space<vmem_shared>> -> memref<640x128xf32, #tpu.memory_space<vmem_shared>>
        tpu.wait_dma2 semaphore(%run_scoped3A : memref<!tpu.dma_semaphore, #tpu.memory_space<semaphore_mem>>) src(%dma_wait3A_24 : memref<640x128xf32, #tpu.memory_space<vmem_shared>>) dst(%dma_wait3A_22 : memref<640x128xf32, #tpu.memory_space<hbm>>)
        tpu.yield
      }) : () -> ()
    } else {
    }
    %eq3A_14 = arith.constant 1 : i32
    %eq3A_15 = arith.cmpi eq, %arg0, %eq3A_14 : i32
    %convert_element_type3A_16 = arith.extui %eq3A_15 : i1 to i32
    %cond3A_17 = arith.constant 0 : i32
    %cond3A_18 = arith.cmpi ne, %convert_element_type3A_16, %cond3A_17 : i32
    scf.if %cond3A_18 {
      "tpu.region"() ({
        %run_scoped3A = tpu.sem_alloc : memref<!tpu.dma_semaphore, #tpu.memory_space<semaphore_mem>>
        %dma_start3A = arith.constant 0 : i32
        %dma_start3A_19 = tpu.memref_slice %arg8[%mul3A_0, %dma_start3A] : memref<10240x128xf32, #tpu.memory_space<hbm>> -> memref<640x128xf32, #tpu.memory_space<hbm>>
        %dma_start3A_20 = arith.constant 0 : i32
        %dma_start3A_21 = tpu.memref_slice %arg13[%mul3A_0, %dma_start3A_20] : memref<10240x128xf32, #tpu.memory_space<vmem_shared>> -> memref<640x128xf32, #tpu.memory_space<vmem_shared>>
        tpu.enqueue_dma source(%dma_start3A_21 : memref<640x128xf32, #tpu.memory_space<vmem_shared>>) target(%dma_start3A_19 : memref<640x128xf32, #tpu.memory_space<hbm>>) target_semaphore(%run_scoped3A : memref<!tpu.dma_semaphore, #tpu.memory_space<semaphore_mem>>)
        %dma_wait3A = arith.constant 0 : i32
        %dma_wait3A_22 = tpu.memref_slice %arg8[%mul3A_0, %dma_wait3A] : memref<10240x128xf32, #tpu.memory_space<hbm>> -> memref<640x128xf32, #tpu.memory_space<hbm>>
        %dma_wait3A_23 = arith.constant 0 : i32
        %dma_wait3A_24 = tpu.memref_slice %arg13[%mul3A_0, %dma_wait3A_23] : memref<10240x128xf32, #tpu.memory_space<vmem_shared>> -> memref<640x128xf32, #tpu.memory_space<vmem_shared>>
        tpu.wait_dma2 semaphore(%run_scoped3A : memref<!tpu.dma_semaphore, #tpu.memory_space<semaphore_mem>>) src(%dma_wait3A_24 : memref<640x128xf32, #tpu.memory_space<vmem_shared>>) dst(%dma_wait3A_22 : memref<640x128xf32, #tpu.memory_space<hbm>>)
        tpu.yield
      }) : () -> ()
    } else {
    }
    return
  }
}

#map = affine_map<(d0, d1) -> (0, 0)>
#map1 = affine_map<(d0, d1) -> (0)>
module attributes {stable_mosaic.version = 14 : i64} {
  func.func @segsum(%arg0: i32, %arg1: i32, %arg2: memref<10000x144xf32, #tpu.memory_space<hbm>>, %arg3: memref<10000x144xf32, #tpu.memory_space<hbm>>, %arg4: memref<160000xi32, #tpu.memory_space<hbm>>, %arg5: memref<160000xi32, #tpu.memory_space<hbm>>, %arg6: memref<10240x144xf32, #tpu.memory_space<hbm>>, %arg7: memref<10240x144xf32, #tpu.memory_space<hbm>>, %arg8: memref<10240x144xf32, #tpu.memory_space<hbm>>, %arg9: memref<128xi32, #tpu.memory_space<vmem>>, %arg10: memref<16xi32, #tpu.memory_space<vmem>>, %arg11: memref<128x144xf32, #tpu.memory_space<vmem>>, %arg12: memref<16x144xf32, #tpu.memory_space<vmem>>, %arg13: memref<10240x144xf32, #tpu.memory_space<vmem_shared>>) attributes {dimension_semantics = [#tpu.dimension_semantics<core_parallel>, #tpu.dimension_semantics<subcore_parallel>], iteration_bounds = array<i64: 2, 16>, scalar_prefetch = 0 : i64, scratch_operands = 5 : i64, tpu.core_type = #tpu.core_type<sc_vector_subcore>, window_params = [{transform_indices = #map}, {transform_indices = #map}, {transform_indices = #map1}, {transform_indices = #map1}, {transform_indices = #map}, {transform_indices = #map}, {transform_indices = #map}]} {
    %mul3A = arith.constant 640 : i32
    %mul3A_0 = arith.muli %arg1, %mul3A : i32
    "tpu.region"() ({
      %run_scoped3A = tpu.sem_alloc : memref<!tpu.dma_semaphore, #tpu.memory_space<semaphore_mem>>
      %dma_start3A = arith.constant 0 : i32
      %dma_start3A_19 = tpu.memref_slice %arg13[%mul3A_0, %dma_start3A] : memref<10240x144xf32, #tpu.memory_space<vmem_shared>> -> memref<640x144xf32, #tpu.memory_space<vmem_shared>>
      %dma_start3A_20 = arith.constant 0 : i32
      %dma_start3A_21 = tpu.memref_slice %arg6[%mul3A_0, %dma_start3A_20] : memref<10240x144xf32, #tpu.memory_space<hbm>> -> memref<640x144xf32, #tpu.memory_space<hbm>>
      tpu.enqueue_dma source(%dma_start3A_21 : memref<640x144xf32, #tpu.memory_space<hbm>>) target(%dma_start3A_19 : memref<640x144xf32, #tpu.memory_space<vmem_shared>>) target_semaphore(%run_scoped3A : memref<!tpu.dma_semaphore, #tpu.memory_space<semaphore_mem>>)
      %dma_wait3A = arith.constant 0 : i32
      %dma_wait3A_22 = tpu.memref_slice %arg13[%mul3A_0, %dma_wait3A] : memref<10240x144xf32, #tpu.memory_space<vmem_shared>> -> memref<640x144xf32, #tpu.memory_space<vmem_shared>>
      %dma_wait3A_23 = arith.constant 0 : i32
      %dma_wait3A_24 = tpu.memref_slice %arg6[%mul3A_0, %dma_wait3A_23] : memref<10240x144xf32, #tpu.memory_space<hbm>> -> memref<640x144xf32, #tpu.memory_space<hbm>>
      tpu.wait_dma2 semaphore(%run_scoped3A : memref<!tpu.dma_semaphore, #tpu.memory_space<semaphore_mem>>) src(%dma_wait3A_24 : memref<640x144xf32, #tpu.memory_space<hbm>>) dst(%dma_wait3A_22 : memref<640x144xf32, #tpu.memory_space<vmem_shared>>)
      tpu.yield
    }) : () -> ()
    %barrier3A = arith.constant 0 : index
    tpu.barrier barrier_id(%barrier3A)
    %eq3A = arith.constant 0 : i32
    %eq3A_1 = arith.cmpi eq, %arg0, %eq3A : i32
    %convert_element_type3A = arith.extui %eq3A_1 : i1 to i32
    %cond3A = arith.constant 0 : i32
    %cond3A_2 = arith.cmpi ne, %convert_element_type3A, %cond3A : i32
    scf.if %cond3A_2 {
      %scan3A = arith.constant 0 : i32
      %scan3A_19 = arith.constant 78 : i32
      %scan3A_20 = arith.addi %scan3A, %scan3A_19 : i32
      %scan3A_21 = arith.constant 1 : i32
      scf.for %scan3A_26 = %scan3A to %scan3A_20 step %scan3A_21  : i32 {
        %mul3A_27 = arith.constant 1 : i32
        %mul3A_28 = arith.muli %scan3A_26, %mul3A_27 : i32
        %add3A_29 = arith.constant 0 : i32
        %add3A_30 = arith.addi %add3A_29, %mul3A_28 : i32
        %mul3A_31 = arith.constant 10000 : i32
        %mul3A_32 = arith.muli %arg1, %mul3A_31 : i32
        %mul3A_33 = arith.constant 128 : i32
        %mul3A_34 = arith.muli %add3A_30, %mul3A_33 : i32
        %add3A_35 = arith.addi %mul3A_32, %mul3A_34 : i32
        "tpu.region"() ({
          %run_scoped3A = tpu.sem_alloc : memref<!tpu.dma_semaphore, #tpu.memory_space<semaphore_mem>>
          %dma_start3A = tpu.memref_slice %arg4[%add3A_35] : memref<160000xi32, #tpu.memory_space<hbm>> -> memref<128xi32, #tpu.memory_space<hbm>>
          %dma_start3A_36 = tpu.memref_slice %arg4[%add3A_35] : memref<160000xi32, #tpu.memory_space<hbm>> -> memref<128xi32, #tpu.memory_space<hbm>>
          tpu.enqueue_dma source(%dma_start3A_36 : memref<128xi32, #tpu.memory_space<hbm>>) target(%arg9 : memref<128xi32, #tpu.memory_space<vmem>>) target_semaphore(%run_scoped3A : memref<!tpu.dma_semaphore, #tpu.memory_space<semaphore_mem>>)
          %dma_wait3A = tpu.memref_slice %arg4[%add3A_35] : memref<160000xi32, #tpu.memory_space<hbm>> -> memref<128xi32, #tpu.memory_space<hbm>>
          %dma_wait3A_37 = tpu.memref_slice %arg4[%add3A_35] : memref<160000xi32, #tpu.memory_space<hbm>> -> memref<128xi32, #tpu.memory_space<hbm>>
          tpu.wait_dma2 semaphore(%run_scoped3A : memref<!tpu.dma_semaphore, #tpu.memory_space<semaphore_mem>>) src(%dma_wait3A_37 : memref<128xi32, #tpu.memory_space<hbm>>) dst(%arg9 : memref<128xi32, #tpu.memory_space<vmem>>)
          tpu.yield
        }) : () -> ()
        "tpu.region"() ({
          %run_scoped3A = tpu.sem_alloc : memref<!tpu.dma_semaphore, #tpu.memory_space<semaphore_mem>>
          %dma_start3A = arith.constant 0 : i32
          %dma_start3A_36 = arith.constant 0 : i32
          %dma_start3A_37 = tpu.memref_slice %arg2[%dma_start3A, %dma_start3A_36] : memref<10000x144xf32, #tpu.memory_space<hbm>> -> memref<10000x144xf32, #tpu.memory_space<hbm>>
          tpu.enqueue_indirect_dma source(%dma_start3A_37 : memref<10000x144xf32, #tpu.memory_space<hbm>>) target(%arg11 : memref<128x144xf32, #tpu.memory_space<vmem>>) offsets(%arg9 : memref<128xi32, #tpu.memory_space<vmem>>) semaphore(%run_scoped3A : memref<!tpu.dma_semaphore, #tpu.memory_space<semaphore_mem>>)
          %dma_wait3A = arith.constant 0 : i32
          %dma_wait3A_38 = arith.constant 0 : i32
          %dma_wait3A_39 = tpu.memref_slice %arg2[%dma_wait3A, %dma_wait3A_38] : memref<10000x144xf32, #tpu.memory_space<hbm>> -> memref<10000x144xf32, #tpu.memory_space<hbm>>
          tpu.wait_indirect_dma semaphore(%run_scoped3A : memref<!tpu.dma_semaphore, #tpu.memory_space<semaphore_mem>>) src(%dma_wait3A_39 : memref<10000x144xf32, #tpu.memory_space<hbm>>) dst(%arg11 : memref<128x144xf32, #tpu.memory_space<vmem>>)
          tpu.yield
        }) : () -> ()
        "tpu.region"() ({
          %run_scoped3A = tpu.sem_alloc : memref<!tpu.dma_semaphore, #tpu.memory_space<semaphore_mem>>
          %dma_start3A = tpu.memref_slice %arg5[%add3A_35] : memref<160000xi32, #tpu.memory_space<hbm>> -> memref<128xi32, #tpu.memory_space<hbm>>
          %dma_start3A_36 = tpu.memref_slice %arg5[%add3A_35] : memref<160000xi32, #tpu.memory_space<hbm>> -> memref<128xi32, #tpu.memory_space<hbm>>
          tpu.enqueue_dma source(%dma_start3A_36 : memref<128xi32, #tpu.memory_space<hbm>>) target(%arg9 : memref<128xi32, #tpu.memory_space<vmem>>) target_semaphore(%run_scoped3A : memref<!tpu.dma_semaphore, #tpu.memory_space<semaphore_mem>>)
          %dma_wait3A = tpu.memref_slice %arg5[%add3A_35] : memref<160000xi32, #tpu.memory_space<hbm>> -> memref<128xi32, #tpu.memory_space<hbm>>
          %dma_wait3A_37 = tpu.memref_slice %arg5[%add3A_35] : memref<160000xi32, #tpu.memory_space<hbm>> -> memref<128xi32, #tpu.memory_space<hbm>>
          tpu.wait_dma2 semaphore(%run_scoped3A : memref<!tpu.dma_semaphore, #tpu.memory_space<semaphore_mem>>) src(%dma_wait3A_37 : memref<128xi32, #tpu.memory_space<hbm>>) dst(%arg9 : memref<128xi32, #tpu.memory_space<vmem>>)
          tpu.yield
        }) : () -> ()
        "tpu.region"() ({
          %run_scoped3A = tpu.sem_alloc : memref<!tpu.dma_semaphore, #tpu.memory_space<semaphore_mem>>
          %dma_start3A = arith.constant 0 : i32
          %dma_start3A_36 = arith.constant 0 : i32
          %dma_start3A_37 = tpu.memref_slice %arg13[%dma_start3A, %dma_start3A_36] : memref<10240x144xf32, #tpu.memory_space<vmem_shared>> -> memref<10240x144xf32, #tpu.memory_space<vmem_shared>>
          tpu.enqueue_indirect_dma source(%arg11 : memref<128x144xf32, #tpu.memory_space<vmem>>) target(%dma_start3A_37 : memref<10240x144xf32, #tpu.memory_space<vmem_shared>>) offsets(%arg9 : memref<128xi32, #tpu.memory_space<vmem>>) semaphore(%run_scoped3A : memref<!tpu.dma_semaphore, #tpu.memory_space<semaphore_mem>>) {add = true}
          %dma_wait3A = arith.constant 0 : i32
          %dma_wait3A_38 = arith.constant 0 : i32
          %dma_wait3A_39 = tpu.memref_slice %arg13[%dma_wait3A, %dma_wait3A_38] : memref<10240x144xf32, #tpu.memory_space<vmem_shared>> -> memref<10240x144xf32, #tpu.memory_space<vmem_shared>>
          tpu.wait_indirect_dma semaphore(%run_scoped3A : memref<!tpu.dma_semaphore, #tpu.memory_space<semaphore_mem>>) src(%arg11 : memref<128x144xf32, #tpu.memory_space<vmem>>) dst(%dma_wait3A_39 : memref<10240x144xf32, #tpu.memory_space<vmem_shared>>)
          tpu.yield
        }) : () -> ()
      }
      %scan3A_22 = arith.constant 78 : i32
      %mul3A_23 = arith.constant 10000 : i32
      %mul3A_24 = arith.muli %arg1, %mul3A_23 : i32
      %add3A = arith.constant 9984 : i32
      %add3A_25 = arith.addi %mul3A_24, %add3A : i32
      "tpu.region"() ({
        %run_scoped3A = tpu.sem_alloc : memref<!tpu.dma_semaphore, #tpu.memory_space<semaphore_mem>>
        %dma_start3A = tpu.memref_slice %arg4[%add3A_25] : memref<160000xi32, #tpu.memory_space<hbm>> -> memref<16xi32, #tpu.memory_space<hbm>>
        %dma_start3A_26 = tpu.memref_slice %arg4[%add3A_25] : memref<160000xi32, #tpu.memory_space<hbm>> -> memref<16xi32, #tpu.memory_space<hbm>>
        tpu.enqueue_dma source(%dma_start3A_26 : memref<16xi32, #tpu.memory_space<hbm>>) target(%arg10 : memref<16xi32, #tpu.memory_space<vmem>>) target_semaphore(%run_scoped3A : memref<!tpu.dma_semaphore, #tpu.memory_space<semaphore_mem>>)
        %dma_wait3A = tpu.memref_slice %arg4[%add3A_25] : memref<160000xi32, #tpu.memory_space<hbm>> -> memref<16xi32, #tpu.memory_space<hbm>>
        %dma_wait3A_27 = tpu.memref_slice %arg4[%add3A_25] : memref<160000xi32, #tpu.memory_space<hbm>> -> memref<16xi32, #tpu.memory_space<hbm>>
        tpu.wait_dma2 semaphore(%run_scoped3A : memref<!tpu.dma_semaphore, #tpu.memory_space<semaphore_mem>>) src(%dma_wait3A_27 : memref<16xi32, #tpu.memory_space<hbm>>) dst(%arg10 : memref<16xi32, #tpu.memory_space<vmem>>)
        tpu.yield
      }) : () -> ()
      "tpu.region"() ({
        %run_scoped3A = tpu.sem_alloc : memref<!tpu.dma_semaphore, #tpu.memory_space<semaphore_mem>>
        %dma_start3A = arith.constant 0 : i32
        %dma_start3A_26 = arith.constant 0 : i32
        %dma_start3A_27 = tpu.memref_slice %arg2[%dma_start3A, %dma_start3A_26] : memref<10000x144xf32, #tpu.memory_space<hbm>> -> memref<10000x144xf32, #tpu.memory_space<hbm>>
        tpu.enqueue_indirect_dma source(%dma_start3A_27 : memref<10000x144xf32, #tpu.memory_space<hbm>>) target(%arg12 : memref<16x144xf32, #tpu.memory_space<vmem>>) offsets(%arg10 : memref<16xi32, #tpu.memory_space<vmem>>) semaphore(%run_scoped3A : memref<!tpu.dma_semaphore, #tpu.memory_space<semaphore_mem>>)
        %dma_wait3A = arith.constant 0 : i32
        %dma_wait3A_28 = arith.constant 0 : i32
        %dma_wait3A_29 = tpu.memref_slice %arg2[%dma_wait3A, %dma_wait3A_28] : memref<10000x144xf32, #tpu.memory_space<hbm>> -> memref<10000x144xf32, #tpu.memory_space<hbm>>
        tpu.wait_indirect_dma semaphore(%run_scoped3A : memref<!tpu.dma_semaphore, #tpu.memory_space<semaphore_mem>>) src(%dma_wait3A_29 : memref<10000x144xf32, #tpu.memory_space<hbm>>) dst(%arg12 : memref<16x144xf32, #tpu.memory_space<vmem>>)
        tpu.yield
      }) : () -> ()
      "tpu.region"() ({
        %run_scoped3A = tpu.sem_alloc : memref<!tpu.dma_semaphore, #tpu.memory_space<semaphore_mem>>
        %dma_start3A = tpu.memref_slice %arg5[%add3A_25] : memref<160000xi32, #tpu.memory_space<hbm>> -> memref<16xi32, #tpu.memory_space<hbm>>
        %dma_start3A_26 = tpu.memref_slice %arg5[%add3A_25] : memref<160000xi32, #tpu.memory_space<hbm>> -> memref<16xi32, #tpu.memory_space<hbm>>
        tpu.enqueue_dma source(%dma_start3A_26 : memref<16xi32, #tpu.memory_space<hbm>>) target(%arg10 : memref<16xi32, #tpu.memory_space<vmem>>) target_semaphore(%run_scoped3A : memref<!tpu.dma_semaphore, #tpu.memory_space<semaphore_mem>>)
        %dma_wait3A = tpu.memref_slice %arg5[%add3A_25] : memref<160000xi32, #tpu.memory_space<hbm>> -> memref<16xi32, #tpu.memory_space<hbm>>
        %dma_wait3A_27 = tpu.memref_slice %arg5[%add3A_25] : memref<160000xi32, #tpu.memory_space<hbm>> -> memref<16xi32, #tpu.memory_space<hbm>>
        tpu.wait_dma2 semaphore(%run_scoped3A : memref<!tpu.dma_semaphore, #tpu.memory_space<semaphore_mem>>) src(%dma_wait3A_27 : memref<16xi32, #tpu.memory_space<hbm>>) dst(%arg10 : memref<16xi32, #tpu.memory_space<vmem>>)
        tpu.yield
      }) : () -> ()
      "tpu.region"() ({
        %run_scoped3A = tpu.sem_alloc : memref<!tpu.dma_semaphore, #tpu.memory_space<semaphore_mem>>
        %dma_start3A = arith.constant 0 : i32
        %dma_start3A_26 = arith.constant 0 : i32
        %dma_start3A_27 = tpu.memref_slice %arg13[%dma_start3A, %dma_start3A_26] : memref<10240x144xf32, #tpu.memory_space<vmem_shared>> -> memref<10240x144xf32, #tpu.memory_space<vmem_shared>>
        tpu.enqueue_indirect_dma source(%arg12 : memref<16x144xf32, #tpu.memory_space<vmem>>) target(%dma_start3A_27 : memref<10240x144xf32, #tpu.memory_space<vmem_shared>>) offsets(%arg10 : memref<16xi32, #tpu.memory_space<vmem>>) semaphore(%run_scoped3A : memref<!tpu.dma_semaphore, #tpu.memory_space<semaphore_mem>>) {add = true}
        %dma_wait3A = arith.constant 0 : i32
        %dma_wait3A_28 = arith.constant 0 : i32
        %dma_wait3A_29 = tpu.memref_slice %arg13[%dma_wait3A, %dma_wait3A_28] : memref<10240x144xf32, #tpu.memory_space<vmem_shared>> -> memref<10240x144xf32, #tpu.memory_space<vmem_shared>>
        tpu.wait_indirect_dma semaphore(%run_scoped3A : memref<!tpu.dma_semaphore, #tpu.memory_space<semaphore_mem>>) src(%arg12 : memref<16x144xf32, #tpu.memory_space<vmem>>) dst(%dma_wait3A_29 : memref<10240x144xf32, #tpu.memory_space<vmem_shared>>)
        tpu.yield
      }) : () -> ()
    } else {
    }
    %eq3A_3 = arith.constant 1 : i32
    %eq3A_4 = arith.cmpi eq, %arg0, %eq3A_3 : i32
    %convert_element_type3A_5 = arith.extui %eq3A_4 : i1 to i32
    %cond3A_6 = arith.constant 0 : i32
    %cond3A_7 = arith.cmpi ne, %convert_element_type3A_5, %cond3A_6 : i32
    scf.if %cond3A_7 {
      %scan3A = arith.constant 0 : i32
      %scan3A_19 = arith.constant 78 : i32
      %scan3A_20 = arith.addi %scan3A, %scan3A_19 : i32
      %scan3A_21 = arith.constant 1 : i32
      scf.for %scan3A_26 = %scan3A to %scan3A_20 step %scan3A_21  : i32 {
        %mul3A_27 = arith.constant 1 : i32
        %mul3A_28 = arith.muli %scan3A_26, %mul3A_27 : i32
        %add3A_29 = arith.constant 0 : i32
        %add3A_30 = arith.addi %add3A_29, %mul3A_28 : i32
        %mul3A_31 = arith.constant 10000 : i32
        %mul3A_32 = arith.muli %arg1, %mul3A_31 : i32
        %mul3A_33 = arith.constant 128 : i32
        %mul3A_34 = arith.muli %add3A_30, %mul3A_33 : i32
        %add3A_35 = arith.addi %mul3A_32, %mul3A_34 : i32
        "tpu.region"() ({
          %run_scoped3A = tpu.sem_alloc : memref<!tpu.dma_semaphore, #tpu.memory_space<semaphore_mem>>
          %dma_start3A = tpu.memref_slice %arg4[%add3A_35] : memref<160000xi32, #tpu.memory_space<hbm>> -> memref<128xi32, #tpu.memory_space<hbm>>
          %dma_start3A_36 = tpu.memref_slice %arg4[%add3A_35] : memref<160000xi32, #tpu.memory_space<hbm>> -> memref<128xi32, #tpu.memory_space<hbm>>
          tpu.enqueue_dma source(%dma_start3A_36 : memref<128xi32, #tpu.memory_space<hbm>>) target(%arg9 : memref<128xi32, #tpu.memory_space<vmem>>) target_semaphore(%run_scoped3A : memref<!tpu.dma_semaphore, #tpu.memory_space<semaphore_mem>>)
          %dma_wait3A = tpu.memref_slice %arg4[%add3A_35] : memref<160000xi32, #tpu.memory_space<hbm>> -> memref<128xi32, #tpu.memory_space<hbm>>
          %dma_wait3A_37 = tpu.memref_slice %arg4[%add3A_35] : memref<160000xi32, #tpu.memory_space<hbm>> -> memref<128xi32, #tpu.memory_space<hbm>>
          tpu.wait_dma2 semaphore(%run_scoped3A : memref<!tpu.dma_semaphore, #tpu.memory_space<semaphore_mem>>) src(%dma_wait3A_37 : memref<128xi32, #tpu.memory_space<hbm>>) dst(%arg9 : memref<128xi32, #tpu.memory_space<vmem>>)
          tpu.yield
        }) : () -> ()
        "tpu.region"() ({
          %run_scoped3A = tpu.sem_alloc : memref<!tpu.dma_semaphore, #tpu.memory_space<semaphore_mem>>
          %dma_start3A = arith.constant 0 : i32
          %dma_start3A_36 = arith.constant 0 : i32
          %dma_start3A_37 = tpu.memref_slice %arg3[%dma_start3A, %dma_start3A_36] : memref<10000x144xf32, #tpu.memory_space<hbm>> -> memref<10000x144xf32, #tpu.memory_space<hbm>>
          tpu.enqueue_indirect_dma source(%dma_start3A_37 : memref<10000x144xf32, #tpu.memory_space<hbm>>) target(%arg11 : memref<128x144xf32, #tpu.memory_space<vmem>>) offsets(%arg9 : memref<128xi32, #tpu.memory_space<vmem>>) semaphore(%run_scoped3A : memref<!tpu.dma_semaphore, #tpu.memory_space<semaphore_mem>>)
          %dma_wait3A = arith.constant 0 : i32
          %dma_wait3A_38 = arith.constant 0 : i32
          %dma_wait3A_39 = tpu.memref_slice %arg3[%dma_wait3A, %dma_wait3A_38] : memref<10000x144xf32, #tpu.memory_space<hbm>> -> memref<10000x144xf32, #tpu.memory_space<hbm>>
          tpu.wait_indirect_dma semaphore(%run_scoped3A : memref<!tpu.dma_semaphore, #tpu.memory_space<semaphore_mem>>) src(%dma_wait3A_39 : memref<10000x144xf32, #tpu.memory_space<hbm>>) dst(%arg11 : memref<128x144xf32, #tpu.memory_space<vmem>>)
          tpu.yield
        }) : () -> ()
        "tpu.region"() ({
          %run_scoped3A = tpu.sem_alloc : memref<!tpu.dma_semaphore, #tpu.memory_space<semaphore_mem>>
          %dma_start3A = tpu.memref_slice %arg5[%add3A_35] : memref<160000xi32, #tpu.memory_space<hbm>> -> memref<128xi32, #tpu.memory_space<hbm>>
          %dma_start3A_36 = tpu.memref_slice %arg5[%add3A_35] : memref<160000xi32, #tpu.memory_space<hbm>> -> memref<128xi32, #tpu.memory_space<hbm>>
          tpu.enqueue_dma source(%dma_start3A_36 : memref<128xi32, #tpu.memory_space<hbm>>) target(%arg9 : memref<128xi32, #tpu.memory_space<vmem>>) target_semaphore(%run_scoped3A : memref<!tpu.dma_semaphore, #tpu.memory_space<semaphore_mem>>)
          %dma_wait3A = tpu.memref_slice %arg5[%add3A_35] : memref<160000xi32, #tpu.memory_space<hbm>> -> memref<128xi32, #tpu.memory_space<hbm>>
          %dma_wait3A_37 = tpu.memref_slice %arg5[%add3A_35] : memref<160000xi32, #tpu.memory_space<hbm>> -> memref<128xi32, #tpu.memory_space<hbm>>
          tpu.wait_dma2 semaphore(%run_scoped3A : memref<!tpu.dma_semaphore, #tpu.memory_space<semaphore_mem>>) src(%dma_wait3A_37 : memref<128xi32, #tpu.memory_space<hbm>>) dst(%arg9 : memref<128xi32, #tpu.memory_space<vmem>>)
          tpu.yield
        }) : () -> ()
        "tpu.region"() ({
          %run_scoped3A = tpu.sem_alloc : memref<!tpu.dma_semaphore, #tpu.memory_space<semaphore_mem>>
          %dma_start3A = arith.constant 0 : i32
          %dma_start3A_36 = arith.constant 0 : i32
          %dma_start3A_37 = tpu.memref_slice %arg13[%dma_start3A, %dma_start3A_36] : memref<10240x144xf32, #tpu.memory_space<vmem_shared>> -> memref<10240x144xf32, #tpu.memory_space<vmem_shared>>
          tpu.enqueue_indirect_dma source(%arg11 : memref<128x144xf32, #tpu.memory_space<vmem>>) target(%dma_start3A_37 : memref<10240x144xf32, #tpu.memory_space<vmem_shared>>) offsets(%arg9 : memref<128xi32, #tpu.memory_space<vmem>>) semaphore(%run_scoped3A : memref<!tpu.dma_semaphore, #tpu.memory_space<semaphore_mem>>) {add = true}
          %dma_wait3A = arith.constant 0 : i32
          %dma_wait3A_38 = arith.constant 0 : i32
          %dma_wait3A_39 = tpu.memref_slice %arg13[%dma_wait3A, %dma_wait3A_38] : memref<10240x144xf32, #tpu.memory_space<vmem_shared>> -> memref<10240x144xf32, #tpu.memory_space<vmem_shared>>
          tpu.wait_indirect_dma semaphore(%run_scoped3A : memref<!tpu.dma_semaphore, #tpu.memory_space<semaphore_mem>>) src(%arg11 : memref<128x144xf32, #tpu.memory_space<vmem>>) dst(%dma_wait3A_39 : memref<10240x144xf32, #tpu.memory_space<vmem_shared>>)
          tpu.yield
        }) : () -> ()
      }
      %scan3A_22 = arith.constant 78 : i32
      %mul3A_23 = arith.constant 10000 : i32
      %mul3A_24 = arith.muli %arg1, %mul3A_23 : i32
      %add3A = arith.constant 9984 : i32
      %add3A_25 = arith.addi %mul3A_24, %add3A : i32
      "tpu.region"() ({
        %run_scoped3A = tpu.sem_alloc : memref<!tpu.dma_semaphore, #tpu.memory_space<semaphore_mem>>
        %dma_start3A = tpu.memref_slice %arg4[%add3A_25] : memref<160000xi32, #tpu.memory_space<hbm>> -> memref<16xi32, #tpu.memory_space<hbm>>
        %dma_start3A_26 = tpu.memref_slice %arg4[%add3A_25] : memref<160000xi32, #tpu.memory_space<hbm>> -> memref<16xi32, #tpu.memory_space<hbm>>
        tpu.enqueue_dma source(%dma_start3A_26 : memref<16xi32, #tpu.memory_space<hbm>>) target(%arg10 : memref<16xi32, #tpu.memory_space<vmem>>) target_semaphore(%run_scoped3A : memref<!tpu.dma_semaphore, #tpu.memory_space<semaphore_mem>>)
        %dma_wait3A = tpu.memref_slice %arg4[%add3A_25] : memref<160000xi32, #tpu.memory_space<hbm>> -> memref<16xi32, #tpu.memory_space<hbm>>
        %dma_wait3A_27 = tpu.memref_slice %arg4[%add3A_25] : memref<160000xi32, #tpu.memory_space<hbm>> -> memref<16xi32, #tpu.memory_space<hbm>>
        tpu.wait_dma2 semaphore(%run_scoped3A : memref<!tpu.dma_semaphore, #tpu.memory_space<semaphore_mem>>) src(%dma_wait3A_27 : memref<16xi32, #tpu.memory_space<hbm>>) dst(%arg10 : memref<16xi32, #tpu.memory_space<vmem>>)
        tpu.yield
      }) : () -> ()
      "tpu.region"() ({
        %run_scoped3A = tpu.sem_alloc : memref<!tpu.dma_semaphore, #tpu.memory_space<semaphore_mem>>
        %dma_start3A = arith.constant 0 : i32
        %dma_start3A_26 = arith.constant 0 : i32
        %dma_start3A_27 = tpu.memref_slice %arg3[%dma_start3A, %dma_start3A_26] : memref<10000x144xf32, #tpu.memory_space<hbm>> -> memref<10000x144xf32, #tpu.memory_space<hbm>>
        tpu.enqueue_indirect_dma source(%dma_start3A_27 : memref<10000x144xf32, #tpu.memory_space<hbm>>) target(%arg12 : memref<16x144xf32, #tpu.memory_space<vmem>>) offsets(%arg10 : memref<16xi32, #tpu.memory_space<vmem>>) semaphore(%run_scoped3A : memref<!tpu.dma_semaphore, #tpu.memory_space<semaphore_mem>>)
        %dma_wait3A = arith.constant 0 : i32
        %dma_wait3A_28 = arith.constant 0 : i32
        %dma_wait3A_29 = tpu.memref_slice %arg3[%dma_wait3A, %dma_wait3A_28] : memref<10000x144xf32, #tpu.memory_space<hbm>> -> memref<10000x144xf32, #tpu.memory_space<hbm>>
        tpu.wait_indirect_dma semaphore(%run_scoped3A : memref<!tpu.dma_semaphore, #tpu.memory_space<semaphore_mem>>) src(%dma_wait3A_29 : memref<10000x144xf32, #tpu.memory_space<hbm>>) dst(%arg12 : memref<16x144xf32, #tpu.memory_space<vmem>>)
        tpu.yield
      }) : () -> ()
      "tpu.region"() ({
        %run_scoped3A = tpu.sem_alloc : memref<!tpu.dma_semaphore, #tpu.memory_space<semaphore_mem>>
        %dma_start3A = tpu.memref_slice %arg5[%add3A_25] : memref<160000xi32, #tpu.memory_space<hbm>> -> memref<16xi32, #tpu.memory_space<hbm>>
        %dma_start3A_26 = tpu.memref_slice %arg5[%add3A_25] : memref<160000xi32, #tpu.memory_space<hbm>> -> memref<16xi32, #tpu.memory_space<hbm>>
        tpu.enqueue_dma source(%dma_start3A_26 : memref<16xi32, #tpu.memory_space<hbm>>) target(%arg10 : memref<16xi32, #tpu.memory_space<vmem>>) target_semaphore(%run_scoped3A : memref<!tpu.dma_semaphore, #tpu.memory_space<semaphore_mem>>)
        %dma_wait3A = tpu.memref_slice %arg5[%add3A_25] : memref<160000xi32, #tpu.memory_space<hbm>> -> memref<16xi32, #tpu.memory_space<hbm>>
        %dma_wait3A_27 = tpu.memref_slice %arg5[%add3A_25] : memref<160000xi32, #tpu.memory_space<hbm>> -> memref<16xi32, #tpu.memory_space<hbm>>
        tpu.wait_dma2 semaphore(%run_scoped3A : memref<!tpu.dma_semaphore, #tpu.memory_space<semaphore_mem>>) src(%dma_wait3A_27 : memref<16xi32, #tpu.memory_space<hbm>>) dst(%arg10 : memref<16xi32, #tpu.memory_space<vmem>>)
        tpu.yield
      }) : () -> ()
      "tpu.region"() ({
        %run_scoped3A = tpu.sem_alloc : memref<!tpu.dma_semaphore, #tpu.memory_space<semaphore_mem>>
        %dma_start3A = arith.constant 0 : i32
        %dma_start3A_26 = arith.constant 0 : i32
        %dma_start3A_27 = tpu.memref_slice %arg13[%dma_start3A, %dma_start3A_26] : memref<10240x144xf32, #tpu.memory_space<vmem_shared>> -> memref<10240x144xf32, #tpu.memory_space<vmem_shared>>
        tpu.enqueue_indirect_dma source(%arg12 : memref<16x144xf32, #tpu.memory_space<vmem>>) target(%dma_start3A_27 : memref<10240x144xf32, #tpu.memory_space<vmem_shared>>) offsets(%arg10 : memref<16xi32, #tpu.memory_space<vmem>>) semaphore(%run_scoped3A : memref<!tpu.dma_semaphore, #tpu.memory_space<semaphore_mem>>) {add = true}
        %dma_wait3A = arith.constant 0 : i32
        %dma_wait3A_28 = arith.constant 0 : i32
        %dma_wait3A_29 = tpu.memref_slice %arg13[%dma_wait3A, %dma_wait3A_28] : memref<10240x144xf32, #tpu.memory_space<vmem_shared>> -> memref<10240x144xf32, #tpu.memory_space<vmem_shared>>
        tpu.wait_indirect_dma semaphore(%run_scoped3A : memref<!tpu.dma_semaphore, #tpu.memory_space<semaphore_mem>>) src(%arg12 : memref<16x144xf32, #tpu.memory_space<vmem>>) dst(%dma_wait3A_29 : memref<10240x144xf32, #tpu.memory_space<vmem_shared>>)
        tpu.yield
      }) : () -> ()
    } else {
    }
    %barrier3A_8 = arith.constant 0 : index
    tpu.barrier barrier_id(%barrier3A_8)
    %eq3A_9 = arith.constant 0 : i32
    %eq3A_10 = arith.cmpi eq, %arg0, %eq3A_9 : i32
    %convert_element_type3A_11 = arith.extui %eq3A_10 : i1 to i32
    %cond3A_12 = arith.constant 0 : i32
    %cond3A_13 = arith.cmpi ne, %convert_element_type3A_11, %cond3A_12 : i32
    scf.if %cond3A_13 {
      "tpu.region"() ({
        %run_scoped3A = tpu.sem_alloc : memref<!tpu.dma_semaphore, #tpu.memory_space<semaphore_mem>>
        %dma_start3A = arith.constant 0 : i32
        %dma_start3A_19 = tpu.memref_slice %arg7[%mul3A_0, %dma_start3A] : memref<10240x144xf32, #tpu.memory_space<hbm>> -> memref<640x144xf32, #tpu.memory_space<hbm>>
        %dma_start3A_20 = arith.constant 0 : i32
        %dma_start3A_21 = tpu.memref_slice %arg13[%mul3A_0, %dma_start3A_20] : memref<10240x144xf32, #tpu.memory_space<vmem_shared>> -> memref<640x144xf32, #tpu.memory_space<vmem_shared>>
        tpu.enqueue_dma source(%dma_start3A_21 : memref<640x144xf32, #tpu.memory_space<vmem_shared>>) target(%dma_start3A_19 : memref<640x144xf32, #tpu.memory_space<hbm>>) target_semaphore(%run_scoped3A : memref<!tpu.dma_semaphore, #tpu.memory_space<semaphore_mem>>)
        %dma_wait3A = arith.constant 0 : i32
        %dma_wait3A_22 = tpu.memref_slice %arg7[%mul3A_0, %dma_wait3A] : memref<10240x144xf32, #tpu.memory_space<hbm>> -> memref<640x144xf32, #tpu.memory_space<hbm>>
        %dma_wait3A_23 = arith.constant 0 : i32
        %dma_wait3A_24 = tpu.memref_slice %arg13[%mul3A_0, %dma_wait3A_23] : memref<10240x144xf32, #tpu.memory_space<vmem_shared>> -> memref<640x144xf32, #tpu.memory_space<vmem_shared>>
        tpu.wait_dma2 semaphore(%run_scoped3A : memref<!tpu.dma_semaphore, #tpu.memory_space<semaphore_mem>>) src(%dma_wait3A_24 : memref<640x144xf32, #tpu.memory_space<vmem_shared>>) dst(%dma_wait3A_22 : memref<640x144xf32, #tpu.memory_space<hbm>>)
        tpu.yield
      }) : () -> ()
    } else {
    }
    %eq3A_14 = arith.constant 1 : i32
    %eq3A_15 = arith.cmpi eq, %arg0, %eq3A_14 : i32
    %convert_element_type3A_16 = arith.extui %eq3A_15 : i1 to i32
    %cond3A_17 = arith.constant 0 : i32
    %cond3A_18 = arith.cmpi ne, %convert_element_type3A_16, %cond3A_17 : i32
    scf.if %cond3A_18 {
      "tpu.region"() ({
        %run_scoped3A = tpu.sem_alloc : memref<!tpu.dma_semaphore, #tpu.memory_space<semaphore_mem>>
        %dma_start3A = arith.constant 0 : i32
        %dma_start3A_19 = tpu.memref_slice %arg8[%mul3A_0, %dma_start3A] : memref<10240x144xf32, #tpu.memory_space<hbm>> -> memref<640x144xf32, #tpu.memory_space<hbm>>
        %dma_start3A_20 = arith.constant 0 : i32
        %dma_start3A_21 = tpu.memref_slice %arg13[%mul3A_0, %dma_start3A_20] : memref<10240x144xf32, #tpu.memory_space<vmem_shared>> -> memref<640x144xf32, #tpu.memory_space<vmem_shared>>
        tpu.enqueue_dma source(%dma_start3A_21 : memref<640x144xf32, #tpu.memory_space<vmem_shared>>) target(%dma_start3A_19 : memref<640x144xf32, #tpu.memory_space<hbm>>) target_semaphore(%run_scoped3A : memref<!tpu.dma_semaphore, #tpu.memory_space<semaphore_mem>>)
        %dma_wait3A = arith.constant 0 : i32
        %dma_wait3A_22 = tpu.memref_slice %arg8[%mul3A_0, %dma_wait3A] : memref<10240x144xf32, #tpu.memory_space<hbm>> -> memref<640x144xf32, #tpu.memory_space<hbm>>
        %dma_wait3A_23 = arith.constant 0 : i32
        %dma_wait3A_24 = tpu.memref_slice %arg13[%mul3A_0, %dma_wait3A_23] : memref<10240x144xf32, #tpu.memory_space<vmem_shared>> -> memref<640x144xf32, #tpu.memory_space<vmem_shared>>
        tpu.wait_dma2 semaphore(%run_scoped3A : memref<!tpu.dma_semaphore, #tpu.memory_space<semaphore_mem>>) src(%dma_wait3A_24 : memref<640x144xf32, #tpu.memory_space<vmem_shared>>) dst(%dma_wait3A_22 : memref<640x144xf32, #tpu.memory_space<hbm>>)
        tpu.yield
      }) : () -> ()
    } else {
    }
    return
  }
}

#map = affine_map<(d0, d1) -> (0, 0)>
#map1 = affine_map<(d0, d1) -> (0)>
module attributes {stable_mosaic.version = 14 : i64} {
  func.func @segsum(%arg0: i32, %arg1: i32, %arg2: memref<10000x128xf32, #tpu.memory_space<hbm>>, %arg3: memref<10000x128xf32, #tpu.memory_space<hbm>>, %arg4: memref<160000xi32, #tpu.memory_space<hbm>>, %arg5: memref<160000xi32, #tpu.memory_space<hbm>>, %arg6: memref<10240x128xf32, #tpu.memory_space<hbm>>, %arg7: memref<10240x128xf32, #tpu.memory_space<hbm>>, %arg8: memref<10240x128xf32, #tpu.memory_space<hbm>>, %arg9: memref<128xi32, #tpu.memory_space<vmem>>, %arg10: memref<16xi32, #tpu.memory_space<vmem>>, %arg11: memref<128x128xf32, #tpu.memory_space<vmem>>, %arg12: memref<16x128xf32, #tpu.memory_space<vmem>>, %arg13: memref<10240x128xf32, #tpu.memory_space<vmem_shared>>) attributes {dimension_semantics = [#tpu.dimension_semantics<core_parallel>, #tpu.dimension_semantics<subcore_parallel>], iteration_bounds = array<i64: 2, 16>, scalar_prefetch = 0 : i64, scratch_operands = 5 : i64, tpu.core_type = #tpu.core_type<sc_vector_subcore>, window_params = [{transform_indices = #map}, {transform_indices = #map}, {transform_indices = #map1}, {transform_indices = #map1}, {transform_indices = #map}, {transform_indices = #map}, {transform_indices = #map}]} {
    %mul3A = arith.constant 640 : i32
    %mul3A_0 = arith.muli %arg1, %mul3A : i32
    "tpu.region"() ({
      %run_scoped3A = tpu.sem_alloc : memref<!tpu.dma_semaphore, #tpu.memory_space<semaphore_mem>>
      %dma_start3A = arith.constant 0 : i32
      %dma_start3A_19 = tpu.memref_slice %arg13[%mul3A_0, %dma_start3A] : memref<10240x128xf32, #tpu.memory_space<vmem_shared>> -> memref<640x128xf32, #tpu.memory_space<vmem_shared>>
      %dma_start3A_20 = arith.constant 0 : i32
      %dma_start3A_21 = tpu.memref_slice %arg6[%mul3A_0, %dma_start3A_20] : memref<10240x128xf32, #tpu.memory_space<hbm>> -> memref<640x128xf32, #tpu.memory_space<hbm>>
      tpu.enqueue_dma source(%dma_start3A_21 : memref<640x128xf32, #tpu.memory_space<hbm>>) target(%dma_start3A_19 : memref<640x128xf32, #tpu.memory_space<vmem_shared>>) target_semaphore(%run_scoped3A : memref<!tpu.dma_semaphore, #tpu.memory_space<semaphore_mem>>)
      %dma_wait3A = arith.constant 0 : i32
      %dma_wait3A_22 = tpu.memref_slice %arg13[%mul3A_0, %dma_wait3A] : memref<10240x128xf32, #tpu.memory_space<vmem_shared>> -> memref<640x128xf32, #tpu.memory_space<vmem_shared>>
      %dma_wait3A_23 = arith.constant 0 : i32
      %dma_wait3A_24 = tpu.memref_slice %arg6[%mul3A_0, %dma_wait3A_23] : memref<10240x128xf32, #tpu.memory_space<hbm>> -> memref<640x128xf32, #tpu.memory_space<hbm>>
      tpu.wait_dma2 semaphore(%run_scoped3A : memref<!tpu.dma_semaphore, #tpu.memory_space<semaphore_mem>>) src(%dma_wait3A_24 : memref<640x128xf32, #tpu.memory_space<hbm>>) dst(%dma_wait3A_22 : memref<640x128xf32, #tpu.memory_space<vmem_shared>>)
      tpu.yield
    }) : () -> ()
    %barrier3A = arith.constant 0 : index
    tpu.barrier barrier_id(%barrier3A)
    %eq3A = arith.constant 0 : i32
    %eq3A_1 = arith.cmpi eq, %arg0, %eq3A : i32
    %convert_element_type3A = arith.extui %eq3A_1 : i1 to i32
    %cond3A = arith.constant 0 : i32
    %cond3A_2 = arith.cmpi ne, %convert_element_type3A, %cond3A : i32
    scf.if %cond3A_2 {
      %scan3A = arith.constant 0 : i32
      %scan3A_19 = arith.constant 78 : i32
      %scan3A_20 = arith.addi %scan3A, %scan3A_19 : i32
      %scan3A_21 = arith.constant 1 : i32
      scf.for %scan3A_26 = %scan3A to %scan3A_20 step %scan3A_21  : i32 {
        %mul3A_27 = arith.constant 1 : i32
        %mul3A_28 = arith.muli %scan3A_26, %mul3A_27 : i32
        %add3A_29 = arith.constant 0 : i32
        %add3A_30 = arith.addi %add3A_29, %mul3A_28 : i32
        %mul3A_31 = arith.constant 10000 : i32
        %mul3A_32 = arith.muli %arg1, %mul3A_31 : i32
        %mul3A_33 = arith.constant 128 : i32
        %mul3A_34 = arith.muli %add3A_30, %mul3A_33 : i32
        %add3A_35 = arith.addi %mul3A_32, %mul3A_34 : i32
        "tpu.region"() ({
          %run_scoped3A = tpu.sem_alloc : memref<!tpu.dma_semaphore, #tpu.memory_space<semaphore_mem>>
          %dma_start3A = tpu.memref_slice %arg4[%add3A_35] : memref<160000xi32, #tpu.memory_space<hbm>> -> memref<128xi32, #tpu.memory_space<hbm>>
          %dma_start3A_36 = tpu.memref_slice %arg4[%add3A_35] : memref<160000xi32, #tpu.memory_space<hbm>> -> memref<128xi32, #tpu.memory_space<hbm>>
          tpu.enqueue_dma source(%dma_start3A_36 : memref<128xi32, #tpu.memory_space<hbm>>) target(%arg9 : memref<128xi32, #tpu.memory_space<vmem>>) target_semaphore(%run_scoped3A : memref<!tpu.dma_semaphore, #tpu.memory_space<semaphore_mem>>)
          %dma_wait3A = tpu.memref_slice %arg4[%add3A_35] : memref<160000xi32, #tpu.memory_space<hbm>> -> memref<128xi32, #tpu.memory_space<hbm>>
          %dma_wait3A_37 = tpu.memref_slice %arg4[%add3A_35] : memref<160000xi32, #tpu.memory_space<hbm>> -> memref<128xi32, #tpu.memory_space<hbm>>
          tpu.wait_dma2 semaphore(%run_scoped3A : memref<!tpu.dma_semaphore, #tpu.memory_space<semaphore_mem>>) src(%dma_wait3A_37 : memref<128xi32, #tpu.memory_space<hbm>>) dst(%arg9 : memref<128xi32, #tpu.memory_space<vmem>>)
          tpu.yield
        }) : () -> ()
        "tpu.region"() ({
          %run_scoped3A = tpu.sem_alloc : memref<!tpu.dma_semaphore, #tpu.memory_space<semaphore_mem>>
          %dma_start3A = arith.constant 0 : i32
          %dma_start3A_36 = arith.constant 0 : i32
          %dma_start3A_37 = tpu.memref_slice %arg2[%dma_start3A, %dma_start3A_36] : memref<10000x128xf32, #tpu.memory_space<hbm>> -> memref<10000x128xf32, #tpu.memory_space<hbm>>
          tpu.enqueue_indirect_dma source(%dma_start3A_37 : memref<10000x128xf32, #tpu.memory_space<hbm>>) target(%arg11 : memref<128x128xf32, #tpu.memory_space<vmem>>) offsets(%arg9 : memref<128xi32, #tpu.memory_space<vmem>>) semaphore(%run_scoped3A : memref<!tpu.dma_semaphore, #tpu.memory_space<semaphore_mem>>)
          %dma_wait3A = arith.constant 0 : i32
          %dma_wait3A_38 = arith.constant 0 : i32
          %dma_wait3A_39 = tpu.memref_slice %arg2[%dma_wait3A, %dma_wait3A_38] : memref<10000x128xf32, #tpu.memory_space<hbm>> -> memref<10000x128xf32, #tpu.memory_space<hbm>>
          tpu.wait_indirect_dma semaphore(%run_scoped3A : memref<!tpu.dma_semaphore, #tpu.memory_space<semaphore_mem>>) src(%dma_wait3A_39 : memref<10000x128xf32, #tpu.memory_space<hbm>>) dst(%arg11 : memref<128x128xf32, #tpu.memory_space<vmem>>)
          tpu.yield
        }) : () -> ()
        "tpu.region"() ({
          %run_scoped3A = tpu.sem_alloc : memref<!tpu.dma_semaphore, #tpu.memory_space<semaphore_mem>>
          %dma_start3A = tpu.memref_slice %arg5[%add3A_35] : memref<160000xi32, #tpu.memory_space<hbm>> -> memref<128xi32, #tpu.memory_space<hbm>>
          %dma_start3A_36 = tpu.memref_slice %arg5[%add3A_35] : memref<160000xi32, #tpu.memory_space<hbm>> -> memref<128xi32, #tpu.memory_space<hbm>>
          tpu.enqueue_dma source(%dma_start3A_36 : memref<128xi32, #tpu.memory_space<hbm>>) target(%arg9 : memref<128xi32, #tpu.memory_space<vmem>>) target_semaphore(%run_scoped3A : memref<!tpu.dma_semaphore, #tpu.memory_space<semaphore_mem>>)
          %dma_wait3A = tpu.memref_slice %arg5[%add3A_35] : memref<160000xi32, #tpu.memory_space<hbm>> -> memref<128xi32, #tpu.memory_space<hbm>>
          %dma_wait3A_37 = tpu.memref_slice %arg5[%add3A_35] : memref<160000xi32, #tpu.memory_space<hbm>> -> memref<128xi32, #tpu.memory_space<hbm>>
          tpu.wait_dma2 semaphore(%run_scoped3A : memref<!tpu.dma_semaphore, #tpu.memory_space<semaphore_mem>>) src(%dma_wait3A_37 : memref<128xi32, #tpu.memory_space<hbm>>) dst(%arg9 : memref<128xi32, #tpu.memory_space<vmem>>)
          tpu.yield
        }) : () -> ()
        "tpu.region"() ({
          %run_scoped3A = tpu.sem_alloc : memref<!tpu.dma_semaphore, #tpu.memory_space<semaphore_mem>>
          %dma_start3A = arith.constant 0 : i32
          %dma_start3A_36 = arith.constant 0 : i32
          %dma_start3A_37 = tpu.memref_slice %arg13[%dma_start3A, %dma_start3A_36] : memref<10240x128xf32, #tpu.memory_space<vmem_shared>> -> memref<10240x128xf32, #tpu.memory_space<vmem_shared>>
          tpu.enqueue_indirect_dma source(%arg11 : memref<128x128xf32, #tpu.memory_space<vmem>>) target(%dma_start3A_37 : memref<10240x128xf32, #tpu.memory_space<vmem_shared>>) offsets(%arg9 : memref<128xi32, #tpu.memory_space<vmem>>) semaphore(%run_scoped3A : memref<!tpu.dma_semaphore, #tpu.memory_space<semaphore_mem>>) {add = true}
          %dma_wait3A = arith.constant 0 : i32
          %dma_wait3A_38 = arith.constant 0 : i32
          %dma_wait3A_39 = tpu.memref_slice %arg13[%dma_wait3A, %dma_wait3A_38] : memref<10240x128xf32, #tpu.memory_space<vmem_shared>> -> memref<10240x128xf32, #tpu.memory_space<vmem_shared>>
          tpu.wait_indirect_dma semaphore(%run_scoped3A : memref<!tpu.dma_semaphore, #tpu.memory_space<semaphore_mem>>) src(%arg11 : memref<128x128xf32, #tpu.memory_space<vmem>>) dst(%dma_wait3A_39 : memref<10240x128xf32, #tpu.memory_space<vmem_shared>>)
          tpu.yield
        }) : () -> ()
      }
      %scan3A_22 = arith.constant 78 : i32
      %mul3A_23 = arith.constant 10000 : i32
      %mul3A_24 = arith.muli %arg1, %mul3A_23 : i32
      %add3A = arith.constant 9984 : i32
      %add3A_25 = arith.addi %mul3A_24, %add3A : i32
      "tpu.region"() ({
        %run_scoped3A = tpu.sem_alloc : memref<!tpu.dma_semaphore, #tpu.memory_space<semaphore_mem>>
        %dma_start3A = tpu.memref_slice %arg4[%add3A_25] : memref<160000xi32, #tpu.memory_space<hbm>> -> memref<16xi32, #tpu.memory_space<hbm>>
        %dma_start3A_26 = tpu.memref_slice %arg4[%add3A_25] : memref<160000xi32, #tpu.memory_space<hbm>> -> memref<16xi32, #tpu.memory_space<hbm>>
        tpu.enqueue_dma source(%dma_start3A_26 : memref<16xi32, #tpu.memory_space<hbm>>) target(%arg10 : memref<16xi32, #tpu.memory_space<vmem>>) target_semaphore(%run_scoped3A : memref<!tpu.dma_semaphore, #tpu.memory_space<semaphore_mem>>)
        %dma_wait3A = tpu.memref_slice %arg4[%add3A_25] : memref<160000xi32, #tpu.memory_space<hbm>> -> memref<16xi32, #tpu.memory_space<hbm>>
        %dma_wait3A_27 = tpu.memref_slice %arg4[%add3A_25] : memref<160000xi32, #tpu.memory_space<hbm>> -> memref<16xi32, #tpu.memory_space<hbm>>
        tpu.wait_dma2 semaphore(%run_scoped3A : memref<!tpu.dma_semaphore, #tpu.memory_space<semaphore_mem>>) src(%dma_wait3A_27 : memref<16xi32, #tpu.memory_space<hbm>>) dst(%arg10 : memref<16xi32, #tpu.memory_space<vmem>>)
        tpu.yield
      }) : () -> ()
      "tpu.region"() ({
        %run_scoped3A = tpu.sem_alloc : memref<!tpu.dma_semaphore, #tpu.memory_space<semaphore_mem>>
        %dma_start3A = arith.constant 0 : i32
        %dma_start3A_26 = arith.constant 0 : i32
        %dma_start3A_27 = tpu.memref_slice %arg2[%dma_start3A, %dma_start3A_26] : memref<10000x128xf32, #tpu.memory_space<hbm>> -> memref<10000x128xf32, #tpu.memory_space<hbm>>
        tpu.enqueue_indirect_dma source(%dma_start3A_27 : memref<10000x128xf32, #tpu.memory_space<hbm>>) target(%arg12 : memref<16x128xf32, #tpu.memory_space<vmem>>) offsets(%arg10 : memref<16xi32, #tpu.memory_space<vmem>>) semaphore(%run_scoped3A : memref<!tpu.dma_semaphore, #tpu.memory_space<semaphore_mem>>)
        %dma_wait3A = arith.constant 0 : i32
        %dma_wait3A_28 = arith.constant 0 : i32
        %dma_wait3A_29 = tpu.memref_slice %arg2[%dma_wait3A, %dma_wait3A_28] : memref<10000x128xf32, #tpu.memory_space<hbm>> -> memref<10000x128xf32, #tpu.memory_space<hbm>>
        tpu.wait_indirect_dma semaphore(%run_scoped3A : memref<!tpu.dma_semaphore, #tpu.memory_space<semaphore_mem>>) src(%dma_wait3A_29 : memref<10000x128xf32, #tpu.memory_space<hbm>>) dst(%arg12 : memref<16x128xf32, #tpu.memory_space<vmem>>)
        tpu.yield
      }) : () -> ()
      "tpu.region"() ({
        %run_scoped3A = tpu.sem_alloc : memref<!tpu.dma_semaphore, #tpu.memory_space<semaphore_mem>>
        %dma_start3A = tpu.memref_slice %arg5[%add3A_25] : memref<160000xi32, #tpu.memory_space<hbm>> -> memref<16xi32, #tpu.memory_space<hbm>>
        %dma_start3A_26 = tpu.memref_slice %arg5[%add3A_25] : memref<160000xi32, #tpu.memory_space<hbm>> -> memref<16xi32, #tpu.memory_space<hbm>>
        tpu.enqueue_dma source(%dma_start3A_26 : memref<16xi32, #tpu.memory_space<hbm>>) target(%arg10 : memref<16xi32, #tpu.memory_space<vmem>>) target_semaphore(%run_scoped3A : memref<!tpu.dma_semaphore, #tpu.memory_space<semaphore_mem>>)
        %dma_wait3A = tpu.memref_slice %arg5[%add3A_25] : memref<160000xi32, #tpu.memory_space<hbm>> -> memref<16xi32, #tpu.memory_space<hbm>>
        %dma_wait3A_27 = tpu.memref_slice %arg5[%add3A_25] : memref<160000xi32, #tpu.memory_space<hbm>> -> memref<16xi32, #tpu.memory_space<hbm>>
        tpu.wait_dma2 semaphore(%run_scoped3A : memref<!tpu.dma_semaphore, #tpu.memory_space<semaphore_mem>>) src(%dma_wait3A_27 : memref<16xi32, #tpu.memory_space<hbm>>) dst(%arg10 : memref<16xi32, #tpu.memory_space<vmem>>)
        tpu.yield
      }) : () -> ()
      "tpu.region"() ({
        %run_scoped3A = tpu.sem_alloc : memref<!tpu.dma_semaphore, #tpu.memory_space<semaphore_mem>>
        %dma_start3A = arith.constant 0 : i32
        %dma_start3A_26 = arith.constant 0 : i32
        %dma_start3A_27 = tpu.memref_slice %arg13[%dma_start3A, %dma_start3A_26] : memref<10240x128xf32, #tpu.memory_space<vmem_shared>> -> memref<10240x128xf32, #tpu.memory_space<vmem_shared>>
        tpu.enqueue_indirect_dma source(%arg12 : memref<16x128xf32, #tpu.memory_space<vmem>>) target(%dma_start3A_27 : memref<10240x128xf32, #tpu.memory_space<vmem_shared>>) offsets(%arg10 : memref<16xi32, #tpu.memory_space<vmem>>) semaphore(%run_scoped3A : memref<!tpu.dma_semaphore, #tpu.memory_space<semaphore_mem>>) {add = true}
        %dma_wait3A = arith.constant 0 : i32
        %dma_wait3A_28 = arith.constant 0 : i32
        %dma_wait3A_29 = tpu.memref_slice %arg13[%dma_wait3A, %dma_wait3A_28] : memref<10240x128xf32, #tpu.memory_space<vmem_shared>> -> memref<10240x128xf32, #tpu.memory_space<vmem_shared>>
        tpu.wait_indirect_dma semaphore(%run_scoped3A : memref<!tpu.dma_semaphore, #tpu.memory_space<semaphore_mem>>) src(%arg12 : memref<16x128xf32, #tpu.memory_space<vmem>>) dst(%dma_wait3A_29 : memref<10240x128xf32, #tpu.memory_space<vmem_shared>>)
        tpu.yield
      }) : () -> ()
    } else {
    }
    %eq3A_3 = arith.constant 1 : i32
    %eq3A_4 = arith.cmpi eq, %arg0, %eq3A_3 : i32
    %convert_element_type3A_5 = arith.extui %eq3A_4 : i1 to i32
    %cond3A_6 = arith.constant 0 : i32
    %cond3A_7 = arith.cmpi ne, %convert_element_type3A_5, %cond3A_6 : i32
    scf.if %cond3A_7 {
      %scan3A = arith.constant 0 : i32
      %scan3A_19 = arith.constant 78 : i32
      %scan3A_20 = arith.addi %scan3A, %scan3A_19 : i32
      %scan3A_21 = arith.constant 1 : i32
      scf.for %scan3A_26 = %scan3A to %scan3A_20 step %scan3A_21  : i32 {
        %mul3A_27 = arith.constant 1 : i32
        %mul3A_28 = arith.muli %scan3A_26, %mul3A_27 : i32
        %add3A_29 = arith.constant 0 : i32
        %add3A_30 = arith.addi %add3A_29, %mul3A_28 : i32
        %mul3A_31 = arith.constant 10000 : i32
        %mul3A_32 = arith.muli %arg1, %mul3A_31 : i32
        %mul3A_33 = arith.constant 128 : i32
        %mul3A_34 = arith.muli %add3A_30, %mul3A_33 : i32
        %add3A_35 = arith.addi %mul3A_32, %mul3A_34 : i32
        "tpu.region"() ({
          %run_scoped3A = tpu.sem_alloc : memref<!tpu.dma_semaphore, #tpu.memory_space<semaphore_mem>>
          %dma_start3A = tpu.memref_slice %arg4[%add3A_35] : memref<160000xi32, #tpu.memory_space<hbm>> -> memref<128xi32, #tpu.memory_space<hbm>>
          %dma_start3A_36 = tpu.memref_slice %arg4[%add3A_35] : memref<160000xi32, #tpu.memory_space<hbm>> -> memref<128xi32, #tpu.memory_space<hbm>>
          tpu.enqueue_dma source(%dma_start3A_36 : memref<128xi32, #tpu.memory_space<hbm>>) target(%arg9 : memref<128xi32, #tpu.memory_space<vmem>>) target_semaphore(%run_scoped3A : memref<!tpu.dma_semaphore, #tpu.memory_space<semaphore_mem>>)
          %dma_wait3A = tpu.memref_slice %arg4[%add3A_35] : memref<160000xi32, #tpu.memory_space<hbm>> -> memref<128xi32, #tpu.memory_space<hbm>>
          %dma_wait3A_37 = tpu.memref_slice %arg4[%add3A_35] : memref<160000xi32, #tpu.memory_space<hbm>> -> memref<128xi32, #tpu.memory_space<hbm>>
          tpu.wait_dma2 semaphore(%run_scoped3A : memref<!tpu.dma_semaphore, #tpu.memory_space<semaphore_mem>>) src(%dma_wait3A_37 : memref<128xi32, #tpu.memory_space<hbm>>) dst(%arg9 : memref<128xi32, #tpu.memory_space<vmem>>)
          tpu.yield
        }) : () -> ()
        "tpu.region"() ({
          %run_scoped3A = tpu.sem_alloc : memref<!tpu.dma_semaphore, #tpu.memory_space<semaphore_mem>>
          %dma_start3A = arith.constant 0 : i32
          %dma_start3A_36 = arith.constant 0 : i32
          %dma_start3A_37 = tpu.memref_slice %arg3[%dma_start3A, %dma_start3A_36] : memref<10000x128xf32, #tpu.memory_space<hbm>> -> memref<10000x128xf32, #tpu.memory_space<hbm>>
          tpu.enqueue_indirect_dma source(%dma_start3A_37 : memref<10000x128xf32, #tpu.memory_space<hbm>>) target(%arg11 : memref<128x128xf32, #tpu.memory_space<vmem>>) offsets(%arg9 : memref<128xi32, #tpu.memory_space<vmem>>) semaphore(%run_scoped3A : memref<!tpu.dma_semaphore, #tpu.memory_space<semaphore_mem>>)
          %dma_wait3A = arith.constant 0 : i32
          %dma_wait3A_38 = arith.constant 0 : i32
          %dma_wait3A_39 = tpu.memref_slice %arg3[%dma_wait3A, %dma_wait3A_38] : memref<10000x128xf32, #tpu.memory_space<hbm>> -> memref<10000x128xf32, #tpu.memory_space<hbm>>
          tpu.wait_indirect_dma semaphore(%run_scoped3A : memref<!tpu.dma_semaphore, #tpu.memory_space<semaphore_mem>>) src(%dma_wait3A_39 : memref<10000x128xf32, #tpu.memory_space<hbm>>) dst(%arg11 : memref<128x128xf32, #tpu.memory_space<vmem>>)
          tpu.yield
        }) : () -> ()
        "tpu.region"() ({
          %run_scoped3A = tpu.sem_alloc : memref<!tpu.dma_semaphore, #tpu.memory_space<semaphore_mem>>
          %dma_start3A = tpu.memref_slice %arg5[%add3A_35] : memref<160000xi32, #tpu.memory_space<hbm>> -> memref<128xi32, #tpu.memory_space<hbm>>
          %dma_start3A_36 = tpu.memref_slice %arg5[%add3A_35] : memref<160000xi32, #tpu.memory_space<hbm>> -> memref<128xi32, #tpu.memory_space<hbm>>
          tpu.enqueue_dma source(%dma_start3A_36 : memref<128xi32, #tpu.memory_space<hbm>>) target(%arg9 : memref<128xi32, #tpu.memory_space<vmem>>) target_semaphore(%run_scoped3A : memref<!tpu.dma_semaphore, #tpu.memory_space<semaphore_mem>>)
          %dma_wait3A = tpu.memref_slice %arg5[%add3A_35] : memref<160000xi32, #tpu.memory_space<hbm>> -> memref<128xi32, #tpu.memory_space<hbm>>
          %dma_wait3A_37 = tpu.memref_slice %arg5[%add3A_35] : memref<160000xi32, #tpu.memory_space<hbm>> -> memref<128xi32, #tpu.memory_space<hbm>>
          tpu.wait_dma2 semaphore(%run_scoped3A : memref<!tpu.dma_semaphore, #tpu.memory_space<semaphore_mem>>) src(%dma_wait3A_37 : memref<128xi32, #tpu.memory_space<hbm>>) dst(%arg9 : memref<128xi32, #tpu.memory_space<vmem>>)
          tpu.yield
        }) : () -> ()
        "tpu.region"() ({
          %run_scoped3A = tpu.sem_alloc : memref<!tpu.dma_semaphore, #tpu.memory_space<semaphore_mem>>
          %dma_start3A = arith.constant 0 : i32
          %dma_start3A_36 = arith.constant 0 : i32
          %dma_start3A_37 = tpu.memref_slice %arg13[%dma_start3A, %dma_start3A_36] : memref<10240x128xf32, #tpu.memory_space<vmem_shared>> -> memref<10240x128xf32, #tpu.memory_space<vmem_shared>>
          tpu.enqueue_indirect_dma source(%arg11 : memref<128x128xf32, #tpu.memory_space<vmem>>) target(%dma_start3A_37 : memref<10240x128xf32, #tpu.memory_space<vmem_shared>>) offsets(%arg9 : memref<128xi32, #tpu.memory_space<vmem>>) semaphore(%run_scoped3A : memref<!tpu.dma_semaphore, #tpu.memory_space<semaphore_mem>>) {add = true}
          %dma_wait3A = arith.constant 0 : i32
          %dma_wait3A_38 = arith.constant 0 : i32
          %dma_wait3A_39 = tpu.memref_slice %arg13[%dma_wait3A, %dma_wait3A_38] : memref<10240x128xf32, #tpu.memory_space<vmem_shared>> -> memref<10240x128xf32, #tpu.memory_space<vmem_shared>>
          tpu.wait_indirect_dma semaphore(%run_scoped3A : memref<!tpu.dma_semaphore, #tpu.memory_space<semaphore_mem>>) src(%arg11 : memref<128x128xf32, #tpu.memory_space<vmem>>) dst(%dma_wait3A_39 : memref<10240x128xf32, #tpu.memory_space<vmem_shared>>)
          tpu.yield
        }) : () -> ()
      }
      %scan3A_22 = arith.constant 78 : i32
      %mul3A_23 = arith.constant 10000 : i32
      %mul3A_24 = arith.muli %arg1, %mul3A_23 : i32
      %add3A = arith.constant 9984 : i32
      %add3A_25 = arith.addi %mul3A_24, %add3A : i32
      "tpu.region"() ({
        %run_scoped3A = tpu.sem_alloc : memref<!tpu.dma_semaphore, #tpu.memory_space<semaphore_mem>>
        %dma_start3A = tpu.memref_slice %arg4[%add3A_25] : memref<160000xi32, #tpu.memory_space<hbm>> -> memref<16xi32, #tpu.memory_space<hbm>>
        %dma_start3A_26 = tpu.memref_slice %arg4[%add3A_25] : memref<160000xi32, #tpu.memory_space<hbm>> -> memref<16xi32, #tpu.memory_space<hbm>>
        tpu.enqueue_dma source(%dma_start3A_26 : memref<16xi32, #tpu.memory_space<hbm>>) target(%arg10 : memref<16xi32, #tpu.memory_space<vmem>>) target_semaphore(%run_scoped3A : memref<!tpu.dma_semaphore, #tpu.memory_space<semaphore_mem>>)
        %dma_wait3A = tpu.memref_slice %arg4[%add3A_25] : memref<160000xi32, #tpu.memory_space<hbm>> -> memref<16xi32, #tpu.memory_space<hbm>>
        %dma_wait3A_27 = tpu.memref_slice %arg4[%add3A_25] : memref<160000xi32, #tpu.memory_space<hbm>> -> memref<16xi32, #tpu.memory_space<hbm>>
        tpu.wait_dma2 semaphore(%run_scoped3A : memref<!tpu.dma_semaphore, #tpu.memory_space<semaphore_mem>>) src(%dma_wait3A_27 : memref<16xi32, #tpu.memory_space<hbm>>) dst(%arg10 : memref<16xi32, #tpu.memory_space<vmem>>)
        tpu.yield
      }) : () -> ()
      "tpu.region"() ({
        %run_scoped3A = tpu.sem_alloc : memref<!tpu.dma_semaphore, #tpu.memory_space<semaphore_mem>>
        %dma_start3A = arith.constant 0 : i32
        %dma_start3A_26 = arith.constant 0 : i32
        %dma_start3A_27 = tpu.memref_slice %arg3[%dma_start3A, %dma_start3A_26] : memref<10000x128xf32, #tpu.memory_space<hbm>> -> memref<10000x128xf32, #tpu.memory_space<hbm>>
        tpu.enqueue_indirect_dma source(%dma_start3A_27 : memref<10000x128xf32, #tpu.memory_space<hbm>>) target(%arg12 : memref<16x128xf32, #tpu.memory_space<vmem>>) offsets(%arg10 : memref<16xi32, #tpu.memory_space<vmem>>) semaphore(%run_scoped3A : memref<!tpu.dma_semaphore, #tpu.memory_space<semaphore_mem>>)
        %dma_wait3A = arith.constant 0 : i32
        %dma_wait3A_28 = arith.constant 0 : i32
        %dma_wait3A_29 = tpu.memref_slice %arg3[%dma_wait3A, %dma_wait3A_28] : memref<10000x128xf32, #tpu.memory_space<hbm>> -> memref<10000x128xf32, #tpu.memory_space<hbm>>
        tpu.wait_indirect_dma semaphore(%run_scoped3A : memref<!tpu.dma_semaphore, #tpu.memory_space<semaphore_mem>>) src(%dma_wait3A_29 : memref<10000x128xf32, #tpu.memory_space<hbm>>) dst(%arg12 : memref<16x128xf32, #tpu.memory_space<vmem>>)
        tpu.yield
      }) : () -> ()
      "tpu.region"() ({
        %run_scoped3A = tpu.sem_alloc : memref<!tpu.dma_semaphore, #tpu.memory_space<semaphore_mem>>
        %dma_start3A = tpu.memref_slice %arg5[%add3A_25] : memref<160000xi32, #tpu.memory_space<hbm>> -> memref<16xi32, #tpu.memory_space<hbm>>
        %dma_start3A_26 = tpu.memref_slice %arg5[%add3A_25] : memref<160000xi32, #tpu.memory_space<hbm>> -> memref<16xi32, #tpu.memory_space<hbm>>
        tpu.enqueue_dma source(%dma_start3A_26 : memref<16xi32, #tpu.memory_space<hbm>>) target(%arg10 : memref<16xi32, #tpu.memory_space<vmem>>) target_semaphore(%run_scoped3A : memref<!tpu.dma_semaphore, #tpu.memory_space<semaphore_mem>>)
        %dma_wait3A = tpu.memref_slice %arg5[%add3A_25] : memref<160000xi32, #tpu.memory_space<hbm>> -> memref<16xi32, #tpu.memory_space<hbm>>
        %dma_wait3A_27 = tpu.memref_slice %arg5[%add3A_25] : memref<160000xi32, #tpu.memory_space<hbm>> -> memref<16xi32, #tpu.memory_space<hbm>>
        tpu.wait_dma2 semaphore(%run_scoped3A : memref<!tpu.dma_semaphore, #tpu.memory_space<semaphore_mem>>) src(%dma_wait3A_27 : memref<16xi32, #tpu.memory_space<hbm>>) dst(%arg10 : memref<16xi32, #tpu.memory_space<vmem>>)
        tpu.yield
      }) : () -> ()
      "tpu.region"() ({
        %run_scoped3A = tpu.sem_alloc : memref<!tpu.dma_semaphore, #tpu.memory_space<semaphore_mem>>
        %dma_start3A = arith.constant 0 : i32
        %dma_start3A_26 = arith.constant 0 : i32
        %dma_start3A_27 = tpu.memref_slice %arg13[%dma_start3A, %dma_start3A_26] : memref<10240x128xf32, #tpu.memory_space<vmem_shared>> -> memref<10240x128xf32, #tpu.memory_space<vmem_shared>>
        tpu.enqueue_indirect_dma source(%arg12 : memref<16x128xf32, #tpu.memory_space<vmem>>) target(%dma_start3A_27 : memref<10240x128xf32, #tpu.memory_space<vmem_shared>>) offsets(%arg10 : memref<16xi32, #tpu.memory_space<vmem>>) semaphore(%run_scoped3A : memref<!tpu.dma_semaphore, #tpu.memory_space<semaphore_mem>>) {add = true}
        %dma_wait3A = arith.constant 0 : i32
        %dma_wait3A_28 = arith.constant 0 : i32
        %dma_wait3A_29 = tpu.memref_slice %arg13[%dma_wait3A, %dma_wait3A_28] : memref<10240x128xf32, #tpu.memory_space<vmem_shared>> -> memref<10240x128xf32, #tpu.memory_space<vmem_shared>>
        tpu.wait_indirect_dma semaphore(%run_scoped3A : memref<!tpu.dma_semaphore, #tpu.memory_space<semaphore_mem>>) src(%arg12 : memref<16x128xf32, #tpu.memory_space<vmem>>) dst(%dma_wait3A_29 : memref<10240x128xf32, #tpu.memory_space<vmem_shared>>)
        tpu.yield
      }) : () -> ()
    } else {
    }
    %barrier3A_8 = arith.constant 0 : index
    tpu.barrier barrier_id(%barrier3A_8)
    %eq3A_9 = arith.constant 0 : i32
    %eq3A_10 = arith.cmpi eq, %arg0, %eq3A_9 : i32
    %convert_element_type3A_11 = arith.extui %eq3A_10 : i1 to i32
    %cond3A_12 = arith.constant 0 : i32
    %cond3A_13 = arith.cmpi ne, %convert_element_type3A_11, %cond3A_12 : i32
    scf.if %cond3A_13 {
      "tpu.region"() ({
        %run_scoped3A = tpu.sem_alloc : memref<!tpu.dma_semaphore, #tpu.memory_space<semaphore_mem>>
        %dma_start3A = arith.constant 0 : i32
        %dma_start3A_19 = tpu.memref_slice %arg7[%mul3A_0, %dma_start3A] : memref<10240x128xf32, #tpu.memory_space<hbm>> -> memref<640x128xf32, #tpu.memory_space<hbm>>
        %dma_start3A_20 = arith.constant 0 : i32
        %dma_start3A_21 = tpu.memref_slice %arg13[%mul3A_0, %dma_start3A_20] : memref<10240x128xf32, #tpu.memory_space<vmem_shared>> -> memref<640x128xf32, #tpu.memory_space<vmem_shared>>
        tpu.enqueue_dma source(%dma_start3A_21 : memref<640x128xf32, #tpu.memory_space<vmem_shared>>) target(%dma_start3A_19 : memref<640x128xf32, #tpu.memory_space<hbm>>) target_semaphore(%run_scoped3A : memref<!tpu.dma_semaphore, #tpu.memory_space<semaphore_mem>>)
        %dma_wait3A = arith.constant 0 : i32
        %dma_wait3A_22 = tpu.memref_slice %arg7[%mul3A_0, %dma_wait3A] : memref<10240x128xf32, #tpu.memory_space<hbm>> -> memref<640x128xf32, #tpu.memory_space<hbm>>
        %dma_wait3A_23 = arith.constant 0 : i32
        %dma_wait3A_24 = tpu.memref_slice %arg13[%mul3A_0, %dma_wait3A_23] : memref<10240x128xf32, #tpu.memory_space<vmem_shared>> -> memref<640x128xf32, #tpu.memory_space<vmem_shared>>
        tpu.wait_dma2 semaphore(%run_scoped3A : memref<!tpu.dma_semaphore, #tpu.memory_space<semaphore_mem>>) src(%dma_wait3A_24 : memref<640x128xf32, #tpu.memory_space<vmem_shared>>) dst(%dma_wait3A_22 : memref<640x128xf32, #tpu.memory_space<hbm>>)
        tpu.yield
      }) : () -> ()
    } else {
    }
    %eq3A_14 = arith.constant 1 : i32
    %eq3A_15 = arith.cmpi eq, %arg0, %eq3A_14 : i32
    %convert_element_type3A_16 = arith.extui %eq3A_15 : i1 to i32
    %cond3A_17 = arith.constant 0 : i32
    %cond3A_18 = arith.cmpi ne, %convert_element_type3A_16, %cond3A_17 : i32
    scf.if %cond3A_18 {
      "tpu.region"() ({
        %run_scoped3A = tpu.sem_alloc : memref<!tpu.dma_semaphore, #tpu.memory_space<semaphore_mem>>
        %dma_start3A = arith.constant 0 : i32
        %dma_start3A_19 = tpu.memref_slice %arg8[%mul3A_0, %dma_start3A] : memref<10240x128xf32, #tpu.memory_space<hbm>> -> memref<640x128xf32, #tpu.memory_space<hbm>>
        %dma_start3A_20 = arith.constant 0 : i32
        %dma_start3A_21 = tpu.memref_slice %arg13[%mul3A_0, %dma_start3A_20] : memref<10240x128xf32, #tpu.memory_space<vmem_shared>> -> memref<640x128xf32, #tpu.memory_space<vmem_shared>>
        tpu.enqueue_dma source(%dma_start3A_21 : memref<640x128xf32, #tpu.memory_space<vmem_shared>>) target(%dma_start3A_19 : memref<640x128xf32, #tpu.memory_space<hbm>>) target_semaphore(%run_scoped3A : memref<!tpu.dma_semaphore, #tpu.memory_space<semaphore_mem>>)
        %dma_wait3A = arith.constant 0 : i32
        %dma_wait3A_22 = tpu.memref_slice %arg8[%mul3A_0, %dma_wait3A] : memref<10240x128xf32, #tpu.memory_space<hbm>> -> memref<640x128xf32, #tpu.memory_space<hbm>>
        %dma_wait3A_23 = arith.constant 0 : i32
        %dma_wait3A_24 = tpu.memref_slice %arg13[%mul3A_0, %dma_wait3A_23] : memref<10240x128xf32, #tpu.memory_space<vmem_shared>> -> memref<640x128xf32, #tpu.memory_space<vmem_shared>>
        tpu.wait_dma2 semaphore(%run_scoped3A : memref<!tpu.dma_semaphore, #tpu.memory_space<semaphore_mem>>) src(%dma_wait3A_24 : memref<640x128xf32, #tpu.memory_space<vmem_shared>>) dst(%dma_wait3A_22 : memref<640x128xf32, #tpu.memory_space<hbm>>)
        tpu.yield
      }) : () -> ()
    } else {
    }
    return
  }
}

#map = affine_map<(d0, d1) -> (0, 0)>
#map1 = affine_map<(d0, d1) -> (0)>
module attributes {stable_mosaic.version = 14 : i64} {
  func.func @segsum(%arg0: i32, %arg1: i32, %arg2: memref<10000x128xf32, #tpu.memory_space<hbm>>, %arg3: memref<10000x128xf32, #tpu.memory_space<hbm>>, %arg4: memref<160000xi32, #tpu.memory_space<hbm>>, %arg5: memref<160000xi32, #tpu.memory_space<hbm>>, %arg6: memref<10240x128xf32, #tpu.memory_space<hbm>>, %arg7: memref<10240x128xf32, #tpu.memory_space<hbm>>, %arg8: memref<10240x128xf32, #tpu.memory_space<hbm>>, %arg9: memref<128xi32, #tpu.memory_space<vmem>>, %arg10: memref<16xi32, #tpu.memory_space<vmem>>, %arg11: memref<128x128xf32, #tpu.memory_space<vmem>>, %arg12: memref<16x128xf32, #tpu.memory_space<vmem>>, %arg13: memref<10240x128xf32, #tpu.memory_space<vmem_shared>>) attributes {dimension_semantics = [#tpu.dimension_semantics<core_parallel>, #tpu.dimension_semantics<subcore_parallel>], iteration_bounds = array<i64: 2, 16>, scalar_prefetch = 0 : i64, scratch_operands = 5 : i64, tpu.core_type = #tpu.core_type<sc_vector_subcore>, window_params = [{transform_indices = #map}, {transform_indices = #map}, {transform_indices = #map1}, {transform_indices = #map1}, {transform_indices = #map}, {transform_indices = #map}, {transform_indices = #map}]} {
    %mul3A = arith.constant 640 : i32
    %mul3A_0 = arith.muli %arg1, %mul3A : i32
    "tpu.region"() ({
      %run_scoped3A = tpu.sem_alloc : memref<!tpu.dma_semaphore, #tpu.memory_space<semaphore_mem>>
      %dma_start3A = arith.constant 0 : i32
      %dma_start3A_19 = tpu.memref_slice %arg13[%mul3A_0, %dma_start3A] : memref<10240x128xf32, #tpu.memory_space<vmem_shared>> -> memref<640x128xf32, #tpu.memory_space<vmem_shared>>
      %dma_start3A_20 = arith.constant 0 : i32
      %dma_start3A_21 = tpu.memref_slice %arg6[%mul3A_0, %dma_start3A_20] : memref<10240x128xf32, #tpu.memory_space<hbm>> -> memref<640x128xf32, #tpu.memory_space<hbm>>
      tpu.enqueue_dma source(%dma_start3A_21 : memref<640x128xf32, #tpu.memory_space<hbm>>) target(%dma_start3A_19 : memref<640x128xf32, #tpu.memory_space<vmem_shared>>) target_semaphore(%run_scoped3A : memref<!tpu.dma_semaphore, #tpu.memory_space<semaphore_mem>>)
      %dma_wait3A = arith.constant 0 : i32
      %dma_wait3A_22 = tpu.memref_slice %arg13[%mul3A_0, %dma_wait3A] : memref<10240x128xf32, #tpu.memory_space<vmem_shared>> -> memref<640x128xf32, #tpu.memory_space<vmem_shared>>
      %dma_wait3A_23 = arith.constant 0 : i32
      %dma_wait3A_24 = tpu.memref_slice %arg6[%mul3A_0, %dma_wait3A_23] : memref<10240x128xf32, #tpu.memory_space<hbm>> -> memref<640x128xf32, #tpu.memory_space<hbm>>
      tpu.wait_dma2 semaphore(%run_scoped3A : memref<!tpu.dma_semaphore, #tpu.memory_space<semaphore_mem>>) src(%dma_wait3A_24 : memref<640x128xf32, #tpu.memory_space<hbm>>) dst(%dma_wait3A_22 : memref<640x128xf32, #tpu.memory_space<vmem_shared>>)
      tpu.yield
    }) : () -> ()
    %barrier3A = arith.constant 0 : index
    tpu.barrier barrier_id(%barrier3A)
    %eq3A = arith.constant 0 : i32
    %eq3A_1 = arith.cmpi eq, %arg0, %eq3A : i32
    %convert_element_type3A = arith.extui %eq3A_1 : i1 to i32
    %cond3A = arith.constant 0 : i32
    %cond3A_2 = arith.cmpi ne, %convert_element_type3A, %cond3A : i32
    scf.if %cond3A_2 {
      %scan3A = arith.constant 0 : i32
      %scan3A_19 = arith.constant 78 : i32
      %scan3A_20 = arith.addi %scan3A, %scan3A_19 : i32
      %scan3A_21 = arith.constant 1 : i32
      scf.for %scan3A_26 = %scan3A to %scan3A_20 step %scan3A_21  : i32 {
        %mul3A_27 = arith.constant 1 : i32
        %mul3A_28 = arith.muli %scan3A_26, %mul3A_27 : i32
        %add3A_29 = arith.constant 0 : i32
        %add3A_30 = arith.addi %add3A_29, %mul3A_28 : i32
        %mul3A_31 = arith.constant 10000 : i32
        %mul3A_32 = arith.muli %arg1, %mul3A_31 : i32
        %mul3A_33 = arith.constant 128 : i32
        %mul3A_34 = arith.muli %add3A_30, %mul3A_33 : i32
        %add3A_35 = arith.addi %mul3A_32, %mul3A_34 : i32
        "tpu.region"() ({
          %run_scoped3A = tpu.sem_alloc : memref<!tpu.dma_semaphore, #tpu.memory_space<semaphore_mem>>
          %dma_start3A = tpu.memref_slice %arg4[%add3A_35] : memref<160000xi32, #tpu.memory_space<hbm>> -> memref<128xi32, #tpu.memory_space<hbm>>
          %dma_start3A_36 = tpu.memref_slice %arg4[%add3A_35] : memref<160000xi32, #tpu.memory_space<hbm>> -> memref<128xi32, #tpu.memory_space<hbm>>
          tpu.enqueue_dma source(%dma_start3A_36 : memref<128xi32, #tpu.memory_space<hbm>>) target(%arg9 : memref<128xi32, #tpu.memory_space<vmem>>) target_semaphore(%run_scoped3A : memref<!tpu.dma_semaphore, #tpu.memory_space<semaphore_mem>>)
          %dma_wait3A = tpu.memref_slice %arg4[%add3A_35] : memref<160000xi32, #tpu.memory_space<hbm>> -> memref<128xi32, #tpu.memory_space<hbm>>
          %dma_wait3A_37 = tpu.memref_slice %arg4[%add3A_35] : memref<160000xi32, #tpu.memory_space<hbm>> -> memref<128xi32, #tpu.memory_space<hbm>>
          tpu.wait_dma2 semaphore(%run_scoped3A : memref<!tpu.dma_semaphore, #tpu.memory_space<semaphore_mem>>) src(%dma_wait3A_37 : memref<128xi32, #tpu.memory_space<hbm>>) dst(%arg9 : memref<128xi32, #tpu.memory_space<vmem>>)
          tpu.yield
        }) : () -> ()
        "tpu.region"() ({
          %run_scoped3A = tpu.sem_alloc : memref<!tpu.dma_semaphore, #tpu.memory_space<semaphore_mem>>
          %dma_start3A = arith.constant 0 : i32
          %dma_start3A_36 = arith.constant 0 : i32
          %dma_start3A_37 = tpu.memref_slice %arg2[%dma_start3A, %dma_start3A_36] : memref<10000x128xf32, #tpu.memory_space<hbm>> -> memref<10000x128xf32, #tpu.memory_space<hbm>>
          tpu.enqueue_indirect_dma source(%dma_start3A_37 : memref<10000x128xf32, #tpu.memory_space<hbm>>) target(%arg11 : memref<128x128xf32, #tpu.memory_space<vmem>>) offsets(%arg9 : memref<128xi32, #tpu.memory_space<vmem>>) semaphore(%run_scoped3A : memref<!tpu.dma_semaphore, #tpu.memory_space<semaphore_mem>>)
          %dma_wait3A = arith.constant 0 : i32
          %dma_wait3A_38 = arith.constant 0 : i32
          %dma_wait3A_39 = tpu.memref_slice %arg2[%dma_wait3A, %dma_wait3A_38] : memref<10000x128xf32, #tpu.memory_space<hbm>> -> memref<10000x128xf32, #tpu.memory_space<hbm>>
          tpu.wait_indirect_dma semaphore(%run_scoped3A : memref<!tpu.dma_semaphore, #tpu.memory_space<semaphore_mem>>) src(%dma_wait3A_39 : memref<10000x128xf32, #tpu.memory_space<hbm>>) dst(%arg11 : memref<128x128xf32, #tpu.memory_space<vmem>>)
          tpu.yield
        }) : () -> ()
        "tpu.region"() ({
          %run_scoped3A = tpu.sem_alloc : memref<!tpu.dma_semaphore, #tpu.memory_space<semaphore_mem>>
          %dma_start3A = tpu.memref_slice %arg5[%add3A_35] : memref<160000xi32, #tpu.memory_space<hbm>> -> memref<128xi32, #tpu.memory_space<hbm>>
          %dma_start3A_36 = tpu.memref_slice %arg5[%add3A_35] : memref<160000xi32, #tpu.memory_space<hbm>> -> memref<128xi32, #tpu.memory_space<hbm>>
          tpu.enqueue_dma source(%dma_start3A_36 : memref<128xi32, #tpu.memory_space<hbm>>) target(%arg9 : memref<128xi32, #tpu.memory_space<vmem>>) target_semaphore(%run_scoped3A : memref<!tpu.dma_semaphore, #tpu.memory_space<semaphore_mem>>)
          %dma_wait3A = tpu.memref_slice %arg5[%add3A_35] : memref<160000xi32, #tpu.memory_space<hbm>> -> memref<128xi32, #tpu.memory_space<hbm>>
          %dma_wait3A_37 = tpu.memref_slice %arg5[%add3A_35] : memref<160000xi32, #tpu.memory_space<hbm>> -> memref<128xi32, #tpu.memory_space<hbm>>
          tpu.wait_dma2 semaphore(%run_scoped3A : memref<!tpu.dma_semaphore, #tpu.memory_space<semaphore_mem>>) src(%dma_wait3A_37 : memref<128xi32, #tpu.memory_space<hbm>>) dst(%arg9 : memref<128xi32, #tpu.memory_space<vmem>>)
          tpu.yield
        }) : () -> ()
        "tpu.region"() ({
          %run_scoped3A = tpu.sem_alloc : memref<!tpu.dma_semaphore, #tpu.memory_space<semaphore_mem>>
          %dma_start3A = arith.constant 0 : i32
          %dma_start3A_36 = arith.constant 0 : i32
          %dma_start3A_37 = tpu.memref_slice %arg13[%dma_start3A, %dma_start3A_36] : memref<10240x128xf32, #tpu.memory_space<vmem_shared>> -> memref<10240x128xf32, #tpu.memory_space<vmem_shared>>
          tpu.enqueue_indirect_dma source(%arg11 : memref<128x128xf32, #tpu.memory_space<vmem>>) target(%dma_start3A_37 : memref<10240x128xf32, #tpu.memory_space<vmem_shared>>) offsets(%arg9 : memref<128xi32, #tpu.memory_space<vmem>>) semaphore(%run_scoped3A : memref<!tpu.dma_semaphore, #tpu.memory_space<semaphore_mem>>) {add = true}
          %dma_wait3A = arith.constant 0 : i32
          %dma_wait3A_38 = arith.constant 0 : i32
          %dma_wait3A_39 = tpu.memref_slice %arg13[%dma_wait3A, %dma_wait3A_38] : memref<10240x128xf32, #tpu.memory_space<vmem_shared>> -> memref<10240x128xf32, #tpu.memory_space<vmem_shared>>
          tpu.wait_indirect_dma semaphore(%run_scoped3A : memref<!tpu.dma_semaphore, #tpu.memory_space<semaphore_mem>>) src(%arg11 : memref<128x128xf32, #tpu.memory_space<vmem>>) dst(%dma_wait3A_39 : memref<10240x128xf32, #tpu.memory_space<vmem_shared>>)
          tpu.yield
        }) : () -> ()
      }
      %scan3A_22 = arith.constant 78 : i32
      %mul3A_23 = arith.constant 10000 : i32
      %mul3A_24 = arith.muli %arg1, %mul3A_23 : i32
      %add3A = arith.constant 9984 : i32
      %add3A_25 = arith.addi %mul3A_24, %add3A : i32
      "tpu.region"() ({
        %run_scoped3A = tpu.sem_alloc : memref<!tpu.dma_semaphore, #tpu.memory_space<semaphore_mem>>
        %dma_start3A = tpu.memref_slice %arg4[%add3A_25] : memref<160000xi32, #tpu.memory_space<hbm>> -> memref<16xi32, #tpu.memory_space<hbm>>
        %dma_start3A_26 = tpu.memref_slice %arg4[%add3A_25] : memref<160000xi32, #tpu.memory_space<hbm>> -> memref<16xi32, #tpu.memory_space<hbm>>
        tpu.enqueue_dma source(%dma_start3A_26 : memref<16xi32, #tpu.memory_space<hbm>>) target(%arg10 : memref<16xi32, #tpu.memory_space<vmem>>) target_semaphore(%run_scoped3A : memref<!tpu.dma_semaphore, #tpu.memory_space<semaphore_mem>>)
        %dma_wait3A = tpu.memref_slice %arg4[%add3A_25] : memref<160000xi32, #tpu.memory_space<hbm>> -> memref<16xi32, #tpu.memory_space<hbm>>
        %dma_wait3A_27 = tpu.memref_slice %arg4[%add3A_25] : memref<160000xi32, #tpu.memory_space<hbm>> -> memref<16xi32, #tpu.memory_space<hbm>>
        tpu.wait_dma2 semaphore(%run_scoped3A : memref<!tpu.dma_semaphore, #tpu.memory_space<semaphore_mem>>) src(%dma_wait3A_27 : memref<16xi32, #tpu.memory_space<hbm>>) dst(%arg10 : memref<16xi32, #tpu.memory_space<vmem>>)
        tpu.yield
      }) : () -> ()
      "tpu.region"() ({
        %run_scoped3A = tpu.sem_alloc : memref<!tpu.dma_semaphore, #tpu.memory_space<semaphore_mem>>
        %dma_start3A = arith.constant 0 : i32
        %dma_start3A_26 = arith.constant 0 : i32
        %dma_start3A_27 = tpu.memref_slice %arg2[%dma_start3A, %dma_start3A_26] : memref<10000x128xf32, #tpu.memory_space<hbm>> -> memref<10000x128xf32, #tpu.memory_space<hbm>>
        tpu.enqueue_indirect_dma source(%dma_start3A_27 : memref<10000x128xf32, #tpu.memory_space<hbm>>) target(%arg12 : memref<16x128xf32, #tpu.memory_space<vmem>>) offsets(%arg10 : memref<16xi32, #tpu.memory_space<vmem>>) semaphore(%run_scoped3A : memref<!tpu.dma_semaphore, #tpu.memory_space<semaphore_mem>>)
        %dma_wait3A = arith.constant 0 : i32
        %dma_wait3A_28 = arith.constant 0 : i32
        %dma_wait3A_29 = tpu.memref_slice %arg2[%dma_wait3A, %dma_wait3A_28] : memref<10000x128xf32, #tpu.memory_space<hbm>> -> memref<10000x128xf32, #tpu.memory_space<hbm>>
        tpu.wait_indirect_dma semaphore(%run_scoped3A : memref<!tpu.dma_semaphore, #tpu.memory_space<semaphore_mem>>) src(%dma_wait3A_29 : memref<10000x128xf32, #tpu.memory_space<hbm>>) dst(%arg12 : memref<16x128xf32, #tpu.memory_space<vmem>>)
        tpu.yield
      }) : () -> ()
      "tpu.region"() ({
        %run_scoped3A = tpu.sem_alloc : memref<!tpu.dma_semaphore, #tpu.memory_space<semaphore_mem>>
        %dma_start3A = tpu.memref_slice %arg5[%add3A_25] : memref<160000xi32, #tpu.memory_space<hbm>> -> memref<16xi32, #tpu.memory_space<hbm>>
        %dma_start3A_26 = tpu.memref_slice %arg5[%add3A_25] : memref<160000xi32, #tpu.memory_space<hbm>> -> memref<16xi32, #tpu.memory_space<hbm>>
        tpu.enqueue_dma source(%dma_start3A_26 : memref<16xi32, #tpu.memory_space<hbm>>) target(%arg10 : memref<16xi32, #tpu.memory_space<vmem>>) target_semaphore(%run_scoped3A : memref<!tpu.dma_semaphore, #tpu.memory_space<semaphore_mem>>)
        %dma_wait3A = tpu.memref_slice %arg5[%add3A_25] : memref<160000xi32, #tpu.memory_space<hbm>> -> memref<16xi32, #tpu.memory_space<hbm>>
        %dma_wait3A_27 = tpu.memref_slice %arg5[%add3A_25] : memref<160000xi32, #tpu.memory_space<hbm>> -> memref<16xi32, #tpu.memory_space<hbm>>
        tpu.wait_dma2 semaphore(%run_scoped3A : memref<!tpu.dma_semaphore, #tpu.memory_space<semaphore_mem>>) src(%dma_wait3A_27 : memref<16xi32, #tpu.memory_space<hbm>>) dst(%arg10 : memref<16xi32, #tpu.memory_space<vmem>>)
        tpu.yield
      }) : () -> ()
      "tpu.region"() ({
        %run_scoped3A = tpu.sem_alloc : memref<!tpu.dma_semaphore, #tpu.memory_space<semaphore_mem>>
        %dma_start3A = arith.constant 0 : i32
        %dma_start3A_26 = arith.constant 0 : i32
        %dma_start3A_27 = tpu.memref_slice %arg13[%dma_start3A, %dma_start3A_26] : memref<10240x128xf32, #tpu.memory_space<vmem_shared>> -> memref<10240x128xf32, #tpu.memory_space<vmem_shared>>
        tpu.enqueue_indirect_dma source(%arg12 : memref<16x128xf32, #tpu.memory_space<vmem>>) target(%dma_start3A_27 : memref<10240x128xf32, #tpu.memory_space<vmem_shared>>) offsets(%arg10 : memref<16xi32, #tpu.memory_space<vmem>>) semaphore(%run_scoped3A : memref<!tpu.dma_semaphore, #tpu.memory_space<semaphore_mem>>) {add = true}
        %dma_wait3A = arith.constant 0 : i32
        %dma_wait3A_28 = arith.constant 0 : i32
        %dma_wait3A_29 = tpu.memref_slice %arg13[%dma_wait3A, %dma_wait3A_28] : memref<10240x128xf32, #tpu.memory_space<vmem_shared>> -> memref<10240x128xf32, #tpu.memory_space<vmem_shared>>
        tpu.wait_indirect_dma semaphore(%run_scoped3A : memref<!tpu.dma_semaphore, #tpu.memory_space<semaphore_mem>>) src(%arg12 : memref<16x128xf32, #tpu.memory_space<vmem>>) dst(%dma_wait3A_29 : memref<10240x128xf32, #tpu.memory_space<vmem_shared>>)
        tpu.yield
      }) : () -> ()
    } else {
    }
    %eq3A_3 = arith.constant 1 : i32
    %eq3A_4 = arith.cmpi eq, %arg0, %eq3A_3 : i32
    %convert_element_type3A_5 = arith.extui %eq3A_4 : i1 to i32
    %cond3A_6 = arith.constant 0 : i32
    %cond3A_7 = arith.cmpi ne, %convert_element_type3A_5, %cond3A_6 : i32
    scf.if %cond3A_7 {
      %scan3A = arith.constant 0 : i32
      %scan3A_19 = arith.constant 78 : i32
      %scan3A_20 = arith.addi %scan3A, %scan3A_19 : i32
      %scan3A_21 = arith.constant 1 : i32
      scf.for %scan3A_26 = %scan3A to %scan3A_20 step %scan3A_21  : i32 {
        %mul3A_27 = arith.constant 1 : i32
        %mul3A_28 = arith.muli %scan3A_26, %mul3A_27 : i32
        %add3A_29 = arith.constant 0 : i32
        %add3A_30 = arith.addi %add3A_29, %mul3A_28 : i32
        %mul3A_31 = arith.constant 10000 : i32
        %mul3A_32 = arith.muli %arg1, %mul3A_31 : i32
        %mul3A_33 = arith.constant 128 : i32
        %mul3A_34 = arith.muli %add3A_30, %mul3A_33 : i32
        %add3A_35 = arith.addi %mul3A_32, %mul3A_34 : i32
        "tpu.region"() ({
          %run_scoped3A = tpu.sem_alloc : memref<!tpu.dma_semaphore, #tpu.memory_space<semaphore_mem>>
          %dma_start3A = tpu.memref_slice %arg4[%add3A_35] : memref<160000xi32, #tpu.memory_space<hbm>> -> memref<128xi32, #tpu.memory_space<hbm>>
          %dma_start3A_36 = tpu.memref_slice %arg4[%add3A_35] : memref<160000xi32, #tpu.memory_space<hbm>> -> memref<128xi32, #tpu.memory_space<hbm>>
          tpu.enqueue_dma source(%dma_start3A_36 : memref<128xi32, #tpu.memory_space<hbm>>) target(%arg9 : memref<128xi32, #tpu.memory_space<vmem>>) target_semaphore(%run_scoped3A : memref<!tpu.dma_semaphore, #tpu.memory_space<semaphore_mem>>)
          %dma_wait3A = tpu.memref_slice %arg4[%add3A_35] : memref<160000xi32, #tpu.memory_space<hbm>> -> memref<128xi32, #tpu.memory_space<hbm>>
          %dma_wait3A_37 = tpu.memref_slice %arg4[%add3A_35] : memref<160000xi32, #tpu.memory_space<hbm>> -> memref<128xi32, #tpu.memory_space<hbm>>
          tpu.wait_dma2 semaphore(%run_scoped3A : memref<!tpu.dma_semaphore, #tpu.memory_space<semaphore_mem>>) src(%dma_wait3A_37 : memref<128xi32, #tpu.memory_space<hbm>>) dst(%arg9 : memref<128xi32, #tpu.memory_space<vmem>>)
          tpu.yield
        }) : () -> ()
        "tpu.region"() ({
          %run_scoped3A = tpu.sem_alloc : memref<!tpu.dma_semaphore, #tpu.memory_space<semaphore_mem>>
          %dma_start3A = arith.constant 0 : i32
          %dma_start3A_36 = arith.constant 0 : i32
          %dma_start3A_37 = tpu.memref_slice %arg3[%dma_start3A, %dma_start3A_36] : memref<10000x128xf32, #tpu.memory_space<hbm>> -> memref<10000x128xf32, #tpu.memory_space<hbm>>
          tpu.enqueue_indirect_dma source(%dma_start3A_37 : memref<10000x128xf32, #tpu.memory_space<hbm>>) target(%arg11 : memref<128x128xf32, #tpu.memory_space<vmem>>) offsets(%arg9 : memref<128xi32, #tpu.memory_space<vmem>>) semaphore(%run_scoped3A : memref<!tpu.dma_semaphore, #tpu.memory_space<semaphore_mem>>)
          %dma_wait3A = arith.constant 0 : i32
          %dma_wait3A_38 = arith.constant 0 : i32
          %dma_wait3A_39 = tpu.memref_slice %arg3[%dma_wait3A, %dma_wait3A_38] : memref<10000x128xf32, #tpu.memory_space<hbm>> -> memref<10000x128xf32, #tpu.memory_space<hbm>>
          tpu.wait_indirect_dma semaphore(%run_scoped3A : memref<!tpu.dma_semaphore, #tpu.memory_space<semaphore_mem>>) src(%dma_wait3A_39 : memref<10000x128xf32, #tpu.memory_space<hbm>>) dst(%arg11 : memref<128x128xf32, #tpu.memory_space<vmem>>)
          tpu.yield
        }) : () -> ()
        "tpu.region"() ({
          %run_scoped3A = tpu.sem_alloc : memref<!tpu.dma_semaphore, #tpu.memory_space<semaphore_mem>>
          %dma_start3A = tpu.memref_slice %arg5[%add3A_35] : memref<160000xi32, #tpu.memory_space<hbm>> -> memref<128xi32, #tpu.memory_space<hbm>>
          %dma_start3A_36 = tpu.memref_slice %arg5[%add3A_35] : memref<160000xi32, #tpu.memory_space<hbm>> -> memref<128xi32, #tpu.memory_space<hbm>>
          tpu.enqueue_dma source(%dma_start3A_36 : memref<128xi32, #tpu.memory_space<hbm>>) target(%arg9 : memref<128xi32, #tpu.memory_space<vmem>>) target_semaphore(%run_scoped3A : memref<!tpu.dma_semaphore, #tpu.memory_space<semaphore_mem>>)
          %dma_wait3A = tpu.memref_slice %arg5[%add3A_35] : memref<160000xi32, #tpu.memory_space<hbm>> -> memref<128xi32, #tpu.memory_space<hbm>>
          %dma_wait3A_37 = tpu.memref_slice %arg5[%add3A_35] : memref<160000xi32, #tpu.memory_space<hbm>> -> memref<128xi32, #tpu.memory_space<hbm>>
          tpu.wait_dma2 semaphore(%run_scoped3A : memref<!tpu.dma_semaphore, #tpu.memory_space<semaphore_mem>>) src(%dma_wait3A_37 : memref<128xi32, #tpu.memory_space<hbm>>) dst(%arg9 : memref<128xi32, #tpu.memory_space<vmem>>)
          tpu.yield
        }) : () -> ()
        "tpu.region"() ({
          %run_scoped3A = tpu.sem_alloc : memref<!tpu.dma_semaphore, #tpu.memory_space<semaphore_mem>>
          %dma_start3A = arith.constant 0 : i32
          %dma_start3A_36 = arith.constant 0 : i32
          %dma_start3A_37 = tpu.memref_slice %arg13[%dma_start3A, %dma_start3A_36] : memref<10240x128xf32, #tpu.memory_space<vmem_shared>> -> memref<10240x128xf32, #tpu.memory_space<vmem_shared>>
          tpu.enqueue_indirect_dma source(%arg11 : memref<128x128xf32, #tpu.memory_space<vmem>>) target(%dma_start3A_37 : memref<10240x128xf32, #tpu.memory_space<vmem_shared>>) offsets(%arg9 : memref<128xi32, #tpu.memory_space<vmem>>) semaphore(%run_scoped3A : memref<!tpu.dma_semaphore, #tpu.memory_space<semaphore_mem>>) {add = true}
          %dma_wait3A = arith.constant 0 : i32
          %dma_wait3A_38 = arith.constant 0 : i32
          %dma_wait3A_39 = tpu.memref_slice %arg13[%dma_wait3A, %dma_wait3A_38] : memref<10240x128xf32, #tpu.memory_space<vmem_shared>> -> memref<10240x128xf32, #tpu.memory_space<vmem_shared>>
          tpu.wait_indirect_dma semaphore(%run_scoped3A : memref<!tpu.dma_semaphore, #tpu.memory_space<semaphore_mem>>) src(%arg11 : memref<128x128xf32, #tpu.memory_space<vmem>>) dst(%dma_wait3A_39 : memref<10240x128xf32, #tpu.memory_space<vmem_shared>>)
          tpu.yield
        }) : () -> ()
      }
      %scan3A_22 = arith.constant 78 : i32
      %mul3A_23 = arith.constant 10000 : i32
      %mul3A_24 = arith.muli %arg1, %mul3A_23 : i32
      %add3A = arith.constant 9984 : i32
      %add3A_25 = arith.addi %mul3A_24, %add3A : i32
      "tpu.region"() ({
        %run_scoped3A = tpu.sem_alloc : memref<!tpu.dma_semaphore, #tpu.memory_space<semaphore_mem>>
        %dma_start3A = tpu.memref_slice %arg4[%add3A_25] : memref<160000xi32, #tpu.memory_space<hbm>> -> memref<16xi32, #tpu.memory_space<hbm>>
        %dma_start3A_26 = tpu.memref_slice %arg4[%add3A_25] : memref<160000xi32, #tpu.memory_space<hbm>> -> memref<16xi32, #tpu.memory_space<hbm>>
        tpu.enqueue_dma source(%dma_start3A_26 : memref<16xi32, #tpu.memory_space<hbm>>) target(%arg10 : memref<16xi32, #tpu.memory_space<vmem>>) target_semaphore(%run_scoped3A : memref<!tpu.dma_semaphore, #tpu.memory_space<semaphore_mem>>)
        %dma_wait3A = tpu.memref_slice %arg4[%add3A_25] : memref<160000xi32, #tpu.memory_space<hbm>> -> memref<16xi32, #tpu.memory_space<hbm>>
        %dma_wait3A_27 = tpu.memref_slice %arg4[%add3A_25] : memref<160000xi32, #tpu.memory_space<hbm>> -> memref<16xi32, #tpu.memory_space<hbm>>
        tpu.wait_dma2 semaphore(%run_scoped3A : memref<!tpu.dma_semaphore, #tpu.memory_space<semaphore_mem>>) src(%dma_wait3A_27 : memref<16xi32, #tpu.memory_space<hbm>>) dst(%arg10 : memref<16xi32, #tpu.memory_space<vmem>>)
        tpu.yield
      }) : () -> ()
      "tpu.region"() ({
        %run_scoped3A = tpu.sem_alloc : memref<!tpu.dma_semaphore, #tpu.memory_space<semaphore_mem>>
        %dma_start3A = arith.constant 0 : i32
        %dma_start3A_26 = arith.constant 0 : i32
        %dma_start3A_27 = tpu.memref_slice %arg3[%dma_start3A, %dma_start3A_26] : memref<10000x128xf32, #tpu.memory_space<hbm>> -> memref<10000x128xf32, #tpu.memory_space<hbm>>
        tpu.enqueue_indirect_dma source(%dma_start3A_27 : memref<10000x128xf32, #tpu.memory_space<hbm>>) target(%arg12 : memref<16x128xf32, #tpu.memory_space<vmem>>) offsets(%arg10 : memref<16xi32, #tpu.memory_space<vmem>>) semaphore(%run_scoped3A : memref<!tpu.dma_semaphore, #tpu.memory_space<semaphore_mem>>)
        %dma_wait3A = arith.constant 0 : i32
        %dma_wait3A_28 = arith.constant 0 : i32
        %dma_wait3A_29 = tpu.memref_slice %arg3[%dma_wait3A, %dma_wait3A_28] : memref<10000x128xf32, #tpu.memory_space<hbm>> -> memref<10000x128xf32, #tpu.memory_space<hbm>>
        tpu.wait_indirect_dma semaphore(%run_scoped3A : memref<!tpu.dma_semaphore, #tpu.memory_space<semaphore_mem>>) src(%dma_wait3A_29 : memref<10000x128xf32, #tpu.memory_space<hbm>>) dst(%arg12 : memref<16x128xf32, #tpu.memory_space<vmem>>)
        tpu.yield
      }) : () -> ()
      "tpu.region"() ({
        %run_scoped3A = tpu.sem_alloc : memref<!tpu.dma_semaphore, #tpu.memory_space<semaphore_mem>>
        %dma_start3A = tpu.memref_slice %arg5[%add3A_25] : memref<160000xi32, #tpu.memory_space<hbm>> -> memref<16xi32, #tpu.memory_space<hbm>>
        %dma_start3A_26 = tpu.memref_slice %arg5[%add3A_25] : memref<160000xi32, #tpu.memory_space<hbm>> -> memref<16xi32, #tpu.memory_space<hbm>>
        tpu.enqueue_dma source(%dma_start3A_26 : memref<16xi32, #tpu.memory_space<hbm>>) target(%arg10 : memref<16xi32, #tpu.memory_space<vmem>>) target_semaphore(%run_scoped3A : memref<!tpu.dma_semaphore, #tpu.memory_space<semaphore_mem>>)
        %dma_wait3A = tpu.memref_slice %arg5[%add3A_25] : memref<160000xi32, #tpu.memory_space<hbm>> -> memref<16xi32, #tpu.memory_space<hbm>>
        %dma_wait3A_27 = tpu.memref_slice %arg5[%add3A_25] : memref<160000xi32, #tpu.memory_space<hbm>> -> memref<16xi32, #tpu.memory_space<hbm>>
        tpu.wait_dma2 semaphore(%run_scoped3A : memref<!tpu.dma_semaphore, #tpu.memory_space<semaphore_mem>>) src(%dma_wait3A_27 : memref<16xi32, #tpu.memory_space<hbm>>) dst(%arg10 : memref<16xi32, #tpu.memory_space<vmem>>)
        tpu.yield
      }) : () -> ()
      "tpu.region"() ({
        %run_scoped3A = tpu.sem_alloc : memref<!tpu.dma_semaphore, #tpu.memory_space<semaphore_mem>>
        %dma_start3A = arith.constant 0 : i32
        %dma_start3A_26 = arith.constant 0 : i32
        %dma_start3A_27 = tpu.memref_slice %arg13[%dma_start3A, %dma_start3A_26] : memref<10240x128xf32, #tpu.memory_space<vmem_shared>> -> memref<10240x128xf32, #tpu.memory_space<vmem_shared>>
        tpu.enqueue_indirect_dma source(%arg12 : memref<16x128xf32, #tpu.memory_space<vmem>>) target(%dma_start3A_27 : memref<10240x128xf32, #tpu.memory_space<vmem_shared>>) offsets(%arg10 : memref<16xi32, #tpu.memory_space<vmem>>) semaphore(%run_scoped3A : memref<!tpu.dma_semaphore, #tpu.memory_space<semaphore_mem>>) {add = true}
        %dma_wait3A = arith.constant 0 : i32
        %dma_wait3A_28 = arith.constant 0 : i32
        %dma_wait3A_29 = tpu.memref_slice %arg13[%dma_wait3A, %dma_wait3A_28] : memref<10240x128xf32, #tpu.memory_space<vmem_shared>> -> memref<10240x128xf32, #tpu.memory_space<vmem_shared>>
        tpu.wait_indirect_dma semaphore(%run_scoped3A : memref<!tpu.dma_semaphore, #tpu.memory_space<semaphore_mem>>) src(%arg12 : memref<16x128xf32, #tpu.memory_space<vmem>>) dst(%dma_wait3A_29 : memref<10240x128xf32, #tpu.memory_space<vmem_shared>>)
        tpu.yield
      }) : () -> ()
    } else {
    }
    %barrier3A_8 = arith.constant 0 : index
    tpu.barrier barrier_id(%barrier3A_8)
    %eq3A_9 = arith.constant 0 : i32
    %eq3A_10 = arith.cmpi eq, %arg0, %eq3A_9 : i32
    %convert_element_type3A_11 = arith.extui %eq3A_10 : i1 to i32
    %cond3A_12 = arith.constant 0 : i32
    %cond3A_13 = arith.cmpi ne, %convert_element_type3A_11, %cond3A_12 : i32
    scf.if %cond3A_13 {
      "tpu.region"() ({
        %run_scoped3A = tpu.sem_alloc : memref<!tpu.dma_semaphore, #tpu.memory_space<semaphore_mem>>
        %dma_start3A = arith.constant 0 : i32
        %dma_start3A_19 = tpu.memref_slice %arg7[%mul3A_0, %dma_start3A] : memref<10240x128xf32, #tpu.memory_space<hbm>> -> memref<640x128xf32, #tpu.memory_space<hbm>>
        %dma_start3A_20 = arith.constant 0 : i32
        %dma_start3A_21 = tpu.memref_slice %arg13[%mul3A_0, %dma_start3A_20] : memref<10240x128xf32, #tpu.memory_space<vmem_shared>> -> memref<640x128xf32, #tpu.memory_space<vmem_shared>>
        tpu.enqueue_dma source(%dma_start3A_21 : memref<640x128xf32, #tpu.memory_space<vmem_shared>>) target(%dma_start3A_19 : memref<640x128xf32, #tpu.memory_space<hbm>>) target_semaphore(%run_scoped3A : memref<!tpu.dma_semaphore, #tpu.memory_space<semaphore_mem>>)
        %dma_wait3A = arith.constant 0 : i32
        %dma_wait3A_22 = tpu.memref_slice %arg7[%mul3A_0, %dma_wait3A] : memref<10240x128xf32, #tpu.memory_space<hbm>> -> memref<640x128xf32, #tpu.memory_space<hbm>>
        %dma_wait3A_23 = arith.constant 0 : i32
        %dma_wait3A_24 = tpu.memref_slice %arg13[%mul3A_0, %dma_wait3A_23] : memref<10240x128xf32, #tpu.memory_space<vmem_shared>> -> memref<640x128xf32, #tpu.memory_space<vmem_shared>>
        tpu.wait_dma2 semaphore(%run_scoped3A : memref<!tpu.dma_semaphore, #tpu.memory_space<semaphore_mem>>) src(%dma_wait3A_24 : memref<640x128xf32, #tpu.memory_space<vmem_shared>>) dst(%dma_wait3A_22 : memref<640x128xf32, #tpu.memory_space<hbm>>)
        tpu.yield
      }) : () -> ()
    } else {
    }
    %eq3A_14 = arith.constant 1 : i32
    %eq3A_15 = arith.cmpi eq, %arg0, %eq3A_14 : i32
    %convert_element_type3A_16 = arith.extui %eq3A_15 : i1 to i32
    %cond3A_17 = arith.constant 0 : i32
    %cond3A_18 = arith.cmpi ne, %convert_element_type3A_16, %cond3A_17 : i32
    scf.if %cond3A_18 {
      "tpu.region"() ({
        %run_scoped3A = tpu.sem_alloc : memref<!tpu.dma_semaphore, #tpu.memory_space<semaphore_mem>>
        %dma_start3A = arith.constant 0 : i32
        %dma_start3A_19 = tpu.memref_slice %arg8[%mul3A_0, %dma_start3A] : memref<10240x128xf32, #tpu.memory_space<hbm>> -> memref<640x128xf32, #tpu.memory_space<hbm>>
        %dma_start3A_20 = arith.constant 0 : i32
        %dma_start3A_21 = tpu.memref_slice %arg13[%mul3A_0, %dma_start3A_20] : memref<10240x128xf32, #tpu.memory_space<vmem_shared>> -> memref<640x128xf32, #tpu.memory_space<vmem_shared>>
        tpu.enqueue_dma source(%dma_start3A_21 : memref<640x128xf32, #tpu.memory_space<vmem_shared>>) target(%dma_start3A_19 : memref<640x128xf32, #tpu.memory_space<hbm>>) target_semaphore(%run_scoped3A : memref<!tpu.dma_semaphore, #tpu.memory_space<semaphore_mem>>)
        %dma_wait3A = arith.constant 0 : i32
        %dma_wait3A_22 = tpu.memref_slice %arg8[%mul3A_0, %dma_wait3A] : memref<10240x128xf32, #tpu.memory_space<hbm>> -> memref<640x128xf32, #tpu.memory_space<hbm>>
        %dma_wait3A_23 = arith.constant 0 : i32
        %dma_wait3A_24 = tpu.memref_slice %arg13[%mul3A_0, %dma_wait3A_23] : memref<10240x128xf32, #tpu.memory_space<vmem_shared>> -> memref<640x128xf32, #tpu.memory_space<vmem_shared>>
        tpu.wait_dma2 semaphore(%run_scoped3A : memref<!tpu.dma_semaphore, #tpu.memory_space<semaphore_mem>>) src(%dma_wait3A_24 : memref<640x128xf32, #tpu.memory_space<vmem_shared>>) dst(%dma_wait3A_22 : memref<640x128xf32, #tpu.memory_space<hbm>>)
        tpu.yield
      }) : () -> ()
    } else {
    }
    return
  }
}

#map = affine_map<(d0, d1) -> (0, 0)>
#map1 = affine_map<(d0, d1) -> (0)>
module attributes {stable_mosaic.version = 14 : i64} {
  func.func @segsum(%arg0: i32, %arg1: i32, %arg2: memref<10000x128xf32, #tpu.memory_space<hbm>>, %arg3: memref<10000x128xf32, #tpu.memory_space<hbm>>, %arg4: memref<160000xi32, #tpu.memory_space<hbm>>, %arg5: memref<160000xi32, #tpu.memory_space<hbm>>, %arg6: memref<10240x128xf32, #tpu.memory_space<hbm>>, %arg7: memref<10240x128xf32, #tpu.memory_space<hbm>>, %arg8: memref<10240x128xf32, #tpu.memory_space<hbm>>, %arg9: memref<128xi32, #tpu.memory_space<vmem>>, %arg10: memref<16xi32, #tpu.memory_space<vmem>>, %arg11: memref<128x128xf32, #tpu.memory_space<vmem>>, %arg12: memref<16x128xf32, #tpu.memory_space<vmem>>, %arg13: memref<10240x128xf32, #tpu.memory_space<vmem_shared>>) attributes {dimension_semantics = [#tpu.dimension_semantics<core_parallel>, #tpu.dimension_semantics<subcore_parallel>], iteration_bounds = array<i64: 2, 16>, scalar_prefetch = 0 : i64, scratch_operands = 5 : i64, tpu.core_type = #tpu.core_type<sc_vector_subcore>, window_params = [{transform_indices = #map}, {transform_indices = #map}, {transform_indices = #map1}, {transform_indices = #map1}, {transform_indices = #map}, {transform_indices = #map}, {transform_indices = #map}]} {
    %mul3A = arith.constant 640 : i32
    %mul3A_0 = arith.muli %arg1, %mul3A : i32
    "tpu.region"() ({
      %run_scoped3A = tpu.sem_alloc : memref<!tpu.dma_semaphore, #tpu.memory_space<semaphore_mem>>
      %dma_start3A = arith.constant 0 : i32
      %dma_start3A_19 = tpu.memref_slice %arg13[%mul3A_0, %dma_start3A] : memref<10240x128xf32, #tpu.memory_space<vmem_shared>> -> memref<640x128xf32, #tpu.memory_space<vmem_shared>>
      %dma_start3A_20 = arith.constant 0 : i32
      %dma_start3A_21 = tpu.memref_slice %arg6[%mul3A_0, %dma_start3A_20] : memref<10240x128xf32, #tpu.memory_space<hbm>> -> memref<640x128xf32, #tpu.memory_space<hbm>>
      tpu.enqueue_dma source(%dma_start3A_21 : memref<640x128xf32, #tpu.memory_space<hbm>>) target(%dma_start3A_19 : memref<640x128xf32, #tpu.memory_space<vmem_shared>>) target_semaphore(%run_scoped3A : memref<!tpu.dma_semaphore, #tpu.memory_space<semaphore_mem>>)
      %dma_wait3A = arith.constant 0 : i32
      %dma_wait3A_22 = tpu.memref_slice %arg13[%mul3A_0, %dma_wait3A] : memref<10240x128xf32, #tpu.memory_space<vmem_shared>> -> memref<640x128xf32, #tpu.memory_space<vmem_shared>>
      %dma_wait3A_23 = arith.constant 0 : i32
      %dma_wait3A_24 = tpu.memref_slice %arg6[%mul3A_0, %dma_wait3A_23] : memref<10240x128xf32, #tpu.memory_space<hbm>> -> memref<640x128xf32, #tpu.memory_space<hbm>>
      tpu.wait_dma2 semaphore(%run_scoped3A : memref<!tpu.dma_semaphore, #tpu.memory_space<semaphore_mem>>) src(%dma_wait3A_24 : memref<640x128xf32, #tpu.memory_space<hbm>>) dst(%dma_wait3A_22 : memref<640x128xf32, #tpu.memory_space<vmem_shared>>)
      tpu.yield
    }) : () -> ()
    %barrier3A = arith.constant 0 : index
    tpu.barrier barrier_id(%barrier3A)
    %eq3A = arith.constant 0 : i32
    %eq3A_1 = arith.cmpi eq, %arg0, %eq3A : i32
    %convert_element_type3A = arith.extui %eq3A_1 : i1 to i32
    %cond3A = arith.constant 0 : i32
    %cond3A_2 = arith.cmpi ne, %convert_element_type3A, %cond3A : i32
    scf.if %cond3A_2 {
      %scan3A = arith.constant 0 : i32
      %scan3A_19 = arith.constant 78 : i32
      %scan3A_20 = arith.addi %scan3A, %scan3A_19 : i32
      %scan3A_21 = arith.constant 1 : i32
      scf.for %scan3A_26 = %scan3A to %scan3A_20 step %scan3A_21  : i32 {
        %mul3A_27 = arith.constant 1 : i32
        %mul3A_28 = arith.muli %scan3A_26, %mul3A_27 : i32
        %add3A_29 = arith.constant 0 : i32
        %add3A_30 = arith.addi %add3A_29, %mul3A_28 : i32
        %mul3A_31 = arith.constant 10000 : i32
        %mul3A_32 = arith.muli %arg1, %mul3A_31 : i32
        %mul3A_33 = arith.constant 128 : i32
        %mul3A_34 = arith.muli %add3A_30, %mul3A_33 : i32
        %add3A_35 = arith.addi %mul3A_32, %mul3A_34 : i32
        "tpu.region"() ({
          %run_scoped3A = tpu.sem_alloc : memref<!tpu.dma_semaphore, #tpu.memory_space<semaphore_mem>>
          %dma_start3A = tpu.memref_slice %arg4[%add3A_35] : memref<160000xi32, #tpu.memory_space<hbm>> -> memref<128xi32, #tpu.memory_space<hbm>>
          %dma_start3A_36 = tpu.memref_slice %arg4[%add3A_35] : memref<160000xi32, #tpu.memory_space<hbm>> -> memref<128xi32, #tpu.memory_space<hbm>>
          tpu.enqueue_dma source(%dma_start3A_36 : memref<128xi32, #tpu.memory_space<hbm>>) target(%arg9 : memref<128xi32, #tpu.memory_space<vmem>>) target_semaphore(%run_scoped3A : memref<!tpu.dma_semaphore, #tpu.memory_space<semaphore_mem>>)
          %dma_wait3A = tpu.memref_slice %arg4[%add3A_35] : memref<160000xi32, #tpu.memory_space<hbm>> -> memref<128xi32, #tpu.memory_space<hbm>>
          %dma_wait3A_37 = tpu.memref_slice %arg4[%add3A_35] : memref<160000xi32, #tpu.memory_space<hbm>> -> memref<128xi32, #tpu.memory_space<hbm>>
          tpu.wait_dma2 semaphore(%run_scoped3A : memref<!tpu.dma_semaphore, #tpu.memory_space<semaphore_mem>>) src(%dma_wait3A_37 : memref<128xi32, #tpu.memory_space<hbm>>) dst(%arg9 : memref<128xi32, #tpu.memory_space<vmem>>)
          tpu.yield
        }) : () -> ()
        "tpu.region"() ({
          %run_scoped3A = tpu.sem_alloc : memref<!tpu.dma_semaphore, #tpu.memory_space<semaphore_mem>>
          %dma_start3A = arith.constant 0 : i32
          %dma_start3A_36 = arith.constant 0 : i32
          %dma_start3A_37 = tpu.memref_slice %arg2[%dma_start3A, %dma_start3A_36] : memref<10000x128xf32, #tpu.memory_space<hbm>> -> memref<10000x128xf32, #tpu.memory_space<hbm>>
          tpu.enqueue_indirect_dma source(%dma_start3A_37 : memref<10000x128xf32, #tpu.memory_space<hbm>>) target(%arg11 : memref<128x128xf32, #tpu.memory_space<vmem>>) offsets(%arg9 : memref<128xi32, #tpu.memory_space<vmem>>) semaphore(%run_scoped3A : memref<!tpu.dma_semaphore, #tpu.memory_space<semaphore_mem>>)
          %dma_wait3A = arith.constant 0 : i32
          %dma_wait3A_38 = arith.constant 0 : i32
          %dma_wait3A_39 = tpu.memref_slice %arg2[%dma_wait3A, %dma_wait3A_38] : memref<10000x128xf32, #tpu.memory_space<hbm>> -> memref<10000x128xf32, #tpu.memory_space<hbm>>
          tpu.wait_indirect_dma semaphore(%run_scoped3A : memref<!tpu.dma_semaphore, #tpu.memory_space<semaphore_mem>>) src(%dma_wait3A_39 : memref<10000x128xf32, #tpu.memory_space<hbm>>) dst(%arg11 : memref<128x128xf32, #tpu.memory_space<vmem>>)
          tpu.yield
        }) : () -> ()
        "tpu.region"() ({
          %run_scoped3A = tpu.sem_alloc : memref<!tpu.dma_semaphore, #tpu.memory_space<semaphore_mem>>
          %dma_start3A = tpu.memref_slice %arg5[%add3A_35] : memref<160000xi32, #tpu.memory_space<hbm>> -> memref<128xi32, #tpu.memory_space<hbm>>
          %dma_start3A_36 = tpu.memref_slice %arg5[%add3A_35] : memref<160000xi32, #tpu.memory_space<hbm>> -> memref<128xi32, #tpu.memory_space<hbm>>
          tpu.enqueue_dma source(%dma_start3A_36 : memref<128xi32, #tpu.memory_space<hbm>>) target(%arg9 : memref<128xi32, #tpu.memory_space<vmem>>) target_semaphore(%run_scoped3A : memref<!tpu.dma_semaphore, #tpu.memory_space<semaphore_mem>>)
          %dma_wait3A = tpu.memref_slice %arg5[%add3A_35] : memref<160000xi32, #tpu.memory_space<hbm>> -> memref<128xi32, #tpu.memory_space<hbm>>
          %dma_wait3A_37 = tpu.memref_slice %arg5[%add3A_35] : memref<160000xi32, #tpu.memory_space<hbm>> -> memref<128xi32, #tpu.memory_space<hbm>>
          tpu.wait_dma2 semaphore(%run_scoped3A : memref<!tpu.dma_semaphore, #tpu.memory_space<semaphore_mem>>) src(%dma_wait3A_37 : memref<128xi32, #tpu.memory_space<hbm>>) dst(%arg9 : memref<128xi32, #tpu.memory_space<vmem>>)
          tpu.yield
        }) : () -> ()
        "tpu.region"() ({
          %run_scoped3A = tpu.sem_alloc : memref<!tpu.dma_semaphore, #tpu.memory_space<semaphore_mem>>
          %dma_start3A = arith.constant 0 : i32
          %dma_start3A_36 = arith.constant 0 : i32
          %dma_start3A_37 = tpu.memref_slice %arg13[%dma_start3A, %dma_start3A_36] : memref<10240x128xf32, #tpu.memory_space<vmem_shared>> -> memref<10240x128xf32, #tpu.memory_space<vmem_shared>>
          tpu.enqueue_indirect_dma source(%arg11 : memref<128x128xf32, #tpu.memory_space<vmem>>) target(%dma_start3A_37 : memref<10240x128xf32, #tpu.memory_space<vmem_shared>>) offsets(%arg9 : memref<128xi32, #tpu.memory_space<vmem>>) semaphore(%run_scoped3A : memref<!tpu.dma_semaphore, #tpu.memory_space<semaphore_mem>>) {add = true}
          %dma_wait3A = arith.constant 0 : i32
          %dma_wait3A_38 = arith.constant 0 : i32
          %dma_wait3A_39 = tpu.memref_slice %arg13[%dma_wait3A, %dma_wait3A_38] : memref<10240x128xf32, #tpu.memory_space<vmem_shared>> -> memref<10240x128xf32, #tpu.memory_space<vmem_shared>>
          tpu.wait_indirect_dma semaphore(%run_scoped3A : memref<!tpu.dma_semaphore, #tpu.memory_space<semaphore_mem>>) src(%arg11 : memref<128x128xf32, #tpu.memory_space<vmem>>) dst(%dma_wait3A_39 : memref<10240x128xf32, #tpu.memory_space<vmem_shared>>)
          tpu.yield
        }) : () -> ()
      }
      %scan3A_22 = arith.constant 78 : i32
      %mul3A_23 = arith.constant 10000 : i32
      %mul3A_24 = arith.muli %arg1, %mul3A_23 : i32
      %add3A = arith.constant 9984 : i32
      %add3A_25 = arith.addi %mul3A_24, %add3A : i32
      "tpu.region"() ({
        %run_scoped3A = tpu.sem_alloc : memref<!tpu.dma_semaphore, #tpu.memory_space<semaphore_mem>>
        %dma_start3A = tpu.memref_slice %arg4[%add3A_25] : memref<160000xi32, #tpu.memory_space<hbm>> -> memref<16xi32, #tpu.memory_space<hbm>>
        %dma_start3A_26 = tpu.memref_slice %arg4[%add3A_25] : memref<160000xi32, #tpu.memory_space<hbm>> -> memref<16xi32, #tpu.memory_space<hbm>>
        tpu.enqueue_dma source(%dma_start3A_26 : memref<16xi32, #tpu.memory_space<hbm>>) target(%arg10 : memref<16xi32, #tpu.memory_space<vmem>>) target_semaphore(%run_scoped3A : memref<!tpu.dma_semaphore, #tpu.memory_space<semaphore_mem>>)
        %dma_wait3A = tpu.memref_slice %arg4[%add3A_25] : memref<160000xi32, #tpu.memory_space<hbm>> -> memref<16xi32, #tpu.memory_space<hbm>>
        %dma_wait3A_27 = tpu.memref_slice %arg4[%add3A_25] : memref<160000xi32, #tpu.memory_space<hbm>> -> memref<16xi32, #tpu.memory_space<hbm>>
        tpu.wait_dma2 semaphore(%run_scoped3A : memref<!tpu.dma_semaphore, #tpu.memory_space<semaphore_mem>>) src(%dma_wait3A_27 : memref<16xi32, #tpu.memory_space<hbm>>) dst(%arg10 : memref<16xi32, #tpu.memory_space<vmem>>)
        tpu.yield
      }) : () -> ()
      "tpu.region"() ({
        %run_scoped3A = tpu.sem_alloc : memref<!tpu.dma_semaphore, #tpu.memory_space<semaphore_mem>>
        %dma_start3A = arith.constant 0 : i32
        %dma_start3A_26 = arith.constant 0 : i32
        %dma_start3A_27 = tpu.memref_slice %arg2[%dma_start3A, %dma_start3A_26] : memref<10000x128xf32, #tpu.memory_space<hbm>> -> memref<10000x128xf32, #tpu.memory_space<hbm>>
        tpu.enqueue_indirect_dma source(%dma_start3A_27 : memref<10000x128xf32, #tpu.memory_space<hbm>>) target(%arg12 : memref<16x128xf32, #tpu.memory_space<vmem>>) offsets(%arg10 : memref<16xi32, #tpu.memory_space<vmem>>) semaphore(%run_scoped3A : memref<!tpu.dma_semaphore, #tpu.memory_space<semaphore_mem>>)
        %dma_wait3A = arith.constant 0 : i32
        %dma_wait3A_28 = arith.constant 0 : i32
        %dma_wait3A_29 = tpu.memref_slice %arg2[%dma_wait3A, %dma_wait3A_28] : memref<10000x128xf32, #tpu.memory_space<hbm>> -> memref<10000x128xf32, #tpu.memory_space<hbm>>
        tpu.wait_indirect_dma semaphore(%run_scoped3A : memref<!tpu.dma_semaphore, #tpu.memory_space<semaphore_mem>>) src(%dma_wait3A_29 : memref<10000x128xf32, #tpu.memory_space<hbm>>) dst(%arg12 : memref<16x128xf32, #tpu.memory_space<vmem>>)
        tpu.yield
      }) : () -> ()
      "tpu.region"() ({
        %run_scoped3A = tpu.sem_alloc : memref<!tpu.dma_semaphore, #tpu.memory_space<semaphore_mem>>
        %dma_start3A = tpu.memref_slice %arg5[%add3A_25] : memref<160000xi32, #tpu.memory_space<hbm>> -> memref<16xi32, #tpu.memory_space<hbm>>
        %dma_start3A_26 = tpu.memref_slice %arg5[%add3A_25] : memref<160000xi32, #tpu.memory_space<hbm>> -> memref<16xi32, #tpu.memory_space<hbm>>
        tpu.enqueue_dma source(%dma_start3A_26 : memref<16xi32, #tpu.memory_space<hbm>>) target(%arg10 : memref<16xi32, #tpu.memory_space<vmem>>) target_semaphore(%run_scoped3A : memref<!tpu.dma_semaphore, #tpu.memory_space<semaphore_mem>>)
        %dma_wait3A = tpu.memref_slice %arg5[%add3A_25] : memref<160000xi32, #tpu.memory_space<hbm>> -> memref<16xi32, #tpu.memory_space<hbm>>
        %dma_wait3A_27 = tpu.memref_slice %arg5[%add3A_25] : memref<160000xi32, #tpu.memory_space<hbm>> -> memref<16xi32, #tpu.memory_space<hbm>>
        tpu.wait_dma2 semaphore(%run_scoped3A : memref<!tpu.dma_semaphore, #tpu.memory_space<semaphore_mem>>) src(%dma_wait3A_27 : memref<16xi32, #tpu.memory_space<hbm>>) dst(%arg10 : memref<16xi32, #tpu.memory_space<vmem>>)
        tpu.yield
      }) : () -> ()
      "tpu.region"() ({
        %run_scoped3A = tpu.sem_alloc : memref<!tpu.dma_semaphore, #tpu.memory_space<semaphore_mem>>
        %dma_start3A = arith.constant 0 : i32
        %dma_start3A_26 = arith.constant 0 : i32
        %dma_start3A_27 = tpu.memref_slice %arg13[%dma_start3A, %dma_start3A_26] : memref<10240x128xf32, #tpu.memory_space<vmem_shared>> -> memref<10240x128xf32, #tpu.memory_space<vmem_shared>>
        tpu.enqueue_indirect_dma source(%arg12 : memref<16x128xf32, #tpu.memory_space<vmem>>) target(%dma_start3A_27 : memref<10240x128xf32, #tpu.memory_space<vmem_shared>>) offsets(%arg10 : memref<16xi32, #tpu.memory_space<vmem>>) semaphore(%run_scoped3A : memref<!tpu.dma_semaphore, #tpu.memory_space<semaphore_mem>>) {add = true}
        %dma_wait3A = arith.constant 0 : i32
        %dma_wait3A_28 = arith.constant 0 : i32
        %dma_wait3A_29 = tpu.memref_slice %arg13[%dma_wait3A, %dma_wait3A_28] : memref<10240x128xf32, #tpu.memory_space<vmem_shared>> -> memref<10240x128xf32, #tpu.memory_space<vmem_shared>>
        tpu.wait_indirect_dma semaphore(%run_scoped3A : memref<!tpu.dma_semaphore, #tpu.memory_space<semaphore_mem>>) src(%arg12 : memref<16x128xf32, #tpu.memory_space<vmem>>) dst(%dma_wait3A_29 : memref<10240x128xf32, #tpu.memory_space<vmem_shared>>)
        tpu.yield
      }) : () -> ()
    } else {
    }
    %eq3A_3 = arith.constant 1 : i32
    %eq3A_4 = arith.cmpi eq, %arg0, %eq3A_3 : i32
    %convert_element_type3A_5 = arith.extui %eq3A_4 : i1 to i32
    %cond3A_6 = arith.constant 0 : i32
    %cond3A_7 = arith.cmpi ne, %convert_element_type3A_5, %cond3A_6 : i32
    scf.if %cond3A_7 {
      %scan3A = arith.constant 0 : i32
      %scan3A_19 = arith.constant 78 : i32
      %scan3A_20 = arith.addi %scan3A, %scan3A_19 : i32
      %scan3A_21 = arith.constant 1 : i32
      scf.for %scan3A_26 = %scan3A to %scan3A_20 step %scan3A_21  : i32 {
        %mul3A_27 = arith.constant 1 : i32
        %mul3A_28 = arith.muli %scan3A_26, %mul3A_27 : i32
        %add3A_29 = arith.constant 0 : i32
        %add3A_30 = arith.addi %add3A_29, %mul3A_28 : i32
        %mul3A_31 = arith.constant 10000 : i32
        %mul3A_32 = arith.muli %arg1, %mul3A_31 : i32
        %mul3A_33 = arith.constant 128 : i32
        %mul3A_34 = arith.muli %add3A_30, %mul3A_33 : i32
        %add3A_35 = arith.addi %mul3A_32, %mul3A_34 : i32
        "tpu.region"() ({
          %run_scoped3A = tpu.sem_alloc : memref<!tpu.dma_semaphore, #tpu.memory_space<semaphore_mem>>
          %dma_start3A = tpu.memref_slice %arg4[%add3A_35] : memref<160000xi32, #tpu.memory_space<hbm>> -> memref<128xi32, #tpu.memory_space<hbm>>
          %dma_start3A_36 = tpu.memref_slice %arg4[%add3A_35] : memref<160000xi32, #tpu.memory_space<hbm>> -> memref<128xi32, #tpu.memory_space<hbm>>
          tpu.enqueue_dma source(%dma_start3A_36 : memref<128xi32, #tpu.memory_space<hbm>>) target(%arg9 : memref<128xi32, #tpu.memory_space<vmem>>) target_semaphore(%run_scoped3A : memref<!tpu.dma_semaphore, #tpu.memory_space<semaphore_mem>>)
          %dma_wait3A = tpu.memref_slice %arg4[%add3A_35] : memref<160000xi32, #tpu.memory_space<hbm>> -> memref<128xi32, #tpu.memory_space<hbm>>
          %dma_wait3A_37 = tpu.memref_slice %arg4[%add3A_35] : memref<160000xi32, #tpu.memory_space<hbm>> -> memref<128xi32, #tpu.memory_space<hbm>>
          tpu.wait_dma2 semaphore(%run_scoped3A : memref<!tpu.dma_semaphore, #tpu.memory_space<semaphore_mem>>) src(%dma_wait3A_37 : memref<128xi32, #tpu.memory_space<hbm>>) dst(%arg9 : memref<128xi32, #tpu.memory_space<vmem>>)
          tpu.yield
        }) : () -> ()
        "tpu.region"() ({
          %run_scoped3A = tpu.sem_alloc : memref<!tpu.dma_semaphore, #tpu.memory_space<semaphore_mem>>
          %dma_start3A = arith.constant 0 : i32
          %dma_start3A_36 = arith.constant 0 : i32
          %dma_start3A_37 = tpu.memref_slice %arg3[%dma_start3A, %dma_start3A_36] : memref<10000x128xf32, #tpu.memory_space<hbm>> -> memref<10000x128xf32, #tpu.memory_space<hbm>>
          tpu.enqueue_indirect_dma source(%dma_start3A_37 : memref<10000x128xf32, #tpu.memory_space<hbm>>) target(%arg11 : memref<128x128xf32, #tpu.memory_space<vmem>>) offsets(%arg9 : memref<128xi32, #tpu.memory_space<vmem>>) semaphore(%run_scoped3A : memref<!tpu.dma_semaphore, #tpu.memory_space<semaphore_mem>>)
          %dma_wait3A = arith.constant 0 : i32
          %dma_wait3A_38 = arith.constant 0 : i32
          %dma_wait3A_39 = tpu.memref_slice %arg3[%dma_wait3A, %dma_wait3A_38] : memref<10000x128xf32, #tpu.memory_space<hbm>> -> memref<10000x128xf32, #tpu.memory_space<hbm>>
          tpu.wait_indirect_dma semaphore(%run_scoped3A : memref<!tpu.dma_semaphore, #tpu.memory_space<semaphore_mem>>) src(%dma_wait3A_39 : memref<10000x128xf32, #tpu.memory_space<hbm>>) dst(%arg11 : memref<128x128xf32, #tpu.memory_space<vmem>>)
          tpu.yield
        }) : () -> ()
        "tpu.region"() ({
          %run_scoped3A = tpu.sem_alloc : memref<!tpu.dma_semaphore, #tpu.memory_space<semaphore_mem>>
          %dma_start3A = tpu.memref_slice %arg5[%add3A_35] : memref<160000xi32, #tpu.memory_space<hbm>> -> memref<128xi32, #tpu.memory_space<hbm>>
          %dma_start3A_36 = tpu.memref_slice %arg5[%add3A_35] : memref<160000xi32, #tpu.memory_space<hbm>> -> memref<128xi32, #tpu.memory_space<hbm>>
          tpu.enqueue_dma source(%dma_start3A_36 : memref<128xi32, #tpu.memory_space<hbm>>) target(%arg9 : memref<128xi32, #tpu.memory_space<vmem>>) target_semaphore(%run_scoped3A : memref<!tpu.dma_semaphore, #tpu.memory_space<semaphore_mem>>)
          %dma_wait3A = tpu.memref_slice %arg5[%add3A_35] : memref<160000xi32, #tpu.memory_space<hbm>> -> memref<128xi32, #tpu.memory_space<hbm>>
          %dma_wait3A_37 = tpu.memref_slice %arg5[%add3A_35] : memref<160000xi32, #tpu.memory_space<hbm>> -> memref<128xi32, #tpu.memory_space<hbm>>
          tpu.wait_dma2 semaphore(%run_scoped3A : memref<!tpu.dma_semaphore, #tpu.memory_space<semaphore_mem>>) src(%dma_wait3A_37 : memref<128xi32, #tpu.memory_space<hbm>>) dst(%arg9 : memref<128xi32, #tpu.memory_space<vmem>>)
          tpu.yield
        }) : () -> ()
        "tpu.region"() ({
          %run_scoped3A = tpu.sem_alloc : memref<!tpu.dma_semaphore, #tpu.memory_space<semaphore_mem>>
          %dma_start3A = arith.constant 0 : i32
          %dma_start3A_36 = arith.constant 0 : i32
          %dma_start3A_37 = tpu.memref_slice %arg13[%dma_start3A, %dma_start3A_36] : memref<10240x128xf32, #tpu.memory_space<vmem_shared>> -> memref<10240x128xf32, #tpu.memory_space<vmem_shared>>
          tpu.enqueue_indirect_dma source(%arg11 : memref<128x128xf32, #tpu.memory_space<vmem>>) target(%dma_start3A_37 : memref<10240x128xf32, #tpu.memory_space<vmem_shared>>) offsets(%arg9 : memref<128xi32, #tpu.memory_space<vmem>>) semaphore(%run_scoped3A : memref<!tpu.dma_semaphore, #tpu.memory_space<semaphore_mem>>) {add = true}
          %dma_wait3A = arith.constant 0 : i32
          %dma_wait3A_38 = arith.constant 0 : i32
          %dma_wait3A_39 = tpu.memref_slice %arg13[%dma_wait3A, %dma_wait3A_38] : memref<10240x128xf32, #tpu.memory_space<vmem_shared>> -> memref<10240x128xf32, #tpu.memory_space<vmem_shared>>
          tpu.wait_indirect_dma semaphore(%run_scoped3A : memref<!tpu.dma_semaphore, #tpu.memory_space<semaphore_mem>>) src(%arg11 : memref<128x128xf32, #tpu.memory_space<vmem>>) dst(%dma_wait3A_39 : memref<10240x128xf32, #tpu.memory_space<vmem_shared>>)
          tpu.yield
        }) : () -> ()
      }
      %scan3A_22 = arith.constant 78 : i32
      %mul3A_23 = arith.constant 10000 : i32
      %mul3A_24 = arith.muli %arg1, %mul3A_23 : i32
      %add3A = arith.constant 9984 : i32
      %add3A_25 = arith.addi %mul3A_24, %add3A : i32
      "tpu.region"() ({
        %run_scoped3A = tpu.sem_alloc : memref<!tpu.dma_semaphore, #tpu.memory_space<semaphore_mem>>
        %dma_start3A = tpu.memref_slice %arg4[%add3A_25] : memref<160000xi32, #tpu.memory_space<hbm>> -> memref<16xi32, #tpu.memory_space<hbm>>
        %dma_start3A_26 = tpu.memref_slice %arg4[%add3A_25] : memref<160000xi32, #tpu.memory_space<hbm>> -> memref<16xi32, #tpu.memory_space<hbm>>
        tpu.enqueue_dma source(%dma_start3A_26 : memref<16xi32, #tpu.memory_space<hbm>>) target(%arg10 : memref<16xi32, #tpu.memory_space<vmem>>) target_semaphore(%run_scoped3A : memref<!tpu.dma_semaphore, #tpu.memory_space<semaphore_mem>>)
        %dma_wait3A = tpu.memref_slice %arg4[%add3A_25] : memref<160000xi32, #tpu.memory_space<hbm>> -> memref<16xi32, #tpu.memory_space<hbm>>
        %dma_wait3A_27 = tpu.memref_slice %arg4[%add3A_25] : memref<160000xi32, #tpu.memory_space<hbm>> -> memref<16xi32, #tpu.memory_space<hbm>>
        tpu.wait_dma2 semaphore(%run_scoped3A : memref<!tpu.dma_semaphore, #tpu.memory_space<semaphore_mem>>) src(%dma_wait3A_27 : memref<16xi32, #tpu.memory_space<hbm>>) dst(%arg10 : memref<16xi32, #tpu.memory_space<vmem>>)
        tpu.yield
      }) : () -> ()
      "tpu.region"() ({
        %run_scoped3A = tpu.sem_alloc : memref<!tpu.dma_semaphore, #tpu.memory_space<semaphore_mem>>
        %dma_start3A = arith.constant 0 : i32
        %dma_start3A_26 = arith.constant 0 : i32
        %dma_start3A_27 = tpu.memref_slice %arg3[%dma_start3A, %dma_start3A_26] : memref<10000x128xf32, #tpu.memory_space<hbm>> -> memref<10000x128xf32, #tpu.memory_space<hbm>>
        tpu.enqueue_indirect_dma source(%dma_start3A_27 : memref<10000x128xf32, #tpu.memory_space<hbm>>) target(%arg12 : memref<16x128xf32, #tpu.memory_space<vmem>>) offsets(%arg10 : memref<16xi32, #tpu.memory_space<vmem>>) semaphore(%run_scoped3A : memref<!tpu.dma_semaphore, #tpu.memory_space<semaphore_mem>>)
        %dma_wait3A = arith.constant 0 : i32
        %dma_wait3A_28 = arith.constant 0 : i32
        %dma_wait3A_29 = tpu.memref_slice %arg3[%dma_wait3A, %dma_wait3A_28] : memref<10000x128xf32, #tpu.memory_space<hbm>> -> memref<10000x128xf32, #tpu.memory_space<hbm>>
        tpu.wait_indirect_dma semaphore(%run_scoped3A : memref<!tpu.dma_semaphore, #tpu.memory_space<semaphore_mem>>) src(%dma_wait3A_29 : memref<10000x128xf32, #tpu.memory_space<hbm>>) dst(%arg12 : memref<16x128xf32, #tpu.memory_space<vmem>>)
        tpu.yield
      }) : () -> ()
      "tpu.region"() ({
        %run_scoped3A = tpu.sem_alloc : memref<!tpu.dma_semaphore, #tpu.memory_space<semaphore_mem>>
        %dma_start3A = tpu.memref_slice %arg5[%add3A_25] : memref<160000xi32, #tpu.memory_space<hbm>> -> memref<16xi32, #tpu.memory_space<hbm>>
        %dma_start3A_26 = tpu.memref_slice %arg5[%add3A_25] : memref<160000xi32, #tpu.memory_space<hbm>> -> memref<16xi32, #tpu.memory_space<hbm>>
        tpu.enqueue_dma source(%dma_start3A_26 : memref<16xi32, #tpu.memory_space<hbm>>) target(%arg10 : memref<16xi32, #tpu.memory_space<vmem>>) target_semaphore(%run_scoped3A : memref<!tpu.dma_semaphore, #tpu.memory_space<semaphore_mem>>)
        %dma_wait3A = tpu.memref_slice %arg5[%add3A_25] : memref<160000xi32, #tpu.memory_space<hbm>> -> memref<16xi32, #tpu.memory_space<hbm>>
        %dma_wait3A_27 = tpu.memref_slice %arg5[%add3A_25] : memref<160000xi32, #tpu.memory_space<hbm>> -> memref<16xi32, #tpu.memory_space<hbm>>
        tpu.wait_dma2 semaphore(%run_scoped3A : memref<!tpu.dma_semaphore, #tpu.memory_space<semaphore_mem>>) src(%dma_wait3A_27 : memref<16xi32, #tpu.memory_space<hbm>>) dst(%arg10 : memref<16xi32, #tpu.memory_space<vmem>>)
        tpu.yield
      }) : () -> ()
      "tpu.region"() ({
        %run_scoped3A = tpu.sem_alloc : memref<!tpu.dma_semaphore, #tpu.memory_space<semaphore_mem>>
        %dma_start3A = arith.constant 0 : i32
        %dma_start3A_26 = arith.constant 0 : i32
        %dma_start3A_27 = tpu.memref_slice %arg13[%dma_start3A, %dma_start3A_26] : memref<10240x128xf32, #tpu.memory_space<vmem_shared>> -> memref<10240x128xf32, #tpu.memory_space<vmem_shared>>
        tpu.enqueue_indirect_dma source(%arg12 : memref<16x128xf32, #tpu.memory_space<vmem>>) target(%dma_start3A_27 : memref<10240x128xf32, #tpu.memory_space<vmem_shared>>) offsets(%arg10 : memref<16xi32, #tpu.memory_space<vmem>>) semaphore(%run_scoped3A : memref<!tpu.dma_semaphore, #tpu.memory_space<semaphore_mem>>) {add = true}
        %dma_wait3A = arith.constant 0 : i32
        %dma_wait3A_28 = arith.constant 0 : i32
        %dma_wait3A_29 = tpu.memref_slice %arg13[%dma_wait3A, %dma_wait3A_28] : memref<10240x128xf32, #tpu.memory_space<vmem_shared>> -> memref<10240x128xf32, #tpu.memory_space<vmem_shared>>
        tpu.wait_indirect_dma semaphore(%run_scoped3A : memref<!tpu.dma_semaphore, #tpu.memory_space<semaphore_mem>>) src(%arg12 : memref<16x128xf32, #tpu.memory_space<vmem>>) dst(%dma_wait3A_29 : memref<10240x128xf32, #tpu.memory_space<vmem_shared>>)
        tpu.yield
      }) : () -> ()
    } else {
    }
    %barrier3A_8 = arith.constant 0 : index
    tpu.barrier barrier_id(%barrier3A_8)
    %eq3A_9 = arith.constant 0 : i32
    %eq3A_10 = arith.cmpi eq, %arg0, %eq3A_9 : i32
    %convert_element_type3A_11 = arith.extui %eq3A_10 : i1 to i32
    %cond3A_12 = arith.constant 0 : i32
    %cond3A_13 = arith.cmpi ne, %convert_element_type3A_11, %cond3A_12 : i32
    scf.if %cond3A_13 {
      "tpu.region"() ({
        %run_scoped3A = tpu.sem_alloc : memref<!tpu.dma_semaphore, #tpu.memory_space<semaphore_mem>>
        %dma_start3A = arith.constant 0 : i32
        %dma_start3A_19 = tpu.memref_slice %arg7[%mul3A_0, %dma_start3A] : memref<10240x128xf32, #tpu.memory_space<hbm>> -> memref<640x128xf32, #tpu.memory_space<hbm>>
        %dma_start3A_20 = arith.constant 0 : i32
        %dma_start3A_21 = tpu.memref_slice %arg13[%mul3A_0, %dma_start3A_20] : memref<10240x128xf32, #tpu.memory_space<vmem_shared>> -> memref<640x128xf32, #tpu.memory_space<vmem_shared>>
        tpu.enqueue_dma source(%dma_start3A_21 : memref<640x128xf32, #tpu.memory_space<vmem_shared>>) target(%dma_start3A_19 : memref<640x128xf32, #tpu.memory_space<hbm>>) target_semaphore(%run_scoped3A : memref<!tpu.dma_semaphore, #tpu.memory_space<semaphore_mem>>)
        %dma_wait3A = arith.constant 0 : i32
        %dma_wait3A_22 = tpu.memref_slice %arg7[%mul3A_0, %dma_wait3A] : memref<10240x128xf32, #tpu.memory_space<hbm>> -> memref<640x128xf32, #tpu.memory_space<hbm>>
        %dma_wait3A_23 = arith.constant 0 : i32
        %dma_wait3A_24 = tpu.memref_slice %arg13[%mul3A_0, %dma_wait3A_23] : memref<10240x128xf32, #tpu.memory_space<vmem_shared>> -> memref<640x128xf32, #tpu.memory_space<vmem_shared>>
        tpu.wait_dma2 semaphore(%run_scoped3A : memref<!tpu.dma_semaphore, #tpu.memory_space<semaphore_mem>>) src(%dma_wait3A_24 : memref<640x128xf32, #tpu.memory_space<vmem_shared>>) dst(%dma_wait3A_22 : memref<640x128xf32, #tpu.memory_space<hbm>>)
        tpu.yield
      }) : () -> ()
    } else {
    }
    %eq3A_14 = arith.constant 1 : i32
    %eq3A_15 = arith.cmpi eq, %arg0, %eq3A_14 : i32
    %convert_element_type3A_16 = arith.extui %eq3A_15 : i1 to i32
    %cond3A_17 = arith.constant 0 : i32
    %cond3A_18 = arith.cmpi ne, %convert_element_type3A_16, %cond3A_17 : i32
    scf.if %cond3A_18 {
      "tpu.region"() ({
        %run_scoped3A = tpu.sem_alloc : memref<!tpu.dma_semaphore, #tpu.memory_space<semaphore_mem>>
        %dma_start3A = arith.constant 0 : i32
        %dma_start3A_19 = tpu.memref_slice %arg8[%mul3A_0, %dma_start3A] : memref<10240x128xf32, #tpu.memory_space<hbm>> -> memref<640x128xf32, #tpu.memory_space<hbm>>
        %dma_start3A_20 = arith.constant 0 : i32
        %dma_start3A_21 = tpu.memref_slice %arg13[%mul3A_0, %dma_start3A_20] : memref<10240x128xf32, #tpu.memory_space<vmem_shared>> -> memref<640x128xf32, #tpu.memory_space<vmem_shared>>
        tpu.enqueue_dma source(%dma_start3A_21 : memref<640x128xf32, #tpu.memory_space<vmem_shared>>) target(%dma_start3A_19 : memref<640x128xf32, #tpu.memory_space<hbm>>) target_semaphore(%run_scoped3A : memref<!tpu.dma_semaphore, #tpu.memory_space<semaphore_mem>>)
        %dma_wait3A = arith.constant 0 : i32
        %dma_wait3A_22 = tpu.memref_slice %arg8[%mul3A_0, %dma_wait3A] : memref<10240x128xf32, #tpu.memory_space<hbm>> -> memref<640x128xf32, #tpu.memory_space<hbm>>
        %dma_wait3A_23 = arith.constant 0 : i32
        %dma_wait3A_24 = tpu.memref_slice %arg13[%mul3A_0, %dma_wait3A_23] : memref<10240x128xf32, #tpu.memory_space<vmem_shared>> -> memref<640x128xf32, #tpu.memory_space<vmem_shared>>
        tpu.wait_dma2 semaphore(%run_scoped3A : memref<!tpu.dma_semaphore, #tpu.memory_space<semaphore_mem>>) src(%dma_wait3A_24 : memref<640x128xf32, #tpu.memory_space<vmem_shared>>) dst(%dma_wait3A_22 : memref<640x128xf32, #tpu.memory_space<hbm>>)
        tpu.yield
      }) : () -> ()
    } else {
    }
    return
  }
}

module attributes {stable_mosaic.version = 14 : i64} {
  func.func @_vals48_body(%arg0: i32, %arg1: memref<2000x16xf32, #tpu.memory_space<vmem>>, %arg2: memref<2000x48xf32, #tpu.memory_space<vmem>>) attributes {dimension_semantics = [#tpu.dimension_semantics<arbitrary>], iteration_bounds = array<i64: 80>, scalar_prefetch = 0 : i64, scratch_operands = 0 : i64, tpu.core_type = #tpu.core_type<tc>, window_params = [{transform_indices = @transform_0, window_bounds = array<i64: 2000, 16>}, {transform_indices = @transform_1, window_bounds = array<i64: 2000, 48>}]} {
    %get3A = arith.constant 0 : index
    %get3A_0 = arith.constant 0 : index
    %get3A_1 = vector.load %arg1[%get3A, %get3A_0] : memref<2000x16xf32, #tpu.memory_space<vmem>>, vector<2000x16xf32>
    %logistic3A = arith.negf %get3A_1 : vector<2000x16xf32>
    %logistic3A_2 = math.exp %logistic3A : vector<2000x16xf32>
    %logistic3A_3 = arith.constant 1.000000e+00 : f32
    %logistic3A_4 = vector.broadcast %logistic3A_3 : f32 to vector<2000x16xf32>
    %logistic3A_5 = arith.addf %logistic3A_4, %logistic3A_2 : vector<2000x16xf32>
    %logistic3A_6 = arith.divf %logistic3A_4, %logistic3A_5 : vector<2000x16xf32>
    %broadcast_in_dim3A = arith.constant 1.000000e+00 : f32
    %broadcast_in_dim3A_7 = vector.broadcast %broadcast_in_dim3A : f32 to vector<2000x16xf32>
    %concatenate3A = tpu.concatenate %logistic3A_6, %get3A_1, %broadcast_in_dim3A_7 in 1 : vector<2000x16xf32>, vector<2000x16xf32>, vector<2000x16xf32> -> vector<2000x48xf32>
    %swap3A = arith.constant 0 : index
    %swap3A_8 = arith.constant 0 : index
    %swap3A_9 = vector.load %arg2[%swap3A, %swap3A_8] : memref<2000x48xf32, #tpu.memory_space<vmem>>, vector<2000x48xf32>
    tpu.vector_store %arg2[%swap3A, %swap3A_8], %concatenate3A {strides = array<i32>} : memref<2000x48xf32, #tpu.memory_space<vmem>>, vector<2000x48xf32>,
    return
  }
  func.func @transform_0(%arg0: i32) -> (i32, i32) {
    %c0_i32 = arith.constant 0 : i32
    %c0_i32_0 = arith.constant 0 : i32
    return %arg0, %c0_i32 : i32, i32
  }
  func.func @transform_1(%arg0: i32) -> (i32, i32) {
    %c0_i32 = arith.constant 0 : i32
    %c0_i32_0 = arith.constant 0 : i32
    return %arg0, %c0_i32 : i32, i32
  }
}

module attributes {stable_mosaic.version = 14 : i64} {
  func.func @_degs_body(%arg0: i32, %arg1: memref<2x1024x48xf32, #tpu.memory_space<vmem>>, %arg2: memref<2x1024x16xf32, #tpu.memory_space<vmem>>, %arg3: memref<1024x16xf32, #tpu.memory_space<vmem>>, %arg4: memref<1024x16xf32, #tpu.memory_space<vmem>>, %arg5: memref<1024x1xf32, #tpu.memory_space<vmem>>, %arg6: memref<1024x1xf32, #tpu.memory_space<vmem>>) attributes {dimension_semantics = [#tpu.dimension_semantics<arbitrary>], iteration_bounds = array<i64: 10>, scalar_prefetch = 0 : i64, scratch_operands = 0 : i64, tpu.core_type = #tpu.core_type<tc>, window_params = [{transform_indices = @transform_0, window_bounds = array<i64: 2, 1024, 48>}, {transform_indices = @transform_1, window_bounds = array<i64: 2, 1024, 16>}, {transform_indices = @transform_2, window_bounds = array<i64: 1024, 16>}, {transform_indices = @transform_3, window_bounds = array<i64: 1024, 16>}, {transform_indices = @transform_4, window_bounds = array<i64: 1024, 1>}, {transform_indices = @transform_5, window_bounds = array<i64: 1024, 1>}]} {
    %get3A = arith.constant 0 : index
    %get3A_0 = arith.constant 0 : index
    %get3A_1 = arith.constant 0 : index
    %get3A_2 = vector.load %arg1[%get3A, %get3A_0, %get3A_1] : memref<2x1024x48xf32, #tpu.memory_space<vmem>>, vector<1x1024x48xf32>
    %get3A_3 = vector.shape_cast %get3A_2 : vector<1x1024x48xf32> to vector<1024x48xf32>
    %get3A_4 = arith.constant 1 : index
    %get3A_5 = arith.constant 0 : index
    %get3A_6 = arith.constant 0 : index
    %get3A_7 = vector.load %arg1[%get3A_4, %get3A_5, %get3A_6] : memref<2x1024x48xf32, #tpu.memory_space<vmem>>, vector<1x1024x48xf32>
    %get3A_8 = vector.shape_cast %get3A_7 : vector<1x1024x48xf32> to vector<1024x48xf32>
    %add3A = arith.addf %get3A_3, %get3A_8 : vector<1024x48xf32>
    %get3A_9 = arith.constant 0 : index
    %get3A_10 = arith.constant 0 : index
    %get3A_11 = arith.constant 0 : index
    %get3A_12 = vector.load %arg2[%get3A_9, %get3A_10, %get3A_11] : memref<2x1024x16xf32, #tpu.memory_space<vmem>>, vector<1x1024x16xf32>
    %get3A_13 = vector.shape_cast %get3A_12 : vector<1x1024x16xf32> to vector<1024x16xf32>
    %get3A_14 = arith.constant 1 : index
    %get3A_15 = arith.constant 0 : index
    %get3A_16 = arith.constant 0 : index
    %get3A_17 = vector.load %arg2[%get3A_14, %get3A_15, %get3A_16] : memref<2x1024x16xf32, #tpu.memory_space<vmem>>, vector<1x1024x16xf32>
    %get3A_18 = vector.shape_cast %get3A_17 : vector<1x1024x16xf32> to vector<1024x16xf32>
    %add3A_19 = arith.addf %get3A_13, %get3A_18 : vector<1024x16xf32>
    %slice3A = vector.extract_strided_slice %add3A {offsets = [0, 0], sizes = [1024, 16], strides = [1, 1]} : vector<1024x48xf32> to vector<1024x16xf32>
    %swap3A = arith.constant 0 : index
    %swap3A_20 = arith.constant 0 : index
    %swap3A_21 = vector.load %arg3[%swap3A, %swap3A_20] : memref<1024x16xf32, #tpu.memory_space<vmem>>, vector<1024x16xf32>
    tpu.vector_store %arg3[%swap3A, %swap3A_20], %slice3A {strides = array<i32>} : memref<1024x16xf32, #tpu.memory_space<vmem>>, vector<1024x16xf32>,
    %slice3A_22 = vector.extract_strided_slice %add3A {offsets = [0, 16], sizes = [1024, 16], strides = [1, 1]} : vector<1024x48xf32> to vector<1024x16xf32>
    %swap3A_23 = arith.constant 0 : index
    %swap3A_24 = arith.constant 0 : index
    %swap3A_25 = vector.load %arg4[%swap3A_23, %swap3A_24] : memref<1024x16xf32, #tpu.memory_space<vmem>>, vector<1024x16xf32>
    tpu.vector_store %arg4[%swap3A_23, %swap3A_24], %slice3A_22 {strides = array<i32>} : memref<1024x16xf32, #tpu.memory_space<vmem>>, vector<1024x16xf32>,
    %slice3A_26 = vector.extract_strided_slice %add3A {offsets = [0, 32], sizes = [1024, 1], strides = [1, 1]} : vector<1024x48xf32> to vector<1024x1xf32>
    %max3A = arith.constant 1.000000e+00 : f32
    %max3A_27 = vector.broadcast %max3A : f32 to vector<1024x1xf32>
    %max3A_28 = arith.maximumf %slice3A_26, %max3A_27 : vector<1024x1xf32>
    %rsqrt3A = math.rsqrt %max3A_28 : vector<1024x1xf32>
    %swap3A_29 = arith.constant 0 : index
    %swap3A_30 = arith.constant 0 : index
    %swap3A_31 = vector.load %arg5[%swap3A_29, %swap3A_30] : memref<1024x1xf32, #tpu.memory_space<vmem>>, vector<1024x1xf32>
    tpu.vector_store %arg5[%swap3A_29, %swap3A_30], %rsqrt3A {strides = array<i32>} : memref<1024x1xf32, #tpu.memory_space<vmem>>, vector<1024x1xf32>,
    %slice3A_32 = vector.extract_strided_slice %add3A_19 {offsets = [0, 0], sizes = [1024, 1], strides = [1, 1]} : vector<1024x16xf32> to vector<1024x1xf32>
    %max3A_33 = arith.constant 1.000000e+00 : f32
    %max3A_34 = vector.broadcast %max3A_33 : f32 to vector<1024x1xf32>
    %max3A_35 = arith.maximumf %slice3A_32, %max3A_34 : vector<1024x1xf32>
    %rsqrt3A_36 = math.rsqrt %max3A_35 : vector<1024x1xf32>
    %swap3A_37 = arith.constant 0 : index
    %swap3A_38 = arith.constant 0 : index
    %swap3A_39 = vector.load %arg6[%swap3A_37, %swap3A_38] : memref<1024x1xf32, #tpu.memory_space<vmem>>, vector<1024x1xf32>
    tpu.vector_store %arg6[%swap3A_37, %swap3A_38], %rsqrt3A_36 {strides = array<i32>} : memref<1024x1xf32, #tpu.memory_space<vmem>>, vector<1024x1xf32>,
    return
  }
  func.func @transform_0(%arg0: i32) -> (i32, i32, i32) {
    %c0_i32 = arith.constant 0 : i32
    %c0_i32_0 = arith.constant 0 : i32
    %c0_i32_1 = arith.constant 0 : i32
    return %c0_i32, %arg0, %c0_i32_0 : i32, i32, i32
  }
  func.func @transform_1(%arg0: i32) -> (i32, i32, i32) {
    %c0_i32 = arith.constant 0 : i32
    %c0_i32_0 = arith.constant 0 : i32
    %c0_i32_1 = arith.constant 0 : i32
    return %c0_i32, %arg0, %c0_i32_0 : i32, i32, i32
  }
  func.func @transform_2(%arg0: i32) -> (i32, i32) {
    %c0_i32 = arith.constant 0 : i32
    %c0_i32_0 = arith.constant 0 : i32
    return %arg0, %c0_i32 : i32, i32
  }
  func.func @transform_3(%arg0: i32) -> (i32, i32) {
    %c0_i32 = arith.constant 0 : i32
    %c0_i32_0 = arith.constant 0 : i32
    return %arg0, %c0_i32 : i32, i32
  }
  func.func @transform_4(%arg0: i32) -> (i32, i32) {
    %c0_i32 = arith.constant 0 : i32
    %c0_i32_0 = arith.constant 0 : i32
    return %arg0, %c0_i32 : i32, i32
  }
  func.func @transform_5(%arg0: i32) -> (i32, i32) {
    %c0_i32 = arith.constant 0 : i32
    %c0_i32_0 = arith.constant 0 : i32
    return %arg0, %c0_i32 : i32, i32
  }
}

module attributes {stable_mosaic.version = 14 : i64} {
  func.func @_feat0_body(%arg0: i32, %arg1: memref<1000x256xf32, #tpu.memory_space<vmem>>, %arg2: memref<1000x1xi32, #tpu.memory_space<vmem>>, %arg3: memref<32x4xf32, #tpu.memory_space<vmem>>, %arg4: memref<1000x1xf32, #tpu.memory_space<vmem>>, %arg5: memref<1000x144xf32, #tpu.memory_space<vmem>>, %arg6: memref<1000x144xf32, #tpu.memory_space<vmem>>) attributes {dimension_semantics = [#tpu.dimension_semantics<arbitrary>], iteration_bounds = array<i64: 10>, scalar_prefetch = 0 : i64, scratch_operands = 0 : i64, tpu.core_type = #tpu.core_type<tc>, window_params = [{transform_indices = @transform_0, window_bounds = array<i64: 1000, 256>}, {transform_indices = @transform_1, window_bounds = array<i64: 1000, 1>}, {pipeline_mode = #tpu.pipeline_mode<synchronous>, transform_indices = @transform_2, window_bounds = array<i64: 32, 4>}, {transform_indices = @transform_3, window_bounds = array<i64: 1000, 1>}, {transform_indices = @transform_4, window_bounds = array<i64: 1000, 144>}, {transform_indices = @transform_5, window_bounds = array<i64: 1000, 144>}]} {
    %get3A = arith.constant 0 : index
    %get3A_0 = arith.constant 0 : index
    %get3A_1 = vector.load %arg1[%get3A, %get3A_0] : memref<1000x256xf32, #tpu.memory_space<vmem>>, vector<1000x256xf32>
    %get3A_2 = arith.constant 0 : index
    %get3A_3 = arith.constant 0 : index
    %get3A_4 = vector.load %arg2[%get3A_2, %get3A_3] : memref<1000x1xi32, #tpu.memory_space<vmem>>, vector<1000x1xi32>
    %iota3A = tpu.iota {dimensions = array<i32: 1>} : vector<1000x32xi32>
    %eq3A = vector.broadcast %get3A_4 : vector<1000x1xi32> to vector<1000x32xi32>
    %eq3A_5 = arith.cmpi eq, %eq3A, %iota3A : vector<1000x32xi32>
    %convert_element_type3A = arith.extui %eq3A_5 : vector<1000x32xi1> to vector<1000x32xi32>
    %convert_element_type3A_6 = arith.sitofp %convert_element_type3A : vector<1000x32xi32> to vector<1000x32xf32>
    %get3A_7 = arith.constant 0 : index
    %get3A_8 = arith.constant 0 : index
    %get3A_9 = vector.load %arg3[%get3A_7, %get3A_8] : memref<32x4xf32, #tpu.memory_space<vmem>>, vector<32x4xf32>
    %dot_general3A = arith.constant dense<0.000000e+00> : vector<1000x4xf32>
    %dot_general3A_10 = tpu.matmul %convert_element_type3A_6, %get3A_9, %dot_general3A {dimension_numbers = #tpu.dot_dimension_numbers<[1], [0], [0], [1], [0, 0, 1, 1], [], []>, transpose_lhs_hint = false} : vector<1000x32xf32>, vector<32x4xf32>, vector<1000x4xf32> -> vector<1000x4xf32>
    %concatenate3A = tpu.concatenate %get3A_1, %dot_general3A_10 in 1 : vector<1000x256xf32>, vector<1000x4xf32> -> vector<1000x260xf32>
    %get3A_11 = arith.constant 0 : index
    %get3A_12 = arith.constant 0 : index
    %get3A_13 = vector.load %arg4[%get3A_11, %get3A_12] : memref<1000x1xf32, #tpu.memory_space<vmem>>, vector<1000x1xf32>
    %mul3A = vector.broadcast %get3A_13 : vector<1000x1xf32> to vector<1000x260xf32>
    %mul3A_14 = arith.mulf %concatenate3A, %mul3A : vector<1000x260xf32>
    %logistic3A = arith.negf %mul3A_14 : vector<1000x260xf32>
    %logistic3A_15 = math.exp %logistic3A : vector<1000x260xf32>
    %logistic3A_16 = arith.constant 1.000000e+00 : f32
    %logistic3A_17 = vector.broadcast %logistic3A_16 : f32 to vector<1000x260xf32>
    %logistic3A_18 = arith.addf %logistic3A_17, %logistic3A_15 : vector<1000x260xf32>
    %logistic3A_19 = arith.divf %logistic3A_17, %logistic3A_18 : vector<1000x260xf32>
    %broadcast_in_dim3A = arith.constant 0.000000e+00 : f32
    %broadcast_in_dim3A_20 = vector.broadcast %broadcast_in_dim3A : f32 to vector<1000x14xf32>
    %slice3A = vector.extract_strided_slice %logistic3A_19 {offsets = [0, 0], sizes = [1000, 130], strides = [1, 1]} : vector<1000x260xf32> to vector<1000x130xf32>
    %concatenate3A_21 = tpu.concatenate %slice3A, %broadcast_in_dim3A_20 in 1 : vector<1000x130xf32>, vector<1000x14xf32> -> vector<1000x144xf32>
    %swap3A = arith.constant 0 : index
    %swap3A_22 = arith.constant 0 : index
    %swap3A_23 = vector.load %arg5[%swap3A, %swap3A_22] : memref<1000x144xf32, #tpu.memory_space<vmem>>, vector<1000x144xf32>
    tpu.vector_store %arg5[%swap3A, %swap3A_22], %concatenate3A_21 {strides = array<i32>} : memref<1000x144xf32, #tpu.memory_space<vmem>>, vector<1000x144xf32>,
    %slice3A_24 = vector.extract_strided_slice %logistic3A_19 {offsets = [0, 130], sizes = [1000, 130], strides = [1, 1]} : vector<1000x260xf32> to vector<1000x130xf32>
    %concatenate3A_25 = tpu.concatenate %slice3A_24, %broadcast_in_dim3A_20 in 1 : vector<1000x130xf32>, vector<1000x14xf32> -> vector<1000x144xf32>
    %swap3A_26 = arith.constant 0 : index
    %swap3A_27 = arith.constant 0 : index
    %swap3A_28 = vector.load %arg6[%swap3A_26, %swap3A_27] : memref<1000x144xf32, #tpu.memory_space<vmem>>, vector<1000x144xf32>
    tpu.vector_store %arg6[%swap3A_26, %swap3A_27], %concatenate3A_25 {strides = array<i32>} : memref<1000x144xf32, #tpu.memory_space<vmem>>, vector<1000x144xf32>,
    return
  }
  func.func @transform_0(%arg0: i32) -> (i32, i32) {
    %c0_i32 = arith.constant 0 : i32
    %c0_i32_0 = arith.constant 0 : i32
    return %arg0, %c0_i32 : i32, i32
  }
  func.func @transform_1(%arg0: i32) -> (i32, i32) {
    %c0_i32 = arith.constant 0 : i32
    %c0_i32_0 = arith.constant 0 : i32
    return %arg0, %c0_i32 : i32, i32
  }
  func.func @transform_2(%arg0: i32) -> (i32, i32) {
    %c0_i32 = arith.constant 0 : i32
    %c0_i32_0 = arith.constant 0 : i32
    %c0_i32_1 = arith.constant 0 : i32
    return %c0_i32, %c0_i32_0 : i32, i32
  }
  func.func @transform_3(%arg0: i32) -> (i32, i32) {
    %c0_i32 = arith.constant 0 : i32
    %c0_i32_0 = arith.constant 0 : i32
    return %arg0, %c0_i32 : i32, i32
  }
  func.func @transform_4(%arg0: i32) -> (i32, i32) {
    %c0_i32 = arith.constant 0 : i32
    %c0_i32_0 = arith.constant 0 : i32
    return %arg0, %c0_i32 : i32, i32
  }
  func.func @transform_5(%arg0: i32) -> (i32, i32) {
    %c0_i32 = arith.constant 0 : i32
    %c0_i32_0 = arith.constant 0 : i32
    return %arg0, %c0_i32 : i32, i32
  }
}

module attributes {stable_mosaic.version = 14 : i64} {
  func.func @body(%arg0: i32, %arg1: memref<1000x144xf32, #tpu.memory_space<vmem>>, %arg2: memref<1000x144xf32, #tpu.memory_space<vmem>>, %arg3: memref<1000x16xf32, #tpu.memory_space<vmem>>, %arg4: memref<144x256xf32, #tpu.memory_space<vmem>>, %arg5: memref<144x256xf32, #tpu.memory_space<vmem>>, %arg6: memref<16x256xf32, #tpu.memory_space<vmem>>, %arg7: memref<1x256xf32, #tpu.memory_space<vmem>>, %arg8: memref<1000x1xf32, #tpu.memory_space<vmem>>, %arg9: memref<1000x1xf32, #tpu.memory_space<vmem>>, %arg10: memref<1000x256xf32, #tpu.memory_space<vmem>>, %arg11: memref<1000x128xf32, #tpu.memory_space<vmem>>, %arg12: memref<1000x128xf32, #tpu.memory_space<vmem>>, %arg13: memref<1000x256xf32, #tpu.memory_space<vmem>>) attributes {dimension_semantics = [#tpu.dimension_semantics<arbitrary>], iteration_bounds = array<i64: 10>, scalar_prefetch = 0 : i64, scratch_operands = 0 : i64, tpu.core_type = #tpu.core_type<tc>, window_params = [{transform_indices = @transform_0, window_bounds = array<i64: 1000, 144>}, {transform_indices = @transform_1, window_bounds = array<i64: 1000, 144>}, {transform_indices = @transform_2, window_bounds = array<i64: 1000, 16>}, {pipeline_mode = #tpu.pipeline_mode<synchronous>, transform_indices = @transform_3, window_bounds = array<i64: 144, 256>}, {pipeline_mode = #tpu.pipeline_mode<synchronous>, transform_indices = @transform_4, window_bounds = array<i64: 144, 256>}, {pipeline_mode = #tpu.pipeline_mode<synchronous>, transform_indices = @transform_5, window_bounds = array<i64: 16, 256>}, {pipeline_mode = #tpu.pipeline_mode<synchronous>, transform_indices = @transform_6, window_bounds = array<i64: 1, 256>}, {transform_indices = @transform_7, window_bounds = array<i64: 1000, 1>}, {transform_indices = @transform_8, window_bounds = array<i64: 1000, 1>}, {transform_indices = @transform_9, window_bounds = array<i64: 1000, 256>}, {transform_indices = @transform_10, window_bounds = array<i64: 1000, 128>}, {transform_indices = @transform_11, window_bounds = array<i64: 1000, 128>}, {transform_indices = @transform_12, window_bounds = array<i64: 1000, 256>}]} {
    %get3A = arith.constant 0 : index
    %get3A_0 = arith.constant 0 : index
    %get3A_1 = vector.load %arg1[%get3A, %get3A_0] : memref<1000x144xf32, #tpu.memory_space<vmem>>, vector<1000x144xf32>
    %get3A_2 = arith.constant 0 : index
    %get3A_3 = arith.constant 0 : index
    %get3A_4 = vector.load %arg4[%get3A_2, %get3A_3] : memref<144x256xf32, #tpu.memory_space<vmem>>, vector<144x256xf32>
    %dot_general3A = arith.constant dense<0.000000e+00> : vector<1000x256xf32>
    %dot_general3A_5 = tpu.matmul %get3A_1, %get3A_4, %dot_general3A {dimension_numbers = #tpu.dot_dimension_numbers<[1], [0], [0], [1], [0, 0, 1, 1], [], []>, transpose_lhs_hint = false} : vector<1000x144xf32>, vector<144x256xf32>, vector<1000x256xf32> -> vector<1000x256xf32>
    %get3A_6 = arith.constant 0 : index
    %get3A_7 = arith.constant 0 : index
    %get3A_8 = vector.load %arg2[%get3A_6, %get3A_7] : memref<1000x144xf32, #tpu.memory_space<vmem>>, vector<1000x144xf32>
    %get3A_9 = arith.constant 0 : index
    %get3A_10 = arith.constant 0 : index
    %get3A_11 = vector.load %arg5[%get3A_9, %get3A_10] : memref<144x256xf32, #tpu.memory_space<vmem>>, vector<144x256xf32>
    %dot_general3A_12 = arith.constant dense<0.000000e+00> : vector<1000x256xf32>
    %dot_general3A_13 = tpu.matmul %get3A_8, %get3A_11, %dot_general3A_12 {dimension_numbers = #tpu.dot_dimension_numbers<[1], [0], [0], [1], [0, 0, 1, 1], [], []>, transpose_lhs_hint = false} : vector<1000x144xf32>, vector<144x256xf32>, vector<1000x256xf32> -> vector<1000x256xf32>
    %add3A = arith.addf %dot_general3A_5, %dot_general3A_13 : vector<1000x256xf32>
    %get3A_14 = arith.constant 0 : index
    %get3A_15 = arith.constant 0 : index
    %get3A_16 = vector.load %arg3[%get3A_14, %get3A_15] : memref<1000x16xf32, #tpu.memory_space<vmem>>, vector<1000x16xf32>
    %get3A_17 = arith.constant 0 : index
    %get3A_18 = arith.constant 0 : index
    %get3A_19 = vector.load %arg6[%get3A_17, %get3A_18] : memref<16x256xf32, #tpu.memory_space<vmem>>, vector<16x256xf32>
    %dot_general3A_20 = arith.constant dense<0.000000e+00> : vector<1000x256xf32>
    %dot_general3A_21 = tpu.matmul %get3A_16, %get3A_19, %dot_general3A_20 {dimension_numbers = #tpu.dot_dimension_numbers<[1], [0], [0], [1], [0, 0, 1, 1], [], []>, transpose_lhs_hint = false} : vector<1000x16xf32>, vector<16x256xf32>, vector<1000x256xf32> -> vector<1000x256xf32>
    %add3A_22 = arith.addf %add3A, %dot_general3A_21 : vector<1000x256xf32>
    %get3A_23 = arith.constant 0 : index
    %get3A_24 = arith.constant 0 : index
    %get3A_25 = vector.load %arg8[%get3A_23, %get3A_24] : memref<1000x1xf32, #tpu.memory_space<vmem>>, vector<1000x1xf32>
    %mul3A = vector.broadcast %get3A_25 : vector<1000x1xf32> to vector<1000x256xf32>
    %mul3A_26 = arith.mulf %add3A_22, %mul3A : vector<1000x256xf32>
    %get3A_27 = arith.constant 0 : index
    %get3A_28 = arith.constant 0 : index
    %get3A_29 = vector.load %arg7[%get3A_27, %get3A_28] : memref<1x256xf32, #tpu.memory_space<vmem>>, vector<1x256xf32>
    %add3A_30 = vector.broadcast %get3A_29 : vector<1x256xf32> to vector<1000x256xf32>
    %add3A_31 = arith.addf %mul3A_26, %add3A_30 : vector<1000x256xf32>
    %logistic3A = arith.negf %add3A_31 : vector<1000x256xf32>
    %logistic3A_32 = math.exp %logistic3A : vector<1000x256xf32>
    %logistic3A_33 = arith.constant 1.000000e+00 : f32
    %logistic3A_34 = vector.broadcast %logistic3A_33 : f32 to vector<1000x256xf32>
    %logistic3A_35 = arith.addf %logistic3A_34, %logistic3A_32 : vector<1000x256xf32>
    %logistic3A_36 = arith.divf %logistic3A_34, %logistic3A_35 : vector<1000x256xf32>
    %get3A_37 = arith.constant 0 : index
    %get3A_38 = arith.constant 0 : index
    %get3A_39 = vector.load %arg9[%get3A_37, %get3A_38] : memref<1000x1xf32, #tpu.memory_space<vmem>>, vector<1000x1xf32>
    %mul3A_40 = vector.broadcast %get3A_39 : vector<1000x1xf32> to vector<1000x256xf32>
    %mul3A_41 = arith.mulf %logistic3A_36, %mul3A_40 : vector<1000x256xf32>
    %logistic3A_42 = arith.negf %mul3A_41 : vector<1000x256xf32>
    %logistic3A_43 = math.exp %logistic3A_42 : vector<1000x256xf32>
    %logistic3A_44 = arith.constant 1.000000e+00 : f32
    %logistic3A_45 = vector.broadcast %logistic3A_44 : f32 to vector<1000x256xf32>
    %logistic3A_46 = arith.addf %logistic3A_45, %logistic3A_43 : vector<1000x256xf32>
    %logistic3A_47 = arith.divf %logistic3A_45, %logistic3A_46 : vector<1000x256xf32>
    %slice3A = vector.extract_strided_slice %logistic3A_47 {offsets = [0, 0], sizes = [1000, 128], strides = [1, 1]} : vector<1000x256xf32> to vector<1000x128xf32>
    %swap3A = arith.constant 0 : index
    %swap3A_48 = arith.constant 0 : index
    %swap3A_49 = vector.load %arg11[%swap3A, %swap3A_48] : memref<1000x128xf32, #tpu.memory_space<vmem>>, vector<1000x128xf32>
    tpu.vector_store %arg11[%swap3A, %swap3A_48], %slice3A {strides = array<i32>} : memref<1000x128xf32, #tpu.memory_space<vmem>>, vector<1000x128xf32>,
    %slice3A_50 = vector.extract_strided_slice %logistic3A_47 {offsets = [0, 128], sizes = [1000, 128], strides = [1, 1]} : vector<1000x256xf32> to vector<1000x128xf32>
    %swap3A_51 = arith.constant 0 : index
    %swap3A_52 = arith.constant 0 : index
    %swap3A_53 = vector.load %arg12[%swap3A_51, %swap3A_52] : memref<1000x128xf32, #tpu.memory_space<vmem>>, vector<1000x128xf32>
    tpu.vector_store %arg12[%swap3A_51, %swap3A_52], %slice3A_50 {strides = array<i32>} : memref<1000x128xf32, #tpu.memory_space<vmem>>, vector<1000x128xf32>,
    %swap3A_54 = arith.constant 0 : index
    %swap3A_55 = arith.constant 0 : index
    %swap3A_56 = vector.load %arg13[%swap3A_54, %swap3A_55] : memref<1000x256xf32, #tpu.memory_space<vmem>>, vector<1000x256xf32>
    tpu.vector_store %arg13[%swap3A_54, %swap3A_55], %mul3A_41 {strides = array<i32>} : memref<1000x256xf32, #tpu.memory_space<vmem>>, vector<1000x256xf32>,
    return
  }
  func.func @transform_0(%arg0: i32) -> (i32, i32) {
    %c0_i32 = arith.constant 0 : i32
    %c0_i32_0 = arith.constant 0 : i32
    return %arg0, %c0_i32 : i32, i32
  }
  func.func @transform_1(%arg0: i32) -> (i32, i32) {
    %c0_i32 = arith.constant 0 : i32
    %c0_i32_0 = arith.constant 0 : i32
    return %arg0, %c0_i32 : i32, i32
  }
  func.func @transform_2(%arg0: i32) -> (i32, i32) {
    %c0_i32 = arith.constant 0 : i32
    %c0_i32_0 = arith.constant 0 : i32
    return %arg0, %c0_i32 : i32, i32
  }
  func.func @transform_3(%arg0: i32) -> (i32, i32) {
    %c0_i32 = arith.constant 0 : i32
    %c0_i32_0 = arith.constant 0 : i32
    %c0_i32_1 = arith.constant 0 : i32
    return %c0_i32, %c0_i32_0 : i32, i32
  }
  func.func @transform_4(%arg0: i32) -> (i32, i32) {
    %c0_i32 = arith.constant 0 : i32
    %c0_i32_0 = arith.constant 0 : i32
    %c0_i32_1 = arith.constant 0 : i32
    return %c0_i32, %c0_i32_0 : i32, i32
  }
  func.func @transform_5(%arg0: i32) -> (i32, i32) {
    %c0_i32 = arith.constant 0 : i32
    %c0_i32_0 = arith.constant 0 : i32
    %c0_i32_1 = arith.constant 0 : i32
    return %c0_i32, %c0_i32_0 : i32, i32
  }
  func.func @transform_6(%arg0: i32) -> (i32, i32) {
    %c0_i32 = arith.constant 0 : i32
    %c0_i32_0 = arith.constant 0 : i32
    %c0_i32_1 = arith.constant 0 : i32
    return %c0_i32, %c0_i32_0 : i32, i32
  }
  func.func @transform_7(%arg0: i32) -> (i32, i32) {
    %c0_i32 = arith.constant 0 : i32
    %c0_i32_0 = arith.constant 0 : i32
    return %arg0, %c0_i32 : i32, i32
  }
  func.func @transform_8(%arg0: i32) -> (i32, i32) {
    %c0_i32 = arith.constant 0 : i32
    %c0_i32_0 = arith.constant 0 : i32
    return %arg0, %c0_i32 : i32, i32
  }
  func.func @transform_9(%arg0: i32) -> (i32, i32) {
    %c0_i32 = arith.constant 0 : i32
    %c0_i32_0 = arith.constant 0 : i32
    return %arg0, %c0_i32 : i32, i32
  }
  func.func @transform_10(%arg0: i32) -> (i32, i32) {
    %c0_i32 = arith.constant 0 : i32
    %c0_i32_0 = arith.constant 0 : i32
    return %arg0, %c0_i32 : i32, i32
  }
  func.func @transform_11(%arg0: i32) -> (i32, i32) {
    %c0_i32 = arith.constant 0 : i32
    %c0_i32_0 = arith.constant 0 : i32
    return %arg0, %c0_i32 : i32, i32
  }
  func.func @transform_12(%arg0: i32) -> (i32, i32) {
    %c0_i32 = arith.constant 0 : i32
    %c0_i32_0 = arith.constant 0 : i32
    return %arg0, %c0_i32 : i32, i32
  }
}

module attributes {stable_mosaic.version = 14 : i64} {
  func.func @body(%arg0: i32, %arg1: memref<1000x128xf32, #tpu.memory_space<vmem>>, %arg2: memref<1000x128xf32, #tpu.memory_space<vmem>>, %arg3: memref<1000x16xf32, #tpu.memory_space<vmem>>, %arg4: memref<128x256xf32, #tpu.memory_space<vmem>>, %arg5: memref<128x256xf32, #tpu.memory_space<vmem>>, %arg6: memref<16x256xf32, #tpu.memory_space<vmem>>, %arg7: memref<1x256xf32, #tpu.memory_space<vmem>>, %arg8: memref<1000x1xf32, #tpu.memory_space<vmem>>, %arg9: memref<1000x1xf32, #tpu.memory_space<vmem>>, %arg10: memref<1000x256xf32, #tpu.memory_space<vmem>>, %arg11: memref<1000x128xf32, #tpu.memory_space<vmem>>, %arg12: memref<1000x128xf32, #tpu.memory_space<vmem>>, %arg13: memref<1000x256xf32, #tpu.memory_space<vmem>>) attributes {dimension_semantics = [#tpu.dimension_semantics<arbitrary>], iteration_bounds = array<i64: 10>, scalar_prefetch = 0 : i64, scratch_operands = 0 : i64, tpu.core_type = #tpu.core_type<tc>, window_params = [{transform_indices = @transform_0, window_bounds = array<i64: 1000, 128>}, {transform_indices = @transform_1, window_bounds = array<i64: 1000, 128>}, {transform_indices = @transform_2, window_bounds = array<i64: 1000, 16>}, {pipeline_mode = #tpu.pipeline_mode<synchronous>, transform_indices = @transform_3, window_bounds = array<i64: 128, 256>}, {pipeline_mode = #tpu.pipeline_mode<synchronous>, transform_indices = @transform_4, window_bounds = array<i64: 128, 256>}, {pipeline_mode = #tpu.pipeline_mode<synchronous>, transform_indices = @transform_5, window_bounds = array<i64: 16, 256>}, {pipeline_mode = #tpu.pipeline_mode<synchronous>, transform_indices = @transform_6, window_bounds = array<i64: 1, 256>}, {transform_indices = @transform_7, window_bounds = array<i64: 1000, 1>}, {transform_indices = @transform_8, window_bounds = array<i64: 1000, 1>}, {transform_indices = @transform_9, window_bounds = array<i64: 1000, 256>}, {transform_indices = @transform_10, window_bounds = array<i64: 1000, 128>}, {transform_indices = @transform_11, window_bounds = array<i64: 1000, 128>}, {transform_indices = @transform_12, window_bounds = array<i64: 1000, 256>}]} {
    %get3A = arith.constant 0 : index
    %get3A_0 = arith.constant 0 : index
    %get3A_1 = vector.load %arg1[%get3A, %get3A_0] : memref<1000x128xf32, #tpu.memory_space<vmem>>, vector<1000x128xf32>
    %get3A_2 = arith.constant 0 : index
    %get3A_3 = arith.constant 0 : index
    %get3A_4 = vector.load %arg4[%get3A_2, %get3A_3] : memref<128x256xf32, #tpu.memory_space<vmem>>, vector<128x256xf32>
    %dot_general3A = arith.constant dense<0.000000e+00> : vector<1000x256xf32>
    %dot_general3A_5 = tpu.matmul %get3A_1, %get3A_4, %dot_general3A {dimension_numbers = #tpu.dot_dimension_numbers<[1], [0], [0], [1], [0, 0, 1, 1], [], []>, transpose_lhs_hint = false} : vector<1000x128xf32>, vector<128x256xf32>, vector<1000x256xf32> -> vector<1000x256xf32>
    %get3A_6 = arith.constant 0 : index
    %get3A_7 = arith.constant 0 : index
    %get3A_8 = vector.load %arg2[%get3A_6, %get3A_7] : memref<1000x128xf32, #tpu.memory_space<vmem>>, vector<1000x128xf32>
    %get3A_9 = arith.constant 0 : index
    %get3A_10 = arith.constant 0 : index
    %get3A_11 = vector.load %arg5[%get3A_9, %get3A_10] : memref<128x256xf32, #tpu.memory_space<vmem>>, vector<128x256xf32>
    %dot_general3A_12 = arith.constant dense<0.000000e+00> : vector<1000x256xf32>
    %dot_general3A_13 = tpu.matmul %get3A_8, %get3A_11, %dot_general3A_12 {dimension_numbers = #tpu.dot_dimension_numbers<[1], [0], [0], [1], [0, 0, 1, 1], [], []>, transpose_lhs_hint = false} : vector<1000x128xf32>, vector<128x256xf32>, vector<1000x256xf32> -> vector<1000x256xf32>
    %add3A = arith.addf %dot_general3A_5, %dot_general3A_13 : vector<1000x256xf32>
    %get3A_14 = arith.constant 0 : index
    %get3A_15 = arith.constant 0 : index
    %get3A_16 = vector.load %arg3[%get3A_14, %get3A_15] : memref<1000x16xf32, #tpu.memory_space<vmem>>, vector<1000x16xf32>
    %get3A_17 = arith.constant 0 : index
    %get3A_18 = arith.constant 0 : index
    %get3A_19 = vector.load %arg6[%get3A_17, %get3A_18] : memref<16x256xf32, #tpu.memory_space<vmem>>, vector<16x256xf32>
    %dot_general3A_20 = arith.constant dense<0.000000e+00> : vector<1000x256xf32>
    %dot_general3A_21 = tpu.matmul %get3A_16, %get3A_19, %dot_general3A_20 {dimension_numbers = #tpu.dot_dimension_numbers<[1], [0], [0], [1], [0, 0, 1, 1], [], []>, transpose_lhs_hint = false} : vector<1000x16xf32>, vector<16x256xf32>, vector<1000x256xf32> -> vector<1000x256xf32>
    %add3A_22 = arith.addf %add3A, %dot_general3A_21 : vector<1000x256xf32>
    %get3A_23 = arith.constant 0 : index
    %get3A_24 = arith.constant 0 : index
    %get3A_25 = vector.load %arg8[%get3A_23, %get3A_24] : memref<1000x1xf32, #tpu.memory_space<vmem>>, vector<1000x1xf32>
    %mul3A = vector.broadcast %get3A_25 : vector<1000x1xf32> to vector<1000x256xf32>
    %mul3A_26 = arith.mulf %add3A_22, %mul3A : vector<1000x256xf32>
    %get3A_27 = arith.constant 0 : index
    %get3A_28 = arith.constant 0 : index
    %get3A_29 = vector.load %arg7[%get3A_27, %get3A_28] : memref<1x256xf32, #tpu.memory_space<vmem>>, vector<1x256xf32>
    %add3A_30 = vector.broadcast %get3A_29 : vector<1x256xf32> to vector<1000x256xf32>
    %add3A_31 = arith.addf %mul3A_26, %add3A_30 : vector<1000x256xf32>
    %logistic3A = arith.negf %add3A_31 : vector<1000x256xf32>
    %logistic3A_32 = math.exp %logistic3A : vector<1000x256xf32>
    %logistic3A_33 = arith.constant 1.000000e+00 : f32
    %logistic3A_34 = vector.broadcast %logistic3A_33 : f32 to vector<1000x256xf32>
    %logistic3A_35 = arith.addf %logistic3A_34, %logistic3A_32 : vector<1000x256xf32>
    %logistic3A_36 = arith.divf %logistic3A_34, %logistic3A_35 : vector<1000x256xf32>
    %get3A_37 = arith.constant 0 : index
    %get3A_38 = arith.constant 0 : index
    %get3A_39 = vector.load %arg10[%get3A_37, %get3A_38] : memref<1000x256xf32, #tpu.memory_space<vmem>>, vector<1000x256xf32>
    %add3A_40 = arith.addf %get3A_39, %logistic3A_36 : vector<1000x256xf32>
    %get3A_41 = arith.constant 0 : index
    %get3A_42 = arith.constant 0 : index
    %get3A_43 = vector.load %arg9[%get3A_41, %get3A_42] : memref<1000x1xf32, #tpu.memory_space<vmem>>, vector<1000x1xf32>
    %mul3A_44 = vector.broadcast %get3A_43 : vector<1000x1xf32> to vector<1000x256xf32>
    %mul3A_45 = arith.mulf %add3A_40, %mul3A_44 : vector<1000x256xf32>
    %logistic3A_46 = arith.negf %mul3A_45 : vector<1000x256xf32>
    %logistic3A_47 = math.exp %logistic3A_46 : vector<1000x256xf32>
    %logistic3A_48 = arith.constant 1.000000e+00 : f32
    %logistic3A_49 = vector.broadcast %logistic3A_48 : f32 to vector<1000x256xf32>
    %logistic3A_50 = arith.addf %logistic3A_49, %logistic3A_47 : vector<1000x256xf32>
    %logistic3A_51 = arith.divf %logistic3A_49, %logistic3A_50 : vector<1000x256xf32>
    %slice3A = vector.extract_strided_slice %logistic3A_51 {offsets = [0, 0], sizes = [1000, 128], strides = [1, 1]} : vector<1000x256xf32> to vector<1000x128xf32>
    %swap3A = arith.constant 0 : index
    %swap3A_52 = arith.constant 0 : index
    %swap3A_53 = vector.load %arg11[%swap3A, %swap3A_52] : memref<1000x128xf32, #tpu.memory_space<vmem>>, vector<1000x128xf32>
    tpu.vector_store %arg11[%swap3A, %swap3A_52], %slice3A {strides = array<i32>} : memref<1000x128xf32, #tpu.memory_space<vmem>>, vector<1000x128xf32>,
    %slice3A_54 = vector.extract_strided_slice %logistic3A_51 {offsets = [0, 128], sizes = [1000, 128], strides = [1, 1]} : vector<1000x256xf32> to vector<1000x128xf32>
    %swap3A_55 = arith.constant 0 : index
    %swap3A_56 = arith.constant 0 : index
    %swap3A_57 = vector.load %arg12[%swap3A_55, %swap3A_56] : memref<1000x128xf32, #tpu.memory_space<vmem>>, vector<1000x128xf32>
    tpu.vector_store %arg12[%swap3A_55, %swap3A_56], %slice3A_54 {strides = array<i32>} : memref<1000x128xf32, #tpu.memory_space<vmem>>, vector<1000x128xf32>,
    %swap3A_58 = arith.constant 0 : index
    %swap3A_59 = arith.constant 0 : index
    %swap3A_60 = vector.load %arg13[%swap3A_58, %swap3A_59] : memref<1000x256xf32, #tpu.memory_space<vmem>>, vector<1000x256xf32>
    tpu.vector_store %arg13[%swap3A_58, %swap3A_59], %mul3A_45 {strides = array<i32>} : memref<1000x256xf32, #tpu.memory_space<vmem>>, vector<1000x256xf32>,
    return
  }
  func.func @transform_0(%arg0: i32) -> (i32, i32) {
    %c0_i32 = arith.constant 0 : i32
    %c0_i32_0 = arith.constant 0 : i32
    return %arg0, %c0_i32 : i32, i32
  }
  func.func @transform_1(%arg0: i32) -> (i32, i32) {
    %c0_i32 = arith.constant 0 : i32
    %c0_i32_0 = arith.constant 0 : i32
    return %arg0, %c0_i32 : i32, i32
  }
  func.func @transform_2(%arg0: i32) -> (i32, i32) {
    %c0_i32 = arith.constant 0 : i32
    %c0_i32_0 = arith.constant 0 : i32
    return %arg0, %c0_i32 : i32, i32
  }
  func.func @transform_3(%arg0: i32) -> (i32, i32) {
    %c0_i32 = arith.constant 0 : i32
    %c0_i32_0 = arith.constant 0 : i32
    %c0_i32_1 = arith.constant 0 : i32
    return %c0_i32, %c0_i32_0 : i32, i32
  }
  func.func @transform_4(%arg0: i32) -> (i32, i32) {
    %c0_i32 = arith.constant 0 : i32
    %c0_i32_0 = arith.constant 0 : i32
    %c0_i32_1 = arith.constant 0 : i32
    return %c0_i32, %c0_i32_0 : i32, i32
  }
  func.func @transform_5(%arg0: i32) -> (i32, i32) {
    %c0_i32 = arith.constant 0 : i32
    %c0_i32_0 = arith.constant 0 : i32
    %c0_i32_1 = arith.constant 0 : i32
    return %c0_i32, %c0_i32_0 : i32, i32
  }
  func.func @transform_6(%arg0: i32) -> (i32, i32) {
    %c0_i32 = arith.constant 0 : i32
    %c0_i32_0 = arith.constant 0 : i32
    %c0_i32_1 = arith.constant 0 : i32
    return %c0_i32, %c0_i32_0 : i32, i32
  }
  func.func @transform_7(%arg0: i32) -> (i32, i32) {
    %c0_i32 = arith.constant 0 : i32
    %c0_i32_0 = arith.constant 0 : i32
    return %arg0, %c0_i32 : i32, i32
  }
  func.func @transform_8(%arg0: i32) -> (i32, i32) {
    %c0_i32 = arith.constant 0 : i32
    %c0_i32_0 = arith.constant 0 : i32
    return %arg0, %c0_i32 : i32, i32
  }
  func.func @transform_9(%arg0: i32) -> (i32, i32) {
    %c0_i32 = arith.constant 0 : i32
    %c0_i32_0 = arith.constant 0 : i32
    return %arg0, %c0_i32 : i32, i32
  }
  func.func @transform_10(%arg0: i32) -> (i32, i32) {
    %c0_i32 = arith.constant 0 : i32
    %c0_i32_0 = arith.constant 0 : i32
    return %arg0, %c0_i32 : i32, i32
  }
  func.func @transform_11(%arg0: i32) -> (i32, i32) {
    %c0_i32 = arith.constant 0 : i32
    %c0_i32_0 = arith.constant 0 : i32
    return %arg0, %c0_i32 : i32, i32
  }
  func.func @transform_12(%arg0: i32) -> (i32, i32) {
    %c0_i32 = arith.constant 0 : i32
    %c0_i32_0 = arith.constant 0 : i32
    return %arg0, %c0_i32 : i32, i32
  }
}

module attributes {stable_mosaic.version = 14 : i64} {
  func.func @body(%arg0: i32, %arg1: memref<1000x128xf32, #tpu.memory_space<vmem>>, %arg2: memref<1000x128xf32, #tpu.memory_space<vmem>>, %arg3: memref<1000x16xf32, #tpu.memory_space<vmem>>, %arg4: memref<128x256xf32, #tpu.memory_space<vmem>>, %arg5: memref<128x256xf32, #tpu.memory_space<vmem>>, %arg6: memref<16x256xf32, #tpu.memory_space<vmem>>, %arg7: memref<1x256xf32, #tpu.memory_space<vmem>>, %arg8: memref<1000x1xf32, #tpu.memory_space<vmem>>, %arg9: memref<1000x1xf32, #tpu.memory_space<vmem>>, %arg10: memref<1000x256xf32, #tpu.memory_space<vmem>>, %arg11: memref<1000x128xf32, #tpu.memory_space<vmem>>, %arg12: memref<1000x128xf32, #tpu.memory_space<vmem>>) attributes {dimension_semantics = [#tpu.dimension_semantics<arbitrary>], iteration_bounds = array<i64: 10>, scalar_prefetch = 0 : i64, scratch_operands = 0 : i64, tpu.core_type = #tpu.core_type<tc>, window_params = [{transform_indices = @transform_0, window_bounds = array<i64: 1000, 128>}, {transform_indices = @transform_1, window_bounds = array<i64: 1000, 128>}, {transform_indices = @transform_2, window_bounds = array<i64: 1000, 16>}, {pipeline_mode = #tpu.pipeline_mode<synchronous>, transform_indices = @transform_3, window_bounds = array<i64: 128, 256>}, {pipeline_mode = #tpu.pipeline_mode<synchronous>, transform_indices = @transform_4, window_bounds = array<i64: 128, 256>}, {pipeline_mode = #tpu.pipeline_mode<synchronous>, transform_indices = @transform_5, window_bounds = array<i64: 16, 256>}, {pipeline_mode = #tpu.pipeline_mode<synchronous>, transform_indices = @transform_6, window_bounds = array<i64: 1, 256>}, {transform_indices = @transform_7, window_bounds = array<i64: 1000, 1>}, {transform_indices = @transform_8, window_bounds = array<i64: 1000, 1>}, {transform_indices = @transform_9, window_bounds = array<i64: 1000, 256>}, {transform_indices = @transform_10, window_bounds = array<i64: 1000, 128>}, {transform_indices = @transform_11, window_bounds = array<i64: 1000, 128>}]} {
    %get3A = arith.constant 0 : index
    %get3A_0 = arith.constant 0 : index
    %get3A_1 = vector.load %arg1[%get3A, %get3A_0] : memref<1000x128xf32, #tpu.memory_space<vmem>>, vector<1000x128xf32>
    %get3A_2 = arith.constant 0 : index
    %get3A_3 = arith.constant 0 : index
    %get3A_4 = vector.load %arg4[%get3A_2, %get3A_3] : memref<128x256xf32, #tpu.memory_space<vmem>>, vector<128x256xf32>
    %dot_general3A = arith.constant dense<0.000000e+00> : vector<1000x256xf32>
    %dot_general3A_5 = tpu.matmul %get3A_1, %get3A_4, %dot_general3A {dimension_numbers = #tpu.dot_dimension_numbers<[1], [0], [0], [1], [0, 0, 1, 1], [], []>, transpose_lhs_hint = false} : vector<1000x128xf32>, vector<128x256xf32>, vector<1000x256xf32> -> vector<1000x256xf32>
    %get3A_6 = arith.constant 0 : index
    %get3A_7 = arith.constant 0 : index
    %get3A_8 = vector.load %arg2[%get3A_6, %get3A_7] : memref<1000x128xf32, #tpu.memory_space<vmem>>, vector<1000x128xf32>
    %get3A_9 = arith.constant 0 : index
    %get3A_10 = arith.constant 0 : index
    %get3A_11 = vector.load %arg5[%get3A_9, %get3A_10] : memref<128x256xf32, #tpu.memory_space<vmem>>, vector<128x256xf32>
    %dot_general3A_12 = arith.constant dense<0.000000e+00> : vector<1000x256xf32>
    %dot_general3A_13 = tpu.matmul %get3A_8, %get3A_11, %dot_general3A_12 {dimension_numbers = #tpu.dot_dimension_numbers<[1], [0], [0], [1], [0, 0, 1, 1], [], []>, transpose_lhs_hint = false} : vector<1000x128xf32>, vector<128x256xf32>, vector<1000x256xf32> -> vector<1000x256xf32>
    %add3A = arith.addf %dot_general3A_5, %dot_general3A_13 : vector<1000x256xf32>
    %get3A_14 = arith.constant 0 : index
    %get3A_15 = arith.constant 0 : index
    %get3A_16 = vector.load %arg3[%get3A_14, %get3A_15] : memref<1000x16xf32, #tpu.memory_space<vmem>>, vector<1000x16xf32>
    %get3A_17 = arith.constant 0 : index
    %get3A_18 = arith.constant 0 : index
    %get3A_19 = vector.load %arg6[%get3A_17, %get3A_18] : memref<16x256xf32, #tpu.memory_space<vmem>>, vector<16x256xf32>
    %dot_general3A_20 = arith.constant dense<0.000000e+00> : vector<1000x256xf32>
    %dot_general3A_21 = tpu.matmul %get3A_16, %get3A_19, %dot_general3A_20 {dimension_numbers = #tpu.dot_dimension_numbers<[1], [0], [0], [1], [0, 0, 1, 1], [], []>, transpose_lhs_hint = false} : vector<1000x16xf32>, vector<16x256xf32>, vector<1000x256xf32> -> vector<1000x256xf32>
    %add3A_22 = arith.addf %add3A, %dot_general3A_21 : vector<1000x256xf32>
    %get3A_23 = arith.constant 0 : index
    %get3A_24 = arith.constant 0 : index
    %get3A_25 = vector.load %arg8[%get3A_23, %get3A_24] : memref<1000x1xf32, #tpu.memory_space<vmem>>, vector<1000x1xf32>
    %mul3A = vector.broadcast %get3A_25 : vector<1000x1xf32> to vector<1000x256xf32>
    %mul3A_26 = arith.mulf %add3A_22, %mul3A : vector<1000x256xf32>
    %get3A_27 = arith.constant 0 : index
    %get3A_28 = arith.constant 0 : index
    %get3A_29 = vector.load %arg7[%get3A_27, %get3A_28] : memref<1x256xf32, #tpu.memory_space<vmem>>, vector<1x256xf32>
    %add3A_30 = vector.broadcast %get3A_29 : vector<1x256xf32> to vector<1000x256xf32>
    %add3A_31 = arith.addf %mul3A_26, %add3A_30 : vector<1000x256xf32>
    %logistic3A = arith.negf %add3A_31 : vector<1000x256xf32>
    %logistic3A_32 = math.exp %logistic3A : vector<1000x256xf32>
    %logistic3A_33 = arith.constant 1.000000e+00 : f32
    %logistic3A_34 = vector.broadcast %logistic3A_33 : f32 to vector<1000x256xf32>
    %logistic3A_35 = arith.addf %logistic3A_34, %logistic3A_32 : vector<1000x256xf32>
    %logistic3A_36 = arith.divf %logistic3A_34, %logistic3A_35 : vector<1000x256xf32>
    %get3A_37 = arith.constant 0 : index
    %get3A_38 = arith.constant 0 : index
    %get3A_39 = vector.load %arg10[%get3A_37, %get3A_38] : memref<1000x256xf32, #tpu.memory_space<vmem>>, vector<1000x256xf32>
    %add3A_40 = arith.addf %get3A_39, %logistic3A_36 : vector<1000x256xf32>
    %get3A_41 = arith.constant 0 : index
    %get3A_42 = arith.constant 0 : index
    %get3A_43 = vector.load %arg9[%get3A_41, %get3A_42] : memref<1000x1xf32, #tpu.memory_space<vmem>>, vector<1000x1xf32>
    %mul3A_44 = vector.broadcast %get3A_43 : vector<1000x1xf32> to vector<1000x256xf32>
    %mul3A_45 = arith.mulf %add3A_40, %mul3A_44 : vector<1000x256xf32>
    %slice3A = vector.extract_strided_slice %mul3A_45 {offsets = [0, 0], sizes = [1000, 128], strides = [1, 1]} : vector<1000x256xf32> to vector<1000x128xf32>
    %swap3A = arith.constant 0 : index
    %swap3A_46 = arith.constant 0 : index
    %swap3A_47 = vector.load %arg11[%swap3A, %swap3A_46] : memref<1000x128xf32, #tpu.memory_space<vmem>>, vector<1000x128xf32>
    tpu.vector_store %arg11[%swap3A, %swap3A_46], %slice3A {strides = array<i32>} : memref<1000x128xf32, #tpu.memory_space<vmem>>, vector<1000x128xf32>,
    %slice3A_48 = vector.extract_strided_slice %mul3A_45 {offsets = [0, 128], sizes = [1000, 128], strides = [1, 1]} : vector<1000x256xf32> to vector<1000x128xf32>
    %swap3A_49 = arith.constant 0 : index
    %swap3A_50 = arith.constant 0 : index
    %swap3A_51 = vector.load %arg12[%swap3A_49, %swap3A_50] : memref<1000x128xf32, #tpu.memory_space<vmem>>, vector<1000x128xf32>
    tpu.vector_store %arg12[%swap3A_49, %swap3A_50], %slice3A_48 {strides = array<i32>} : memref<1000x128xf32, #tpu.memory_space<vmem>>, vector<1000x128xf32>,
    return
  }
  func.func @transform_0(%arg0: i32) -> (i32, i32) {
    %c0_i32 = arith.constant 0 : i32
    %c0_i32_0 = arith.constant 0 : i32
    return %arg0, %c0_i32 : i32, i32
  }
  func.func @transform_1(%arg0: i32) -> (i32, i32) {
    %c0_i32 = arith.constant 0 : i32
    %c0_i32_0 = arith.constant 0 : i32
    return %arg0, %c0_i32 : i32, i32
  }
  func.func @transform_2(%arg0: i32) -> (i32, i32) {
    %c0_i32 = arith.constant 0 : i32
    %c0_i32_0 = arith.constant 0 : i32
    return %arg0, %c0_i32 : i32, i32
  }
  func.func @transform_3(%arg0: i32) -> (i32, i32) {
    %c0_i32 = arith.constant 0 : i32
    %c0_i32_0 = arith.constant 0 : i32
    %c0_i32_1 = arith.constant 0 : i32
    return %c0_i32, %c0_i32_0 : i32, i32
  }
  func.func @transform_4(%arg0: i32) -> (i32, i32) {
    %c0_i32 = arith.constant 0 : i32
    %c0_i32_0 = arith.constant 0 : i32
    %c0_i32_1 = arith.constant 0 : i32
    return %c0_i32, %c0_i32_0 : i32, i32
  }
  func.func @transform_5(%arg0: i32) -> (i32, i32) {
    %c0_i32 = arith.constant 0 : i32
    %c0_i32_0 = arith.constant 0 : i32
    %c0_i32_1 = arith.constant 0 : i32
    return %c0_i32, %c0_i32_0 : i32, i32
  }
  func.func @transform_6(%arg0: i32) -> (i32, i32) {
    %c0_i32 = arith.constant 0 : i32
    %c0_i32_0 = arith.constant 0 : i32
    %c0_i32_1 = arith.constant 0 : i32
    return %c0_i32, %c0_i32_0 : i32, i32
  }
  func.func @transform_7(%arg0: i32) -> (i32, i32) {
    %c0_i32 = arith.constant 0 : i32
    %c0_i32_0 = arith.constant 0 : i32
    return %arg0, %c0_i32 : i32, i32
  }
  func.func @transform_8(%arg0: i32) -> (i32, i32) {
    %c0_i32 = arith.constant 0 : i32
    %c0_i32_0 = arith.constant 0 : i32
    return %arg0, %c0_i32 : i32, i32
  }
  func.func @transform_9(%arg0: i32) -> (i32, i32) {
    %c0_i32 = arith.constant 0 : i32
    %c0_i32_0 = arith.constant 0 : i32
    return %arg0, %c0_i32 : i32, i32
  }
  func.func @transform_10(%arg0: i32) -> (i32, i32) {
    %c0_i32 = arith.constant 0 : i32
    %c0_i32_0 = arith.constant 0 : i32
    return %arg0, %c0_i32 : i32, i32
  }
  func.func @transform_11(%arg0: i32) -> (i32, i32) {
    %c0_i32 = arith.constant 0 : i32
    %c0_i32_0 = arith.constant 0 : i32
    return %arg0, %c0_i32 : i32, i32
  }
}

module attributes {stable_mosaic.version = 14 : i64} {
  func.func @_tstack_body(%arg0: memref<16x64xf32, #tpu.memory_space<vmem>>, %arg1: memref<128x16xf32, #tpu.memory_space<vmem>>, %arg2: memref<128x1xi32, #tpu.memory_space<vmem>>, %arg3: memref<1x128xi32, #tpu.memory_space<vmem>>, %arg4: memref<1x128xi32, #tpu.memory_space<vmem>>, %arg5: memref<80x256xf32, #tpu.memory_space<vmem>>, %arg6: memref<1x256xf32, #tpu.memory_space<vmem>>, %arg7: memref<272x256xf32, #tpu.memory_space<vmem>>, %arg8: memref<1x256xf32, #tpu.memory_space<vmem>>, %arg9: memref<272x256xf32, #tpu.memory_space<vmem>>, %arg10: memref<1x256xf32, #tpu.memory_space<vmem>>, %arg11: memref<272x256xf32, #tpu.memory_space<vmem>>, %arg12: memref<1x256xf32, #tpu.memory_space<vmem>>, %arg13: memref<16x256xf32, #tpu.memory_space<vmem>>) attributes {dimension_semantics = [], scalar_prefetch = 0 : i64, scratch_operands = 0 : i64, tpu.core_type = #tpu.core_type<tc>} {
    %get3A = arith.constant 0 : index
    %get3A_0 = arith.constant 0 : index
    %get3A_1 = vector.load %arg5[%get3A, %get3A_0] : memref<80x256xf32, #tpu.memory_space<vmem>>, vector<80x256xf32>
    %get3A_2 = arith.constant 0 : index
    %get3A_3 = arith.constant 0 : index
    %get3A_4 = vector.load %arg7[%get3A_2, %get3A_3] : memref<272x256xf32, #tpu.memory_space<vmem>>, vector<272x256xf32>
    %get3A_5 = arith.constant 0 : index
    %get3A_6 = arith.constant 0 : index
    %get3A_7 = vector.load %arg9[%get3A_5, %get3A_6] : memref<272x256xf32, #tpu.memory_space<vmem>>, vector<272x256xf32>
    %get3A_8 = arith.constant 0 : index
    %get3A_9 = arith.constant 0 : index
    %get3A_10 = vector.load %arg11[%get3A_8, %get3A_9] : memref<272x256xf32, #tpu.memory_space<vmem>>, vector<272x256xf32>
    %get3A_11 = arith.constant 0 : index
    %get3A_12 = arith.constant 0 : index
    %get3A_13 = vector.load %arg6[%get3A_11, %get3A_12] : memref<1x256xf32, #tpu.memory_space<vmem>>, vector<1x256xf32>
    %get3A_14 = arith.constant 0 : index
    %get3A_15 = arith.constant 0 : index
    %get3A_16 = vector.load %arg8[%get3A_14, %get3A_15] : memref<1x256xf32, #tpu.memory_space<vmem>>, vector<1x256xf32>
    %get3A_17 = arith.constant 0 : index
    %get3A_18 = arith.constant 0 : index
    %get3A_19 = vector.load %arg10[%get3A_17, %get3A_18] : memref<1x256xf32, #tpu.memory_space<vmem>>, vector<1x256xf32>
    %get3A_20 = arith.constant 0 : index
    %get3A_21 = arith.constant 0 : index
    %get3A_22 = vector.load %arg12[%get3A_20, %get3A_21] : memref<1x256xf32, #tpu.memory_space<vmem>>, vector<1x256xf32>
    %get3A_23 = arith.constant 0 : index
    %get3A_24 = arith.constant 0 : index
    %get3A_25 = vector.load %arg2[%get3A_23, %get3A_24] : memref<128x1xi32, #tpu.memory_space<vmem>>, vector<128x1xi32>
    %iota3A = tpu.iota {dimensions = array<i32: 1>} : vector<128x16xi32>
    %eq3A = vector.broadcast %get3A_25 : vector<128x1xi32> to vector<128x16xi32>
    %eq3A_26 = arith.cmpi eq, %eq3A, %iota3A : vector<128x16xi32>
    %convert_element_type3A = arith.extui %eq3A_26 : vector<128x16xi1> to vector<128x16xi32>
    %convert_element_type3A_27 = arith.sitofp %convert_element_type3A : vector<128x16xi32> to vector<128x16xf32>
    %iota3A_28 = tpu.iota {dimensions = array<i32: 0>} : vector<16x128xi32>
    %get3A_29 = arith.constant 0 : index
    %get3A_30 = arith.constant 0 : index
    %get3A_31 = vector.load %arg3[%get3A_29, %get3A_30] : memref<1x128xi32, #tpu.memory_space<vmem>>, vector<1x128xi32>
    %eq3A_32 = vector.broadcast %get3A_31 : vector<1x128xi32> to vector<16x128xi32>
    %eq3A_33 = arith.cmpi eq, %iota3A_28, %eq3A_32 : vector<16x128xi32>
    %convert_element_type3A_34 = arith.extui %eq3A_33 : vector<16x128xi1> to vector<16x128xi32>
    %convert_element_type3A_35 = arith.sitofp %convert_element_type3A_34 : vector<16x128xi32> to vector<16x128xf32>
    %iota3A_36 = tpu.iota {dimensions = array<i32: 0>} : vector<16x128xi32>
    %get3A_37 = arith.constant 0 : index
    %get3A_38 = arith.constant 0 : index
    %get3A_39 = vector.load %arg4[%get3A_37, %get3A_38] : memref<1x128xi32, #tpu.memory_space<vmem>>, vector<1x128xi32>
    %eq3A_40 = vector.broadcast %get3A_39 : vector<1x128xi32> to vector<16x128xi32>
    %eq3A_41 = arith.cmpi eq, %iota3A_36, %eq3A_40 : vector<16x128xi32>
    %convert_element_type3A_42 = arith.extui %eq3A_41 : vector<16x128xi1> to vector<16x128xi32>
    %convert_element_type3A_43 = arith.sitofp %convert_element_type3A_42 : vector<16x128xi32> to vector<16x128xf32>
    %broadcast_in_dim3A = arith.constant 1.000000e+00 : f32
    %broadcast_in_dim3A_44 = vector.broadcast %broadcast_in_dim3A : f32 to vector<128x1xf32>
    %dot_general3A = arith.constant dense<0.000000e+00> : vector<16x1xf32>
    %dot_general3A_45 = tpu.matmul %convert_element_type3A_35, %broadcast_in_dim3A_44, %dot_general3A {dimension_numbers = #tpu.dot_dimension_numbers<[1], [0], [0], [1], [0, 0, 1, 1], [], []>, transpose_lhs_hint = false} : vector<16x128xf32>, vector<128x1xf32>, vector<16x1xf32> -> vector<16x1xf32>
    %max3A = arith.constant 1.000000e+00 : f32
    %max3A_46 = vector.broadcast %max3A : f32 to vector<16x1xf32>
    %max3A_47 = arith.maximumf %dot_general3A_45, %max3A_46 : vector<16x1xf32>
    %rsqrt3A = math.rsqrt %max3A_47 : vector<16x1xf32>
    %dot_general3A_48 = arith.constant dense<0.000000e+00> : vector<16x1xf32>
    %dot_general3A_49 = tpu.matmul %convert_element_type3A_43, %broadcast_in_dim3A_44, %dot_general3A_48 {dimension_numbers = #tpu.dot_dimension_numbers<[1], [0], [0], [1], [0, 0, 1, 1], [], []>, transpose_lhs_hint = false} : vector<16x128xf32>, vector<128x1xf32>, vector<16x1xf32> -> vector<16x1xf32>
    %max3A_50 = arith.constant 1.000000e+00 : f32
    %max3A_51 = vector.broadcast %max3A_50 : f32 to vector<16x1xf32>
    %max3A_52 = arith.maximumf %dot_general3A_49, %max3A_51 : vector<16x1xf32>
    %rsqrt3A_53 = math.rsqrt %max3A_52 : vector<16x1xf32>
    %get3A_54 = arith.constant 0 : index
    %get3A_55 = arith.constant 0 : index
    %get3A_56 = vector.load %arg1[%get3A_54, %get3A_55] : memref<128x16xf32, #tpu.memory_space<vmem>>, vector<128x16xf32>
    %get3A_57 = arith.constant 0 : index
    %get3A_58 = arith.constant 0 : index
    %get3A_59 = vector.load %arg0[%get3A_57, %get3A_58] : memref<16x64xf32, #tpu.memory_space<vmem>>, vector<16x64xf32>
    %mul3A = vector.broadcast %rsqrt3A : vector<16x1xf32> to vector<16x64xf32>
    %mul3A_60 = arith.mulf %get3A_59, %mul3A : vector<16x64xf32>
    %dot_general3A_61 = arith.constant dense<0.000000e+00> : vector<128x64xf32>
    %dot_general3A_62 = tpu.matmul %convert_element_type3A_27, %mul3A_60, %dot_general3A_61 {dimension_numbers = #tpu.dot_dimension_numbers<[1], [0], [0], [1], [0, 0, 1, 1], [], []>, transpose_lhs_hint = false} : vector<128x16xf32>, vector<16x64xf32>, vector<128x64xf32> -> vector<128x64xf32>
    %concatenate3A = tpu.concatenate %dot_general3A_62, %get3A_56 in 1 : vector<128x64xf32>, vector<128x16xf32> -> vector<128x80xf32>
    %logistic3A = arith.negf %concatenate3A : vector<128x80xf32>
    %logistic3A_63 = math.exp %logistic3A : vector<128x80xf32>
    %logistic3A_64 = arith.constant 1.000000e+00 : f32
    %logistic3A_65 = vector.broadcast %logistic3A_64 : f32 to vector<128x80xf32>
    %logistic3A_66 = arith.addf %logistic3A_65, %logistic3A_63 : vector<128x80xf32>
    %logistic3A_67 = arith.divf %logistic3A_65, %logistic3A_66 : vector<128x80xf32>
    %dot_general3A_68 = arith.constant dense<0.000000e+00> : vector<16x80xf32>
    %dot_general3A_69 = tpu.matmul %convert_element_type3A_43, %logistic3A_67, %dot_general3A_68 {dimension_numbers = #tpu.dot_dimension_numbers<[1], [0], [0], [1], [0, 0, 1, 1], [], []>, transpose_lhs_hint = false} : vector<16x128xf32>, vector<128x80xf32>, vector<16x80xf32> -> vector<16x80xf32>
    %dot_general3A_70 = arith.constant dense<0.000000e+00> : vector<16x256xf32>
    %dot_general3A_71 = tpu.matmul %dot_general3A_69, %get3A_1, %dot_general3A_70 {dimension_numbers = #tpu.dot_dimension_numbers<[1], [0], [0], [1], [0, 0, 1, 1], [], []>, transpose_lhs_hint = false} : vector<16x80xf32>, vector<80x256xf32>, vector<16x256xf32> -> vector<16x256xf32>
    %mul3A_72 = vector.broadcast %rsqrt3A_53 : vector<16x1xf32> to vector<16x256xf32>
    %mul3A_73 = arith.mulf %dot_general3A_71, %mul3A_72 : vector<16x256xf32>
    %add3A = vector.broadcast %get3A_13 : vector<1x256xf32> to vector<16x256xf32>
    %add3A_74 = arith.addf %mul3A_73, %add3A : vector<16x256xf32>
    %logistic3A_75 = arith.negf %add3A_74 : vector<16x256xf32>
    %logistic3A_76 = math.exp %logistic3A_75 : vector<16x256xf32>
    %logistic3A_77 = arith.constant 1.000000e+00 : f32
    %logistic3A_78 = vector.broadcast %logistic3A_77 : f32 to vector<16x256xf32>
    %logistic3A_79 = arith.addf %logistic3A_78, %logistic3A_76 : vector<16x256xf32>
    %logistic3A_80 = arith.divf %logistic3A_78, %logistic3A_79 : vector<16x256xf32>
    %mul3A_81 = vector.broadcast %rsqrt3A : vector<16x1xf32> to vector<16x256xf32>
    %mul3A_82 = arith.mulf %logistic3A_80, %mul3A_81 : vector<16x256xf32>
    %dot_general3A_83 = arith.constant dense<0.000000e+00> : vector<128x256xf32>
    %dot_general3A_84 = tpu.matmul %convert_element_type3A_27, %mul3A_82, %dot_general3A_83 {dimension_numbers = #tpu.dot_dimension_numbers<[1], [0], [0], [1], [0, 0, 1, 1], [], []>, transpose_lhs_hint = false} : vector<128x16xf32>, vector<16x256xf32>, vector<128x256xf32> -> vector<128x256xf32>
    %concatenate3A_85 = tpu.concatenate %dot_general3A_84, %get3A_56 in 1 : vector<128x256xf32>, vector<128x16xf32> -> vector<128x272xf32>
    %logistic3A_86 = arith.negf %concatenate3A_85 : vector<128x272xf32>
    %logistic3A_87 = math.exp %logistic3A_86 : vector<128x272xf32>
    %logistic3A_88 = arith.constant 1.000000e+00 : f32
    %logistic3A_89 = vector.broadcast %logistic3A_88 : f32 to vector<128x272xf32>
    %logistic3A_90 = arith.addf %logistic3A_89, %logistic3A_87 : vector<128x272xf32>
    %logistic3A_91 = arith.divf %logistic3A_89, %logistic3A_90 : vector<128x272xf32>
    %dot_general3A_92 = arith.constant dense<0.000000e+00> : vector<16x272xf32>
    %dot_general3A_93 = tpu.matmul %convert_element_type3A_43, %logistic3A_91, %dot_general3A_92 {dimension_numbers = #tpu.dot_dimension_numbers<[1], [0], [0], [1], [0, 0, 1, 1], [], []>, transpose_lhs_hint = false} : vector<16x128xf32>, vector<128x272xf32>, vector<16x272xf32> -> vector<16x272xf32>
    %dot_general3A_94 = arith.constant dense<0.000000e+00> : vector<16x256xf32>
    %dot_general3A_95 = tpu.matmul %dot_general3A_93, %get3A_4, %dot_general3A_94 {dimension_numbers = #tpu.dot_dimension_numbers<[1], [0], [0], [1], [0, 0, 1, 1], [], []>, transpose_lhs_hint = false} : vector<16x272xf32>, vector<272x256xf32>, vector<16x256xf32> -> vector<16x256xf32>
    %mul3A_96 = vector.broadcast %rsqrt3A_53 : vector<16x1xf32> to vector<16x256xf32>
    %mul3A_97 = arith.mulf %dot_general3A_95, %mul3A_96 : vector<16x256xf32>
    %add3A_98 = vector.broadcast %get3A_16 : vector<1x256xf32> to vector<16x256xf32>
    %add3A_99 = arith.addf %mul3A_97, %add3A_98 : vector<16x256xf32>
    %logistic3A_100 = arith.negf %add3A_99 : vector<16x256xf32>
    %logistic3A_101 = math.exp %logistic3A_100 : vector<16x256xf32>
    %logistic3A_102 = arith.constant 1.000000e+00 : f32
    %logistic3A_103 = vector.broadcast %logistic3A_102 : f32 to vector<16x256xf32>
    %logistic3A_104 = arith.addf %logistic3A_103, %logistic3A_101 : vector<16x256xf32>
    %logistic3A_105 = arith.divf %logistic3A_103, %logistic3A_104 : vector<16x256xf32>
    %add3A_106 = arith.addf %mul3A_82, %logistic3A_105 : vector<16x256xf32>
    %mul3A_107 = vector.broadcast %rsqrt3A : vector<16x1xf32> to vector<16x256xf32>
    %mul3A_108 = arith.mulf %add3A_106, %mul3A_107 : vector<16x256xf32>
    %dot_general3A_109 = arith.constant dense<0.000000e+00> : vector<128x256xf32>
    %dot_general3A_110 = tpu.matmul %convert_element_type3A_27, %mul3A_108, %dot_general3A_109 {dimension_numbers = #tpu.dot_dimension_numbers<[1], [0], [0], [1], [0, 0, 1, 1], [], []>, transpose_lhs_hint = false} : vector<128x16xf32>, vector<16x256xf32>, vector<128x256xf32> -> vector<128x256xf32>
    %concatenate3A_111 = tpu.concatenate %dot_general3A_110, %get3A_56 in 1 : vector<128x256xf32>, vector<128x16xf32> -> vector<128x272xf32>
    %logistic3A_112 = arith.negf %concatenate3A_111 : vector<128x272xf32>
    %logistic3A_113 = math.exp %logistic3A_112 : vector<128x272xf32>
    %logistic3A_114 = arith.constant 1.000000e+00 : f32
    %logistic3A_115 = vector.broadcast %logistic3A_114 : f32 to vector<128x272xf32>
    %logistic3A_116 = arith.addf %logistic3A_115, %logistic3A_113 : vector<128x272xf32>
    %logistic3A_117 = arith.divf %logistic3A_115, %logistic3A_116 : vector<128x272xf32>
    %dot_general3A_118 = arith.constant dense<0.000000e+00> : vector<16x272xf32>
    %dot_general3A_119 = tpu.matmul %convert_element_type3A_43, %logistic3A_117, %dot_general3A_118 {dimension_numbers = #tpu.dot_dimension_numbers<[1], [0], [0], [1], [0, 0, 1, 1], [], []>, transpose_lhs_hint = false} : vector<16x128xf32>, vector<128x272xf32>, vector<16x272xf32> -> vector<16x272xf32>
    %dot_general3A_120 = arith.constant dense<0.000000e+00> : vector<16x256xf32>
    %dot_general3A_121 = tpu.matmul %dot_general3A_119, %get3A_7, %dot_general3A_120 {dimension_numbers = #tpu.dot_dimension_numbers<[1], [0], [0], [1], [0, 0, 1, 1], [], []>, transpose_lhs_hint = false} : vector<16x272xf32>, vector<272x256xf32>, vector<16x256xf32> -> vector<16x256xf32>
    %mul3A_122 = vector.broadcast %rsqrt3A_53 : vector<16x1xf32> to vector<16x256xf32>
    %mul3A_123 = arith.mulf %dot_general3A_121, %mul3A_122 : vector<16x256xf32>
    %add3A_124 = vector.broadcast %get3A_19 : vector<1x256xf32> to vector<16x256xf32>
    %add3A_125 = arith.addf %mul3A_123, %add3A_124 : vector<16x256xf32>
    %logistic3A_126 = arith.negf %add3A_125 : vector<16x256xf32>
    %logistic3A_127 = math.exp %logistic3A_126 : vector<16x256xf32>
    %logistic3A_128 = arith.constant 1.000000e+00 : f32
    %logistic3A_129 = vector.broadcast %logistic3A_128 : f32 to vector<16x256xf32>
    %logistic3A_130 = arith.addf %logistic3A_129, %logistic3A_127 : vector<16x256xf32>
    %logistic3A_131 = arith.divf %logistic3A_129, %logistic3A_130 : vector<16x256xf32>
    %add3A_132 = arith.addf %mul3A_108, %logistic3A_131 : vector<16x256xf32>
    %mul3A_133 = vector.broadcast %rsqrt3A : vector<16x1xf32> to vector<16x256xf32>
    %mul3A_134 = arith.mulf %add3A_132, %mul3A_133 : vector<16x256xf32>
    %dot_general3A_135 = arith.constant dense<0.000000e+00> : vector<128x256xf32>
    %dot_general3A_136 = tpu.matmul %convert_element_type3A_27, %mul3A_134, %dot_general3A_135 {dimension_numbers = #tpu.dot_dimension_numbers<[1], [0], [0], [1], [0, 0, 1, 1], [], []>, transpose_lhs_hint = false} : vector<128x16xf32>, vector<16x256xf32>, vector<128x256xf32> -> vector<128x256xf32>
    %concatenate3A_137 = tpu.concatenate %dot_general3A_136, %get3A_56 in 1 : vector<128x256xf32>, vector<128x16xf32> -> vector<128x272xf32>
    %dot_general3A_138 = arith.constant dense<0.000000e+00> : vector<16x272xf32>
    %dot_general3A_139 = tpu.matmul %convert_element_type3A_43, %concatenate3A_137, %dot_general3A_138 {dimension_numbers = #tpu.dot_dimension_numbers<[1], [0], [0], [1], [0, 0, 1, 1], [], []>, transpose_lhs_hint = false} : vector<16x128xf32>, vector<128x272xf32>, vector<16x272xf32> -> vector<16x272xf32>
    %dot_general3A_140 = arith.constant dense<0.000000e+00> : vector<16x256xf32>
    %dot_general3A_141 = tpu.matmul %dot_general3A_139, %get3A_10, %dot_general3A_140 {dimension_numbers = #tpu.dot_dimension_numbers<[1], [0], [0], [1], [0, 0, 1, 1], [], []>, transpose_lhs_hint = false} : vector<16x272xf32>, vector<272x256xf32>, vector<16x256xf32> -> vector<16x256xf32>
    %mul3A_142 = vector.broadcast %rsqrt3A_53 : vector<16x1xf32> to vector<16x256xf32>
    %mul3A_143 = arith.mulf %dot_general3A_141, %mul3A_142 : vector<16x256xf32>
    %add3A_144 = vector.broadcast %get3A_22 : vector<1x256xf32> to vector<16x256xf32>
    %add3A_145 = arith.addf %mul3A_143, %add3A_144 : vector<16x256xf32>
    %swap3A = arith.constant 0 : index
    %swap3A_146 = arith.constant 0 : index
    %swap3A_147 = vector.load %arg13[%swap3A, %swap3A_146] : memref<16x256xf32, #tpu.memory_space<vmem>>, vector<16x256xf32>
    tpu.vector_store %arg13[%swap3A, %swap3A_146], %add3A_145 {strides = array<i32>} : memref<16x256xf32, #tpu.memory_space<vmem>>, vector<16x256xf32>,
    return
  }
}

module attributes {stable_mosaic.version = 14 : i64} {
  func.func @_final_body(%arg0: i32, %arg1: memref<1000x128xf32, #tpu.memory_space<vmem>>, %arg2: memref<1000x128xf32, #tpu.memory_space<vmem>>, %arg3: memref<1000x16xf32, #tpu.memory_space<vmem>>, %arg4: memref<128x256xf32, #tpu.memory_space<vmem>>, %arg5: memref<128x256xf32, #tpu.memory_space<vmem>>, %arg6: memref<16x256xf32, #tpu.memory_space<vmem>>, %arg7: memref<1x256xf32, #tpu.memory_space<vmem>>, %arg8: memref<1000x1xf32, #tpu.memory_space<vmem>>, %arg9: memref<1x4096xf32, #tpu.memory_space<vmem>>, %arg10: memref<256x6xf32, #tpu.memory_space<vmem>>, %arg11: memref<4096x6xf32, #tpu.memory_space<vmem>>, %arg12: memref<1x6xf32, #tpu.memory_space<vmem>>, %arg13: memref<1000x6xf32, #tpu.memory_space<vmem>>) attributes {dimension_semantics = [#tpu.dimension_semantics<arbitrary>], iteration_bounds = array<i64: 10>, scalar_prefetch = 0 : i64, scratch_operands = 0 : i64, tpu.core_type = #tpu.core_type<tc>, window_params = [{transform_indices = @transform_0, window_bounds = array<i64: 1000, 128>}, {transform_indices = @transform_1, window_bounds = array<i64: 1000, 128>}, {transform_indices = @transform_2, window_bounds = array<i64: 1000, 16>}, {pipeline_mode = #tpu.pipeline_mode<synchronous>, transform_indices = @transform_3, window_bounds = array<i64: 128, 256>}, {pipeline_mode = #tpu.pipeline_mode<synchronous>, transform_indices = @transform_4, window_bounds = array<i64: 128, 256>}, {pipeline_mode = #tpu.pipeline_mode<synchronous>, transform_indices = @transform_5, window_bounds = array<i64: 16, 256>}, {pipeline_mode = #tpu.pipeline_mode<synchronous>, transform_indices = @transform_6, window_bounds = array<i64: 1, 256>}, {transform_indices = @transform_7, window_bounds = array<i64: 1000, 1>}, {pipeline_mode = #tpu.pipeline_mode<synchronous>, transform_indices = @transform_8, window_bounds = array<i64: 1, 4096>}, {pipeline_mode = #tpu.pipeline_mode<synchronous>, transform_indices = @transform_9, window_bounds = array<i64: 256, 6>}, {pipeline_mode = #tpu.pipeline_mode<synchronous>, transform_indices = @transform_10, window_bounds = array<i64: 4096, 6>}, {pipeline_mode = #tpu.pipeline_mode<synchronous>, transform_indices = @transform_11, window_bounds = array<i64: 1, 6>}, {transform_indices = @transform_12, window_bounds = array<i64: 1000, 6>}]} {
    %get3A = arith.constant 0 : index
    %get3A_0 = arith.constant 0 : index
    %get3A_1 = vector.load %arg1[%get3A, %get3A_0] : memref<1000x128xf32, #tpu.memory_space<vmem>>, vector<1000x128xf32>
    %get3A_2 = arith.constant 0 : index
    %get3A_3 = arith.constant 0 : index
    %get3A_4 = vector.load %arg4[%get3A_2, %get3A_3] : memref<128x256xf32, #tpu.memory_space<vmem>>, vector<128x256xf32>
    %dot_general3A = arith.constant dense<0.000000e+00> : vector<1000x256xf32>
    %dot_general3A_5 = tpu.matmul %get3A_1, %get3A_4, %dot_general3A {dimension_numbers = #tpu.dot_dimension_numbers<[1], [0], [0], [1], [0, 0, 1, 1], [], []>, transpose_lhs_hint = false} : vector<1000x128xf32>, vector<128x256xf32>, vector<1000x256xf32> -> vector<1000x256xf32>
    %get3A_6 = arith.constant 0 : index
    %get3A_7 = arith.constant 0 : index
    %get3A_8 = vector.load %arg2[%get3A_6, %get3A_7] : memref<1000x128xf32, #tpu.memory_space<vmem>>, vector<1000x128xf32>
    %get3A_9 = arith.constant 0 : index
    %get3A_10 = arith.constant 0 : index
    %get3A_11 = vector.load %arg5[%get3A_9, %get3A_10] : memref<128x256xf32, #tpu.memory_space<vmem>>, vector<128x256xf32>
    %dot_general3A_12 = arith.constant dense<0.000000e+00> : vector<1000x256xf32>
    %dot_general3A_13 = tpu.matmul %get3A_8, %get3A_11, %dot_general3A_12 {dimension_numbers = #tpu.dot_dimension_numbers<[1], [0], [0], [1], [0, 0, 1, 1], [], []>, transpose_lhs_hint = false} : vector<1000x128xf32>, vector<128x256xf32>, vector<1000x256xf32> -> vector<1000x256xf32>
    %add3A = arith.addf %dot_general3A_5, %dot_general3A_13 : vector<1000x256xf32>
    %get3A_14 = arith.constant 0 : index
    %get3A_15 = arith.constant 0 : index
    %get3A_16 = vector.load %arg3[%get3A_14, %get3A_15] : memref<1000x16xf32, #tpu.memory_space<vmem>>, vector<1000x16xf32>
    %get3A_17 = arith.constant 0 : index
    %get3A_18 = arith.constant 0 : index
    %get3A_19 = vector.load %arg6[%get3A_17, %get3A_18] : memref<16x256xf32, #tpu.memory_space<vmem>>, vector<16x256xf32>
    %dot_general3A_20 = arith.constant dense<0.000000e+00> : vector<1000x256xf32>
    %dot_general3A_21 = tpu.matmul %get3A_16, %get3A_19, %dot_general3A_20 {dimension_numbers = #tpu.dot_dimension_numbers<[1], [0], [0], [1], [0, 0, 1, 1], [], []>, transpose_lhs_hint = false} : vector<1000x16xf32>, vector<16x256xf32>, vector<1000x256xf32> -> vector<1000x256xf32>
    %add3A_22 = arith.addf %add3A, %dot_general3A_21 : vector<1000x256xf32>
    %get3A_23 = arith.constant 0 : index
    %get3A_24 = arith.constant 0 : index
    %get3A_25 = vector.load %arg8[%get3A_23, %get3A_24] : memref<1000x1xf32, #tpu.memory_space<vmem>>, vector<1000x1xf32>
    %mul3A = vector.broadcast %get3A_25 : vector<1000x1xf32> to vector<1000x256xf32>
    %mul3A_26 = arith.mulf %add3A_22, %mul3A : vector<1000x256xf32>
    %get3A_27 = arith.constant 0 : index
    %get3A_28 = arith.constant 0 : index
    %get3A_29 = vector.load %arg7[%get3A_27, %get3A_28] : memref<1x256xf32, #tpu.memory_space<vmem>>, vector<1x256xf32>
    %add3A_30 = vector.broadcast %get3A_29 : vector<1x256xf32> to vector<1000x256xf32>
    %add3A_31 = arith.addf %mul3A_26, %add3A_30 : vector<1000x256xf32>
    %get3A_32 = arith.constant 0 : index
    %get3A_33 = arith.constant 0 : index
    %get3A_34 = vector.load %arg9[%get3A_32, %get3A_33] : memref<1x4096xf32, #tpu.memory_space<vmem>>, vector<1x4096xf32>
    %get3A_35 = arith.constant 0 : index
    %get3A_36 = arith.constant 0 : index
    %get3A_37 = vector.load %arg11[%get3A_35, %get3A_36] : memref<4096x6xf32, #tpu.memory_space<vmem>>, vector<4096x6xf32>
    %dot_general3A_38 = arith.constant dense<0.000000e+00> : vector<1x6xf32>
    %dot_general3A_39 = tpu.matmul %get3A_34, %get3A_37, %dot_general3A_38 {dimension_numbers = #tpu.dot_dimension_numbers<[1], [0], [0], [1], [0, 0, 1, 1], [], []>, transpose_lhs_hint = false} : vector<1x4096xf32>, vector<4096x6xf32>, vector<1x6xf32> -> vector<1x6xf32>
    %get3A_40 = arith.constant 0 : index
    %get3A_41 = arith.constant 0 : index
    %get3A_42 = vector.load %arg10[%get3A_40, %get3A_41] : memref<256x6xf32, #tpu.memory_space<vmem>>, vector<256x6xf32>
    %dot_general3A_43 = arith.constant dense<0.000000e+00> : vector<1000x6xf32>
    %dot_general3A_44 = tpu.matmul %add3A_31, %get3A_42, %dot_general3A_43 {dimension_numbers = #tpu.dot_dimension_numbers<[1], [0], [0], [1], [0, 0, 1, 1], [], []>, transpose_lhs_hint = false} : vector<1000x256xf32>, vector<256x6xf32>, vector<1000x6xf32> -> vector<1000x6xf32>
    %add3A_45 = vector.broadcast %dot_general3A_39 : vector<1x6xf32> to vector<1000x6xf32>
    %add3A_46 = arith.addf %dot_general3A_44, %add3A_45 : vector<1000x6xf32>
    %get3A_47 = arith.constant 0 : index
    %get3A_48 = arith.constant 0 : index
    %get3A_49 = vector.load %arg12[%get3A_47, %get3A_48] : memref<1x6xf32, #tpu.memory_space<vmem>>, vector<1x6xf32>
    %add3A_50 = vector.broadcast %get3A_49 : vector<1x6xf32> to vector<1000x6xf32>
    %add3A_51 = arith.addf %add3A_46, %add3A_50 : vector<1000x6xf32>
    %reduce_max3A = arith.constant dense<0xFF800000> : vector<1000xf32>
    %reduce_max3A_52 = vector.multi_reduction <maximumf>, %add3A_51, %reduce_max3A [1] : vector<1000x6xf32> to vector<1000xf32>
    %broadcast_in_dim3A = vector.shape_cast %reduce_max3A_52 : vector<1000xf32> to vector<1000x1xf32>
    %sub3A = vector.broadcast %broadcast_in_dim3A : vector<1000x1xf32> to vector<1000x6xf32>
    %sub3A_53 = arith.subf %add3A_51, %sub3A : vector<1000x6xf32>
    %sub3A_54 = vector.broadcast %broadcast_in_dim3A : vector<1000x1xf32> to vector<1000x6xf32>
    %sub3A_55 = arith.subf %add3A_51, %sub3A_54 : vector<1000x6xf32>
    %exp3A = math.exp %sub3A_55 : vector<1000x6xf32>
    %reduce_sum3A = arith.constant dense<0.000000e+00> : vector<1000xf32>
    %reduce_sum3A_56 = vector.multi_reduction <add>, %exp3A, %reduce_sum3A [1] : vector<1000x6xf32> to vector<1000xf32>
    %broadcast_in_dim3A_57 = vector.shape_cast %reduce_sum3A_56 : vector<1000xf32> to vector<1000x1xf32>
    %log3A = math.log %broadcast_in_dim3A_57 : vector<1000x1xf32>
    %sub3A_58 = vector.broadcast %log3A : vector<1000x1xf32> to vector<1000x6xf32>
    %sub3A_59 = arith.subf %sub3A_53, %sub3A_58 : vector<1000x6xf32>
    %swap3A = arith.constant 0 : index
    %swap3A_60 = arith.constant 0 : index
    %swap3A_61 = vector.load %arg13[%swap3A, %swap3A_60] : memref<1000x6xf32, #tpu.memory_space<vmem>>, vector<1000x6xf32>
    tpu.vector_store %arg13[%swap3A, %swap3A_60], %sub3A_59 {strides = array<i32>} : memref<1000x6xf32, #tpu.memory_space<vmem>>, vector<1000x6xf32>,
    return
  }
  func.func @transform_0(%arg0: i32) -> (i32, i32) {
    %c0_i32 = arith.constant 0 : i32
    %c0_i32_0 = arith.constant 0 : i32
    return %arg0, %c0_i32 : i32, i32
  }
  func.func @transform_1(%arg0: i32) -> (i32, i32) {
    %c0_i32 = arith.constant 0 : i32
    %c0_i32_0 = arith.constant 0 : i32
    return %arg0, %c0_i32 : i32, i32
  }
  func.func @transform_2(%arg0: i32) -> (i32, i32) {
    %c0_i32 = arith.constant 0 : i32
    %c0_i32_0 = arith.constant 0 : i32
    return %arg0, %c0_i32 : i32, i32
  }
  func.func @transform_3(%arg0: i32) -> (i32, i32) {
    %c0_i32 = arith.constant 0 : i32
    %c0_i32_0 = arith.constant 0 : i32
    %c0_i32_1 = arith.constant 0 : i32
    return %c0_i32, %c0_i32_0 : i32, i32
  }
  func.func @transform_4(%arg0: i32) -> (i32, i32) {
    %c0_i32 = arith.constant 0 : i32
    %c0_i32_0 = arith.constant 0 : i32
    %c0_i32_1 = arith.constant 0 : i32
    return %c0_i32, %c0_i32_0 : i32, i32
  }
  func.func @transform_5(%arg0: i32) -> (i32, i32) {
    %c0_i32 = arith.constant 0 : i32
    %c0_i32_0 = arith.constant 0 : i32
    %c0_i32_1 = arith.constant 0 : i32
    return %c0_i32, %c0_i32_0 : i32, i32
  }
  func.func @transform_6(%arg0: i32) -> (i32, i32) {
    %c0_i32 = arith.constant 0 : i32
    %c0_i32_0 = arith.constant 0 : i32
    %c0_i32_1 = arith.constant 0 : i32
    return %c0_i32, %c0_i32_0 : i32, i32
  }
  func.func @transform_7(%arg0: i32) -> (i32, i32) {
    %c0_i32 = arith.constant 0 : i32
    %c0_i32_0 = arith.constant 0 : i32
    return %arg0, %c0_i32 : i32, i32
  }
  func.func @transform_8(%arg0: i32) -> (i32, i32) {
    %c0_i32 = arith.constant 0 : i32
    %c0_i32_0 = arith.constant 0 : i32
    %c0_i32_1 = arith.constant 0 : i32
    return %c0_i32, %c0_i32_0 : i32, i32
  }
  func.func @transform_9(%arg0: i32) -> (i32, i32) {
    %c0_i32 = arith.constant 0 : i32
    %c0_i32_0 = arith.constant 0 : i32
    %c0_i32_1 = arith.constant 0 : i32
    return %c0_i32, %c0_i32_0 : i32, i32
  }
  func.func @transform_10(%arg0: i32) -> (i32, i32) {
    %c0_i32 = arith.constant 0 : i32
    %c0_i32_0 = arith.constant 0 : i32
    %c0_i32_1 = arith.constant 0 : i32
    return %c0_i32, %c0_i32_0 : i32, i32
  }
  func.func @transform_11(%arg0: i32) -> (i32, i32) {
    %c0_i32 = arith.constant 0 : i32
    %c0_i32_0 = arith.constant 0 : i32
    %c0_i32_1 = arith.constant 0 : i32
    return %c0_i32, %c0_i32_0 : i32, i32
  }
  func.func @transform_12(%arg0: i32) -> (i32, i32) {
    %c0_i32 = arith.constant 0 : i32
    %c0_i32_0 = arith.constant 0 : i32
    return %arg0, %c0_i32 : i32, i32
  }
}

</mosaic_0001>

<sc_bundles>
// kernel: kernel.19.cloned.1.call-start
scs
__scs_entry_jumppad:
0x0: {  	(pc) =	sbr.rel $0x88, $3  }
0x1: {  	(tag) =	ssettag $0x0;
	lr =	simm.s32 $0x1  }
0x2: {  	[smem:$0x3F83] =	sst lr;
	_ =	strace $0xD0000000  }
0x3: {  	_ = 	snop  }
0x4: {  	_ = 	snop  }
0x5: {  	_ = 	snop  }
0x6: {  	_ = 	snop  }
0x7: {  	_ = 	snop  }
__scs_overlays_trampoline_lowered:
0x8: {  	[smem:$0x3F92] =	sst s0  }
0x9: {  	[smem:$0x3F93] =	sst s1  }
0xa: {  	[smem:$0x3F94] =	sst s2  }
0xb: {  	[smem:$0x3F95] =	sst s3  }
0xc: {  	[smem:$0x3F96] =	sst s4  }
0xd: {  	[smem:$0x3F97] =	sst s5  }
0xe: {  	[smem:$0x3F98] =	sst s6  }
0xf: {  	[smem:$0x3F99] =	sst s7  }
0x10: {  	[smem:$0x3F9A] =	sst s8  }
0x11: {  	[smem:$0x3F9B] =	sst s9;
	s0 =	simm.s32 @!p0 $0x0  }
0x12: {  	s1 =	sld [smem:$0x3F81];
	s0 =	simm.s32 @p0 $0x1  }
0x13: {  	[smem:$0x3F9C] =	sst s0;
	s0 =	simm.s32 @!p1 $0x0  }
0x14: {  	s2 =	sld [smem:$0x3F80];
	s0 =	simm.s32 @p1 $0x1  }
0x15: {  	[smem:$0x3F9D] =	sst s0;
	s0 =	simm.s32 @!p2 $0x0  }
0x16: {  	s3 =	sld [smem:$0x3FDB];
	s0 =	simm.s32 @p2 $0x1  }
0x17: {  	s4 =	simm.s32 $0x1BF5;
	[smem:$0x3F9F] =	sst s0  }
0x18: {  	s0 =	sld [smem:$0x3F82];
	_ =	swait.ge [sflag:s4], $0x0  }
0x19: {  	s7 =	sld [smem:$0x3F83]  }
0x1a: {  	s8 =	sadd.s32 $0xFFFFE003, lr  }
0x1b: {  	s9 =	sadd.s32 $0xFFFFFEF7, lr;
	s5 =	simm.s32 $0xFFFFFFFF;
	p2 =	slt.u32 s8, $0xFFFFF086  }
0x1c: {  	p1 =	slt.u32 s9, $0xF7A;
	s5 =	simm.s32 @!p2 $0x0  }
0x1d: {  	s5 =	simm.s32 @p1 $0x1;
	p0 =	seq.s32 s7, s2  }
0x1e: {  	s7 =	smul.u32 @!p0 $0xF7A, s2;
	p2 =	seq.s32 @!p0 s5, $0x0  }
0x1f: {  	s9 =	smul.u32 $0xF7A, s1;
	s8 =	simm.s32 @!p0 $0x1BF5;
	p2 =	por !p2, p0  }
0x20: {  	[sflag:s8] =	ssyncset.s32 @!p0 $0xFFFFF086;
	s6 =	sadd.s32 @!p0 s3, s7;
	s7 =	simm.s32 @!p0 $0x108  }
0x21: {  	s3 =	sadd.s32 s3, s9;
	s6 =	sadd.s32 @!p0 $0x88, s6;
	s7 =	simm.s32 @p2 $0x1082  }
0x22: {  	[simem:s7], [sflag:s8] =	dma.local @!p0 [hbm:s6], $0xF7A  }
0x23: {  	s9 =	sor.u32 $0xD0000000, s2;
	s6 =	simm.s32 $0x108;
	_ =	swait.ge @!p0 [sflag:s8], $0x0  }
0x24: {  	s3 =	sadd.s32 $0x88, s3;
	s6 =	simm.s32 @!p1 $0x1082;
	[sflag:s4] =	ssyncset.s32 $0xFFFFF086  }
0x25: {  	[simem:s6], [sflag:s4] =	dma.local [hbm:s3], $0xF7A  }
0x26: {  	[smem:$0x3F83] =	sst s1;
	(tag) =	ssettag s2;
	_ =	strace s9  }
0x27: {  	s1 =	sld [smem:$0x3F93]  }
0x28: {  	s2 =	sld [smem:$0x3F94]  }
0x29: {  	s4 =	sld [smem:$0x3F96]  }
0x2a: {  	p0 =	seq.s32 s5, $0x0;
	s5 =	sld [smem:$0x3F97]  }
0x2b: {  	s6 =	sld [smem:$0x3F98]  }
0x2c: {  	s7 =	sld [smem:$0x3F99]  }
0x2d: {  	s3 =	simm.s32 $0x108;
	s8 =	sld [smem:$0x3F9A]  }
0x2e: {  	s3 =	simm.s32 @!p0 $0x1082;
	s9 =	sld [smem:$0x3F9B]  }
0x2f: {  	lr =	sadd.s32 s0, s3;
	s0 =	sld [smem:$0x3F92]  }
0x30: {  	s3 =	sld [smem:$0x3F95]  }
0x31: {  	[smem:$0x3F9E] =	sst s10  }
0x32: {  	s10 =	sld [smem:$0x3F9C];
	_ =	sdelay $0x3  }
0x33: {  	p0 =	seq.s32 s10, $0x1;
	s10 =	sld [smem:$0x3F9E];
	_ =	sdelay $0x3  }
0x34: {  	[smem:$0x3F9E] =	sst s10  }
0x35: {  	s10 =	sld [smem:$0x3F9D];
	_ =	sdelay $0x3  }
0x36: {  	p1 =	seq.s32 s10, $0x1;
	s10 =	sld [smem:$0x3F9E];
	_ =	sdelay $0x3  }
0x37: {  	[smem:$0x3F9E] =	sst s10  }
0x38: {  	s10 =	sld [smem:$0x3F9F]  }
0x39: {  	_ = 	snop;
	(pc) =	sbr.ind lr, $3  }
0x3a: {  	_ = 	snop  }
0x3b: {  	_ = 	snop  }
0x3c: {  	p2 =	seq.s32 s10, $0x1;
	s10 =	sld [smem:$0x3F9E]  }
0x3d: {  	_ =	shalt  }
0x3e: {  	_ =	shalt  }
0x3f: {  	_ =	shalt  }
0x40: {  	_ =	shalt  }
0x41: {  	_ =	shalt  }
0x42: {  	_ =	shalt  }
0x43: {  	_ =	shalt  }
0x44: {  	_ =	shalt  }
0x45: {  	_ =	shalt  }
0x46: {  	_ =	shalt  }
0x47: {  	_ =	shalt  }
0x48: {  	_ =	shalt  }
0x49: {  	_ =	shalt  }
0x4a: {  	_ =	shalt  }
0x4b: {  	_ =	shalt  }
0x4c: {  	_ =	shalt  }
0x4d: {  	_ =	shalt  }
0x4e: {  	_ =	shalt  }
0x4f: {  	_ =	shalt  }
0x50: {  	_ =	shalt  }
0x51: {  	_ =	shalt  }
0x52: {  	_ =	shalt  }
0x53: {  	_ =	shalt  }
0x54: {  	_ =	shalt  }
0x55: {  	_ =	shalt  }
0x56: {  	_ =	shalt  }
0x57: {  	_ =	shalt  }
0x58: {  	_ =	shalt  }
0x59: {  	_ =	shalt  }
0x5a: {  	_ =	shalt  }
0x5b: {  	_ =	shalt  }
0x5c: {  	_ =	shalt  }
0x5d: {  	_ =	shalt  }
0x5e: {  	_ =	shalt  }
0x5f: {  	_ =	shalt  }
0x60: {  	_ =	shalt  }
0x61: {  	_ =	shalt  }
0x62: {  	_ =	shalt  }
0x63: {  	_ =	shalt  }
0x64: {  	_ =	shalt  }
0x65: {  	_ =	shalt  }
0x66: {  	_ =	shalt  }
0x67: {  	_ =	shalt  }
0x68: {  	_ =	shalt  }
0x69: {  	_ =	shalt  }
0x6a: {  	_ =	shalt  }
0x6b: {  	_ =	shalt  }
0x6c: {  	_ =	shalt  }
0x6d: {  	_ =	shalt  }
0x6e: {  	_ =	shalt  }
0x6f: {  	_ =	shalt  }
0x70: {  	_ =	shalt  }
0x71: {  	_ =	shalt  }
0x72: {  	_ =	shalt  }
0x73: {  	_ =	shalt  }
0x74: {  	_ =	shalt  }
0x75: {  	_ =	shalt  }
0x76: {  	_ =	shalt  }
0x77: {  	_ =	shalt  }
0x78: {  	_ =	shalt  }
0x79: {  	_ =	shalt  }
0x7a: {  	_ =	shalt  }
0x7b: {  	_ =	shalt  }
0x7c: {  	_ =	shalt  }
0x7d: {  	_ =	shalt  }
0x7e: {  	_ =	shalt  }
0x7f: {  	_ =	shalt  }
0x80: {  	_ =	shalt  }
0x81: {  	_ =	shalt  }
0x82: {  	_ =	shalt  }
0x83: {  	_ =	shalt  }
0x84: {  	_ =	shalt  }
0x85: {  	_ =	shalt  }
0x86: {  	_ =	shalt  }
0x87: {  	_ =	shalt  }
.Lfunc_end0:
.L_simem_size_0:
called_computation_lowered:
.L_overlay_start_0:
0x88: {  	s2 =	sld [smem:$0x3FD9]  }
0x89: {  	s3 =	sld [smem:$0x3FFE];
	_ =	sdelay $0x1  }
0x8a: {  	s1 =	srdreg.scid  }
0x8b: {  	s0 =	sand.u32 $0x1, s1  }
0x8c: {  	s17 =	sshll.u32 s0, $0xA;
	s2 =	sadd.s32 s3, s2  }
0x8d: {  	s2 =	sadd.s32 s2, s17  }
0x8e: {  	[smem:$0x3FAA] =	sst s2  }
0x8f: {  	_ = 	snop  }
0x90: {  	s2 =	sld [smem:$0x3FD0];
	(tm) =	ssettm $0x1  }
0x91: {  	s18 =	sld [smem:$0x3FFB];
	_ =	sdelay $0x3  }
0x92: {  	_ =	strace s18  }
0x93: {  	s3 =	sld [smem:$0x3FFC];
	_ =	sdelay $0x3  }
0x94: {  	_ =	strace s3  }
0x95: {  	s3 =	sld [smem:$0x3FFD];
	_ =	sdelay $0x3  }
0x96: {  	_ =	strace s3  }
0x97: {  	_ =	strace $0x8FFFFFFF  }
0x98: {  	s19 =	sld [smem:$0x3FDB];
	_ =	sdelay $0x1  }
0x99: {  	s4 =	simm.s32 $_scs_section_size  }
0x9a: {  	s5 =	simm.s32 $_size__tile_overlayer_lowered;
	s6 =	simm.s32 $_tile_overlayer_lowered  }
0x9b: {  	s22 =	simm.s32 $0x1BFF;
	s21 =	sshll.u32 s6, $0x1;
	s3 =	sadd.s32 s4, s19  }
0x9c: {  	s7 =	simm.s32 $0x0;
	s20 =	sshll.u32 s5, $0x1;
	s5 =	sadd.s32 s21, s3  }
0x9d: {  	[timem:s7], [sflag:s22] =	dma.local [hbm:s5], s20  }
0x9e: {  	_ =	swait.ge [sflag:s22], s20  }
0x9f: {  	s4 =	ssub.s32 $0x0, s20;
	[sflag:s22] =	ssyncset.done $0x0  }
0xa0: {  	[sflag:s22] =	ssyncadd.s32 s4;
	_ =	sdelay $0x1  }
0xa1: {  	s23 =	simm.s32 $0x1B8B  }
0xa2: {  	_ =	swait.ge [sflag:s23], $0x1  }
0xa3: {  	[sflag:s23] =	ssyncset.done $0x0  }
0xa4: {  	s25 =	simm.s32 $0x1B8E;
	s24 =	sld [smem:$0x3FFE];
	[sflag:s23] =	ssyncadd.s32 $0xFFFFFFFF  }
0xa5: {  	s26 =	simm.s32 $execute0_lowered;
	[smem:$0x3FD2] =	sst s25  }
0xa6: {  	s5 =	sshll.u32 s26, $0x1;
	_ =	strace $0x80000046;
	[dreg:$0x1] =	wrdreg $0xFFFFFFFF  }
0xa7: {  	s28 =	simm.s32 $_size_execute0_lowered;
	s3 =	sadd.s32 s3, s5;
	[dreg:$0x0] =	wrdreg $0x0  }
0xa8: {  	s5 =	sshll.u32 s28, $0x1;
	[dreg:$0x2] =	wrdreg s3  }
0xa9: {  	[dreg:$0x3] =	wrdreg s5  }
0xaa: {  	[dreg:$0x4] =	wrdreg $0xC0  }
0xab: {  	_ =	task [dreg:s7], $0x5FFFF  }
0xac: {  	[dreg:$0x1] =	wrdreg $0xFFFFFFFF  }
0xad: {  	[dreg:$0x0] =	wrdreg $0x60  }
0xae: {  	[dreg:$0x2] =	wrdreg s24  }
0xaf: {  	[dreg:$0x3] =	wrdreg s2  }
0xb0: {  	[dreg:$0x4] =	wrdreg $0x22880  }
0xb1: {  	[dreg:$0x5] =	wrdreg $0x9A880  }
0xb2: {  	[dreg:$0x6] =	wrdreg $0x9  }
0xb3: {  	_ =	task.clear_ibuf [dreg:s7], $0x7FFFF;
	_ =	strace $0x90000046  }
0xb4: {  	s29 =	simm.s32 $0x9;
	_ =	strace $0x80000048  }
0xb5: {  	_ =	swait.ge [sflag:s29], $0x1  }
0xb6: {  	[sflag:s29] =	ssyncadd.s32 $0xFFFFFFFF  }
0xb7: {  	_ =	strace $0x90000048  }
0xb8: {  	_ =	sfence  }
0xb9: {  	s30 =	sld [smem:$0x0];
	_ =	sdelay $0x2  }
0xba: {  	s31 =	sshll.u32 s1, $0xD;
	s1 =	sshrl.u32 s1, $0x2  }
0xbb: {  	s3 =	sand.u32 $0x4000, s31;
	s1 =	sadd.s32 s1, s30  }
0xbc: {  	s0 =	sor.u32 s3, s0;
	s1 =	sshll.u32 s1, $0x11  }
0xbd: {  	s0 =	sor.u32 s1, s0  }
0xbe: {  	s0 =	sadd.s32 $0x8F2B, s0  }
0xbf: {  	[sflag:s0] =	ssyncadd.remote.s32 $0x1  }
0xc0: {  	_ =	sfence.sel $0xFFFF  }
0xc1: {  	[dreg:$0x0] =	wrdreg $0xFFFFFFFF;
	(pc) =	sbr.abs _section_cstart, $3  }
0xc2: {  	[dreg:$0x1] =	wrdreg $0xFFFFFFFF  }
0xc3: {  	_ =	task.clear_ibuf [dreg:s7], $0x2FFFF;
	_ =	strace $0x9FFFFFFF  }
0xc4: {  	(tm) =	ssettm $0x7FFFFFFF  }
0xc5: {  	_ =	shalt  }
tec
execute0_lowered:
.L_overlay_start_1:
0x0: {  	(tag) =	ssettag $0x1  }
0x1: {  	s0 =	rddreg [dreg:$0x0]  }
0x2: {  	s3 =	rddreg [dreg:$0x2]  }
0x3: {  	s4 =	rddreg [dreg:$0x3]  }
0x4: {  	s5 =	simm.s32 $0x0;
	s1 =	stileid.u32;
	s7 =	srdreg.scid  }
0x5: {  	s28 =	simm.s32 $0x0;
	[smem:$0x7FF] =	sst s5;
	s2 =	smul.u32 $0x7800, s1  }
0x6: {  	s18 =	sadd.s32 $0x11E00, s0;
	s19 =	sadd.s32 $0xCE00, s0;
	s9 =	smul.u32 $0x2800, s1  }
0x7: {  	s16 =	sadd.s32 $0x16E00, s0;
	s13 =	sand.u32 $0x1, s7;
	s15 =	smul.u32 $0x1388, s1  }
0x8: {  	s24 =	sshll.u32 s1, $0x6;
	s21 =	smul.u32 $0x7530, s1;
	_ =	strace $0x80000047  }
0x9: {  	p0 =	seq.s32 s13, $0x1;
	s22 =	smul.u32 $0x13880, s13;
	s14 =	ssub.s32 $0x2, s13  }
0xa: {  	s31 =	smul.u32 $0x75300, s13;
	s6 =	sshrl.u32 s2, $0x3;
	s7 =	sshrl.u32 s9, $0x3  }
0xb: {  	s23 =	sshrl.u32 s14, $0x1;
	s2 =	sadd.s32 s2, s3;
	s9 =	sadd.s32 s9, s4  }
0xc: {  	s8 =	sadd.s32 s6, s0;
	s10 =	sadd.s32 $0xF000, s6;
	s11 =	sadd.s32 s7, s0  }
0xd: {  	s12 =	sadd.s32 $0x5000, s7;
	s14 =	ssub.s32 s14, s23;
	s20 =	sadd.s32 s15, s22  }
0xe: {  	[dreg:$0x5] =	wrdreg s2;
	s2 =	sadd.s32 s31, s16;
	s22 =	simm.s32 $0x2208  }
0xf: {  	s23 =	simm.s32 $0x88;
	s6 =	smov.u32 @p0 s10;
	s7 =	smov.u32 @p0 s12  }
0x10: {  	s25 =	sadd.s32 $0x1380, s20;
	s26 =	sadd.s32 $0x101400, s8;
	s8 =	sor.u32 $0x1C01, s24  }
0x11: {  	s10 =	sadd.s32 $0x110400, s11;
	s14 =	smax.u32 s14, $0x1;
	s20 =	sshrl.u32 s20, $0x3  }
0x12: {  	s24 =	simm.s32 $0x80;
	s17 =	sadd.s32 s6, s0;
	s0 =	sadd.s32 s7, s0  }
0x13: {  	[dreg:$0x6] =	wrdreg s26;
	s29 =	smul.u32 $0x6, s25;
	s30 =	sshrl.u32 s25, $0x3  }
0x14: {  	s25 =	simm.s32 $0x1888;
	s26 =	simm.s32 $0x8;
	s11 =	sadd.s32 s19, s30  }
0x15: {  	s13 =	sadd.s32 s18, s30;
	s15 =	sadd.s32 $0x11F400, s17;
	s17 =	sadd.s32 s21, s2  }
0x16: {  	s18 =	sadd.s32 s20, s18;
	s19 =	sadd.s32 s20, s19;
	s20 =	simm.s32 $0x1  }
0x17: {  	s21 =	simm.s32 $0x1A08;
	s12 =	sadd.s32 s16, s29;
	s16 =	sadd.s32 $0x115400, s0  }
.LBB2_1:
0x18: {  	s0 =	rddreg [dreg:$0x5]  }
0x19: {  	s1 =	rddreg [dreg:$0x6];
	s29 =	sshrl.u32 s0, $0x3  }
0x1a: {  	[spmem:s29], [sflag:s8] =	dma.local [hbm:s1], $0xF00  }
0x1b: {  	_ =	swait.ge [sflag:s20], $0xF00  }
0x1c: {  	[sflag:s20] =	ssyncset.done $0x0  }
0x1d: {  	s30 =	sshrl.u32 s9, $0x3;
	[sflag:s20] =	ssyncadd.s32 $0xFFFFF100  }
0x1e: {  	[spmem:s30], [sflag:s8] =	dma.local [hbm:s10], $0x500  }
0x1f: {  	_ =	swait.ge [sflag:s20], $0x500  }
0x20: {  	[sflag:s20] =	ssyncset.done $0x0  }
0x21: {  	[sflag:s20] =	ssyncadd.s32 $0xFFFFFB00  }
0x22: {  	s2 =	rddreg [dreg:$0x1]  }
0x23: {  	[tilespmem:s21], [sflag:$0x1] =	stream.linear.gather [hbm4b:s2+s5], $0x800, $0x38;
	[tilespmem:$0xC288] =	vst v63  }
0x24: {  	_ =	swait.ge [sflag:s20], $0x800  }
0x25: {  	[sflag:s20] =	ssyncset.done $0x0  }
0x26: {  	[sflag:s20] =	ssyncadd.s32 $0xFFFFF800  }
0x27: {  	[tilespmem:s22], [sflag:$0x1] =	stream.linear.gather [hbm4b:s2+s5], $0x80, $0x38;
	[tilespmem:$0xC288] =	vst v63  }
0x28: {  	_ =	swait.ge [sflag:s20], $0x80  }
0x29: {  	[sflag:s20] =	ssyncset.done $0x0  }
0x2a: {  	[sflag:s20] =	ssyncadd.s32 $0xFFFFFF80  }
0x2b: {  	s6 =	sadd.s32 $0x0, s19;
	[bflag:$0x0] =	sbarrier.arrive $0xFFFF  }
0x2c: {  	[tilespmem:s5], [sflag:$0x1] =	stream.linear.gather [hbm4b:s6+s5], $0x80, $0x38;
	[tilespmem:$0xC288] =	vst v63  }
0x2d: {  	_ =	swait.ge [sflag:s20], $0x80  }
0x2e: {  	[sflag:s20] =	ssyncset.done $0x0  }
0x2f: {  	[sflag:s20] =	ssyncadd.s32 $0xFFFFFF80  }
0x30: {  	[tilespmem:s23], [sflag:$0x1] =	stream.linear.gather [hbm4b:s17+s5], $0x1800, $0x38;
	[tilespmem:$0xC288] =	vst v63  }
0x31: {  	_ =	swait.ge [sflag:s20], $0x1800  }
0x32: {  	[sflag:s20] =	ssyncset.done $0x0  }
0x33: {  	[sflag:s20] =	ssyncadd.s32 $0xFFFFE800  }
0x34: {  	[spmem:s3] =	stream.indirect.scatter.add.f32 [tilespmem:s23], [sflag:$0x1], $0x30, s5, s24, $0xb8;
	[tilespmem:$0xC288] =	vst v63  }
0x35: {  	_ =	swait.ge [sflag:s20], $0x1800  }
0x36: {  	[sflag:s20] =	ssyncset.done $0x0  }
0x37: {  	s7 =	sadd.s32 $0x0, s18;
	[sflag:s20] =	ssyncadd.s32 $0xFFFFE800  }
0x38: {  	[tilespmem:s5], [sflag:$0x1] =	stream.linear.gather [hbm4b:s7+s5], $0x80, $0x38;
	[tilespmem:$0xC288] =	vst v63  }
0x39: {  	_ =	swait.ge [sflag:s20], $0x80  }
0x3a: {  	[sflag:s20] =	ssyncset.done $0x0  }
0x3b: {  	[sflag:s20] =	ssyncadd.s32 $0xFFFFFF80  }
0x3c: {  	[spmem:s4] =	stream.indirect.scatter.add.f32 [tilespmem:s21], [sflag:$0x1], $0x10, s5, s24, $0xb8;
	[tilespmem:$0xC288] =	vst v63  }
0x3d: {  	s31 =	simm.s32 $0x10;
	_ =	swait.ge [sflag:s20], $0x800  }
0x3e: {  	s0 =	sadd.s32 $0x300, s17;
	s2 =	simm.s32 $0x20;
	[sflag:s20] =	ssyncset.done $0x0  }
.LBB2_2:
0x3f: {  	s1 =	sadd.s32 s31, s19  }
0x40: {  	[sflag:s20] =	ssyncadd.s32 $0xFFFFF800;
	s6 =	smov.u32 s2;
	s7 =	sadd.s32 $0x10, s2  }
0x41: {  	[tilespmem:s5], [sflag:$0x1] =	stream.linear.gather [hbm4b:s1+s5], $0x80, $0x38;
	[tilespmem:$0xC288] =	vst v63  }
0x42: {  	p0 =	sne.s32 s2, $0x260;
	_ =	swait.ge [sflag:s20], $0x80  }
0x43: {  	[sflag:s20] =	ssyncset.done $0x0  }
0x44: {  	[sflag:s20] =	ssyncadd.s32 $0xFFFFFF80  }
0x45: {  	[tilespmem:s23], [sflag:$0x1] =	stream.linear.gather [hbm4b:s0+s5], $0x1800, $0x38;
	[tilespmem:$0xC288] =	vst v63  }
0x46: {  	_ =	swait.ge [sflag:s20], $0x1800  }
0x47: {  	[sflag:s20] =	ssyncset.done $0x0  }
0x48: {  	[sflag:s20] =	ssyncadd.s32 $0xFFFFE800  }
0x49: {  	[spmem:s3] =	stream.indirect.scatter.add.f32 [tilespmem:s23], [sflag:$0x1], $0x30, s5, s24, $0xb8;
	[tilespmem:$0xC288] =	vst v63  }
0x4a: {  	_ =	swait.ge [sflag:s20], $0x1800  }
0x4b: {  	[sflag:s20] =	ssyncset.done $0x0  }
0x4c: {  	s1 =	sadd.s32 s31, s18;
	s31 =	smov.u32 s6;
	[sflag:s20] =	ssyncadd.s32 $0xFFFFE800  }
0x4d: {  	[tilespmem:s5], [sflag:$0x1] =	stream.linear.gather [hbm4b:s1+s5], $0x80, $0x38;
	[tilespmem:$0xC288] =	vst v63  }
0x4e: {  	_ =	swait.ge [sflag:s20], $0x80  }
.Ltmp0:
0x4f: {  	[sflag:s20] =	ssyncset.done $0x0;
	(pc) =	sbr.rel @p0 .LBB2_2-.Ltmp0, $4  }
0x50: {  	[sflag:s20] =	ssyncadd.s32 $0xFFFFFF80  }
0x51: {  	[spmem:s4] =	stream.indirect.scatter.add.f32 [tilespmem:s21], [sflag:$0x1], $0x10, s5, s24, $0xb8;
	[tilespmem:$0xC288] =	vst v63  }
0x52: {  	_ =	swait.ge [sflag:s20], $0x800  }
0x53: {  	s2 =	smov.u32 s7;
	s0 =	sadd.s32 $0x300, s0;
	[sflag:s20] =	ssyncset.done $0x0  }
0x54: {  	s1 =	sadd.s32 s31, s19;
	[sflag:s20] =	ssyncadd.s32 $0xFFFFF800  }
0x55: {  	[tilespmem:s5], [sflag:$0x1] =	stream.linear.gather [hbm4b:s1+s5], $0x80, $0x38;
	[tilespmem:$0xC288] =	vst v63  }
0x56: {  	_ =	swait.ge [sflag:s20], $0x80  }
0x57: {  	[sflag:s20] =	ssyncset.done $0x0  }
0x58: {  	[sflag:s20] =	ssyncadd.s32 $0xFFFFFF80  }
0x59: {  	[tilespmem:s23], [sflag:$0x1] =	stream.linear.gather [hbm4b:s0+s5], $0x1800, $0x38;
	[tilespmem:$0xC288] =	vst v63  }
0x5a: {  	_ =	swait.ge [sflag:s20], $0x1800  }
0x5b: {  	[sflag:s20] =	ssyncset.done $0x0  }
0x5c: {  	[sflag:s20] =	ssyncadd.s32 $0xFFFFE800  }
0x5d: {  	[spmem:s3] =	stream.indirect.scatter.add.f32 [tilespmem:s23], [sflag:$0x1], $0x30, s5, s24, $0xb8;
	[tilespmem:$0xC288] =	vst v63  }
0x5e: {  	_ =	swait.ge [sflag:s20], $0x1800  }
0x5f: {  	[sflag:s20] =	ssyncset.done $0x0  }
0x60: {  	s31 =	sadd.s32 s31, s18;
	[sflag:s20] =	ssyncadd.s32 $0xFFFFE800  }
0x61: {  	[tilespmem:s5], [sflag:$0x1] =	stream.linear.gather [hbm4b:s31+s5], $0x80, $0x38;
	[tilespmem:$0xC288] =	vst v63  }
0x62: {  	_ =	swait.ge [sflag:s20], $0x80  }
0x63: {  	[sflag:s20] =	ssyncset.done $0x0  }
0x64: {  	[sflag:s20] =	ssyncadd.s32 $0xFFFFFF80  }
0x65: {  	[spmem:s4] =	stream.indirect.scatter.add.f32 [tilespmem:s21], [sflag:$0x1], $0x10, s5, s24, $0xb8;
	[tilespmem:$0xC288] =	vst v63  }
0x66: {  	_ =	swait.ge [sflag:s20], $0x800  }
0x67: {  	[sflag:s20] =	ssyncset.done $0x0  }
0x68: {  	[sflag:s20] =	ssyncadd.s32 $0xFFFFF800  }
0x69: {  	[tilespmem:s24], [sflag:$0x1] =	stream.linear.gather [hbm4b:s11+s5], $0x8, $0x38;
	[tilespmem:$0xC288] =	vst v63  }
0x6a: {  	_ =	swait.ge [sflag:s20], $0x8  }
0x6b: {  	[sflag:s20] =	ssyncset.done $0x0  }
0x6c: {  	[sflag:s20] =	ssyncadd.s32 $0xFFFFFFF8  }
0x6d: {  	[tilespmem:s25], [sflag:$0x1] =	stream.linear.gather [hbm4b:s12+s5], $0x180, $0x38;
	[tilespmem:$0xC288] =	vst v63  }
0x6e: {  	_ =	swait.ge [sflag:s20], $0x180  }
0x6f: {  	[sflag:s20] =	ssyncset.done $0x0  }
0x70: {  	[sflag:s20] =	ssyncadd.s32 $0xFFFFFE80  }
0x71: {  	[spmem:s3] =	stream.indirect.scatter.add.f32 [tilespmem:s25], [sflag:$0x1], $0x30, s24, s26, $0xb8;
	[tilespmem:$0xC288] =	vst v63  }
0x72: {  	_ =	swait.ge [sflag:s20], $0x180  }
0x73: {  	[sflag:s20] =	ssyncset.done $0x0  }
0x74: {  	[sflag:s20] =	ssyncadd.s32 $0xFFFFFE80  }
0x75: {  	[tilespmem:s24], [sflag:$0x1] =	stream.linear.gather [hbm4b:s13+s5], $0x8, $0x38;
	[tilespmem:$0xC288] =	vst v63  }
0x76: {  	_ =	swait.ge [sflag:s20], $0x8  }
0x77: {  	[sflag:s20] =	ssyncset.done $0x0  }
0x78: {  	[sflag:s20] =	ssyncadd.s32 $0xFFFFFFF8  }
0x79: {  	[spmem:s4] =	stream.indirect.scatter.add.f32 [tilespmem:s22], [sflag:$0x1], $0x10, s24, s26, $0xb8;
	[tilespmem:$0xC288] =	vst v63  }
0x7a: {  	_ =	swait.ge [sflag:s20], $0x80  }
0x7b: {  	[sflag:s20] =	ssyncset.done $0x0  }
0x7c: {  	[sflag:s20] =	ssyncadd.s32 $0xFFFFFF80  }
0x7d: {  	[bflag:$0x0] =	sbarrier.arrive $0xFFFF  }
0x7e: {  	[hbm:s15], [sflag:s8] =	dma.local [spmem:s29], $0xF00  }
0x7f: {  	s28 =	sadd.s32 $0x1, s28;
	_ =	swait.ge [sflag:s20], $0xF00  }
0x80: {  	p0 =	sne.s32 s28, s14;
	[sflag:s20] =	ssyncset.done $0x0  }
.Ltmp1:
0x81: {  	[sflag:s20] =	ssyncadd.s32 $0xFFFFF100;
	(pc) =	sbr.rel @p0 .LBB2_1-.Ltmp1, $4  }
0x82: {  	[hbm:s16], [sflag:s8] =	dma.local [spmem:s30], $0x500  }
0x83: {  	_ =	swait.ge [sflag:s20], $0x500  }
0x84: {  	[sflag:s20] =	ssyncset.done $0x0  }
0x85: {  	[sflag:s20] =	ssyncadd.s32 $0xFFFFFB00  }
0x86: {  	_ =	sfence.sel $0x180000  }
0x87: {  	[bflag:$0x0] =	sbarrier.arrive $0xFFFF  }
0x88: {  	_ =	strace $0x90000047  }
0x89: {  	s0 =	stileid.u32;
	[bflag:$0x2] =	sbarrier.arrive $0xFFFF  }
0x8a: {  	p0 =	sne.s32 s0, $0x0;
	s0 =	rddreg [dreg:$0x4]  }
0x8b: {  	s0 =	sadd.s32 @!p0 $0x100000, s0  }
0x8c: {  	[sflag:s0] =	ssyncadd.tile.s32 @!p0 $0x1;
	_ =	shalt  }
.Lfunc_end2:
_tile_overlayer_lowered:
.L_overlay_start_2:
0x8d: {  	(tag) =	ssettag $0x2  }
0x8e: {  	s0 =	rddreg [dreg:$0x0];
	s2 =	stileid.u32  }
0x8f: {  	s1 =	rddreg [dreg:$0x1];
	p0 =	sne.s32 s2, $0x0  }
0x90: {  	s3 =	rddreg [dreg:$0x2];
	[bflag:$0x3] =	sbarrier.arrive $0xFFFF;
	s2 =	simm.s32 @!p0 $0x1C01  }
0x91: {  	[timem:s3], [sflag:s2] =	dma.local @!p0 [hbm:s0], s1  }
0x92: {  	s0 =	simm.s32 @!p0 $0x1  }
0x93: {  	_ =	swait.ge @!p0 [sflag:s0], s1  }
0x94: {  	s1 =	ssub.s32 @!p0 $0x0, s1;
	[sflag:s0] =	ssyncset.done @!p0 $0x0  }
0x95: {  	[sflag:s0] =	ssyncadd.s32 @!p0 s1  }
0x96: {  	[bflag:$0x3] =	sbarrier.arrive $0xFFFF  }
0x97: {  	_ =	shalt  }

// kernel: kernel.22.cloned.1.call-start
scs
__scs_entry_jumppad:
0x0: {  	(pc) =	sbr.rel $0x88, $3  }
0x1: {  	(tag) =	ssettag $0x0;
	lr =	simm.s32 $0x1  }
0x2: {  	[smem:$0x3F83] =	sst lr;
	_ =	strace $0xD0000000  }
0x3: {  	_ = 	snop  }
0x4: {  	_ = 	snop  }
0x5: {  	_ = 	snop  }
0x6: {  	_ = 	snop  }
0x7: {  	_ = 	snop  }
__scs_overlays_trampoline_lowered:
0x8: {  	[smem:$0x3F92] =	sst s0  }
0x9: {  	[smem:$0x3F93] =	sst s1  }
0xa: {  	[smem:$0x3F94] =	sst s2  }
0xb: {  	[smem:$0x3F95] =	sst s3  }
0xc: {  	[smem:$0x3F96] =	sst s4  }
0xd: {  	[smem:$0x3F97] =	sst s5  }
0xe: {  	[smem:$0x3F98] =	sst s6  }
0xf: {  	[smem:$0x3F99] =	sst s7  }
0x10: {  	[smem:$0x3F9A] =	sst s8  }
0x11: {  	[smem:$0x3F9B] =	sst s9;
	s0 =	simm.s32 @!p0 $0x0  }
0x12: {  	s1 =	sld [smem:$0x3F81];
	s0 =	simm.s32 @p0 $0x1  }
0x13: {  	[smem:$0x3F9C] =	sst s0;
	s0 =	simm.s32 @!p1 $0x0  }
0x14: {  	s2 =	sld [smem:$0x3F80];
	s0 =	simm.s32 @p1 $0x1  }
0x15: {  	[smem:$0x3F9D] =	sst s0;
	s0 =	simm.s32 @!p2 $0x0  }
0x16: {  	s3 =	sld [smem:$0x3FDB];
	s0 =	simm.s32 @p2 $0x1  }
0x17: {  	s4 =	simm.s32 $0x1BF5;
	[smem:$0x3F9F] =	sst s0  }
0x18: {  	s0 =	sld [smem:$0x3F82];
	_ =	swait.ge [sflag:s4], $0x0  }
0x19: {  	s7 =	sld [smem:$0x3F83]  }
0x1a: {  	s8 =	sadd.s32 $0xFFFFE003, lr  }
0x1b: {  	s9 =	sadd.s32 $0xFFFFFEF7, lr;
	s5 =	simm.s32 $0xFFFFFFFF;
	p2 =	slt.u32 s8, $0xFFFFF086  }
0x1c: {  	p1 =	slt.u32 s9, $0xF7A;
	s5 =	simm.s32 @!p2 $0x0  }
0x1d: {  	s5 =	simm.s32 @p1 $0x1;
	p0 =	seq.s32 s7, s2  }
0x1e: {  	s7 =	smul.u32 @!p0 $0xF7A, s2;
	p2 =	seq.s32 @!p0 s5, $0x0  }
0x1f: {  	s9 =	smul.u32 $0xF7A, s1;
	s8 =	simm.s32 @!p0 $0x1BF5;
	p2 =	por !p2, p0  }
0x20: {  	[sflag:s8] =	ssyncset.s32 @!p0 $0xFFFFF086;
	s6 =	sadd.s32 @!p0 s3, s7;
	s7 =	simm.s32 @!p0 $0x108  }
0x21: {  	s3 =	sadd.s32 s3, s9;
	s6 =	sadd.s32 @!p0 $0x88, s6;
	s7 =	simm.s32 @p2 $0x1082  }
0x22: {  	[simem:s7], [sflag:s8] =	dma.local @!p0 [hbm:s6], $0xF7A  }
0x23: {  	s9 =	sor.u32 $0xD0000000, s2;
	s6 =	simm.s32 $0x108;
	_ =	swait.ge @!p0 [sflag:s8], $0x0  }
0x24: {  	s3 =	sadd.s32 $0x88, s3;
	s6 =	simm.s32 @!p1 $0x1082;
	[sflag:s4] =	ssyncset.s32 $0xFFFFF086  }
0x25: {  	[simem:s6], [sflag:s4] =	dma.local [hbm:s3], $0xF7A  }
0x26: {  	[smem:$0x3F83] =	sst s1;
	(tag) =	ssettag s2;
	_ =	strace s9  }
0x27: {  	s1 =	sld [smem:$0x3F93]  }
0x28: {  	s2 =	sld [smem:$0x3F94]  }
0x29: {  	s4 =	sld [smem:$0x3F96]  }
0x2a: {  	p0 =	seq.s32 s5, $0x0;
	s5 =	sld [smem:$0x3F97]  }
0x2b: {  	s6 =	sld [smem:$0x3F98]  }
0x2c: {  	s7 =	sld [smem:$0x3F99]  }
0x2d: {  	s3 =	simm.s32 $0x108;
	s8 =	sld [smem:$0x3F9A]  }
0x2e: {  	s3 =	simm.s32 @!p0 $0x1082;
	s9 =	sld [smem:$0x3F9B]  }
0x2f: {  	lr =	sadd.s32 s0, s3;
	s0 =	sld [smem:$0x3F92]  }
0x30: {  	s3 =	sld [smem:$0x3F95]  }
0x31: {  	[smem:$0x3F9E] =	sst s10  }
0x32: {  	s10 =	sld [smem:$0x3F9C];
	_ =	sdelay $0x3  }
0x33: {  	p0 =	seq.s32 s10, $0x1;
	s10 =	sld [smem:$0x3F9E];
	_ =	sdelay $0x3  }
0x34: {  	[smem:$0x3F9E] =	sst s10  }
0x35: {  	s10 =	sld [smem:$0x3F9D];
	_ =	sdelay $0x3  }
0x36: {  	p1 =	seq.s32 s10, $0x1;
	s10 =	sld [smem:$0x3F9E];
	_ =	sdelay $0x3  }
0x37: {  	[smem:$0x3F9E] =	sst s10  }
0x38: {  	s10 =	sld [smem:$0x3F9F]  }
0x39: {  	_ = 	snop;
	(pc) =	sbr.ind lr, $3  }
0x3a: {  	_ = 	snop  }
0x3b: {  	_ = 	snop  }
0x3c: {  	p2 =	seq.s32 s10, $0x1;
	s10 =	sld [smem:$0x3F9E]  }
0x3d: {  	_ =	shalt  }
0x3e: {  	_ =	shalt  }
0x3f: {  	_ =	shalt  }
0x40: {  	_ =	shalt  }
0x41: {  	_ =	shalt  }
0x42: {  	_ =	shalt  }
0x43: {  	_ =	shalt  }
0x44: {  	_ =	shalt  }
0x45: {  	_ =	shalt  }
0x46: {  	_ =	shalt  }
0x47: {  	_ =	shalt  }
0x48: {  	_ =	shalt  }
0x49: {  	_ =	shalt  }
0x4a: {  	_ =	shalt  }
0x4b: {  	_ =	shalt  }
0x4c: {  	_ =	shalt  }
0x4d: {  	_ =	shalt  }
0x4e: {  	_ =	shalt  }
0x4f: {  	_ =	shalt  }
0x50: {  	_ =	shalt  }
0x51: {  	_ =	shalt  }
0x52: {  	_ =	shalt  }
0x53: {  	_ =	shalt  }
0x54: {  	_ =	shalt  }
0x55: {  	_ =	shalt  }
0x56: {  	_ =	shalt  }
0x57: {  	_ =	shalt  }
0x58: {  	_ =	shalt  }
0x59: {  	_ =	shalt  }
0x5a: {  	_ =	shalt  }
0x5b: {  	_ =	shalt  }
0x5c: {  	_ =	shalt  }
0x5d: {  	_ =	shalt  }
0x5e: {  	_ =	shalt  }
0x5f: {  	_ =	shalt  }
0x60: {  	_ =	shalt  }
0x61: {  	_ =	shalt  }
0x62: {  	_ =	shalt  }
0x63: {  	_ =	shalt  }
0x64: {  	_ =	shalt  }
0x65: {  	_ =	shalt  }
0x66: {  	_ =	shalt  }
0x67: {  	_ =	shalt  }
0x68: {  	_ =	shalt  }
0x69: {  	_ =	shalt  }
0x6a: {  	_ =	shalt  }
0x6b: {  	_ =	shalt  }
0x6c: {  	_ =	shalt  }
0x6d: {  	_ =	shalt  }
0x6e: {  	_ =	shalt  }
0x6f: {  	_ =	shalt  }
0x70: {  	_ =	shalt  }
0x71: {  	_ =	shalt  }
0x72: {  	_ =	shalt  }
0x73: {  	_ =	shalt  }
0x74: {  	_ =	shalt  }
0x75: {  	_ =	shalt  }
0x76: {  	_ =	shalt  }
0x77: {  	_ =	shalt  }
0x78: {  	_ =	shalt  }
0x79: {  	_ =	shalt  }
0x7a: {  	_ =	shalt  }
0x7b: {  	_ =	shalt  }
0x7c: {  	_ =	shalt  }
0x7d: {  	_ =	shalt  }
0x7e: {  	_ =	shalt  }
0x7f: {  	_ =	shalt  }
0x80: {  	_ =	shalt  }
0x81: {  	_ =	shalt  }
0x82: {  	_ =	shalt  }
0x83: {  	_ =	shalt  }
0x84: {  	_ =	shalt  }
0x85: {  	_ =	shalt  }
0x86: {  	_ =	shalt  }
0x87: {  	_ =	shalt  }
.Lfunc_end0:
.L_simem_size_0:
called_computation.1_lowered:
.L_overlay_start_0:
0x88: {  	s2 =	sld [smem:$0x3FD9]  }
0x89: {  	s3 =	sld [smem:$0x3FFE];
	_ =	sdelay $0x1  }
0x8a: {  	s1 =	srdreg.scid  }
0x8b: {  	s0 =	sand.u32 $0x1, s1  }
0x8c: {  	s16 =	sshll.u32 s0, $0xA;
	s2 =	sadd.s32 s3, s2  }
0x8d: {  	s2 =	sadd.s32 s2, s16  }
0x8e: {  	[smem:$0x3FAA] =	sst s2  }
0x8f: {  	_ = 	snop  }
0x90: {  	(tm) =	ssettm $0x1  }
0x91: {  	s17 =	sld [smem:$0x3FFB];
	_ =	sdelay $0x3  }
0x92: {  	_ =	strace s17  }
0x93: {  	s2 =	sld [smem:$0x3FFC];
	_ =	sdelay $0x3  }
0x94: {  	_ =	strace s2  }
0x95: {  	s2 =	sld [smem:$0x3FFD];
	_ =	sdelay $0x3  }
0x96: {  	_ =	strace s2  }
0x97: {  	_ =	strace $0x8FFFFFFF  }
0x98: {  	s18 =	sld [smem:$0x3FDB];
	_ =	sdelay $0x1  }
0x99: {  	s19 =	simm.s32 $_scs_section_size  }
0x9a: {  	s4 =	simm.s32 $_size__tile_overlayer_lowered;
	s5 =	simm.s32 $_tile_overlayer_lowered  }
0x9b: {  	s22 =	simm.s32 $0x1BFF;
	s21 =	sshll.u32 s5, $0x1;
	s2 =	sadd.s32 s19, s18  }
0x9c: {  	s6 =	simm.s32 $0x0;
	s20 =	sshll.u32 s4, $0x1;
	s4 =	sadd.s32 s21, s2  }
0x9d: {  	[timem:s6], [sflag:s22] =	dma.local [hbm:s4], s20  }
0x9e: {  	_ =	swait.ge [sflag:s22], s20  }
0x9f: {  	s3 =	ssub.s32 $0x0, s20;
	[sflag:s22] =	ssyncset.done $0x0  }
0xa0: {  	[sflag:s22] =	ssyncadd.s32 s3;
	_ =	sdelay $0x1  }
0xa1: {  	s23 =	simm.s32 $0x1B8B  }
0xa2: {  	_ =	swait.ge [sflag:s23], $0x1  }
0xa3: {  	[sflag:s23] =	ssyncset.done $0x0  }
0xa4: {  	s25 =	simm.s32 $0x1B8E;
	s24 =	sld [smem:$0x3FFE];
	[sflag:s23] =	ssyncadd.s32 $0xFFFFFFFF  }
0xa5: {  	s26 =	simm.s32 $execute0_lowered;
	[smem:$0x3FD2] =	sst s25  }
0xa6: {  	s4 =	sshll.u32 s26, $0x1;
	_ =	strace $0x80000049;
	[dreg:$0x1] =	wrdreg $0xFFFFFFFF  }
0xa7: {  	s28 =	simm.s32 $_size_execute0_lowered;
	s2 =	sadd.s32 s2, s4;
	[dreg:$0x0] =	wrdreg $0x0  }
0xa8: {  	s4 =	sshll.u32 s28, $0x1;
	[dreg:$0x2] =	wrdreg s2  }
0xa9: {  	[dreg:$0x3] =	wrdreg s4  }
0xaa: {  	[dreg:$0x4] =	wrdreg $0xC0  }
0xab: {  	_ =	task [dreg:s6], $0x5FFFF  }
0xac: {  	[dreg:$0x1] =	wrdreg $0xFFFFFFFF  }
0xad: {  	[dreg:$0x0] =	wrdreg $0x60  }
0xae: {  	[dreg:$0x2] =	wrdreg s24  }
0xaf: {  	[dreg:$0x3] =	wrdreg $0x51900  }
0xb0: {  	[dreg:$0x4] =	wrdreg $0x9  }
0xb1: {  	_ =	task.clear_ibuf [dreg:s6], $0x5FFFF;
	_ =	strace $0x90000049  }
0xb2: {  	s29 =	simm.s32 $0x9;
	_ =	strace $0x8000004B  }
0xb3: {  	_ =	swait.ge [sflag:s29], $0x1  }
0xb4: {  	[sflag:s29] =	ssyncadd.s32 $0xFFFFFFFF  }
0xb5: {  	_ =	strace $0x9000004B  }
0xb6: {  	_ =	sfence  }
0xb7: {  	s30 =	sld [smem:$0x0];
	_ =	sdelay $0x2  }
0xb8: {  	s31 =	sshll.u32 s1, $0xD;
	s1 =	sshrl.u32 s1, $0x2  }
0xb9: {  	s3 =	sand.u32 $0x4000, s31;
	s1 =	sadd.s32 s1, s30  }
0xba: {  	s0 =	sor.u32 s3, s0;
	s1 =	sshll.u32 s1, $0x11  }
0xbb: {  	s0 =	sor.u32 s1, s0  }
0xbc: {  	s0 =	sadd.s32 $0x8F2B, s0  }
0xbd: {  	[sflag:s0] =	ssyncadd.remote.s32 $0x1  }
0xbe: {  	_ =	sfence.sel $0xFFFF  }
0xbf: {  	[dreg:$0x0] =	wrdreg $0xFFFFFFFF;
	(pc) =	sbr.abs _section_cstart, $3  }
0xc0: {  	[dreg:$0x1] =	wrdreg $0xFFFFFFFF  }
0xc1: {  	_ =	task.clear_ibuf [dreg:s6], $0x2FFFF;
	_ =	strace $0x9FFFFFFF  }
0xc2: {  	(tm) =	ssettm $0x7FFFFFFF  }
0xc3: {  	_ =	shalt  }
tec
execute0_lowered:
.L_overlay_start_1:
0x0: {  	(tag) =	ssettag $0x1  }
0x1: {  	s8 =	rddreg [dreg:$0x0]  }
0x2: {  	s2 =	rddreg [dreg:$0x1]  }
0x3: {  	s0 =	rddreg [dreg:$0x2];
	s3 =	simm.s32 $0x0  }
0x4: {  	s1 =	stileid.u32;
	s7 =	srdreg.scid;
	s19 =	simm.s32 $0x90  }
0x5: {  	s20 =	simm.s32 $0x10;
	s21 =	simm.s32 $0x4890;
	s22 =	simm.s32 $0x0  }
0x6: {  	[smem:$0x7FF] =	sst s3;
	s4 =	sadd.s32 $0xB6000, s8;
	s9 =	smul.u32 $0x16800, s1  }
0x7: {  	s5 =	sadd.s32 $0x104200, s8;
	s15 =	sadd.s32 $0x11E00, s8;
	s14 =	sadd.s32 $0xCE00, s8  }
0x8: {  	s16 =	sand.u32 $0x1, s7;
	s12 =	smul.u32 $0x2710, s1;
	s7 =	sadd.s32 $0x15D200, s8  }
0x9: {  	s31 =	sshll.u32 s1, $0x6;
	s18 =	smul.u32 $0x4E2, s1;
	_ =	strace $0x8000004A  }
0xa: {  	s11 =	ssub.s32 $0x2, s16;
	p0 =	sne.s32 s16, $0x0;
	s6 =	sshrl.u32 s9, $0x3  }
0xb: {  	s13 =	sshrl.u32 s11, $0x1;
	s17 =	sadd.s32 s9, s2;
	s30 =	sshrl.u32 s12, $0x3  }
.Ltmp0:
0xc: {  	s10 =	sadd.s32 s6, s8;
	s8 =	sadd.s32 $0x18A200, s8;
	(pc) =	sbr.rel .LBB2_1-.Ltmp0, $4  }
0xd: {  	s13 =	ssub.s32 s11, s13;
	s12 =	sadd.s32 $0x4E0, s30;
	s16 =	sshrl.u32 s17, $0x3  }
0xe: {  	s17 =	simm.s32 $0x1;
	s9 =	sadd.s32 $0x130200, s10;
	s10 =	sor.u32 $0x1C01, s31  }
0xf: {  	s11 =	sadd.s32 s15, s12;
	s12 =	sadd.s32 s14, s12;
	s13 =	smax.u32 s13, $0x1  }
0x10: {  	s14 =	sadd.s32 s18, s14;
	s15 =	sadd.s32 s18, s15;
	s18 =	simm.s32 $0x80  }
.LBB2_7:
0x11: {  	s24 =	sadd.s32 s23, s15;
	[sflag:s17] =	ssyncadd.s32 $0xFFFFB800  }
0x12: {  	[tilespmem:s3], [sflag:$0x1] =	stream.linear.gather [hbm4b:s24+s3], $0x80, $0x38;
	[tilespmem:$0x1B990] =	vst v63  }
0x13: {  	_ =	swait.ge [sflag:s17], $0x80  }
0x14: {  	[sflag:s17] =	ssyncset.done $0x0  }
0x15: {  	[sflag:s17] =	ssyncadd.s32 $0xFFFFFF80  }
0x16: {  	[tilespmem:s19], [sflag:$0x1] =	stream.indirect.gather [hbm4b:s5+s18], $0x90, s3, s18, $0xb8;
	[tilespmem:$0x1B990] =	vst v63  }
0x17: {  	_ =	swait.ge [sflag:s17], $0x4800  }
0x18: {  	[sflag:s17] =	ssyncset.done $0x0  }
0x19: {  	s31 =	sadd.s32 s23, s14;
	[sflag:s17] =	ssyncadd.s32 $0xFFFFB800  }
0x1a: {  	[tilespmem:s3], [sflag:$0x1] =	stream.linear.gather [hbm4b:s31+s3], $0x80, $0x38;
	[tilespmem:$0x1B990] =	vst v63  }
0x1b: {  	_ =	swait.ge [sflag:s17], $0x80  }
0x1c: {  	[sflag:s17] =	ssyncset.done $0x0  }
0x1d: {  	[sflag:s17] =	ssyncadd.s32 $0xFFFFFF80  }
0x1e: {  	[spmem:s2] =	stream.indirect.scatter.add.f32 [tilespmem:s19], [sflag:$0x1], $0x90, s3, s18, $0xb8;
	[tilespmem:$0x1B990] =	vst v63  }
0x1f: {  	_ =	swait.ge [sflag:s17], $0x4800  }
0x20: {  	[sflag:s17] =	ssyncset.done $0x0  }
0x21: {  	s23 =	smov.u32 s8;
	s24 =	smov.u32 s5;
	[sflag:s17] =	ssyncadd.s32 $0xFFFFB800  }
.LBB2_8:
0x22: {  	[tilespmem:s18], [sflag:$0x1] =	stream.linear.gather [hbm4b:s11+s3], $0x10, $0x38;
	[tilespmem:$0x1B990] =	vst v63  }
0x23: {  	_ =	swait.ge [sflag:s17], $0x10  }
0x24: {  	[sflag:s17] =	ssyncset.done $0x0  }
0x25: {  	[sflag:s17] =	ssyncadd.s32 $0xFFFFFFF0  }
0x26: {  	[tilespmem:s21], [sflag:$0x1] =	stream.indirect.gather [hbm4b:s24+s20], $0x90, s18, s20, $0xb8;
	[tilespmem:$0x1B990] =	vst v63  }
0x27: {  	_ =	swait.ge [sflag:s17], $0x900  }
0x28: {  	[sflag:s17] =	ssyncset.done $0x0  }
0x29: {  	[sflag:s17] =	ssyncadd.s32 $0xFFFFF700  }
0x2a: {  	[tilespmem:s18], [sflag:$0x1] =	stream.linear.gather [hbm4b:s12+s3], $0x10, $0x38;
	[tilespmem:$0x1B990] =	vst v63  }
0x2b: {  	_ =	swait.ge [sflag:s17], $0x10  }
0x2c: {  	[sflag:s17] =	ssyncset.done $0x0  }
0x2d: {  	[sflag:s17] =	ssyncadd.s32 $0xFFFFFFF0  }
0x2e: {  	[spmem:s2] =	stream.indirect.scatter.add.f32 [tilespmem:s21], [sflag:$0x1], $0x90, s18, s20, $0xb8;
	[tilespmem:$0x1B990] =	vst v63  }
0x2f: {  	_ =	swait.ge [sflag:s17], $0x900  }
0x30: {  	s22 =	sadd.s32 $0x1, s22;
	[sflag:s17] =	ssyncset.done $0x0  }
0x31: {  	p1 =	sne.s32 s22, s13;
	[sflag:s17] =	ssyncadd.s32 $0xFFFFF700  }
.Ltmp1:
0x32: {  	s23 =	sadd.s32 s23, s6;
	[bflag:$0x0] =	sbarrier.arrive $0xFFFF;
	(pc) =	sbr.rel @!p1 .LBB2_9-.Ltmp1, $4  }
0x33: {  	[hbm:s23], [sflag:s10] =	dma.local [spmem:s16], $0x2D00  }
0x34: {  	_ =	swait.ge [sflag:s17], $0x2D00  }
0x35: {  	[sflag:s17] =	ssyncset.done $0x0  }
0x36: {  	[sflag:s17] =	ssyncadd.s32 $0xFFFFD300  }
.LBB2_1:
0x37: {  	[spmem:s16], [sflag:s10] =	dma.local [hbm:s9], $0x2D00  }
.Ltmp2:
0x38: {  	_ =	swait.ge [sflag:s17], $0x2D00;
	(pc) =	sbr.rel @p0 .LBB2_5-.Ltmp2, $4  }
0x39: {  	[sflag:s17] =	ssyncset.done $0x0  }
0x3a: {  	[sflag:s17] =	ssyncadd.s32 $0xFFFFD300  }
0x3b: {  	[bflag:$0x0] =	sbarrier.arrive $0xFFFF  }
0x3c: {  	s23 =	sadd.s32 $0x0, s15  }
0x3d: {  	[tilespmem:s3], [sflag:$0x1] =	stream.linear.gather [hbm4b:s23+s3], $0x80, $0x38;
	[tilespmem:$0x1B990] =	vst v63  }
0x3e: {  	_ =	swait.ge [sflag:s17], $0x80  }
0x3f: {  	[sflag:s17] =	ssyncset.done $0x0  }
0x40: {  	[sflag:s17] =	ssyncadd.s32 $0xFFFFFF80  }
0x41: {  	[tilespmem:s19], [sflag:$0x1] =	stream.indirect.gather [hbm4b:s4+s18], $0x90, s3, s18, $0xb8;
	[tilespmem:$0x1B990] =	vst v63  }
0x42: {  	_ =	swait.ge [sflag:s17], $0x4800  }
0x43: {  	[sflag:s17] =	ssyncset.done $0x0  }
0x44: {  	s31 =	sadd.s32 $0x0, s14;
	[sflag:s17] =	ssyncadd.s32 $0xFFFFB800  }
0x45: {  	[tilespmem:s3], [sflag:$0x1] =	stream.linear.gather [hbm4b:s31+s3], $0x80, $0x38;
	[tilespmem:$0x1B990] =	vst v63  }
0x46: {  	_ =	swait.ge [sflag:s17], $0x80  }
0x47: {  	[sflag:s17] =	ssyncset.done $0x0  }
0x48: {  	[sflag:s17] =	ssyncadd.s32 $0xFFFFFF80  }
0x49: {  	[spmem:s2] =	stream.indirect.scatter.add.f32 [tilespmem:s19], [sflag:$0x1], $0x90, s3, s18, $0xb8;
	[tilespmem:$0x1B990] =	vst v63  }
0x4a: {  	_ =	swait.ge [sflag:s17], $0x4800  }
0x4b: {  	s23 =	simm.s32 $0x10;
	s24 =	simm.s32 $0x20;
	[sflag:s17] =	ssyncset.done $0x0  }
.LBB2_3:
0x4c: {  	s25 =	sadd.s32 s23, s15  }
0x4d: {  	[sflag:s17] =	ssyncadd.s32 $0xFFFFB800;
	s26 =	smov.u32 s24;
	s28 =	sadd.s32 $0x10, s24  }
0x4e: {  	[tilespmem:s3], [sflag:$0x1] =	stream.linear.gather [hbm4b:s25+s3], $0x80, $0x38;
	[tilespmem:$0x1B990] =	vst v63  }
0x4f: {  	p1 =	seq.s32 s24, $0x4D0;
	_ =	swait.ge [sflag:s17], $0x80  }
0x50: {  	[sflag:s17] =	ssyncset.done $0x0  }
0x51: {  	[sflag:s17] =	ssyncadd.s32 $0xFFFFFF80  }
0x52: {  	[tilespmem:s19], [sflag:$0x1] =	stream.indirect.gather [hbm4b:s4+s18], $0x90, s3, s18, $0xb8;
	[tilespmem:$0x1B990] =	vst v63  }
0x53: {  	_ =	swait.ge [sflag:s17], $0x4800  }
0x54: {  	[sflag:s17] =	ssyncset.done $0x0  }
0x55: {  	s24 =	sadd.s32 s23, s14;
	s23 =	smov.u32 s26;
	[sflag:s17] =	ssyncadd.s32 $0xFFFFB800  }
0x56: {  	[tilespmem:s3], [sflag:$0x1] =	stream.linear.gather [hbm4b:s24+s3], $0x80, $0x38;
	[tilespmem:$0x1B990] =	vst v63  }
0x57: {  	_ =	swait.ge [sflag:s17], $0x80  }
.Ltmp3:
0x58: {  	[sflag:s17] =	ssyncset.done $0x0;
	(pc) =	sbr.rel @!p1 .LBB2_3-.Ltmp3, $4  }
0x59: {  	[sflag:s17] =	ssyncadd.s32 $0xFFFFFF80  }
0x5a: {  	[spmem:s2] =	stream.indirect.scatter.add.f32 [tilespmem:s19], [sflag:$0x1], $0x90, s3, s18, $0xb8;
	[tilespmem:$0x1B990] =	vst v63  }
0x5b: {  	_ =	swait.ge [sflag:s17], $0x4800  }
0x5c: {  	s24 =	smov.u32 s28;
	[sflag:s17] =	ssyncset.done $0x0  }
0x5d: {  	s24 =	sadd.s32 s23, s15;
	[sflag:s17] =	ssyncadd.s32 $0xFFFFB800  }
0x5e: {  	[tilespmem:s3], [sflag:$0x1] =	stream.linear.gather [hbm4b:s24+s3], $0x80, $0x38;
	[tilespmem:$0x1B990] =	vst v63  }
0x5f: {  	_ =	swait.ge [sflag:s17], $0x80  }
0x60: {  	[sflag:s17] =	ssyncset.done $0x0  }
0x61: {  	[sflag:s17] =	ssyncadd.s32 $0xFFFFFF80  }
0x62: {  	[tilespmem:s19], [sflag:$0x1] =	stream.indirect.gather [hbm4b:s4+s18], $0x90, s3, s18, $0xb8;
	[tilespmem:$0x1B990] =	vst v63  }
0x63: {  	_ =	swait.ge [sflag:s17], $0x4800  }
0x64: {  	[sflag:s17] =	ssyncset.done $0x0  }
0x65: {  	s31 =	sadd.s32 s23, s14;
	[sflag:s17] =	ssyncadd.s32 $0xFFFFB800  }
0x66: {  	[tilespmem:s3], [sflag:$0x1] =	stream.linear.gather [hbm4b:s31+s3], $0x80, $0x38;
	[tilespmem:$0x1B990] =	vst v63  }
0x67: {  	_ =	swait.ge [sflag:s17], $0x80  }
0x68: {  	[sflag:s17] =	ssyncset.done $0x0  }
.Ltmp4:
0x69: {  	[sflag:s17] =	ssyncadd.s32 $0xFFFFFF80;
	(pc) =	sbr.rel .LBB2_8-.Ltmp4, $4  }
0x6a: {  	[spmem:s2] =	stream.indirect.scatter.add.f32 [tilespmem:s19], [sflag:$0x1], $0x90, s3, s18, $0xb8;
	[tilespmem:$0x1B990] =	vst v63  }
0x6b: {  	_ =	swait.ge [sflag:s17], $0x4800  }
0x6c: {  	[sflag:s17] =	ssyncset.done $0x0  }
0x6d: {  	s23 =	smov.u32 s7;
	s24 =	smov.u32 s4;
	[sflag:s17] =	ssyncadd.s32 $0xFFFFB800  }
.LBB2_5:
0x6e: {  	[tilespmem:s3], [sflag:$0x1] =	stream.linear.gather [hbm4b:s23+s3], $0x80, $0x38;
	[tilespmem:$0x1B990] =	vst v63  }
0x6f: {  	_ =	swait.ge [sflag:s17], $0x80  }
0x70: {  	[sflag:s17] =	ssyncset.done $0x0  }
0x71: {  	[sflag:s17] =	ssyncadd.s32 $0xFFFFFF80  }
0x72: {  	[tilespmem:s19], [sflag:$0x1] =	stream.indirect.gather [hbm4b:s5+s18], $0x90, s3, s18, $0xb8;
	[tilespmem:$0x1B990] =	vst v63  }
0x73: {  	_ =	swait.ge [sflag:s17], $0x4800  }
0x74: {  	[sflag:s17] =	ssyncset.done $0x0  }
0x75: {  	s31 =	sadd.s32 $0x0, s14;
	[sflag:s17] =	ssyncadd.s32 $0xFFFFB800  }
0x76: {  	[tilespmem:s3], [sflag:$0x1] =	stream.linear.gather [hbm4b:s31+s3], $0x80, $0x38;
	[tilespmem:$0x1B990] =	vst v63  }
0x77: {  	_ =	swait.ge [sflag:s17], $0x80  }
0x78: {  	[sflag:s17] =	ssyncset.done $0x0  }
0x79: {  	[sflag:s17] =	ssyncadd.s32 $0xFFFFFF80  }
0x7a: {  	[spmem:s2] =	stream.indirect.scatter.add.f32 [tilespmem:s19], [sflag:$0x1], $0x90, s3, s18, $0xb8;
	[tilespmem:$0x1B990] =	vst v63  }
0x7b: {  	_ =	swait.ge [sflag:s17], $0x4800  }
0x7c: {  	s23 =	simm.s32 $0x10;
	s24 =	simm.s32 $0x20;
	[sflag:s17] =	ssyncset.done $0x0  }
.LBB2_6:
0x7d: {  	s25 =	sadd.s32 s23, s15  }
0x7e: {  	[sflag:s17] =	ssyncadd.s32 $0xFFFFB800;
	s26 =	smov.u32 s24;
	s28 =	sadd.s32 $0x10, s24  }
0x7f: {  	[tilespmem:s3], [sflag:$0x1] =	stream.linear.gather [hbm4b:s25+s3], $0x80, $0x38;
	[tilespmem:$0x1B990] =	vst v63  }
0x80: {  	p1 =	sne.s32 s24, $0x4D0;
	_ =	swait.ge [sflag:s17], $0x80  }
0x81: {  	[sflag:s17] =	ssyncset.done $0x0  }
0x82: {  	[sflag:s17] =	ssyncadd.s32 $0xFFFFFF80  }
0x83: {  	[tilespmem:s19], [sflag:$0x1] =	stream.indirect.gather [hbm4b:s5+s18], $0x90, s3, s18, $0xb8;
	[tilespmem:$0x1B990] =	vst v63  }
0x84: {  	_ =	swait.ge [sflag:s17], $0x4800  }
0x85: {  	[sflag:s17] =	ssyncset.done $0x0  }
0x86: {  	s24 =	sadd.s32 s23, s14;
	s23 =	smov.u32 s26;
	[sflag:s17] =	ssyncadd.s32 $0xFFFFB800  }
0x87: {  	[tilespmem:s3], [sflag:$0x1] =	stream.linear.gather [hbm4b:s24+s3], $0x80, $0x38;
	[tilespmem:$0x1B990] =	vst v63  }
0x88: {  	_ =	swait.ge [sflag:s17], $0x80  }
.Ltmp5:
0x89: {  	[sflag:s17] =	ssyncset.done $0x0;
	(pc) =	sbr.rel @p1 .LBB2_6-.Ltmp5, $4  }
0x8a: {  	[sflag:s17] =	ssyncadd.s32 $0xFFFFFF80  }
0x8b: {  	[spmem:s2] =	stream.indirect.scatter.add.f32 [tilespmem:s19], [sflag:$0x1], $0x90, s3, s18, $0xb8;
	[tilespmem:$0x1B990] =	vst v63  }
0x8c: {  	_ =	swait.ge [sflag:s17], $0x4800  }
0x8d: {  	s24 =	smov.u32 s28;
	[sflag:s17] =	ssyncset.done $0x0  }
.Ltmp6:
0x8e: {  	_ = 	snop;
	(pc) =	sbr.rel .LBB2_7-.Ltmp6, $1  }
0x8f: {  	_ =	sdelay $0x3  }
.LBB2_9:
0x90: {  	_ =	sfence.sel $0x180000  }
0x91: {  	[bflag:$0x0] =	sbarrier.arrive $0xFFFF  }
0x92: {  	p0 =	sne.s32 s1, $0x0;
	_ =	strace $0x9000004A  }
0x93: {  	s0 =	sadd.s32 @!p0 $0x100000, s0;
	[bflag:$0x2] =	sbarrier.arrive $0xFFFF  }
0x94: {  	[sflag:s0] =	ssyncadd.tile.s32 @!p0 $0x1;
	_ =	shalt  }
.Lfunc_end2:
_tile_overlayer_lowered:
.L_overlay_start_2:
0x95: {  	(tag) =	ssettag $0x2  }
0x96: {  	s0 =	rddreg [dreg:$0x0];
	s2 =	stileid.u32  }
0x97: {  	s1 =	rddreg [dreg:$0x1];
	p0 =	sne.s32 s2, $0x0  }
0x98: {  	s3 =	rddreg [dreg:$0x2];
	[bflag:$0x3] =	sbarrier.arrive $0xFFFF;
	s2 =	simm.s32 @!p0 $0x1C01  }
0x99: {  	[timem:s3], [sflag:s2] =	dma.local @!p0 [hbm:s0], s1  }
0x9a: {  	s0 =	simm.s32 @!p0 $0x1  }
0x9b: {  	_ =	swait.ge @!p0 [sflag:s0], s1  }
0x9c: {  	s1 =	ssub.s32 @!p0 $0x0, s1;
	[sflag:s0] =	ssyncset.done @!p0 $0x0  }
0x9d: {  	[sflag:s0] =	ssyncadd.s32 @!p0 s1  }
0x9e: {  	[bflag:$0x3] =	sbarrier.arrive $0xFFFF  }
0x9f: {  	_ =	shalt  }

// kernel: kernel.25.cloned.1.call-start
scs
__scs_entry_jumppad:
0x0: {  	(pc) =	sbr.rel $0x88, $3  }
0x1: {  	(tag) =	ssettag $0x0;
	lr =	simm.s32 $0x1  }
0x2: {  	[smem:$0x3F83] =	sst lr;
	_ =	strace $0xD0000000  }
0x3: {  	_ = 	snop  }
0x4: {  	_ = 	snop  }
0x5: {  	_ = 	snop  }
0x6: {  	_ = 	snop  }
0x7: {  	_ = 	snop  }
__scs_overlays_trampoline_lowered:
0x8: {  	[smem:$0x3F92] =	sst s0  }
0x9: {  	[smem:$0x3F93] =	sst s1  }
0xa: {  	[smem:$0x3F94] =	sst s2  }
0xb: {  	[smem:$0x3F95] =	sst s3  }
0xc: {  	[smem:$0x3F96] =	sst s4  }
0xd: {  	[smem:$0x3F97] =	sst s5  }
0xe: {  	[smem:$0x3F98] =	sst s6  }
0xf: {  	[smem:$0x3F99] =	sst s7  }
0x10: {  	[smem:$0x3F9A] =	sst s8  }
0x11: {  	[smem:$0x3F9B] =	sst s9;
	s0 =	simm.s32 @!p0 $0x0  }
0x12: {  	s1 =	sld [smem:$0x3F81];
	s0 =	simm.s32 @p0 $0x1  }
0x13: {  	[smem:$0x3F9C] =	sst s0;
	s0 =	simm.s32 @!p1 $0x0  }
0x14: {  	s2 =	sld [smem:$0x3F80];
	s0 =	simm.s32 @p1 $0x1  }
0x15: {  	[smem:$0x3F9D] =	sst s0;
	s0 =	simm.s32 @!p2 $0x0  }
0x16: {  	s3 =	sld [smem:$0x3FDB];
	s0 =	simm.s32 @p2 $0x1  }
0x17: {  	s4 =	simm.s32 $0x1BF5;
	[smem:$0x3F9F] =	sst s0  }
0x18: {  	s0 =	sld [smem:$0x3F82];
	_ =	swait.ge [sflag:s4], $0x0  }
0x19: {  	s7 =	sld [smem:$0x3F83]  }
0x1a: {  	s8 =	sadd.s32 $0xFFFFE003, lr  }
0x1b: {  	s9 =	sadd.s32 $0xFFFFFEF7, lr;
	s5 =	simm.s32 $0xFFFFFFFF;
	p2 =	slt.u32 s8, $0xFFFFF086  }
0x1c: {  	p1 =	slt.u32 s9, $0xF7A;
	s5 =	simm.s32 @!p2 $0x0  }
0x1d: {  	s5 =	simm.s32 @p1 $0x1;
	p0 =	seq.s32 s7, s2  }
0x1e: {  	s7 =	smul.u32 @!p0 $0xF7A, s2;
	p2 =	seq.s32 @!p0 s5, $0x0  }
0x1f: {  	s9 =	smul.u32 $0xF7A, s1;
	s8 =	simm.s32 @!p0 $0x1BF5;
	p2 =	por !p2, p0  }
0x20: {  	[sflag:s8] =	ssyncset.s32 @!p0 $0xFFFFF086;
	s6 =	sadd.s32 @!p0 s3, s7;
	s7 =	simm.s32 @!p0 $0x108  }
0x21: {  	s3 =	sadd.s32 s3, s9;
	s6 =	sadd.s32 @!p0 $0x88, s6;
	s7 =	simm.s32 @p2 $0x1082  }
0x22: {  	[simem:s7], [sflag:s8] =	dma.local @!p0 [hbm:s6], $0xF7A  }
0x23: {  	s9 =	sor.u32 $0xD0000000, s2;
	s6 =	simm.s32 $0x108;
	_ =	swait.ge @!p0 [sflag:s8], $0x0  }
0x24: {  	s3 =	sadd.s32 $0x88, s3;
	s6 =	simm.s32 @!p1 $0x1082;
	[sflag:s4] =	ssyncset.s32 $0xFFFFF086  }
0x25: {  	[simem:s6], [sflag:s4] =	dma.local [hbm:s3], $0xF7A  }
0x26: {  	[smem:$0x3F83] =	sst s1;
	(tag) =	ssettag s2;
	_ =	strace s9  }
0x27: {  	s1 =	sld [smem:$0x3F93]  }
0x28: {  	s2 =	sld [smem:$0x3F94]  }
0x29: {  	s4 =	sld [smem:$0x3F96]  }
0x2a: {  	p0 =	seq.s32 s5, $0x0;
	s5 =	sld [smem:$0x3F97]  }
0x2b: {  	s6 =	sld [smem:$0x3F98]  }
0x2c: {  	s7 =	sld [smem:$0x3F99]  }
0x2d: {  	s3 =	simm.s32 $0x108;
	s8 =	sld [smem:$0x3F9A]  }
0x2e: {  	s3 =	simm.s32 @!p0 $0x1082;
	s9 =	sld [smem:$0x3F9B]  }
0x2f: {  	lr =	sadd.s32 s0, s3;
	s0 =	sld [smem:$0x3F92]  }
0x30: {  	s3 =	sld [smem:$0x3F95]  }
0x31: {  	[smem:$0x3F9E] =	sst s10  }
0x32: {  	s10 =	sld [smem:$0x3F9C];
	_ =	sdelay $0x3  }
0x33: {  	p0 =	seq.s32 s10, $0x1;
	s10 =	sld [smem:$0x3F9E];
	_ =	sdelay $0x3  }
0x34: {  	[smem:$0x3F9E] =	sst s10  }
0x35: {  	s10 =	sld [smem:$0x3F9D];
	_ =	sdelay $0x3  }
0x36: {  	p1 =	seq.s32 s10, $0x1;
	s10 =	sld [smem:$0x3F9E];
	_ =	sdelay $0x3  }
0x37: {  	[smem:$0x3F9E] =	sst s10  }
0x38: {  	s10 =	sld [smem:$0x3F9F]  }
0x39: {  	_ = 	snop;
	(pc) =	sbr.ind lr, $3  }
0x3a: {  	_ = 	snop  }
0x3b: {  	_ = 	snop  }
0x3c: {  	p2 =	seq.s32 s10, $0x1;
	s10 =	sld [smem:$0x3F9E]  }
0x3d: {  	_ =	shalt  }
0x3e: {  	_ =	shalt  }
0x3f: {  	_ =	shalt  }
0x40: {  	_ =	shalt  }
0x41: {  	_ =	shalt  }
0x42: {  	_ =	shalt  }
0x43: {  	_ =	shalt  }
0x44: {  	_ =	shalt  }
0x45: {  	_ =	shalt  }
0x46: {  	_ =	shalt  }
0x47: {  	_ =	shalt  }
0x48: {  	_ =	shalt  }
0x49: {  	_ =	shalt  }
0x4a: {  	_ =	shalt  }
0x4b: {  	_ =	shalt  }
0x4c: {  	_ =	shalt  }
0x4d: {  	_ =	shalt  }
0x4e: {  	_ =	shalt  }
0x4f: {  	_ =	shalt  }
0x50: {  	_ =	shalt  }
0x51: {  	_ =	shalt  }
0x52: {  	_ =	shalt  }
0x53: {  	_ =	shalt  }
0x54: {  	_ =	shalt  }
0x55: {  	_ =	shalt  }
0x56: {  	_ =	shalt  }
0x57: {  	_ =	shalt  }
0x58: {  	_ =	shalt  }
0x59: {  	_ =	shalt  }
0x5a: {  	_ =	shalt  }
0x5b: {  	_ =	shalt  }
0x5c: {  	_ =	shalt  }
0x5d: {  	_ =	shalt  }
0x5e: {  	_ =	shalt  }
0x5f: {  	_ =	shalt  }
0x60: {  	_ =	shalt  }
0x61: {  	_ =	shalt  }
0x62: {  	_ =	shalt  }
0x63: {  	_ =	shalt  }
0x64: {  	_ =	shalt  }
0x65: {  	_ =	shalt  }
0x66: {  	_ =	shalt  }
0x67: {  	_ =	shalt  }
0x68: {  	_ =	shalt  }
0x69: {  	_ =	shalt  }
0x6a: {  	_ =	shalt  }
0x6b: {  	_ =	shalt  }
0x6c: {  	_ =	shalt  }
0x6d: {  	_ =	shalt  }
0x6e: {  	_ =	shalt  }
0x6f: {  	_ =	shalt  }
0x70: {  	_ =	shalt  }
0x71: {  	_ =	shalt  }
0x72: {  	_ =	shalt  }
0x73: {  	_ =	shalt  }
0x74: {  	_ =	shalt  }
0x75: {  	_ =	shalt  }
0x76: {  	_ =	shalt  }
0x77: {  	_ =	shalt  }
0x78: {  	_ =	shalt  }
0x79: {  	_ =	shalt  }
0x7a: {  	_ =	shalt  }
0x7b: {  	_ =	shalt  }
0x7c: {  	_ =	shalt  }
0x7d: {  	_ =	shalt  }
0x7e: {  	_ =	shalt  }
0x7f: {  	_ =	shalt  }
0x80: {  	_ =	shalt  }
0x81: {  	_ =	shalt  }
0x82: {  	_ =	shalt  }
0x83: {  	_ =	shalt  }
0x84: {  	_ =	shalt  }
0x85: {  	_ =	shalt  }
0x86: {  	_ =	shalt  }
0x87: {  	_ =	shalt  }
.Lfunc_end0:
.L_simem_size_0:
called_computation.2_lowered:
.L_overlay_start_0:
0x88: {  	s2 =	sld [smem:$0x3FD9]  }
0x89: {  	s3 =	sld [smem:$0x3FFE];
	_ =	sdelay $0x1  }
0x8a: {  	s1 =	srdreg.scid  }
0x8b: {  	s0 =	sand.u32 $0x1, s1  }
0x8c: {  	s16 =	sshll.u32 s0, $0xA;
	s2 =	sadd.s32 s3, s2  }
0x8d: {  	s2 =	sadd.s32 s2, s16  }
0x8e: {  	[smem:$0x3FAA] =	sst s2  }
0x8f: {  	_ = 	snop  }
0x90: {  	(tm) =	ssettm $0x1  }
0x91: {  	s17 =	sld [smem:$0x3FFB];
	_ =	sdelay $0x3  }
0x92: {  	_ =	strace s17  }
0x93: {  	s2 =	sld [smem:$0x3FFC];
	_ =	sdelay $0x3  }
0x94: {  	_ =	strace s2  }
0x95: {  	s2 =	sld [smem:$0x3FFD];
	_ =	sdelay $0x3  }
0x96: {  	_ =	strace s2  }
0x97: {  	_ =	strace $0x8FFFFFFF  }
0x98: {  	s18 =	sld [smem:$0x3FDB];
	_ =	sdelay $0x1  }
0x99: {  	s19 =	simm.s32 $_scs_section_size  }
0x9a: {  	s4 =	simm.s32 $_size__tile_overlayer_lowered;
	s5 =	simm.s32 $_tile_overlayer_lowered  }
0x9b: {  	s22 =	simm.s32 $0x1BFF;
	s21 =	sshll.u32 s5, $0x1;
	s2 =	sadd.s32 s19, s18  }
0x9c: {  	s6 =	simm.s32 $0x0;
	s20 =	sshll.u32 s4, $0x1;
	s4 =	sadd.s32 s21, s2  }
0x9d: {  	[timem:s6], [sflag:s22] =	dma.local [hbm:s4], s20  }
0x9e: {  	_ =	swait.ge [sflag:s22], s20  }
0x9f: {  	s3 =	ssub.s32 $0x0, s20;
	[sflag:s22] =	ssyncset.done $0x0  }
0xa0: {  	[sflag:s22] =	ssyncadd.s32 s3;
	_ =	sdelay $0x1  }
0xa1: {  	s23 =	simm.s32 $0x1B8B  }
0xa2: {  	_ =	swait.ge [sflag:s23], $0x1  }
0xa3: {  	[sflag:s23] =	ssyncset.done $0x0  }
0xa4: {  	s25 =	simm.s32 $0x1B8E;
	s24 =	sld [smem:$0x3FFE];
	[sflag:s23] =	ssyncadd.s32 $0xFFFFFFFF  }
0xa5: {  	s26 =	simm.s32 $execute0_lowered;
	[smem:$0x3FD2] =	sst s25  }
0xa6: {  	s4 =	sshll.u32 s26, $0x1;
	_ =	strace $0x8000004C;
	[dreg:$0x1] =	wrdreg $0xFFFFFFFF  }
0xa7: {  	s28 =	simm.s32 $_size_execute0_lowered;
	s2 =	sadd.s32 s2, s4;
	[dreg:$0x0] =	wrdreg $0x0  }
0xa8: {  	s4 =	sshll.u32 s28, $0x1;
	[dreg:$0x2] =	wrdreg s2  }
0xa9: {  	[dreg:$0x3] =	wrdreg s4  }
0xaa: {  	[dreg:$0x4] =	wrdreg $0xC0  }
0xab: {  	_ =	task [dreg:s6], $0x5FFFF  }
0xac: {  	[dreg:$0x1] =	wrdreg $0xFFFFFFFF  }
0xad: {  	[dreg:$0x0] =	wrdreg $0x60  }
0xae: {  	[dreg:$0x2] =	wrdreg s24  }
0xaf: {  	[dreg:$0x3] =	wrdreg $0x48900  }
0xb0: {  	[dreg:$0x4] =	wrdreg $0x9  }
0xb1: {  	_ =	task.clear_ibuf [dreg:s6], $0x5FFFF;
	_ =	strace $0x9000004C  }
0xb2: {  	s29 =	simm.s32 $0x9;
	_ =	strace $0x8000004E  }
0xb3: {  	_ =	swait.ge [sflag:s29], $0x1  }
0xb4: {  	[sflag:s29] =	ssyncadd.s32 $0xFFFFFFFF  }
0xb5: {  	_ =	strace $0x9000004E  }
0xb6: {  	_ =	sfence  }
0xb7: {  	s30 =	sld [smem:$0x0];
	_ =	sdelay $0x2  }
0xb8: {  	s31 =	sshll.u32 s1, $0xD;
	s1 =	sshrl.u32 s1, $0x2  }
0xb9: {  	s3 =	sand.u32 $0x4000, s31;
	s1 =	sadd.s32 s1, s30  }
0xba: {  	s0 =	sor.u32 s3, s0;
	s1 =	sshll.u32 s1, $0x11  }
0xbb: {  	s0 =	sor.u32 s1, s0  }
0xbc: {  	s0 =	sadd.s32 $0x8F2B, s0  }
0xbd: {  	[sflag:s0] =	ssyncadd.remote.s32 $0x1  }
0xbe: {  	_ =	sfence.sel $0xFFFF  }
0xbf: {  	[dreg:$0x0] =	wrdreg $0xFFFFFFFF;
	(pc) =	sbr.abs _section_cstart, $3  }
0xc0: {  	[dreg:$0x1] =	wrdreg $0xFFFFFFFF  }
0xc1: {  	_ =	task.clear_ibuf [dreg:s6], $0x2FFFF;
	_ =	strace $0x9FFFFFFF  }
0xc2: {  	(tm) =	ssettm $0x7FFFFFFF  }
0xc3: {  	_ =	shalt  }
tec
execute0_lowered:
.L_overlay_start_1:
0x0: {  	(tag) =	ssettag $0x1  }
0x1: {  	s8 =	rddreg [dreg:$0x0]  }
0x2: {  	s2 =	rddreg [dreg:$0x1]  }
0x3: {  	s0 =	rddreg [dreg:$0x2];
	s3 =	simm.s32 $0x0  }
0x4: {  	s1 =	stileid.u32;
	s7 =	srdreg.scid;
	s19 =	simm.s32 $0x90  }
0x5: {  	s20 =	simm.s32 $0x10;
	s21 =	simm.s32 $0x4090;
	s22 =	simm.s32 $0x0  }
0x6: {  	[smem:$0x7FF] =	sst s3;
	s4 =	sadd.s32 $0xDD200, s8;
	s9 =	smul.u32 $0x14000, s1  }
0x7: {  	s5 =	sadd.s32 $0xB6000, s8;
	s15 =	sadd.s32 $0x11E00, s8;
	s14 =	sadd.s32 $0xCE00, s8  }
0x8: {  	s16 =	sand.u32 $0x1, s7;
	s12 =	smul.u32 $0x2710, s1;
	s7 =	sadd.s32 $0x12C400, s8  }
0x9: {  	s31 =	sshll.u32 s1, $0x6;
	s18 =	smul.u32 $0x4E2, s1;
	_ =	strace $0x8000004D  }
0xa: {  	s11 =	ssub.s32 $0x2, s16;
	p0 =	sne.s32 s16, $0x0;
	s6 =	sshrl.u32 s9, $0x3  }
0xb: {  	s13 =	sshrl.u32 s11, $0x1;
	s17 =	sadd.s32 s9, s2;
	s30 =	sshrl.u32 s12, $0x3  }
.Ltmp0:
0xc: {  	s10 =	sadd.s32 s6, s8;
	s8 =	sadd.s32 $0x154400, s8;
	(pc) =	sbr.rel .LBB2_1-.Ltmp0, $4  }
0xd: {  	s13 =	ssub.s32 s11, s13;
	s12 =	sadd.s32 $0x4E0, s30;
	s16 =	sshrl.u32 s17, $0x3  }
0xe: {  	s17 =	simm.s32 $0x1;
	s9 =	sadd.s32 $0x104400, s10;
	s10 =	sor.u32 $0x1C01, s31  }
0xf: {  	s11 =	sadd.s32 s15, s12;
	s12 =	sadd.s32 s14, s12;
	s13 =	smax.u32 s13, $0x1  }
0x10: {  	s14 =	sadd.s32 s18, s14;
	s15 =	sadd.s32 s18, s15;
	s18 =	simm.s32 $0x80  }
.LBB2_7:
0x11: {  	s24 =	sadd.s32 s23, s15;
	[sflag:s17] =	ssyncadd.s32 $0xFFFFC000  }
0x12: {  	[tilespmem:s3], [sflag:$0x1] =	stream.linear.gather [hbm4b:s24+s3], $0x80, $0x38;
	[tilespmem:$0x18890] =	vst v63  }
0x13: {  	_ =	swait.ge [sflag:s17], $0x80  }
0x14: {  	[sflag:s17] =	ssyncset.done $0x0  }
0x15: {  	[sflag:s17] =	ssyncadd.s32 $0xFFFFFF80  }
0x16: {  	[tilespmem:s19], [sflag:$0x1] =	stream.indirect.gather [hbm4b:s5+s18], $0x80, s3, s18, $0xb8;
	[tilespmem:$0x18890] =	vst v63  }
0x17: {  	_ =	swait.ge [sflag:s17], $0x4000  }
0x18: {  	[sflag:s17] =	ssyncset.done $0x0  }
0x19: {  	s31 =	sadd.s32 s23, s14;
	[sflag:s17] =	ssyncadd.s32 $0xFFFFC000  }
0x1a: {  	[tilespmem:s3], [sflag:$0x1] =	stream.linear.gather [hbm4b:s31+s3], $0x80, $0x38;
	[tilespmem:$0x18890] =	vst v63  }
0x1b: {  	_ =	swait.ge [sflag:s17], $0x80  }
0x1c: {  	[sflag:s17] =	ssyncset.done $0x0  }
0x1d: {  	[sflag:s17] =	ssyncadd.s32 $0xFFFFFF80  }
0x1e: {  	[spmem:s2] =	stream.indirect.scatter.add.f32 [tilespmem:s19], [sflag:$0x1], $0x80, s3, s18, $0xb8;
	[tilespmem:$0x18890] =	vst v63  }
0x1f: {  	_ =	swait.ge [sflag:s17], $0x4000  }
0x20: {  	[sflag:s17] =	ssyncset.done $0x0  }
0x21: {  	s23 =	smov.u32 s8;
	s24 =	smov.u32 s5;
	[sflag:s17] =	ssyncadd.s32 $0xFFFFC000  }
.LBB2_8:
0x22: {  	[tilespmem:s18], [sflag:$0x1] =	stream.linear.gather [hbm4b:s11+s3], $0x10, $0x38;
	[tilespmem:$0x18890] =	vst v63  }
0x23: {  	_ =	swait.ge [sflag:s17], $0x10  }
0x24: {  	[sflag:s17] =	ssyncset.done $0x0  }
0x25: {  	[sflag:s17] =	ssyncadd.s32 $0xFFFFFFF0  }
0x26: {  	[tilespmem:s21], [sflag:$0x1] =	stream.indirect.gather [hbm4b:s24+s20], $0x80, s18, s20, $0xb8;
	[tilespmem:$0x18890] =	vst v63  }
0x27: {  	_ =	swait.ge [sflag:s17], $0x800  }
0x28: {  	[sflag:s17] =	ssyncset.done $0x0  }
0x29: {  	[sflag:s17] =	ssyncadd.s32 $0xFFFFF800  }
0x2a: {  	[tilespmem:s18], [sflag:$0x1] =	stream.linear.gather [hbm4b:s12+s3], $0x10, $0x38;
	[tilespmem:$0x18890] =	vst v63  }
0x2b: {  	_ =	swait.ge [sflag:s17], $0x10  }
0x2c: {  	[sflag:s17] =	ssyncset.done $0x0  }
0x2d: {  	[sflag:s17] =	ssyncadd.s32 $0xFFFFFFF0  }
0x2e: {  	[spmem:s2] =	stream.indirect.scatter.add.f32 [tilespmem:s21], [sflag:$0x1], $0x80, s18, s20, $0xb8;
	[tilespmem:$0x18890] =	vst v63  }
0x2f: {  	_ =	swait.ge [sflag:s17], $0x800  }
0x30: {  	s22 =	sadd.s32 $0x1, s22;
	[sflag:s17] =	ssyncset.done $0x0  }
0x31: {  	p1 =	sne.s32 s22, s13;
	[sflag:s17] =	ssyncadd.s32 $0xFFFFF800  }
.Ltmp1:
0x32: {  	s23 =	sadd.s32 s23, s6;
	[bflag:$0x0] =	sbarrier.arrive $0xFFFF;
	(pc) =	sbr.rel @!p1 .LBB2_9-.Ltmp1, $4  }
0x33: {  	[hbm:s23], [sflag:s10] =	dma.local [spmem:s16], $0x2800  }
0x34: {  	_ =	swait.ge [sflag:s17], $0x2800  }
0x35: {  	[sflag:s17] =	ssyncset.done $0x0  }
0x36: {  	[sflag:s17] =	ssyncadd.s32 $0xFFFFD800  }
.LBB2_1:
0x37: {  	[spmem:s16], [sflag:s10] =	dma.local [hbm:s9], $0x2800  }
.Ltmp2:
0x38: {  	_ =	swait.ge [sflag:s17], $0x2800;
	(pc) =	sbr.rel @p0 .LBB2_5-.Ltmp2, $4  }
0x39: {  	[sflag:s17] =	ssyncset.done $0x0  }
0x3a: {  	[sflag:s17] =	ssyncadd.s32 $0xFFFFD800  }
0x3b: {  	[bflag:$0x0] =	sbarrier.arrive $0xFFFF  }
0x3c: {  	s23 =	sadd.s32 $0x0, s15  }
0x3d: {  	[tilespmem:s3], [sflag:$0x1] =	stream.linear.gather [hbm4b:s23+s3], $0x80, $0x38;
	[tilespmem:$0x18890] =	vst v63  }
0x3e: {  	_ =	swait.ge [sflag:s17], $0x80  }
0x3f: {  	[sflag:s17] =	ssyncset.done $0x0  }
0x40: {  	[sflag:s17] =	ssyncadd.s32 $0xFFFFFF80  }
0x41: {  	[tilespmem:s19], [sflag:$0x1] =	stream.indirect.gather [hbm4b:s4+s18], $0x80, s3, s18, $0xb8;
	[tilespmem:$0x18890] =	vst v63  }
0x42: {  	_ =	swait.ge [sflag:s17], $0x4000  }
0x43: {  	[sflag:s17] =	ssyncset.done $0x0  }
0x44: {  	s31 =	sadd.s32 $0x0, s14;
	[sflag:s17] =	ssyncadd.s32 $0xFFFFC000  }
0x45: {  	[tilespmem:s3], [sflag:$0x1] =	stream.linear.gather [hbm4b:s31+s3], $0x80, $0x38;
	[tilespmem:$0x18890] =	vst v63  }
0x46: {  	_ =	swait.ge [sflag:s17], $0x80  }
0x47: {  	[sflag:s17] =	ssyncset.done $0x0  }
0x48: {  	[sflag:s17] =	ssyncadd.s32 $0xFFFFFF80  }
0x49: {  	[spmem:s2] =	stream.indirect.scatter.add.f32 [tilespmem:s19], [sflag:$0x1], $0x80, s3, s18, $0xb8;
	[tilespmem:$0x18890] =	vst v63  }
0x4a: {  	_ =	swait.ge [sflag:s17], $0x4000  }
0x4b: {  	s23 =	simm.s32 $0x10;
	s24 =	simm.s32 $0x20;
	[sflag:s17] =	ssyncset.done $0x0  }
.LBB2_3:
0x4c: {  	s25 =	sadd.s32 s23, s15  }
0x4d: {  	[sflag:s17] =	ssyncadd.s32 $0xFFFFC000;
	s26 =	smov.u32 s24;
	s28 =	sadd.s32 $0x10, s24  }
0x4e: {  	[tilespmem:s3], [sflag:$0x1] =	stream.linear.gather [hbm4b:s25+s3], $0x80, $0x38;
	[tilespmem:$0x18890] =	vst v63  }
0x4f: {  	p1 =	seq.s32 s24, $0x4D0;
	_ =	swait.ge [sflag:s17], $0x80  }
0x50: {  	[sflag:s17] =	ssyncset.done $0x0  }
0x51: {  	[sflag:s17] =	ssyncadd.s32 $0xFFFFFF80  }
0x52: {  	[tilespmem:s19], [sflag:$0x1] =	stream.indirect.gather [hbm4b:s4+s18], $0x80, s3, s18, $0xb8;
	[tilespmem:$0x18890] =	vst v63  }
0x53: {  	_ =	swait.ge [sflag:s17], $0x4000  }
0x54: {  	[sflag:s17] =	ssyncset.done $0x0  }
0x55: {  	s24 =	sadd.s32 s23, s14;
	s23 =	smov.u32 s26;
	[sflag:s17] =	ssyncadd.s32 $0xFFFFC000  }
0x56: {  	[tilespmem:s3], [sflag:$0x1] =	stream.linear.gather [hbm4b:s24+s3], $0x80, $0x38;
	[tilespmem:$0x18890] =	vst v63  }
0x57: {  	_ =	swait.ge [sflag:s17], $0x80  }
.Ltmp3:
0x58: {  	[sflag:s17] =	ssyncset.done $0x0;
	(pc) =	sbr.rel @!p1 .LBB2_3-.Ltmp3, $4  }
0x59: {  	[sflag:s17] =	ssyncadd.s32 $0xFFFFFF80  }
0x5a: {  	[spmem:s2] =	stream.indirect.scatter.add.f32 [tilespmem:s19], [sflag:$0x1], $0x80, s3, s18, $0xb8;
	[tilespmem:$0x18890] =	vst v63  }
0x5b: {  	_ =	swait.ge [sflag:s17], $0x4000  }
0x5c: {  	s24 =	smov.u32 s28;
	[sflag:s17] =	ssyncset.done $0x0  }
0x5d: {  	s24 =	sadd.s32 s23, s15;
	[sflag:s17] =	ssyncadd.s32 $0xFFFFC000  }
0x5e: {  	[tilespmem:s3], [sflag:$0x1] =	stream.linear.gather [hbm4b:s24+s3], $0x80, $0x38;
	[tilespmem:$0x18890] =	vst v63  }
0x5f: {  	_ =	swait.ge [sflag:s17], $0x80  }
0x60: {  	[sflag:s17] =	ssyncset.done $0x0  }
0x61: {  	[sflag:s17] =	ssyncadd.s32 $0xFFFFFF80  }
0x62: {  	[tilespmem:s19], [sflag:$0x1] =	stream.indirect.gather [hbm4b:s4+s18], $0x80, s3, s18, $0xb8;
	[tilespmem:$0x18890] =	vst v63  }
0x63: {  	_ =	swait.ge [sflag:s17], $0x4000  }
0x64: {  	[sflag:s17] =	ssyncset.done $0x0  }
0x65: {  	s31 =	sadd.s32 s23, s14;
	[sflag:s17] =	ssyncadd.s32 $0xFFFFC000  }
0x66: {  	[tilespmem:s3], [sflag:$0x1] =	stream.linear.gather [hbm4b:s31+s3], $0x80, $0x38;
	[tilespmem:$0x18890] =	vst v63  }
0x67: {  	_ =	swait.ge [sflag:s17], $0x80  }
0x68: {  	[sflag:s17] =	ssyncset.done $0x0  }
.Ltmp4:
0x69: {  	[sflag:s17] =	ssyncadd.s32 $0xFFFFFF80;
	(pc) =	sbr.rel .LBB2_8-.Ltmp4, $4  }
0x6a: {  	[spmem:s2] =	stream.indirect.scatter.add.f32 [tilespmem:s19], [sflag:$0x1], $0x80, s3, s18, $0xb8;
	[tilespmem:$0x18890] =	vst v63  }
0x6b: {  	_ =	swait.ge [sflag:s17], $0x4000  }
0x6c: {  	[sflag:s17] =	ssyncset.done $0x0  }
0x6d: {  	s23 =	smov.u32 s7;
	s24 =	smov.u32 s4;
	[sflag:s17] =	ssyncadd.s32 $0xFFFFC000  }
.LBB2_5:
0x6e: {  	[tilespmem:s3], [sflag:$0x1] =	stream.linear.gather [hbm4b:s23+s3], $0x80, $0x38;
	[tilespmem:$0x18890] =	vst v63  }
0x6f: {  	_ =	swait.ge [sflag:s17], $0x80  }
0x70: {  	[sflag:s17] =	ssyncset.done $0x0  }
0x71: {  	[sflag:s17] =	ssyncadd.s32 $0xFFFFFF80  }
0x72: {  	[tilespmem:s19], [sflag:$0x1] =	stream.indirect.gather [hbm4b:s5+s18], $0x80, s3, s18, $0xb8;
	[tilespmem:$0x18890] =	vst v63  }
0x73: {  	_ =	swait.ge [sflag:s17], $0x4000  }
0x74: {  	[sflag:s17] =	ssyncset.done $0x0  }
0x75: {  	s31 =	sadd.s32 $0x0, s14;
	[sflag:s17] =	ssyncadd.s32 $0xFFFFC000  }
0x76: {  	[tilespmem:s3], [sflag:$0x1] =	stream.linear.gather [hbm4b:s31+s3], $0x80, $0x38;
	[tilespmem:$0x18890] =	vst v63  }
0x77: {  	_ =	swait.ge [sflag:s17], $0x80  }
0x78: {  	[sflag:s17] =	ssyncset.done $0x0  }
0x79: {  	[sflag:s17] =	ssyncadd.s32 $0xFFFFFF80  }
0x7a: {  	[spmem:s2] =	stream.indirect.scatter.add.f32 [tilespmem:s19], [sflag:$0x1], $0x80, s3, s18, $0xb8;
	[tilespmem:$0x18890] =	vst v63  }
0x7b: {  	_ =	swait.ge [sflag:s17], $0x4000  }
0x7c: {  	s23 =	simm.s32 $0x10;
	s24 =	simm.s32 $0x20;
	[sflag:s17] =	ssyncset.done $0x0  }
.LBB2_6:
0x7d: {  	s25 =	sadd.s32 s23, s15  }
0x7e: {  	[sflag:s17] =	ssyncadd.s32 $0xFFFFC000;
	s26 =	smov.u32 s24;
	s28 =	sadd.s32 $0x10, s24  }
0x7f: {  	[tilespmem:s3], [sflag:$0x1] =	stream.linear.gather [hbm4b:s25+s3], $0x80, $0x38;
	[tilespmem:$0x18890] =	vst v63  }
0x80: {  	p1 =	sne.s32 s24, $0x4D0;
	_ =	swait.ge [sflag:s17], $0x80  }
0x81: {  	[sflag:s17] =	ssyncset.done $0x0  }
0x82: {  	[sflag:s17] =	ssyncadd.s32 $0xFFFFFF80  }
0x83: {  	[tilespmem:s19], [sflag:$0x1] =	stream.indirect.gather [hbm4b:s5+s18], $0x80, s3, s18, $0xb8;
	[tilespmem:$0x18890] =	vst v63  }
0x84: {  	_ =	swait.ge [sflag:s17], $0x4000  }
0x85: {  	[sflag:s17] =	ssyncset.done $0x0  }
0x86: {  	s24 =	sadd.s32 s23, s14;
	s23 =	smov.u32 s26;
	[sflag:s17] =	ssyncadd.s32 $0xFFFFC000  }
0x87: {  	[tilespmem:s3], [sflag:$0x1] =	stream.linear.gather [hbm4b:s24+s3], $0x80, $0x38;
	[tilespmem:$0x18890] =	vst v63  }
0x88: {  	_ =	swait.ge [sflag:s17], $0x80  }
.Ltmp5:
0x89: {  	[sflag:s17] =	ssyncset.done $0x0;
	(pc) =	sbr.rel @p1 .LBB2_6-.Ltmp5, $4  }
0x8a: {  	[sflag:s17] =	ssyncadd.s32 $0xFFFFFF80  }
0x8b: {  	[spmem:s2] =	stream.indirect.scatter.add.f32 [tilespmem:s19], [sflag:$0x1], $0x80, s3, s18, $0xb8;
	[tilespmem:$0x18890] =	vst v63  }
0x8c: {  	_ =	swait.ge [sflag:s17], $0x4000  }
0x8d: {  	s24 =	smov.u32 s28;
	[sflag:s17] =	ssyncset.done $0x0  }
.Ltmp6:
0x8e: {  	_ = 	snop;
	(pc) =	sbr.rel .LBB2_7-.Ltmp6, $1  }
0x8f: {  	_ =	sdelay $0x3  }
.LBB2_9:
0x90: {  	_ =	sfence.sel $0x180000  }
0x91: {  	[bflag:$0x0] =	sbarrier.arrive $0xFFFF  }
0x92: {  	p0 =	sne.s32 s1, $0x0;
	_ =	strace $0x9000004D  }
0x93: {  	s0 =	sadd.s32 @!p0 $0x100000, s0;
	[bflag:$0x2] =	sbarrier.arrive $0xFFFF  }
0x94: {  	[sflag:s0] =	ssyncadd.tile.s32 @!p0 $0x1;
	_ =	shalt  }
.Lfunc_end2:
_tile_overlayer_lowered:
.L_overlay_start_2:
0x95: {  	(tag) =	ssettag $0x2  }
0x96: {  	s0 =	rddreg [dreg:$0x0];
	s2 =	stileid.u32  }
0x97: {  	s1 =	rddreg [dreg:$0x1];
	p0 =	sne.s32 s2, $0x0  }
0x98: {  	s3 =	rddreg [dreg:$0x2];
	[bflag:$0x3] =	sbarrier.arrive $0xFFFF;
	s2 =	simm.s32 @!p0 $0x1C01  }
0x99: {  	[timem:s3], [sflag:s2] =	dma.local @!p0 [hbm:s0], s1  }
0x9a: {  	s0 =	simm.s32 @!p0 $0x1  }
0x9b: {  	_ =	swait.ge @!p0 [sflag:s0], s1  }
0x9c: {  	s1 =	ssub.s32 @!p0 $0x0, s1;
	[sflag:s0] =	ssyncset.done @!p0 $0x0  }
0x9d: {  	[sflag:s0] =	ssyncadd.s32 @!p0 s1  }
0x9e: {  	[bflag:$0x3] =	sbarrier.arrive $0xFFFF  }
0x9f: {  	_ =	shalt  }

// kernel: kernel.28.cloned.1.call-start
scs
__scs_entry_jumppad:
0x0: {  	(pc) =	sbr.rel $0x88, $3  }
0x1: {  	(tag) =	ssettag $0x0;
	lr =	simm.s32 $0x1  }
0x2: {  	[smem:$0x3F83] =	sst lr;
	_ =	strace $0xD0000000  }
0x3: {  	_ = 	snop  }
0x4: {  	_ = 	snop  }
0x5: {  	_ = 	snop  }
0x6: {  	_ = 	snop  }
0x7: {  	_ = 	snop  }
__scs_overlays_trampoline_lowered:
0x8: {  	[smem:$0x3F92] =	sst s0  }
0x9: {  	[smem:$0x3F93] =	sst s1  }
0xa: {  	[smem:$0x3F94] =	sst s2  }
0xb: {  	[smem:$0x3F95] =	sst s3  }
0xc: {  	[smem:$0x3F96] =	sst s4  }
0xd: {  	[smem:$0x3F97] =	sst s5  }
0xe: {  	[smem:$0x3F98] =	sst s6  }
0xf: {  	[smem:$0x3F99] =	sst s7  }
0x10: {  	[smem:$0x3F9A] =	sst s8  }
0x11: {  	[smem:$0x3F9B] =	sst s9;
	s0 =	simm.s32 @!p0 $0x0  }
0x12: {  	s1 =	sld [smem:$0x3F81];
	s0 =	simm.s32 @p0 $0x1  }
0x13: {  	[smem:$0x3F9C] =	sst s0;
	s0 =	simm.s32 @!p1 $0x0  }
0x14: {  	s2 =	sld [smem:$0x3F80];
	s0 =	simm.s32 @p1 $0x1  }
0x15: {  	[smem:$0x3F9D] =	sst s0;
	s0 =	simm.s32 @!p2 $0x0  }
0x16: {  	s3 =	sld [smem:$0x3FDB];
	s0 =	simm.s32 @p2 $0x1  }
0x17: {  	s4 =	simm.s32 $0x1BF5;
	[smem:$0x3F9F] =	sst s0  }
0x18: {  	s0 =	sld [smem:$0x3F82];
	_ =	swait.ge [sflag:s4], $0x0  }
0x19: {  	s7 =	sld [smem:$0x3F83]  }
0x1a: {  	s8 =	sadd.s32 $0xFFFFE003, lr  }
0x1b: {  	s9 =	sadd.s32 $0xFFFFFEF7, lr;
	s5 =	simm.s32 $0xFFFFFFFF;
	p2 =	slt.u32 s8, $0xFFFFF086  }
0x1c: {  	p1 =	slt.u32 s9, $0xF7A;
	s5 =	simm.s32 @!p2 $0x0  }
0x1d: {  	s5 =	simm.s32 @p1 $0x1;
	p0 =	seq.s32 s7, s2  }
0x1e: {  	s7 =	smul.u32 @!p0 $0xF7A, s2;
	p2 =	seq.s32 @!p0 s5, $0x0  }
0x1f: {  	s9 =	smul.u32 $0xF7A, s1;
	s8 =	simm.s32 @!p0 $0x1BF5;
	p2 =	por !p2, p0  }
0x20: {  	[sflag:s8] =	ssyncset.s32 @!p0 $0xFFFFF086;
	s6 =	sadd.s32 @!p0 s3, s7;
	s7 =	simm.s32 @!p0 $0x108  }
0x21: {  	s3 =	sadd.s32 s3, s9;
	s6 =	sadd.s32 @!p0 $0x88, s6;
	s7 =	simm.s32 @p2 $0x1082  }
0x22: {  	[simem:s7], [sflag:s8] =	dma.local @!p0 [hbm:s6], $0xF7A  }
0x23: {  	s9 =	sor.u32 $0xD0000000, s2;
	s6 =	simm.s32 $0x108;
	_ =	swait.ge @!p0 [sflag:s8], $0x0  }
0x24: {  	s3 =	sadd.s32 $0x88, s3;
	s6 =	simm.s32 @!p1 $0x1082;
	[sflag:s4] =	ssyncset.s32 $0xFFFFF086  }
0x25: {  	[simem:s6], [sflag:s4] =	dma.local [hbm:s3], $0xF7A  }
0x26: {  	[smem:$0x3F83] =	sst s1;
	(tag) =	ssettag s2;
	_ =	strace s9  }
0x27: {  	s1 =	sld [smem:$0x3F93]  }
0x28: {  	s2 =	sld [smem:$0x3F94]  }
0x29: {  	s4 =	sld [smem:$0x3F96]  }
0x2a: {  	p0 =	seq.s32 s5, $0x0;
	s5 =	sld [smem:$0x3F97]  }
0x2b: {  	s6 =	sld [smem:$0x3F98]  }
0x2c: {  	s7 =	sld [smem:$0x3F99]  }
0x2d: {  	s3 =	simm.s32 $0x108;
	s8 =	sld [smem:$0x3F9A]  }
0x2e: {  	s3 =	simm.s32 @!p0 $0x1082;
	s9 =	sld [smem:$0x3F9B]  }
0x2f: {  	lr =	sadd.s32 s0, s3;
	s0 =	sld [smem:$0x3F92]  }
0x30: {  	s3 =	sld [smem:$0x3F95]  }
0x31: {  	[smem:$0x3F9E] =	sst s10  }
0x32: {  	s10 =	sld [smem:$0x3F9C];
	_ =	sdelay $0x3  }
0x33: {  	p0 =	seq.s32 s10, $0x1;
	s10 =	sld [smem:$0x3F9E];
	_ =	sdelay $0x3  }
0x34: {  	[smem:$0x3F9E] =	sst s10  }
0x35: {  	s10 =	sld [smem:$0x3F9D];
	_ =	sdelay $0x3  }
0x36: {  	p1 =	seq.s32 s10, $0x1;
	s10 =	sld [smem:$0x3F9E];
	_ =	sdelay $0x3  }
0x37: {  	[smem:$0x3F9E] =	sst s10  }
0x38: {  	s10 =	sld [smem:$0x3F9F]  }
0x39: {  	_ = 	snop;
	(pc) =	sbr.ind lr, $3  }
0x3a: {  	_ = 	snop  }
0x3b: {  	_ = 	snop  }
0x3c: {  	p2 =	seq.s32 s10, $0x1;
	s10 =	sld [smem:$0x3F9E]  }
0x3d: {  	_ =	shalt  }
0x3e: {  	_ =	shalt  }
0x3f: {  	_ =	shalt  }
0x40: {  	_ =	shalt  }
0x41: {  	_ =	shalt  }
0x42: {  	_ =	shalt  }
0x43: {  	_ =	shalt  }
0x44: {  	_ =	shalt  }
0x45: {  	_ =	shalt  }
0x46: {  	_ =	shalt  }
0x47: {  	_ =	shalt  }
0x48: {  	_ =	shalt  }
0x49: {  	_ =	shalt  }
0x4a: {  	_ =	shalt  }
0x4b: {  	_ =	shalt  }
0x4c: {  	_ =	shalt  }
0x4d: {  	_ =	shalt  }
0x4e: {  	_ =	shalt  }
0x4f: {  	_ =	shalt  }
0x50: {  	_ =	shalt  }
0x51: {  	_ =	shalt  }
0x52: {  	_ =	shalt  }
0x53: {  	_ =	shalt  }
0x54: {  	_ =	shalt  }
0x55: {  	_ =	shalt  }
0x56: {  	_ =	shalt  }
0x57: {  	_ =	shalt  }
0x58: {  	_ =	shalt  }
0x59: {  	_ =	shalt  }
0x5a: {  	_ =	shalt  }
0x5b: {  	_ =	shalt  }
0x5c: {  	_ =	shalt  }
0x5d: {  	_ =	shalt  }
0x5e: {  	_ =	shalt  }
0x5f: {  	_ =	shalt  }
0x60: {  	_ =	shalt  }
0x61: {  	_ =	shalt  }
0x62: {  	_ =	shalt  }
0x63: {  	_ =	shalt  }
0x64: {  	_ =	shalt  }
0x65: {  	_ =	shalt  }
0x66: {  	_ =	shalt  }
0x67: {  	_ =	shalt  }
0x68: {  	_ =	shalt  }
0x69: {  	_ =	shalt  }
0x6a: {  	_ =	shalt  }
0x6b: {  	_ =	shalt  }
0x6c: {  	_ =	shalt  }
0x6d: {  	_ =	shalt  }
0x6e: {  	_ =	shalt  }
0x6f: {  	_ =	shalt  }
0x70: {  	_ =	shalt  }
0x71: {  	_ =	shalt  }
0x72: {  	_ =	shalt  }
0x73: {  	_ =	shalt  }
0x74: {  	_ =	shalt  }
0x75: {  	_ =	shalt  }
0x76: {  	_ =	shalt  }
0x77: {  	_ =	shalt  }
0x78: {  	_ =	shalt  }
0x79: {  	_ =	shalt  }
0x7a: {  	_ =	shalt  }
0x7b: {  	_ =	shalt  }
0x7c: {  	_ =	shalt  }
0x7d: {  	_ =	shalt  }
0x7e: {  	_ =	shalt  }
0x7f: {  	_ =	shalt  }
0x80: {  	_ =	shalt  }
0x81: {  	_ =	shalt  }
0x82: {  	_ =	shalt  }
0x83: {  	_ =	shalt  }
0x84: {  	_ =	shalt  }
0x85: {  	_ =	shalt  }
0x86: {  	_ =	shalt  }
0x87: {  	_ =	shalt  }
.Lfunc_end0:
.L_simem_size_0:
called_computation.3_lowered:
.L_overlay_start_0:
0x88: {  	s2 =	sld [smem:$0x3FD9]  }
0x89: {  	s3 =	sld [smem:$0x3FFE];
	_ =	sdelay $0x1  }
0x8a: {  	s1 =	srdreg.scid  }
0x8b: {  	s0 =	sand.u32 $0x1, s1  }
0x8c: {  	s16 =	sshll.u32 s0, $0xA;
	s2 =	sadd.s32 s3, s2  }
0x8d: {  	s2 =	sadd.s32 s2, s16  }
0x8e: {  	[smem:$0x3FAA] =	sst s2  }
0x8f: {  	_ = 	snop  }
0x90: {  	(tm) =	ssettm $0x1  }
0x91: {  	s17 =	sld [smem:$0x3FFB];
	_ =	sdelay $0x3  }
0x92: {  	_ =	strace s17  }
0x93: {  	s2 =	sld [smem:$0x3FFC];
	_ =	sdelay $0x3  }
0x94: {  	_ =	strace s2  }
0x95: {  	s2 =	sld [smem:$0x3FFD];
	_ =	sdelay $0x3  }
0x96: {  	_ =	strace s2  }
0x97: {  	_ =	strace $0x8FFFFFFF  }
0x98: {  	s18 =	sld [smem:$0x3FDB];
	_ =	sdelay $0x1  }
0x99: {  	s19 =	simm.s32 $_scs_section_size  }
0x9a: {  	s4 =	simm.s32 $_size__tile_overlayer_lowered;
	s5 =	simm.s32 $_tile_overlayer_lowered  }
0x9b: {  	s22 =	simm.s32 $0x1BFF;
	s21 =	sshll.u32 s5, $0x1;
	s2 =	sadd.s32 s19, s18  }
0x9c: {  	s6 =	simm.s32 $0x0;
	s20 =	sshll.u32 s4, $0x1;
	s4 =	sadd.s32 s21, s2  }
0x9d: {  	[timem:s6], [sflag:s22] =	dma.local [hbm:s4], s20  }
0x9e: {  	_ =	swait.ge [sflag:s22], s20  }
0x9f: {  	s3 =	ssub.s32 $0x0, s20;
	[sflag:s22] =	ssyncset.done $0x0  }
0xa0: {  	[sflag:s22] =	ssyncadd.s32 s3;
	_ =	sdelay $0x1  }
0xa1: {  	s23 =	simm.s32 $0x1B8B  }
0xa2: {  	_ =	swait.ge [sflag:s23], $0x1  }
0xa3: {  	[sflag:s23] =	ssyncset.done $0x0  }
0xa4: {  	s25 =	simm.s32 $0x1B8E;
	s24 =	sld [smem:$0x3FFE];
	[sflag:s23] =	ssyncadd.s32 $0xFFFFFFFF  }
0xa5: {  	s26 =	simm.s32 $execute0_lowered;
	[smem:$0x3FD2] =	sst s25  }
0xa6: {  	s4 =	sshll.u32 s26, $0x1;
	_ =	strace $0x8000004F;
	[dreg:$0x1] =	wrdreg $0xFFFFFFFF  }
0xa7: {  	s28 =	simm.s32 $_size_execute0_lowered;
	s2 =	sadd.s32 s2, s4;
	[dreg:$0x0] =	wrdreg $0x0  }
0xa8: {  	s4 =	sshll.u32 s28, $0x1;
	[dreg:$0x2] =	wrdreg s2  }
0xa9: {  	[dreg:$0x3] =	wrdreg s4  }
0xaa: {  	[dreg:$0x4] =	wrdreg $0xC0  }
0xab: {  	_ =	task [dreg:s6], $0x5FFFF  }
0xac: {  	[dreg:$0x1] =	wrdreg $0xFFFFFFFF  }
0xad: {  	[dreg:$0x0] =	wrdreg $0x60  }
0xae: {  	[dreg:$0x2] =	wrdreg s24  }
0xaf: {  	[dreg:$0x3] =	wrdreg $0x48900  }
0xb0: {  	[dreg:$0x4] =	wrdreg $0x9  }
0xb1: {  	_ =	task.clear_ibuf [dreg:s6], $0x5FFFF;
	_ =	strace $0x9000004F  }
0xb2: {  	s29 =	simm.s32 $0x9;
	_ =	strace $0x80000051  }
0xb3: {  	_ =	swait.ge [sflag:s29], $0x1  }
0xb4: {  	[sflag:s29] =	ssyncadd.s32 $0xFFFFFFFF  }
0xb5: {  	_ =	strace $0x90000051  }
0xb6: {  	_ =	sfence  }
0xb7: {  	s30 =	sld [smem:$0x0];
	_ =	sdelay $0x2  }
0xb8: {  	s31 =	sshll.u32 s1, $0xD;
	s1 =	sshrl.u32 s1, $0x2  }
0xb9: {  	s3 =	sand.u32 $0x4000, s31;
	s1 =	sadd.s32 s1, s30  }
0xba: {  	s0 =	sor.u32 s3, s0;
	s1 =	sshll.u32 s1, $0x11  }
0xbb: {  	s0 =	sor.u32 s1, s0  }
0xbc: {  	s0 =	sadd.s32 $0x8F2B, s0  }
0xbd: {  	[sflag:s0] =	ssyncadd.remote.s32 $0x1  }
0xbe: {  	_ =	sfence.sel $0xFFFF  }
0xbf: {  	[dreg:$0x0] =	wrdreg $0xFFFFFFFF;
	(pc) =	sbr.abs _section_cstart, $3  }
0xc0: {  	[dreg:$0x1] =	wrdreg $0xFFFFFFFF  }
0xc1: {  	_ =	task.clear_ibuf [dreg:s6], $0x2FFFF;
	_ =	strace $0x9FFFFFFF  }
0xc2: {  	(tm) =	ssettm $0x7FFFFFFF  }
0xc3: {  	_ =	shalt  }
tec
execute0_lowered:
.L_overlay_start_1:
0x0: {  	(tag) =	ssettag $0x1  }
0x1: {  	s8 =	rddreg [dreg:$0x0]  }
0x2: {  	s1 =	rddreg [dreg:$0x1]  }
0x3: {  	s0 =	rddreg [dreg:$0x2];
	s3 =	simm.s32 $0x0  }
0x4: {  	s2 =	stileid.u32;
	s7 =	srdreg.scid;
	s19 =	simm.s32 $0x90  }
0x5: {  	s20 =	simm.s32 $0x10;
	s21 =	simm.s32 $0x4090;
	s22 =	simm.s32 $0x0  }
0x6: {  	[smem:$0x7FF] =	sst s3;
	s4 =	sadd.s32 $0x12C400, s8;
	s9 =	smul.u32 $0x14000, s2  }
0x7: {  	s5 =	sadd.s32 $0x153600, s8;
	s15 =	sadd.s32 $0x11E00, s8;
	s14 =	sadd.s32 $0xCE00, s8  }
0x8: {  	s16 =	sand.u32 $0x1, s7;
	s12 =	smul.u32 $0x2710, s2;
	s7 =	sadd.s32 $0x17A800, s8  }
0x9: {  	s31 =	sshll.u32 s2, $0x6;
	s18 =	smul.u32 $0x4E2, s2;
	_ =	strace $0x80000050  }
0xa: {  	s11 =	ssub.s32 $0x2, s16;
	p0 =	sne.s32 s16, $0x0;
	s6 =	sshrl.u32 s9, $0x3  }
0xb: {  	s13 =	sshrl.u32 s11, $0x1;
	s17 =	sadd.s32 s9, s1;
	s30 =	sshrl.u32 s12, $0x3  }
.Ltmp0:
0xc: {  	s10 =	sadd.s32 s6, s8;
	s8 =	sadd.s32 $0x1A2800, s8;
	(pc) =	sbr.rel .LBB2_1-.Ltmp0, $4  }
0xd: {  	s13 =	ssub.s32 s11, s13;
	s12 =	sadd.s32 $0x4E0, s30;
	s16 =	sshrl.u32 s17, $0x3  }
0xe: {  	s17 =	simm.s32 $0x1;
	s9 =	sadd.s32 $0x104400, s10;
	s10 =	sor.u32 $0x1C01, s31  }
0xf: {  	s11 =	sadd.s32 s15, s12;
	s12 =	sadd.s32 s14, s12;
	s13 =	smax.u32 s13, $0x1  }
0x10: {  	s14 =	sadd.s32 s18, s14;
	s15 =	sadd.s32 s18, s15;
	s18 =	simm.s32 $0x80  }
.LBB2_7:
0x11: {  	s24 =	sadd.s32 s23, s15;
	[sflag:s17] =	ssyncadd.s32 $0xFFFFC000  }
0x12: {  	[tilespmem:s3], [sflag:$0x1] =	stream.linear.gather [hbm4b:s24+s3], $0x80, $0x38;
	[tilespmem:$0x18890] =	vst v63  }
0x13: {  	_ =	swait.ge [sflag:s17], $0x80  }
0x14: {  	[sflag:s17] =	ssyncset.done $0x0  }
0x15: {  	[sflag:s17] =	ssyncadd.s32 $0xFFFFFF80  }
0x16: {  	[tilespmem:s19], [sflag:$0x1] =	stream.indirect.gather [hbm4b:s5+s18], $0x80, s3, s18, $0xb8;
	[tilespmem:$0x18890] =	vst v63  }
0x17: {  	_ =	swait.ge [sflag:s17], $0x4000  }
0x18: {  	[sflag:s17] =	ssyncset.done $0x0  }
0x19: {  	s31 =	sadd.s32 s23, s14;
	[sflag:s17] =	ssyncadd.s32 $0xFFFFC000  }
0x1a: {  	[tilespmem:s3], [sflag:$0x1] =	stream.linear.gather [hbm4b:s31+s3], $0x80, $0x38;
	[tilespmem:$0x18890] =	vst v63  }
0x1b: {  	_ =	swait.ge [sflag:s17], $0x80  }
0x1c: {  	[sflag:s17] =	ssyncset.done $0x0  }
0x1d: {  	[sflag:s17] =	ssyncadd.s32 $0xFFFFFF80  }
0x1e: {  	[spmem:s1] =	stream.indirect.scatter.add.f32 [tilespmem:s19], [sflag:$0x1], $0x80, s3, s18, $0xb8;
	[tilespmem:$0x18890] =	vst v63  }
0x1f: {  	_ =	swait.ge [sflag:s17], $0x4000  }
0x20: {  	[sflag:s17] =	ssyncset.done $0x0  }
0x21: {  	s23 =	smov.u32 s8;
	s24 =	smov.u32 s5;
	[sflag:s17] =	ssyncadd.s32 $0xFFFFC000  }
.LBB2_8:
0x22: {  	[tilespmem:s18], [sflag:$0x1] =	stream.linear.gather [hbm4b:s11+s3], $0x10, $0x38;
	[tilespmem:$0x18890] =	vst v63  }
0x23: {  	_ =	swait.ge [sflag:s17], $0x10  }
0x24: {  	[sflag:s17] =	ssyncset.done $0x0  }
0x25: {  	[sflag:s17] =	ssyncadd.s32 $0xFFFFFFF0  }
0x26: {  	[tilespmem:s21], [sflag:$0x1] =	stream.indirect.gather [hbm4b:s24+s20], $0x80, s18, s20, $0xb8;
	[tilespmem:$0x18890] =	vst v63  }
0x27: {  	_ =	swait.ge [sflag:s17], $0x800  }
0x28: {  	[sflag:s17] =	ssyncset.done $0x0  }
0x29: {  	[sflag:s17] =	ssyncadd.s32 $0xFFFFF800  }
0x2a: {  	[tilespmem:s18], [sflag:$0x1] =	stream.linear.gather [hbm4b:s12+s3], $0x10, $0x38;
	[tilespmem:$0x18890] =	vst v63  }
0x2b: {  	_ =	swait.ge [sflag:s17], $0x10  }
0x2c: {  	[sflag:s17] =	ssyncset.done $0x0  }
0x2d: {  	[sflag:s17] =	ssyncadd.s32 $0xFFFFFFF0  }
0x2e: {  	[spmem:s1] =	stream.indirect.scatter.add.f32 [tilespmem:s21], [sflag:$0x1], $0x80, s18, s20, $0xb8;
	[tilespmem:$0x18890] =	vst v63  }
0x2f: {  	_ =	swait.ge [sflag:s17], $0x800  }
0x30: {  	s22 =	sadd.s32 $0x1, s22;
	[sflag:s17] =	ssyncset.done $0x0  }
0x31: {  	p1 =	sne.s32 s22, s13;
	[sflag:s17] =	ssyncadd.s32 $0xFFFFF800  }
.Ltmp1:
0x32: {  	s23 =	sadd.s32 s23, s6;
	[bflag:$0x0] =	sbarrier.arrive $0xFFFF;
	(pc) =	sbr.rel @!p1 .LBB2_9-.Ltmp1, $4  }
0x33: {  	[hbm:s23], [sflag:s10] =	dma.local [spmem:s16], $0x2800  }
0x34: {  	_ =	swait.ge [sflag:s17], $0x2800  }
0x35: {  	[sflag:s17] =	ssyncset.done $0x0  }
0x36: {  	[sflag:s17] =	ssyncadd.s32 $0xFFFFD800  }
.LBB2_1:
0x37: {  	[spmem:s16], [sflag:s10] =	dma.local [hbm:s9], $0x2800  }
.Ltmp2:
0x38: {  	_ =	swait.ge [sflag:s17], $0x2800;
	(pc) =	sbr.rel @p0 .LBB2_5-.Ltmp2, $4  }
0x39: {  	[sflag:s17] =	ssyncset.done $0x0  }
0x3a: {  	[sflag:s17] =	ssyncadd.s32 $0xFFFFD800  }
0x3b: {  	[bflag:$0x0] =	sbarrier.arrive $0xFFFF  }
0x3c: {  	s23 =	sadd.s32 $0x0, s15  }
0x3d: {  	[tilespmem:s3], [sflag:$0x1] =	stream.linear.gather [hbm4b:s23+s3], $0x80, $0x38;
	[tilespmem:$0x18890] =	vst v63  }
0x3e: {  	_ =	swait.ge [sflag:s17], $0x80  }
0x3f: {  	[sflag:s17] =	ssyncset.done $0x0  }
0x40: {  	[sflag:s17] =	ssyncadd.s32 $0xFFFFFF80  }
0x41: {  	[tilespmem:s19], [sflag:$0x1] =	stream.indirect.gather [hbm4b:s4+s18], $0x80, s3, s18, $0xb8;
	[tilespmem:$0x18890] =	vst v63  }
0x42: {  	_ =	swait.ge [sflag:s17], $0x4000  }
0x43: {  	[sflag:s17] =	ssyncset.done $0x0  }
0x44: {  	s31 =	sadd.s32 $0x0, s14;
	[sflag:s17] =	ssyncadd.s32 $0xFFFFC000  }
0x45: {  	[tilespmem:s3], [sflag:$0x1] =	stream.linear.gather [hbm4b:s31+s3], $0x80, $0x38;
	[tilespmem:$0x18890] =	vst v63  }
0x46: {  	_ =	swait.ge [sflag:s17], $0x80  }
0x47: {  	[sflag:s17] =	ssyncset.done $0x0  }
0x48: {  	[sflag:s17] =	ssyncadd.s32 $0xFFFFFF80  }
0x49: {  	[spmem:s1] =	stream.indirect.scatter.add.f32 [tilespmem:s19], [sflag:$0x1], $0x80, s3, s18, $0xb8;
	[tilespmem:$0x18890] =	vst v63  }
0x4a: {  	_ =	swait.ge [sflag:s17], $0x4000  }
0x4b: {  	s23 =	simm.s32 $0x10;
	s24 =	simm.s32 $0x20;
	[sflag:s17] =	ssyncset.done $0x0  }
.LBB2_3:
0x4c: {  	s25 =	sadd.s32 s23, s15  }
0x4d: {  	[sflag:s17] =	ssyncadd.s32 $0xFFFFC000;
	s26 =	smov.u32 s24;
	s28 =	sadd.s32 $0x10, s24  }
0x4e: {  	[tilespmem:s3], [sflag:$0x1] =	stream.linear.gather [hbm4b:s25+s3], $0x80, $0x38;
	[tilespmem:$0x18890] =	vst v63  }
0x4f: {  	p1 =	seq.s32 s24, $0x4D0;
	_ =	swait.ge [sflag:s17], $0x80  }
0x50: {  	[sflag:s17] =	ssyncset.done $0x0  }
0x51: {  	[sflag:s17] =	ssyncadd.s32 $0xFFFFFF80  }
0x52: {  	[tilespmem:s19], [sflag:$0x1] =	stream.indirect.gather [hbm4b:s4+s18], $0x80, s3, s18, $0xb8;
	[tilespmem:$0x18890] =	vst v63  }
0x53: {  	_ =	swait.ge [sflag:s17], $0x4000  }
0x54: {  	[sflag:s17] =	ssyncset.done $0x0  }
0x55: {  	s24 =	sadd.s32 s23, s14;
	s23 =	smov.u32 s26;
	[sflag:s17] =	ssyncadd.s32 $0xFFFFC000  }
0x56: {  	[tilespmem:s3], [sflag:$0x1] =	stream.linear.gather [hbm4b:s24+s3], $0x80, $0x38;
	[tilespmem:$0x18890] =	vst v63  }
0x57: {  	_ =	swait.ge [sflag:s17], $0x80  }
.Ltmp3:
0x58: {  	[sflag:s17] =	ssyncset.done $0x0;
	(pc) =	sbr.rel @!p1 .LBB2_3-.Ltmp3, $4  }
0x59: {  	[sflag:s17] =	ssyncadd.s32 $0xFFFFFF80  }
0x5a: {  	[spmem:s1] =	stream.indirect.scatter.add.f32 [tilespmem:s19], [sflag:$0x1], $0x80, s3, s18, $0xb8;
	[tilespmem:$0x18890] =	vst v63  }
0x5b: {  	_ =	swait.ge [sflag:s17], $0x4000  }
0x5c: {  	s24 =	smov.u32 s28;
	[sflag:s17] =	ssyncset.done $0x0  }
0x5d: {  	s24 =	sadd.s32 s23, s15;
	[sflag:s17] =	ssyncadd.s32 $0xFFFFC000  }
0x5e: {  	[tilespmem:s3], [sflag:$0x1] =	stream.linear.gather [hbm4b:s24+s3], $0x80, $0x38;
	[tilespmem:$0x18890] =	vst v63  }
0x5f: {  	_ =	swait.ge [sflag:s17], $0x80  }
0x60: {  	[sflag:s17] =	ssyncset.done $0x0  }
0x61: {  	[sflag:s17] =	ssyncadd.s32 $0xFFFFFF80  }
0x62: {  	[tilespmem:s19], [sflag:$0x1] =	stream.indirect.gather [hbm4b:s4+s18], $0x80, s3, s18, $0xb8;
	[tilespmem:$0x18890] =	vst v63  }
0x63: {  	_ =	swait.ge [sflag:s17], $0x4000  }
0x64: {  	[sflag:s17] =	ssyncset.done $0x0  }
0x65: {  	s31 =	sadd.s32 s23, s14;
	[sflag:s17] =	ssyncadd.s32 $0xFFFFC000  }
0x66: {  	[tilespmem:s3], [sflag:$0x1] =	stream.linear.gather [hbm4b:s31+s3], $0x80, $0x38;
	[tilespmem:$0x18890] =	vst v63  }
0x67: {  	_ =	swait.ge [sflag:s17], $0x80  }
0x68: {  	[sflag:s17] =	ssyncset.done $0x0  }
.Ltmp4:
0x69: {  	[sflag:s17] =	ssyncadd.s32 $0xFFFFFF80;
	(pc) =	sbr.rel .LBB2_8-.Ltmp4, $4  }
0x6a: {  	[spmem:s1] =	stream.indirect.scatter.add.f32 [tilespmem:s19], [sflag:$0x1], $0x80, s3, s18, $0xb8;
	[tilespmem:$0x18890] =	vst v63  }
0x6b: {  	_ =	swait.ge [sflag:s17], $0x4000  }
0x6c: {  	[sflag:s17] =	ssyncset.done $0x0  }
0x6d: {  	s23 =	smov.u32 s7;
	s24 =	smov.u32 s4;
	[sflag:s17] =	ssyncadd.s32 $0xFFFFC000  }
.LBB2_5:
0x6e: {  	[tilespmem:s3], [sflag:$0x1] =	stream.linear.gather [hbm4b:s23+s3], $0x80, $0x38;
	[tilespmem:$0x18890] =	vst v63  }
0x6f: {  	_ =	swait.ge [sflag:s17], $0x80  }
0x70: {  	[sflag:s17] =	ssyncset.done $0x0  }
0x71: {  	[sflag:s17] =	ssyncadd.s32 $0xFFFFFF80  }
0x72: {  	[tilespmem:s19], [sflag:$0x1] =	stream.indirect.gather [hbm4b:s5+s18], $0x80, s3, s18, $0xb8;
	[tilespmem:$0x18890] =	vst v63  }
0x73: {  	_ =	swait.ge [sflag:s17], $0x4000  }
0x74: {  	[sflag:s17] =	ssyncset.done $0x0  }
0x75: {  	s31 =	sadd.s32 $0x0, s14;
	[sflag:s17] =	ssyncadd.s32 $0xFFFFC000  }
0x76: {  	[tilespmem:s3], [sflag:$0x1] =	stream.linear.gather [hbm4b:s31+s3], $0x80, $0x38;
	[tilespmem:$0x18890] =	vst v63  }
0x77: {  	_ =	swait.ge [sflag:s17], $0x80  }
0x78: {  	[sflag:s17] =	ssyncset.done $0x0  }
0x79: {  	[sflag:s17] =	ssyncadd.s32 $0xFFFFFF80  }
0x7a: {  	[spmem:s1] =	stream.indirect.scatter.add.f32 [tilespmem:s19], [sflag:$0x1], $0x80, s3, s18, $0xb8;
	[tilespmem:$0x18890] =	vst v63  }
0x7b: {  	_ =	swait.ge [sflag:s17], $0x4000  }
0x7c: {  	s23 =	simm.s32 $0x10;
	s24 =	simm.s32 $0x20;
	[sflag:s17] =	ssyncset.done $0x0  }
.LBB2_6:
0x7d: {  	s25 =	sadd.s32 s23, s15  }
0x7e: {  	[sflag:s17] =	ssyncadd.s32 $0xFFFFC000;
	s26 =	smov.u32 s24;
	s28 =	sadd.s32 $0x10, s24  }
0x7f: {  	[tilespmem:s3], [sflag:$0x1] =	stream.linear.gather [hbm4b:s25+s3], $0x80, $0x38;
	[tilespmem:$0x18890] =	vst v63  }
0x80: {  	p1 =	sne.s32 s24, $0x4D0;
	_ =	swait.ge [sflag:s17], $0x80  }
0x81: {  	[sflag:s17] =	ssyncset.done $0x0  }
0x82: {  	[sflag:s17] =	ssyncadd.s32 $0xFFFFFF80  }
0x83: {  	[tilespmem:s19], [sflag:$0x1] =	stream.indirect.gather [hbm4b:s5+s18], $0x80, s3, s18, $0xb8;
	[tilespmem:$0x18890] =	vst v63  }
0x84: {  	_ =	swait.ge [sflag:s17], $0x4000  }
0x85: {  	[sflag:s17] =	ssyncset.done $0x0  }
0x86: {  	s24 =	sadd.s32 s23, s14;
	s23 =	smov.u32 s26;
	[sflag:s17] =	ssyncadd.s32 $0xFFFFC000  }
0x87: {  	[tilespmem:s3], [sflag:$0x1] =	stream.linear.gather [hbm4b:s24+s3], $0x80, $0x38;
	[tilespmem:$0x18890] =	vst v63  }
0x88: {  	_ =	swait.ge [sflag:s17], $0x80  }
.Ltmp5:
0x89: {  	[sflag:s17] =	ssyncset.done $0x0;
	(pc) =	sbr.rel @p1 .LBB2_6-.Ltmp5, $4  }
0x8a: {  	[sflag:s17] =	ssyncadd.s32 $0xFFFFFF80  }
0x8b: {  	[spmem:s1] =	stream.indirect.scatter.add.f32 [tilespmem:s19], [sflag:$0x1], $0x80, s3, s18, $0xb8;
	[tilespmem:$0x18890] =	vst v63  }
0x8c: {  	_ =	swait.ge [sflag:s17], $0x4000  }
0x8d: {  	s24 =	smov.u32 s28;
	[sflag:s17] =	ssyncset.done $0x0  }
.Ltmp6:
0x8e: {  	_ = 	snop;
	(pc) =	sbr.rel .LBB2_7-.Ltmp6, $1  }
0x8f: {  	_ =	sdelay $0x3  }
.LBB2_9:
0x90: {  	_ =	sfence.sel $0x180000  }
0x91: {  	[bflag:$0x0] =	sbarrier.arrive $0xFFFF  }
0x92: {  	p0 =	sne.s32 s2, $0x0;
	_ =	strace $0x90000050  }
0x93: {  	s0 =	sadd.s32 @!p0 $0x100000, s0;
	[bflag:$0x2] =	sbarrier.arrive $0xFFFF  }
0x94: {  	[sflag:s0] =	ssyncadd.tile.s32 @!p0 $0x1;
	_ =	shalt  }
.Lfunc_end2:
_tile_overlayer_lowered:
.L_overlay_start_2:
0x95: {  	(tag) =	ssettag $0x2  }
0x96: {  	s0 =	rddreg [dreg:$0x0];
	s2 =	stileid.u32  }
0x97: {  	s1 =	rddreg [dreg:$0x1];
	p0 =	sne.s32 s2, $0x0  }
0x98: {  	s3 =	rddreg [dreg:$0x2];
	[bflag:$0x3] =	sbarrier.arrive $0xFFFF;
	s2 =	simm.s32 @!p0 $0x1C01  }
0x99: {  	[timem:s3], [sflag:s2] =	dma.local @!p0 [hbm:s0], s1  }
0x9a: {  	s0 =	simm.s32 @!p0 $0x1  }
0x9b: {  	_ =	swait.ge @!p0 [sflag:s0], s1  }
0x9c: {  	s1 =	ssub.s32 @!p0 $0x0, s1;
	[sflag:s0] =	ssyncset.done @!p0 $0x0  }
0x9d: {  	[sflag:s0] =	ssyncadd.s32 @!p0 s1  }
0x9e: {  	[bflag:$0x3] =	sbarrier.arrive $0xFFFF  }
0x9f: {  	_ =	shalt  }

// kernel: kernel.31.cloned.1.call-start
scs
__scs_entry_jumppad:
0x0: {  	(pc) =	sbr.rel $0x88, $3  }
0x1: {  	(tag) =	ssettag $0x0;
	lr =	simm.s32 $0x1  }
0x2: {  	[smem:$0x3F83] =	sst lr;
	_ =	strace $0xD0000000  }
0x3: {  	_ = 	snop  }
0x4: {  	_ = 	snop  }
0x5: {  	_ = 	snop  }
0x6: {  	_ = 	snop  }
0x7: {  	_ = 	snop  }
__scs_overlays_trampoline_lowered:
0x8: {  	[smem:$0x3F92] =	sst s0  }
0x9: {  	[smem:$0x3F93] =	sst s1  }
0xa: {  	[smem:$0x3F94] =	sst s2  }
0xb: {  	[smem:$0x3F95] =	sst s3  }
0xc: {  	[smem:$0x3F96] =	sst s4  }
0xd: {  	[smem:$0x3F97] =	sst s5  }
0xe: {  	[smem:$0x3F98] =	sst s6  }
0xf: {  	[smem:$0x3F99] =	sst s7  }
0x10: {  	[smem:$0x3F9A] =	sst s8  }
0x11: {  	[smem:$0x3F9B] =	sst s9;
	s0 =	simm.s32 @!p0 $0x0  }
0x12: {  	s1 =	sld [smem:$0x3F81];
	s0 =	simm.s32 @p0 $0x1  }
0x13: {  	[smem:$0x3F9C] =	sst s0;
	s0 =	simm.s32 @!p1 $0x0  }
0x14: {  	s2 =	sld [smem:$0x3F80];
	s0 =	simm.s32 @p1 $0x1  }
0x15: {  	[smem:$0x3F9D] =	sst s0;
	s0 =	simm.s32 @!p2 $0x0  }
0x16: {  	s3 =	sld [smem:$0x3FDB];
	s0 =	simm.s32 @p2 $0x1  }
0x17: {  	s4 =	simm.s32 $0x1BF5;
	[smem:$0x3F9F] =	sst s0  }
0x18: {  	s0 =	sld [smem:$0x3F82];
	_ =	swait.ge [sflag:s4], $0x0  }
0x19: {  	s7 =	sld [smem:$0x3F83]  }
0x1a: {  	s8 =	sadd.s32 $0xFFFFE003, lr  }
0x1b: {  	s9 =	sadd.s32 $0xFFFFFEF7, lr;
	s5 =	simm.s32 $0xFFFFFFFF;
	p2 =	slt.u32 s8, $0xFFFFF086  }
0x1c: {  	p1 =	slt.u32 s9, $0xF7A;
	s5 =	simm.s32 @!p2 $0x0  }
0x1d: {  	s5 =	simm.s32 @p1 $0x1;
	p0 =	seq.s32 s7, s2  }
0x1e: {  	s7 =	smul.u32 @!p0 $0xF7A, s2;
	p2 =	seq.s32 @!p0 s5, $0x0  }
0x1f: {  	s9 =	smul.u32 $0xF7A, s1;
	s8 =	simm.s32 @!p0 $0x1BF5;
	p2 =	por !p2, p0  }
0x20: {  	[sflag:s8] =	ssyncset.s32 @!p0 $0xFFFFF086;
	s6 =	sadd.s32 @!p0 s3, s7;
	s7 =	simm.s32 @!p0 $0x108  }
0x21: {  	s3 =	sadd.s32 s3, s9;
	s6 =	sadd.s32 @!p0 $0x88, s6;
	s7 =	simm.s32 @p2 $0x1082  }
0x22: {  	[simem:s7], [sflag:s8] =	dma.local @!p0 [hbm:s6], $0xF7A  }
0x23: {  	s9 =	sor.u32 $0xD0000000, s2;
	s6 =	simm.s32 $0x108;
	_ =	swait.ge @!p0 [sflag:s8], $0x0  }
0x24: {  	s3 =	sadd.s32 $0x88, s3;
	s6 =	simm.s32 @!p1 $0x1082;
	[sflag:s4] =	ssyncset.s32 $0xFFFFF086  }
0x25: {  	[simem:s6], [sflag:s4] =	dma.local [hbm:s3], $0xF7A  }
0x26: {  	[smem:$0x3F83] =	sst s1;
	(tag) =	ssettag s2;
	_ =	strace s9  }
0x27: {  	s1 =	sld [smem:$0x3F93]  }
0x28: {  	s2 =	sld [smem:$0x3F94]  }
0x29: {  	s4 =	sld [smem:$0x3F96]  }
0x2a: {  	p0 =	seq.s32 s5, $0x0;
	s5 =	sld [smem:$0x3F97]  }
0x2b: {  	s6 =	sld [smem:$0x3F98]  }
0x2c: {  	s7 =	sld [smem:$0x3F99]  }
0x2d: {  	s3 =	simm.s32 $0x108;
	s8 =	sld [smem:$0x3F9A]  }
0x2e: {  	s3 =	simm.s32 @!p0 $0x1082;
	s9 =	sld [smem:$0x3F9B]  }
0x2f: {  	lr =	sadd.s32 s0, s3;
	s0 =	sld [smem:$0x3F92]  }
0x30: {  	s3 =	sld [smem:$0x3F95]  }
0x31: {  	[smem:$0x3F9E] =	sst s10  }
0x32: {  	s10 =	sld [smem:$0x3F9C];
	_ =	sdelay $0x3  }
0x33: {  	p0 =	seq.s32 s10, $0x1;
	s10 =	sld [smem:$0x3F9E];
	_ =	sdelay $0x3  }
0x34: {  	[smem:$0x3F9E] =	sst s10  }
0x35: {  	s10 =	sld [smem:$0x3F9D];
	_ =	sdelay $0x3  }
0x36: {  	p1 =	seq.s32 s10, $0x1;
	s10 =	sld [smem:$0x3F9E];
	_ =	sdelay $0x3  }
0x37: {  	[smem:$0x3F9E] =	sst s10  }
0x38: {  	s10 =	sld [smem:$0x3F9F]  }
0x39: {  	_ = 	snop;
	(pc) =	sbr.ind lr, $3  }
0x3a: {  	_ = 	snop  }
0x3b: {  	_ = 	snop  }
0x3c: {  	p2 =	seq.s32 s10, $0x1;
	s10 =	sld [smem:$0x3F9E]  }
0x3d: {  	_ =	shalt  }
0x3e: {  	_ =	shalt  }
0x3f: {  	_ =	shalt  }
0x40: {  	_ =	shalt  }
0x41: {  	_ =	shalt  }
0x42: {  	_ =	shalt  }
0x43: {  	_ =	shalt  }
0x44: {  	_ =	shalt  }
0x45: {  	_ =	shalt  }
0x46: {  	_ =	shalt  }
0x47: {  	_ =	shalt  }
0x48: {  	_ =	shalt  }
0x49: {  	_ =	shalt  }
0x4a: {  	_ =	shalt  }
0x4b: {  	_ =	shalt  }
0x4c: {  	_ =	shalt  }
0x4d: {  	_ =	shalt  }
0x4e: {  	_ =	shalt  }
0x4f: {  	_ =	shalt  }
0x50: {  	_ =	shalt  }
0x51: {  	_ =	shalt  }
0x52: {  	_ =	shalt  }
0x53: {  	_ =	shalt  }
0x54: {  	_ =	shalt  }
0x55: {  	_ =	shalt  }
0x56: {  	_ =	shalt  }
0x57: {  	_ =	shalt  }
0x58: {  	_ =	shalt  }
0x59: {  	_ =	shalt  }
0x5a: {  	_ =	shalt  }
0x5b: {  	_ =	shalt  }
0x5c: {  	_ =	shalt  }
0x5d: {  	_ =	shalt  }
0x5e: {  	_ =	shalt  }
0x5f: {  	_ =	shalt  }
0x60: {  	_ =	shalt  }
0x61: {  	_ =	shalt  }
0x62: {  	_ =	shalt  }
0x63: {  	_ =	shalt  }
0x64: {  	_ =	shalt  }
0x65: {  	_ =	shalt  }
0x66: {  	_ =	shalt  }
0x67: {  	_ =	shalt  }
0x68: {  	_ =	shalt  }
0x69: {  	_ =	shalt  }
0x6a: {  	_ =	shalt  }
0x6b: {  	_ =	shalt  }
0x6c: {  	_ =	shalt  }
0x6d: {  	_ =	shalt  }
0x6e: {  	_ =	shalt  }
0x6f: {  	_ =	shalt  }
0x70: {  	_ =	shalt  }
0x71: {  	_ =	shalt  }
0x72: {  	_ =	shalt  }
0x73: {  	_ =	shalt  }
0x74: {  	_ =	shalt  }
0x75: {  	_ =	shalt  }
0x76: {  	_ =	shalt  }
0x77: {  	_ =	shalt  }
0x78: {  	_ =	shalt  }
0x79: {  	_ =	shalt  }
0x7a: {  	_ =	shalt  }
0x7b: {  	_ =	shalt  }
0x7c: {  	_ =	shalt  }
0x7d: {  	_ =	shalt  }
0x7e: {  	_ =	shalt  }
0x7f: {  	_ =	shalt  }
0x80: {  	_ =	shalt  }
0x81: {  	_ =	shalt  }
0x82: {  	_ =	shalt  }
0x83: {  	_ =	shalt  }
0x84: {  	_ =	shalt  }
0x85: {  	_ =	shalt  }
0x86: {  	_ =	shalt  }
0x87: {  	_ =	shalt  }
.Lfunc_end0:
.L_simem_size_0:
called_computation.4_lowered:
.L_overlay_start_0:
0x88: {  	s2 =	sld [smem:$0x3FD9]  }
0x89: {  	s3 =	sld [smem:$0x3FFE];
	_ =	sdelay $0x1  }
0x8a: {  	s1 =	srdreg.scid  }
0x8b: {  	s0 =	sand.u32 $0x1, s1  }
0x8c: {  	s16 =	sshll.u32 s0, $0xA;
	s2 =	sadd.s32 s3, s2  }
0x8d: {  	s2 =	sadd.s32 s2, s16  }
0x8e: {  	[smem:$0x3FAA] =	sst s2  }
0x8f: {  	_ = 	snop  }
0x90: {  	(tm) =	ssettm $0x1  }
0x91: {  	s17 =	sld [smem:$0x3FFB];
	_ =	sdelay $0x3  }
0x92: {  	_ =	strace s17  }
0x93: {  	s2 =	sld [smem:$0x3FFC];
	_ =	sdelay $0x3  }
0x94: {  	_ =	strace s2  }
0x95: {  	s2 =	sld [smem:$0x3FFD];
	_ =	sdelay $0x3  }
0x96: {  	_ =	strace s2  }
0x97: {  	_ =	strace $0x8FFFFFFF  }
0x98: {  	s18 =	sld [smem:$0x3FDB];
	_ =	sdelay $0x1  }
0x99: {  	s19 =	simm.s32 $_scs_section_size  }
0x9a: {  	s4 =	simm.s32 $_size__tile_overlayer_lowered;
	s5 =	simm.s32 $_tile_overlayer_lowered  }
0x9b: {  	s22 =	simm.s32 $0x1BFF;
	s21 =	sshll.u32 s5, $0x1;
	s2 =	sadd.s32 s19, s18  }
0x9c: {  	s6 =	simm.s32 $0x0;
	s20 =	sshll.u32 s4, $0x1;
	s4 =	sadd.s32 s21, s2  }
0x9d: {  	[timem:s6], [sflag:s22] =	dma.local [hbm:s4], s20  }
0x9e: {  	_ =	swait.ge [sflag:s22], s20  }
0x9f: {  	s3 =	ssub.s32 $0x0, s20;
	[sflag:s22] =	ssyncset.done $0x0  }
0xa0: {  	[sflag:s22] =	ssyncadd.s32 s3;
	_ =	sdelay $0x1  }
0xa1: {  	s23 =	simm.s32 $0x1B8B  }
0xa2: {  	_ =	swait.ge [sflag:s23], $0x1  }
0xa3: {  	[sflag:s23] =	ssyncset.done $0x0  }
0xa4: {  	s25 =	simm.s32 $0x1B8E;
	s24 =	sld [smem:$0x3FFE];
	[sflag:s23] =	ssyncadd.s32 $0xFFFFFFFF  }
0xa5: {  	s26 =	simm.s32 $execute0_lowered;
	[smem:$0x3FD2] =	sst s25  }
0xa6: {  	s4 =	sshll.u32 s26, $0x1;
	_ =	strace $0x80000052;
	[dreg:$0x1] =	wrdreg $0xFFFFFFFF  }
0xa7: {  	s28 =	simm.s32 $_size_execute0_lowered;
	s2 =	sadd.s32 s2, s4;
	[dreg:$0x0] =	wrdreg $0x0  }
0xa8: {  	s4 =	sshll.u32 s28, $0x1;
	[dreg:$0x2] =	wrdreg s2  }
0xa9: {  	[dreg:$0x3] =	wrdreg s4  }
0xaa: {  	[dreg:$0x4] =	wrdreg $0xC0  }
0xab: {  	_ =	task [dreg:s6], $0x5FFFF  }
0xac: {  	[dreg:$0x1] =	wrdreg $0xFFFFFFFF  }
0xad: {  	[dreg:$0x0] =	wrdreg $0x60  }
0xae: {  	[dreg:$0x2] =	wrdreg s24  }
0xaf: {  	[dreg:$0x3] =	wrdreg $0x48900  }
0xb0: {  	[dreg:$0x4] =	wrdreg $0x9  }
0xb1: {  	_ =	task.clear_ibuf [dreg:s6], $0x5FFFF;
	_ =	strace $0x90000052  }
0xb2: {  	s29 =	simm.s32 $0x9;
	_ =	strace $0x80000054  }
0xb3: {  	_ =	swait.ge [sflag:s29], $0x1  }
0xb4: {  	[sflag:s29] =	ssyncadd.s32 $0xFFFFFFFF  }
0xb5: {  	_ =	strace $0x90000054  }
0xb6: {  	_ =	sfence  }
0xb7: {  	s30 =	sld [smem:$0x0];
	_ =	sdelay $0x2  }
0xb8: {  	s31 =	sshll.u32 s1, $0xD;
	s1 =	sshrl.u32 s1, $0x2  }
0xb9: {  	s3 =	sand.u32 $0x4000, s31;
	s1 =	sadd.s32 s1, s30  }
0xba: {  	s0 =	sor.u32 s3, s0;
	s1 =	sshll.u32 s1, $0x11  }
0xbb: {  	s0 =	sor.u32 s1, s0  }
0xbc: {  	s0 =	sadd.s32 $0x8F2B, s0  }
0xbd: {  	[sflag:s0] =	ssyncadd.remote.s32 $0x1  }
0xbe: {  	_ =	sfence.sel $0xFFFF  }
0xbf: {  	[dreg:$0x0] =	wrdreg $0xFFFFFFFF;
	(pc) =	sbr.abs _section_cstart, $3  }
0xc0: {  	[dreg:$0x1] =	wrdreg $0xFFFFFFFF  }
0xc1: {  	_ =	task.clear_ibuf [dreg:s6], $0x2FFFF;
	_ =	strace $0x9FFFFFFF  }
0xc2: {  	(tm) =	ssettm $0x7FFFFFFF  }
0xc3: {  	_ =	shalt  }
tec
execute0_lowered:
.L_overlay_start_1:
0x0: {  	(tag) =	ssettag $0x1  }
0x1: {  	s8 =	rddreg [dreg:$0x0]  }
0x2: {  	s2 =	rddreg [dreg:$0x1]  }
0x3: {  	s0 =	rddreg [dreg:$0x2];
	s3 =	simm.s32 $0x0  }
0x4: {  	s1 =	stileid.u32;
	s7 =	srdreg.scid;
	s19 =	simm.s32 $0x90  }
0x5: {  	s20 =	simm.s32 $0x10;
	s21 =	simm.s32 $0x4090;
	s22 =	simm.s32 $0x0  }
0x6: {  	[smem:$0x7FF] =	sst s3;
	s4 =	sadd.s32 $0xB6000, s8;
	s9 =	smul.u32 $0x14000, s1  }
0x7: {  	s5 =	sadd.s32 $0xDD200, s8;
	s15 =	sadd.s32 $0x11E00, s8;
	s14 =	sadd.s32 $0xCE00, s8  }
0x8: {  	s16 =	sand.u32 $0x1, s7;
	s12 =	smul.u32 $0x2710, s1;
	s7 =	sadd.s32 $0x17A600, s8  }
0x9: {  	s31 =	sshll.u32 s1, $0x6;
	s18 =	smul.u32 $0x4E2, s1;
	_ =	strace $0x80000053  }
0xa: {  	s11 =	ssub.s32 $0x2, s16;
	p0 =	sne.s32 s16, $0x0;
	s6 =	sshrl.u32 s9, $0x3  }
0xb: {  	s13 =	sshrl.u32 s11, $0x1;
	s17 =	sadd.s32 s9, s2;
	s30 =	sshrl.u32 s12, $0x3  }
.Ltmp0:
0xc: {  	s10 =	sadd.s32 s6, s8;
	s8 =	sadd.s32 $0x1A2600, s8;
	(pc) =	sbr.rel .LBB2_1-.Ltmp0, $4  }
0xd: {  	s13 =	ssub.s32 s11, s13;
	s12 =	sadd.s32 $0x4E0, s30;
	s16 =	sshrl.u32 s17, $0x3  }
0xe: {  	s17 =	simm.s32 $0x1;
	s9 =	sadd.s32 $0x104400, s10;
	s10 =	sor.u32 $0x1C01, s31  }
0xf: {  	s11 =	sadd.s32 s15, s12;
	s12 =	sadd.s32 s14, s12;
	s13 =	smax.u32 s13, $0x1  }
0x10: {  	s14 =	sadd.s32 s18, s14;
	s15 =	sadd.s32 s18, s15;
	s18 =	simm.s32 $0x80  }
.LBB2_7:
0x11: {  	s24 =	sadd.s32 s23, s15;
	[sflag:s17] =	ssyncadd.s32 $0xFFFFC000  }
0x12: {  	[tilespmem:s3], [sflag:$0x1] =	stream.linear.gather [hbm4b:s24+s3], $0x80, $0x38;
	[tilespmem:$0x18890] =	vst v63  }
0x13: {  	_ =	swait.ge [sflag:s17], $0x80  }
0x14: {  	[sflag:s17] =	ssyncset.done $0x0  }
0x15: {  	[sflag:s17] =	ssyncadd.s32 $0xFFFFFF80  }
0x16: {  	[tilespmem:s19], [sflag:$0x1] =	stream.indirect.gather [hbm4b:s5+s18], $0x80, s3, s18, $0xb8;
	[tilespmem:$0x18890] =	vst v63  }
0x17: {  	_ =	swait.ge [sflag:s17], $0x4000  }
0x18: {  	[sflag:s17] =	ssyncset.done $0x0  }
0x19: {  	s31 =	sadd.s32 s23, s14;
	[sflag:s17] =	ssyncadd.s32 $0xFFFFC000  }
0x1a: {  	[tilespmem:s3], [sflag:$0x1] =	stream.linear.gather [hbm4b:s31+s3], $0x80, $0x38;
	[tilespmem:$0x18890] =	vst v63  }
0x1b: {  	_ =	swait.ge [sflag:s17], $0x80  }
0x1c: {  	[sflag:s17] =	ssyncset.done $0x0  }
0x1d: {  	[sflag:s17] =	ssyncadd.s32 $0xFFFFFF80  }
0x1e: {  	[spmem:s2] =	stream.indirect.scatter.add.f32 [tilespmem:s19], [sflag:$0x1], $0x80, s3, s18, $0xb8;
	[tilespmem:$0x18890] =	vst v63  }
0x1f: {  	_ =	swait.ge [sflag:s17], $0x4000  }
0x20: {  	[sflag:s17] =	ssyncset.done $0x0  }
0x21: {  	s23 =	smov.u32 s8;
	s24 =	smov.u32 s5;
	[sflag:s17] =	ssyncadd.s32 $0xFFFFC000  }
.LBB2_8:
0x22: {  	[tilespmem:s18], [sflag:$0x1] =	stream.linear.gather [hbm4b:s11+s3], $0x10, $0x38;
	[tilespmem:$0x18890] =	vst v63  }
0x23: {  	_ =	swait.ge [sflag:s17], $0x10  }
0x24: {  	[sflag:s17] =	ssyncset.done $0x0  }
0x25: {  	[sflag:s17] =	ssyncadd.s32 $0xFFFFFFF0  }
0x26: {  	[tilespmem:s21], [sflag:$0x1] =	stream.indirect.gather [hbm4b:s24+s20], $0x80, s18, s20, $0xb8;
	[tilespmem:$0x18890] =	vst v63  }
0x27: {  	_ =	swait.ge [sflag:s17], $0x800  }
0x28: {  	[sflag:s17] =	ssyncset.done $0x0  }
0x29: {  	[sflag:s17] =	ssyncadd.s32 $0xFFFFF800  }
0x2a: {  	[tilespmem:s18], [sflag:$0x1] =	stream.linear.gather [hbm4b:s12+s3], $0x10, $0x38;
	[tilespmem:$0x18890] =	vst v63  }
0x2b: {  	_ =	swait.ge [sflag:s17], $0x10  }
0x2c: {  	[sflag:s17] =	ssyncset.done $0x0  }
0x2d: {  	[sflag:s17] =	ssyncadd.s32 $0xFFFFFFF0  }
0x2e: {  	[spmem:s2] =	stream.indirect.scatter.add.f32 [tilespmem:s21], [sflag:$0x1], $0x80, s18, s20, $0xb8;
	[tilespmem:$0x18890] =	vst v63  }
0x2f: {  	_ =	swait.ge [sflag:s17], $0x800  }
0x30: {  	s22 =	sadd.s32 $0x1, s22;
	[sflag:s17] =	ssyncset.done $0x0  }
0x31: {  	p1 =	sne.s32 s22, s13;
	[sflag:s17] =	ssyncadd.s32 $0xFFFFF800  }
.Ltmp1:
0x32: {  	s23 =	sadd.s32 s23, s6;
	[bflag:$0x0] =	sbarrier.arrive $0xFFFF;
	(pc) =	sbr.rel @!p1 .LBB2_9-.Ltmp1, $4  }
0x33: {  	[hbm:s23], [sflag:s10] =	dma.local [spmem:s16], $0x2800  }
0x34: {  	_ =	swait.ge [sflag:s17], $0x2800  }
0x35: {  	[sflag:s17] =	ssyncset.done $0x0  }
0x36: {  	[sflag:s17] =	ssyncadd.s32 $0xFFFFD800  }
.LBB2_1:
0x37: {  	[spmem:s16], [sflag:s10] =	dma.local [hbm:s9], $0x2800  }
.Ltmp2:
0x38: {  	_ =	swait.ge [sflag:s17], $0x2800;
	(pc) =	sbr.rel @p0 .LBB2_5-.Ltmp2, $4  }
0x39: {  	[sflag:s17] =	ssyncset.done $0x0  }
0x3a: {  	[sflag:s17] =	ssyncadd.s32 $0xFFFFD800  }
0x3b: {  	[bflag:$0x0] =	sbarrier.arrive $0xFFFF  }
0x3c: {  	s23 =	sadd.s32 $0x0, s15  }
0x3d: {  	[tilespmem:s3], [sflag:$0x1] =	stream.linear.gather [hbm4b:s23+s3], $0x80, $0x38;
	[tilespmem:$0x18890] =	vst v63  }
0x3e: {  	_ =	swait.ge [sflag:s17], $0x80  }
0x3f: {  	[sflag:s17] =	ssyncset.done $0x0  }
0x40: {  	[sflag:s17] =	ssyncadd.s32 $0xFFFFFF80  }
0x41: {  	[tilespmem:s19], [sflag:$0x1] =	stream.indirect.gather [hbm4b:s4+s18], $0x80, s3, s18, $0xb8;
	[tilespmem:$0x18890] =	vst v63  }
0x42: {  	_ =	swait.ge [sflag:s17], $0x4000  }
0x43: {  	[sflag:s17] =	ssyncset.done $0x0  }
0x44: {  	s31 =	sadd.s32 $0x0, s14;
	[sflag:s17] =	ssyncadd.s32 $0xFFFFC000  }
0x45: {  	[tilespmem:s3], [sflag:$0x1] =	stream.linear.gather [hbm4b:s31+s3], $0x80, $0x38;
	[tilespmem:$0x18890] =	vst v63  }
0x46: {  	_ =	swait.ge [sflag:s17], $0x80  }
0x47: {  	[sflag:s17] =	ssyncset.done $0x0  }
0x48: {  	[sflag:s17] =	ssyncadd.s32 $0xFFFFFF80  }
0x49: {  	[spmem:s2] =	stream.indirect.scatter.add.f32 [tilespmem:s19], [sflag:$0x1], $0x80, s3, s18, $0xb8;
	[tilespmem:$0x18890] =	vst v63  }
0x4a: {  	_ =	swait.ge [sflag:s17], $0x4000  }
0x4b: {  	s23 =	simm.s32 $0x10;
	s24 =	simm.s32 $0x20;
	[sflag:s17] =	ssyncset.done $0x0  }
.LBB2_3:
0x4c: {  	s25 =	sadd.s32 s23, s15  }
0x4d: {  	[sflag:s17] =	ssyncadd.s32 $0xFFFFC000;
	s26 =	smov.u32 s24;
	s28 =	sadd.s32 $0x10, s24  }
0x4e: {  	[tilespmem:s3], [sflag:$0x1] =	stream.linear.gather [hbm4b:s25+s3], $0x80, $0x38;
	[tilespmem:$0x18890] =	vst v63  }
0x4f: {  	p1 =	seq.s32 s24, $0x4D0;
	_ =	swait.ge [sflag:s17], $0x80  }
0x50: {  	[sflag:s17] =	ssyncset.done $0x0  }
0x51: {  	[sflag:s17] =	ssyncadd.s32 $0xFFFFFF80  }
0x52: {  	[tilespmem:s19], [sflag:$0x1] =	stream.indirect.gather [hbm4b:s4+s18], $0x80, s3, s18, $0xb8;
	[tilespmem:$0x18890] =	vst v63  }
0x53: {  	_ =	swait.ge [sflag:s17], $0x4000  }
0x54: {  	[sflag:s17] =	ssyncset.done $0x0  }
0x55: {  	s24 =	sadd.s32 s23, s14;
	s23 =	smov.u32 s26;
	[sflag:s17] =	ssyncadd.s32 $0xFFFFC000  }
0x56: {  	[tilespmem:s3], [sflag:$0x1] =	stream.linear.gather [hbm4b:s24+s3], $0x80, $0x38;
	[tilespmem:$0x18890] =	vst v63  }
0x57: {  	_ =	swait.ge [sflag:s17], $0x80  }
.Ltmp3:
0x58: {  	[sflag:s17] =	ssyncset.done $0x0;
	(pc) =	sbr.rel @!p1 .LBB2_3-.Ltmp3, $4  }
0x59: {  	[sflag:s17] =	ssyncadd.s32 $0xFFFFFF80  }
0x5a: {  	[spmem:s2] =	stream.indirect.scatter.add.f32 [tilespmem:s19], [sflag:$0x1], $0x80, s3, s18, $0xb8;
	[tilespmem:$0x18890] =	vst v63  }
0x5b: {  	_ =	swait.ge [sflag:s17], $0x4000  }
0x5c: {  	s24 =	smov.u32 s28;
	[sflag:s17] =	ssyncset.done $0x0  }
0x5d: {  	s24 =	sadd.s32 s23, s15;
	[sflag:s17] =	ssyncadd.s32 $0xFFFFC000  }
0x5e: {  	[tilespmem:s3], [sflag:$0x1] =	stream.linear.gather [hbm4b:s24+s3], $0x80, $0x38;
	[tilespmem:$0x18890] =	vst v63  }
0x5f: {  	_ =	swait.ge [sflag:s17], $0x80  }
0x60: {  	[sflag:s17] =	ssyncset.done $0x0  }
0x61: {  	[sflag:s17] =	ssyncadd.s32 $0xFFFFFF80  }
0x62: {  	[tilespmem:s19], [sflag:$0x1] =	stream.indirect.gather [hbm4b:s4+s18], $0x80, s3, s18, $0xb8;
	[tilespmem:$0x18890] =	vst v63  }
0x63: {  	_ =	swait.ge [sflag:s17], $0x4000  }
0x64: {  	[sflag:s17] =	ssyncset.done $0x0  }
0x65: {  	s31 =	sadd.s32 s23, s14;
	[sflag:s17] =	ssyncadd.s32 $0xFFFFC000  }
0x66: {  	[tilespmem:s3], [sflag:$0x1] =	stream.linear.gather [hbm4b:s31+s3], $0x80, $0x38;
	[tilespmem:$0x18890] =	vst v63  }
0x67: {  	_ =	swait.ge [sflag:s17], $0x80  }
0x68: {  	[sflag:s17] =	ssyncset.done $0x0  }
.Ltmp4:
0x69: {  	[sflag:s17] =	ssyncadd.s32 $0xFFFFFF80;
	(pc) =	sbr.rel .LBB2_8-.Ltmp4, $4  }
0x6a: {  	[spmem:s2] =	stream.indirect.scatter.add.f32 [tilespmem:s19], [sflag:$0x1], $0x80, s3, s18, $0xb8;
	[tilespmem:$0x18890] =	vst v63  }
0x6b: {  	_ =	swait.ge [sflag:s17], $0x4000  }
0x6c: {  	[sflag:s17] =	ssyncset.done $0x0  }
0x6d: {  	s23 =	smov.u32 s7;
	s24 =	smov.u32 s4;
	[sflag:s17] =	ssyncadd.s32 $0xFFFFC000  }
.LBB2_5:
0x6e: {  	[tilespmem:s3], [sflag:$0x1] =	stream.linear.gather [hbm4b:s23+s3], $0x80, $0x38;
	[tilespmem:$0x18890] =	vst v63  }
0x6f: {  	_ =	swait.ge [sflag:s17], $0x80  }
0x70: {  	[sflag:s17] =	ssyncset.done $0x0  }
0x71: {  	[sflag:s17] =	ssyncadd.s32 $0xFFFFFF80  }
0x72: {  	[tilespmem:s19], [sflag:$0x1] =	stream.indirect.gather [hbm4b:s5+s18], $0x80, s3, s18, $0xb8;
	[tilespmem:$0x18890] =	vst v63  }
0x73: {  	_ =	swait.ge [sflag:s17], $0x4000  }
0x74: {  	[sflag:s17] =	ssyncset.done $0x0  }
0x75: {  	s31 =	sadd.s32 $0x0, s14;
	[sflag:s17] =	ssyncadd.s32 $0xFFFFC000  }
0x76: {  	[tilespmem:s3], [sflag:$0x1] =	stream.linear.gather [hbm4b:s31+s3], $0x80, $0x38;
	[tilespmem:$0x18890] =	vst v63  }
0x77: {  	_ =	swait.ge [sflag:s17], $0x80  }
0x78: {  	[sflag:s17] =	ssyncset.done $0x0  }
0x79: {  	[sflag:s17] =	ssyncadd.s32 $0xFFFFFF80  }
0x7a: {  	[spmem:s2] =	stream.indirect.scatter.add.f32 [tilespmem:s19], [sflag:$0x1], $0x80, s3, s18, $0xb8;
	[tilespmem:$0x18890] =	vst v63  }
0x7b: {  	_ =	swait.ge [sflag:s17], $0x4000  }
0x7c: {  	s23 =	simm.s32 $0x10;
	s24 =	simm.s32 $0x20;
	[sflag:s17] =	ssyncset.done $0x0  }
.LBB2_6:
0x7d: {  	s25 =	sadd.s32 s23, s15  }
0x7e: {  	[sflag:s17] =	ssyncadd.s32 $0xFFFFC000;
	s26 =	smov.u32 s24;
	s28 =	sadd.s32 $0x10, s24  }
0x7f: {  	[tilespmem:s3], [sflag:$0x1] =	stream.linear.gather [hbm4b:s25+s3], $0x80, $0x38;
	[tilespmem:$0x18890] =	vst v63  }
0x80: {  	p1 =	sne.s32 s24, $0x4D0;
	_ =	swait.ge [sflag:s17], $0x80  }
0x81: {  	[sflag:s17] =	ssyncset.done $0x0  }
0x82: {  	[sflag:s17] =	ssyncadd.s32 $0xFFFFFF80  }
0x83: {  	[tilespmem:s19], [sflag:$0x1] =	stream.indirect.gather [hbm4b:s5+s18], $0x80, s3, s18, $0xb8;
	[tilespmem:$0x18890] =	vst v63  }
0x84: {  	_ =	swait.ge [sflag:s17], $0x4000  }
0x85: {  	[sflag:s17] =	ssyncset.done $0x0  }
0x86: {  	s24 =	sadd.s32 s23, s14;
	s23 =	smov.u32 s26;
	[sflag:s17] =	ssyncadd.s32 $0xFFFFC000  }
0x87: {  	[tilespmem:s3], [sflag:$0x1] =	stream.linear.gather [hbm4b:s24+s3], $0x80, $0x38;
	[tilespmem:$0x18890] =	vst v63  }
0x88: {  	_ =	swait.ge [sflag:s17], $0x80  }
.Ltmp5:
0x89: {  	[sflag:s17] =	ssyncset.done $0x0;
	(pc) =	sbr.rel @p1 .LBB2_6-.Ltmp5, $4  }
0x8a: {  	[sflag:s17] =	ssyncadd.s32 $0xFFFFFF80  }
0x8b: {  	[spmem:s2] =	stream.indirect.scatter.add.f32 [tilespmem:s19], [sflag:$0x1], $0x80, s3, s18, $0xb8;
	[tilespmem:$0x18890] =	vst v63  }
0x8c: {  	_ =	swait.ge [sflag:s17], $0x4000  }
0x8d: {  	s24 =	smov.u32 s28;
	[sflag:s17] =	ssyncset.done $0x0  }
.Ltmp6:
0x8e: {  	_ = 	snop;
	(pc) =	sbr.rel .LBB2_7-.Ltmp6, $1  }
0x8f: {  	_ =	sdelay $0x3  }
.LBB2_9:
0x90: {  	_ =	sfence.sel $0x180000  }
0x91: {  	[bflag:$0x0] =	sbarrier.arrive $0xFFFF  }
0x92: {  	p0 =	sne.s32 s1, $0x0;
	_ =	strace $0x90000053  }
0x93: {  	s0 =	sadd.s32 @!p0 $0x100000, s0;
	[bflag:$0x2] =	sbarrier.arrive $0xFFFF  }
0x94: {  	[sflag:s0] =	ssyncadd.tile.s32 @!p0 $0x1;
	_ =	shalt  }
.Lfunc_end2:
_tile_overlayer_lowered:
.L_overlay_start_2:
0x95: {  	(tag) =	ssettag $0x2  }
0x96: {  	s0 =	rddreg [dreg:$0x0];
	s2 =	stileid.u32  }
0x97: {  	s1 =	rddreg [dreg:$0x1];
	p0 =	sne.s32 s2, $0x0  }
0x98: {  	s3 =	rddreg [dreg:$0x2];
	[bflag:$0x3] =	sbarrier.arrive $0xFFFF;
	s2 =	simm.s32 @!p0 $0x1C01  }
0x99: {  	[timem:s3], [sflag:s2] =	dma.local @!p0 [hbm:s0], s1  }
0x9a: {  	s0 =	simm.s32 @!p0 $0x1  }
0x9b: {  	_ =	swait.ge @!p0 [sflag:s0], s1  }
0x9c: {  	s1 =	ssub.s32 @!p0 $0x0, s1;
	[sflag:s0] =	ssyncset.done @!p0 $0x0  }
0x9d: {  	[sflag:s0] =	ssyncadd.s32 @!p0 s1  }
0x9e: {  	[bflag:$0x3] =	sbarrier.arrive $0xFFFF  }
0x9f: {  	_ =	shalt  }

// kernel: kernel.34.cloned.1.call-start
scs
__scs_entry_jumppad:
0x0: {  	(pc) =	sbr.rel $0x88, $3  }
0x1: {  	(tag) =	ssettag $0x0;
	lr =	simm.s32 $0x1  }
0x2: {  	[smem:$0x3F83] =	sst lr;
	_ =	strace $0xD0000000  }
0x3: {  	_ = 	snop  }
0x4: {  	_ = 	snop  }
0x5: {  	_ = 	snop  }
0x6: {  	_ = 	snop  }
0x7: {  	_ = 	snop  }
__scs_overlays_trampoline_lowered:
0x8: {  	[smem:$0x3F92] =	sst s0  }
0x9: {  	[smem:$0x3F93] =	sst s1  }
0xa: {  	[smem:$0x3F94] =	sst s2  }
0xb: {  	[smem:$0x3F95] =	sst s3  }
0xc: {  	[smem:$0x3F96] =	sst s4  }
0xd: {  	[smem:$0x3F97] =	sst s5  }
0xe: {  	[smem:$0x3F98] =	sst s6  }
0xf: {  	[smem:$0x3F99] =	sst s7  }
0x10: {  	[smem:$0x3F9A] =	sst s8  }
0x11: {  	[smem:$0x3F9B] =	sst s9;
	s0 =	simm.s32 @!p0 $0x0  }
0x12: {  	s1 =	sld [smem:$0x3F81];
	s0 =	simm.s32 @p0 $0x1  }
0x13: {  	[smem:$0x3F9C] =	sst s0;
	s0 =	simm.s32 @!p1 $0x0  }
0x14: {  	s2 =	sld [smem:$0x3F80];
	s0 =	simm.s32 @p1 $0x1  }
0x15: {  	[smem:$0x3F9D] =	sst s0;
	s0 =	simm.s32 @!p2 $0x0  }
0x16: {  	s3 =	sld [smem:$0x3FDB];
	s0 =	simm.s32 @p2 $0x1  }
0x17: {  	s4 =	simm.s32 $0x1BF5;
	[smem:$0x3F9F] =	sst s0  }
0x18: {  	s0 =	sld [smem:$0x3F82];
	_ =	swait.ge [sflag:s4], $0x0  }
0x19: {  	s7 =	sld [smem:$0x3F83]  }
0x1a: {  	s8 =	sadd.s32 $0xFFFFE003, lr  }
0x1b: {  	s9 =	sadd.s32 $0xFFFFFEF7, lr;
	s5 =	simm.s32 $0xFFFFFFFF;
	p2 =	slt.u32 s8, $0xFFFFF086  }
0x1c: {  	p1 =	slt.u32 s9, $0xF7A;
	s5 =	simm.s32 @!p2 $0x0  }
0x1d: {  	s5 =	simm.s32 @p1 $0x1;
	p0 =	seq.s32 s7, s2  }
0x1e: {  	s7 =	smul.u32 @!p0 $0xF7A, s2;
	p2 =	seq.s32 @!p0 s5, $0x0  }
0x1f: {  	s9 =	smul.u32 $0xF7A, s1;
	s8 =	simm.s32 @!p0 $0x1BF5;
	p2 =	por !p2, p0  }
0x20: {  	[sflag:s8] =	ssyncset.s32 @!p0 $0xFFFFF086;
	s6 =	sadd.s32 @!p0 s3, s7;
	s7 =	simm.s32 @!p0 $0x108  }
0x21: {  	s3 =	sadd.s32 s3, s9;
	s6 =	sadd.s32 @!p0 $0x88, s6;
	s7 =	simm.s32 @p2 $0x1082  }
0x22: {  	[simem:s7], [sflag:s8] =	dma.local @!p0 [hbm:s6], $0xF7A  }
0x23: {  	s9 =	sor.u32 $0xD0000000, s2;
	s6 =	simm.s32 $0x108;
	_ =	swait.ge @!p0 [sflag:s8], $0x0  }
0x24: {  	s3 =	sadd.s32 $0x88, s3;
	s6 =	simm.s32 @!p1 $0x1082;
	[sflag:s4] =	ssyncset.s32 $0xFFFFF086  }
0x25: {  	[simem:s6], [sflag:s4] =	dma.local [hbm:s3], $0xF7A  }
0x26: {  	[smem:$0x3F83] =	sst s1;
	(tag) =	ssettag s2;
	_ =	strace s9  }
0x27: {  	s1 =	sld [smem:$0x3F93]  }
0x28: {  	s2 =	sld [smem:$0x3F94]  }
0x29: {  	s4 =	sld [smem:$0x3F96]  }
0x2a: {  	p0 =	seq.s32 s5, $0x0;
	s5 =	sld [smem:$0x3F97]  }
0x2b: {  	s6 =	sld [smem:$0x3F98]  }
0x2c: {  	s7 =	sld [smem:$0x3F99]  }
0x2d: {  	s3 =	simm.s32 $0x108;
	s8 =	sld [smem:$0x3F9A]  }
0x2e: {  	s3 =	simm.s32 @!p0 $0x1082;
	s9 =	sld [smem:$0x3F9B]  }
0x2f: {  	lr =	sadd.s32 s0, s3;
	s0 =	sld [smem:$0x3F92]  }
0x30: {  	s3 =	sld [smem:$0x3F95]  }
0x31: {  	[smem:$0x3F9E] =	sst s10  }
0x32: {  	s10 =	sld [smem:$0x3F9C];
	_ =	sdelay $0x3  }
0x33: {  	p0 =	seq.s32 s10, $0x1;
	s10 =	sld [smem:$0x3F9E];
	_ =	sdelay $0x3  }
0x34: {  	[smem:$0x3F9E] =	sst s10  }
0x35: {  	s10 =	sld [smem:$0x3F9D];
	_ =	sdelay $0x3  }
0x36: {  	p1 =	seq.s32 s10, $0x1;
	s10 =	sld [smem:$0x3F9E];
	_ =	sdelay $0x3  }
0x37: {  	[smem:$0x3F9E] =	sst s10  }
0x38: {  	s10 =	sld [smem:$0x3F9F]  }
0x39: {  	_ = 	snop;
	(pc) =	sbr.ind lr, $3  }
0x3a: {  	_ = 	snop  }
0x3b: {  	_ = 	snop  }
0x3c: {  	p2 =	seq.s32 s10, $0x1;
	s10 =	sld [smem:$0x3F9E]  }
0x3d: {  	_ =	shalt  }
0x3e: {  	_ =	shalt  }
0x3f: {  	_ =	shalt  }
0x40: {  	_ =	shalt  }
0x41: {  	_ =	shalt  }
0x42: {  	_ =	shalt  }
0x43: {  	_ =	shalt  }
0x44: {  	_ =	shalt  }
0x45: {  	_ =	shalt  }
0x46: {  	_ =	shalt  }
0x47: {  	_ =	shalt  }
0x48: {  	_ =	shalt  }
0x49: {  	_ =	shalt  }
0x4a: {  	_ =	shalt  }
0x4b: {  	_ =	shalt  }
0x4c: {  	_ =	shalt  }
0x4d: {  	_ =	shalt  }
0x4e: {  	_ =	shalt  }
0x4f: {  	_ =	shalt  }
0x50: {  	_ =	shalt  }
0x51: {  	_ =	shalt  }
0x52: {  	_ =	shalt  }
0x53: {  	_ =	shalt  }
0x54: {  	_ =	shalt  }
0x55: {  	_ =	shalt  }
0x56: {  	_ =	shalt  }
0x57: {  	_ =	shalt  }
0x58: {  	_ =	shalt  }
0x59: {  	_ =	shalt  }
0x5a: {  	_ =	shalt  }
0x5b: {  	_ =	shalt  }
0x5c: {  	_ =	shalt  }
0x5d: {  	_ =	shalt  }
0x5e: {  	_ =	shalt  }
0x5f: {  	_ =	shalt  }
0x60: {  	_ =	shalt  }
0x61: {  	_ =	shalt  }
0x62: {  	_ =	shalt  }
0x63: {  	_ =	shalt  }
0x64: {  	_ =	shalt  }
0x65: {  	_ =	shalt  }
0x66: {  	_ =	shalt  }
0x67: {  	_ =	shalt  }
0x68: {  	_ =	shalt  }
0x69: {  	_ =	shalt  }
0x6a: {  	_ =	shalt  }
0x6b: {  	_ =	shalt  }
0x6c: {  	_ =	shalt  }
0x6d: {  	_ =	shalt  }
0x6e: {  	_ =	shalt  }
0x6f: {  	_ =	shalt  }
0x70: {  	_ =	shalt  }
0x71: {  	_ =	shalt  }
0x72: {  	_ =	shalt  }
0x73: {  	_ =	shalt  }
0x74: {  	_ =	shalt  }
0x75: {  	_ =	shalt  }
0x76: {  	_ =	shalt  }
0x77: {  	_ =	shalt  }
0x78: {  	_ =	shalt  }
0x79: {  	_ =	shalt  }
0x7a: {  	_ =	shalt  }
0x7b: {  	_ =	shalt  }
0x7c: {  	_ =	shalt  }
0x7d: {  	_ =	shalt  }
0x7e: {  	_ =	shalt  }
0x7f: {  	_ =	shalt  }
0x80: {  	_ =	shalt  }
0x81: {  	_ =	shalt  }
0x82: {  	_ =	shalt  }
0x83: {  	_ =	shalt  }
0x84: {  	_ =	shalt  }
0x85: {  	_ =	shalt  }
0x86: {  	_ =	shalt  }
0x87: {  	_ =	shalt  }
.Lfunc_end0:
.L_simem_size_0:
called_computation.5_lowered:
.L_overlay_start_0:
0x88: {  	s2 =	sld [smem:$0x3FD9]  }
0x89: {  	s3 =	sld [smem:$0x3FFE];
	_ =	sdelay $0x1  }
0x8a: {  	s1 =	srdreg.scid  }
0x8b: {  	s0 =	sand.u32 $0x1, s1  }
0x8c: {  	s16 =	sshll.u32 s0, $0xA;
	s2 =	sadd.s32 s3, s2  }
0x8d: {  	s2 =	sadd.s32 s2, s16  }
0x8e: {  	[smem:$0x3FAA] =	sst s2  }
0x8f: {  	_ = 	snop  }
0x90: {  	(tm) =	ssettm $0x1  }
0x91: {  	s17 =	sld [smem:$0x3FFB];
	_ =	sdelay $0x3  }
0x92: {  	_ =	strace s17  }
0x93: {  	s2 =	sld [smem:$0x3FFC];
	_ =	sdelay $0x3  }
0x94: {  	_ =	strace s2  }
0x95: {  	s2 =	sld [smem:$0x3FFD];
	_ =	sdelay $0x3  }
0x96: {  	_ =	strace s2  }
0x97: {  	_ =	strace $0x8FFFFFFF  }
0x98: {  	s18 =	sld [smem:$0x3FDB];
	_ =	sdelay $0x1  }
0x99: {  	s19 =	simm.s32 $_scs_section_size  }
0x9a: {  	s4 =	simm.s32 $_size__tile_overlayer_lowered;
	s5 =	simm.s32 $_tile_overlayer_lowered  }
0x9b: {  	s22 =	simm.s32 $0x1BFF;
	s21 =	sshll.u32 s5, $0x1;
	s2 =	sadd.s32 s19, s18  }
0x9c: {  	s6 =	simm.s32 $0x0;
	s20 =	sshll.u32 s4, $0x1;
	s4 =	sadd.s32 s21, s2  }
0x9d: {  	[timem:s6], [sflag:s22] =	dma.local [hbm:s4], s20  }
0x9e: {  	_ =	swait.ge [sflag:s22], s20  }
0x9f: {  	s3 =	ssub.s32 $0x0, s20;
	[sflag:s22] =	ssyncset.done $0x0  }
0xa0: {  	[sflag:s22] =	ssyncadd.s32 s3;
	_ =	sdelay $0x1  }
0xa1: {  	s23 =	simm.s32 $0x1B8B  }
0xa2: {  	_ =	swait.ge [sflag:s23], $0x1  }
0xa3: {  	[sflag:s23] =	ssyncset.done $0x0  }
0xa4: {  	s25 =	simm.s32 $0x1B8E;
	s24 =	sld [smem:$0x3FFE];
	[sflag:s23] =	ssyncadd.s32 $0xFFFFFFFF  }
0xa5: {  	s26 =	simm.s32 $execute0_lowered;
	[smem:$0x3FD2] =	sst s25  }
0xa6: {  	s4 =	sshll.u32 s26, $0x1;
	_ =	strace $0x80000055;
	[dreg:$0x1] =	wrdreg $0xFFFFFFFF  }
0xa7: {  	s28 =	simm.s32 $_size_execute0_lowered;
	s2 =	sadd.s32 s2, s4;
	[dreg:$0x0] =	wrdreg $0x0  }
0xa8: {  	s4 =	sshll.u32 s28, $0x1;
	[dreg:$0x2] =	wrdreg s2  }
0xa9: {  	[dreg:$0x3] =	wrdreg s4  }
0xaa: {  	[dreg:$0x4] =	wrdreg $0xC0  }
0xab: {  	_ =	task [dreg:s6], $0x5FFFF  }
0xac: {  	[dreg:$0x1] =	wrdreg $0xFFFFFFFF  }
0xad: {  	[dreg:$0x0] =	wrdreg $0x60  }
0xae: {  	[dreg:$0x2] =	wrdreg s24  }
0xaf: {  	[dreg:$0x3] =	wrdreg $0x48900  }
0xb0: {  	[dreg:$0x4] =	wrdreg $0x9  }
0xb1: {  	_ =	task.clear_ibuf [dreg:s6], $0x5FFFF;
	_ =	strace $0x90000055  }
0xb2: {  	s29 =	simm.s32 $0x9;
	_ =	strace $0x80000057  }
0xb3: {  	_ =	swait.ge [sflag:s29], $0x1  }
0xb4: {  	[sflag:s29] =	ssyncadd.s32 $0xFFFFFFFF  }
0xb5: {  	_ =	strace $0x90000057  }
0xb6: {  	_ =	sfence  }
0xb7: {  	s30 =	sld [smem:$0x0];
	_ =	sdelay $0x2  }
0xb8: {  	s31 =	sshll.u32 s1, $0xD;
	s1 =	sshrl.u32 s1, $0x2  }
0xb9: {  	s3 =	sand.u32 $0x4000, s31;
	s1 =	sadd.s32 s1, s30  }
0xba: {  	s0 =	sor.u32 s3, s0;
	s1 =	sshll.u32 s1, $0x11  }
0xbb: {  	s0 =	sor.u32 s1, s0  }
0xbc: {  	s0 =	sadd.s32 $0x8F2B, s0  }
0xbd: {  	[sflag:s0] =	ssyncadd.remote.s32 $0x1  }
0xbe: {  	_ =	sfence.sel $0xFFFF  }
0xbf: {  	[dreg:$0x0] =	wrdreg $0xFFFFFFFF;
	(pc) =	sbr.abs _section_cstart, $3  }
0xc0: {  	[dreg:$0x1] =	wrdreg $0xFFFFFFFF  }
0xc1: {  	_ =	task.clear_ibuf [dreg:s6], $0x2FFFF;
	_ =	strace $0x9FFFFFFF  }
0xc2: {  	(tm) =	ssettm $0x7FFFFFFF  }
0xc3: {  	_ =	shalt  }
tec
execute0_lowered:
.L_overlay_start_1:
0x0: {  	(tag) =	ssettag $0x1  }
0x1: {  	s8 =	rddreg [dreg:$0x0]  }
0x2: {  	s1 =	rddreg [dreg:$0x1]  }
0x3: {  	s0 =	rddreg [dreg:$0x2];
	s3 =	simm.s32 $0x0  }
0x4: {  	s2 =	stileid.u32;
	s7 =	srdreg.scid;
	s19 =	simm.s32 $0x90  }
0x5: {  	s20 =	simm.s32 $0x10;
	s21 =	simm.s32 $0x4090;
	s22 =	simm.s32 $0x0  }
0x6: {  	[smem:$0x7FF] =	sst s3;
	s4 =	sadd.s32 $0x12C400, s8;
	s9 =	smul.u32 $0x14000, s2  }
0x7: {  	s5 =	sadd.s32 $0x153600, s8;
	s15 =	sadd.s32 $0x11E00, s8;
	s14 =	sadd.s32 $0xCE00, s8  }
0x8: {  	s16 =	sand.u32 $0x1, s7;
	s12 =	smul.u32 $0x2710, s2;
	s7 =	sadd.s32 $0x1A2800, s8  }
0x9: {  	s31 =	sshll.u32 s2, $0x6;
	s18 =	smul.u32 $0x4E2, s2;
	_ =	strace $0x80000056  }
0xa: {  	s11 =	ssub.s32 $0x2, s16;
	p0 =	sne.s32 s16, $0x0;
	s6 =	sshrl.u32 s9, $0x3  }
0xb: {  	s13 =	sshrl.u32 s11, $0x1;
	s17 =	sadd.s32 s9, s1;
	s30 =	sshrl.u32 s12, $0x3  }
.Ltmp0:
0xc: {  	s10 =	sadd.s32 s6, s8;
	s8 =	sadd.s32 $0x17A800, s8;
	(pc) =	sbr.rel .LBB2_1-.Ltmp0, $4  }
0xd: {  	s13 =	ssub.s32 s11, s13;
	s12 =	sadd.s32 $0x4E0, s30;
	s16 =	sshrl.u32 s17, $0x3  }
0xe: {  	s17 =	simm.s32 $0x1;
	s9 =	sadd.s32 $0x104400, s10;
	s10 =	sor.u32 $0x1C01, s31  }
0xf: {  	s11 =	sadd.s32 s15, s12;
	s12 =	sadd.s32 s14, s12;
	s13 =	smax.u32 s13, $0x1  }
0x10: {  	s14 =	sadd.s32 s18, s14;
	s15 =	sadd.s32 s18, s15;
	s18 =	simm.s32 $0x80  }
.LBB2_7:
0x11: {  	s24 =	sadd.s32 s23, s15;
	[sflag:s17] =	ssyncadd.s32 $0xFFFFC000  }
0x12: {  	[tilespmem:s3], [sflag:$0x1] =	stream.linear.gather [hbm4b:s24+s3], $0x80, $0x38;
	[tilespmem:$0x18890] =	vst v63  }
0x13: {  	_ =	swait.ge [sflag:s17], $0x80  }
0x14: {  	[sflag:s17] =	ssyncset.done $0x0  }
0x15: {  	[sflag:s17] =	ssyncadd.s32 $0xFFFFFF80  }
0x16: {  	[tilespmem:s19], [sflag:$0x1] =	stream.indirect.gather [hbm4b:s5+s18], $0x80, s3, s18, $0xb8;
	[tilespmem:$0x18890] =	vst v63  }
0x17: {  	_ =	swait.ge [sflag:s17], $0x4000  }
0x18: {  	[sflag:s17] =	ssyncset.done $0x0  }
0x19: {  	s31 =	sadd.s32 s23, s14;
	[sflag:s17] =	ssyncadd.s32 $0xFFFFC000  }
0x1a: {  	[tilespmem:s3], [sflag:$0x1] =	stream.linear.gather [hbm4b:s31+s3], $0x80, $0x38;
	[tilespmem:$0x18890] =	vst v63  }
0x1b: {  	_ =	swait.ge [sflag:s17], $0x80  }
0x1c: {  	[sflag:s17] =	ssyncset.done $0x0  }
0x1d: {  	[sflag:s17] =	ssyncadd.s32 $0xFFFFFF80  }
0x1e: {  	[spmem:s1] =	stream.indirect.scatter.add.f32 [tilespmem:s19], [sflag:$0x1], $0x80, s3, s18, $0xb8;
	[tilespmem:$0x18890] =	vst v63  }
0x1f: {  	_ =	swait.ge [sflag:s17], $0x4000  }
0x20: {  	[sflag:s17] =	ssyncset.done $0x0  }
0x21: {  	s23 =	smov.u32 s8;
	s24 =	smov.u32 s5;
	[sflag:s17] =	ssyncadd.s32 $0xFFFFC000  }
.LBB2_8:
0x22: {  	[tilespmem:s18], [sflag:$0x1] =	stream.linear.gather [hbm4b:s11+s3], $0x10, $0x38;
	[tilespmem:$0x18890] =	vst v63  }
0x23: {  	_ =	swait.ge [sflag:s17], $0x10  }
0x24: {  	[sflag:s17] =	ssyncset.done $0x0  }
0x25: {  	[sflag:s17] =	ssyncadd.s32 $0xFFFFFFF0  }
0x26: {  	[tilespmem:s21], [sflag:$0x1] =	stream.indirect.gather [hbm4b:s24+s20], $0x80, s18, s20, $0xb8;
	[tilespmem:$0x18890] =	vst v63  }
0x27: {  	_ =	swait.ge [sflag:s17], $0x800  }
0x28: {  	[sflag:s17] =	ssyncset.done $0x0  }
0x29: {  	[sflag:s17] =	ssyncadd.s32 $0xFFFFF800  }
0x2a: {  	[tilespmem:s18], [sflag:$0x1] =	stream.linear.gather [hbm4b:s12+s3], $0x10, $0x38;
	[tilespmem:$0x18890] =	vst v63  }
0x2b: {  	_ =	swait.ge [sflag:s17], $0x10  }
0x2c: {  	[sflag:s17] =	ssyncset.done $0x0  }
0x2d: {  	[sflag:s17] =	ssyncadd.s32 $0xFFFFFFF0  }
0x2e: {  	[spmem:s1] =	stream.indirect.scatter.add.f32 [tilespmem:s21], [sflag:$0x1], $0x80, s18, s20, $0xb8;
	[tilespmem:$0x18890] =	vst v63  }
0x2f: {  	_ =	swait.ge [sflag:s17], $0x800  }
0x30: {  	s22 =	sadd.s32 $0x1, s22;
	[sflag:s17] =	ssyncset.done $0x0  }
0x31: {  	p1 =	sne.s32 s22, s13;
	[sflag:s17] =	ssyncadd.s32 $0xFFFFF800  }
.Ltmp1:
0x32: {  	s23 =	sadd.s32 s23, s6;
	[bflag:$0x0] =	sbarrier.arrive $0xFFFF;
	(pc) =	sbr.rel @!p1 .LBB2_9-.Ltmp1, $4  }
0x33: {  	[hbm:s23], [sflag:s10] =	dma.local [spmem:s16], $0x2800  }
0x34: {  	_ =	swait.ge [sflag:s17], $0x2800  }
0x35: {  	[sflag:s17] =	ssyncset.done $0x0  }
0x36: {  	[sflag:s17] =	ssyncadd.s32 $0xFFFFD800  }
.LBB2_1:
0x37: {  	[spmem:s16], [sflag:s10] =	dma.local [hbm:s9], $0x2800  }
.Ltmp2:
0x38: {  	_ =	swait.ge [sflag:s17], $0x2800;
	(pc) =	sbr.rel @p0 .LBB2_5-.Ltmp2, $4  }
0x39: {  	[sflag:s17] =	ssyncset.done $0x0  }
0x3a: {  	[sflag:s17] =	ssyncadd.s32 $0xFFFFD800  }
0x3b: {  	[bflag:$0x0] =	sbarrier.arrive $0xFFFF  }
0x3c: {  	s23 =	sadd.s32 $0x0, s15  }
0x3d: {  	[tilespmem:s3], [sflag:$0x1] =	stream.linear.gather [hbm4b:s23+s3], $0x80, $0x38;
	[tilespmem:$0x18890] =	vst v63  }
0x3e: {  	_ =	swait.ge [sflag:s17], $0x80  }
0x3f: {  	[sflag:s17] =	ssyncset.done $0x0  }
0x40: {  	[sflag:s17] =	ssyncadd.s32 $0xFFFFFF80  }
0x41: {  	[tilespmem:s19], [sflag:$0x1] =	stream.indirect.gather [hbm4b:s4+s18], $0x80, s3, s18, $0xb8;
	[tilespmem:$0x18890] =	vst v63  }
0x42: {  	_ =	swait.ge [sflag:s17], $0x4000  }
0x43: {  	[sflag:s17] =	ssyncset.done $0x0  }
0x44: {  	s31 =	sadd.s32 $0x0, s14;
	[sflag:s17] =	ssyncadd.s32 $0xFFFFC000  }
0x45: {  	[tilespmem:s3], [sflag:$0x1] =	stream.linear.gather [hbm4b:s31+s3], $0x80, $0x38;
	[tilespmem:$0x18890] =	vst v63  }
0x46: {  	_ =	swait.ge [sflag:s17], $0x80  }
0x47: {  	[sflag:s17] =	ssyncset.done $0x0  }
0x48: {  	[sflag:s17] =	ssyncadd.s32 $0xFFFFFF80  }
0x49: {  	[spmem:s1] =	stream.indirect.scatter.add.f32 [tilespmem:s19], [sflag:$0x1], $0x80, s3, s18, $0xb8;
	[tilespmem:$0x18890] =	vst v63  }
0x4a: {  	_ =	swait.ge [sflag:s17], $0x4000  }
0x4b: {  	s23 =	simm.s32 $0x10;
	s24 =	simm.s32 $0x20;
	[sflag:s17] =	ssyncset.done $0x0  }
.LBB2_3:
0x4c: {  	s25 =	sadd.s32 s23, s15  }
0x4d: {  	[sflag:s17] =	ssyncadd.s32 $0xFFFFC000;
	s26 =	smov.u32 s24;
	s28 =	sadd.s32 $0x10, s24  }
0x4e: {  	[tilespmem:s3], [sflag:$0x1] =	stream.linear.gather [hbm4b:s25+s3], $0x80, $0x38;
	[tilespmem:$0x18890] =	vst v63  }
0x4f: {  	p1 =	seq.s32 s24, $0x4D0;
	_ =	swait.ge [sflag:s17], $0x80  }
0x50: {  	[sflag:s17] =	ssyncset.done $0x0  }
0x51: {  	[sflag:s17] =	ssyncadd.s32 $0xFFFFFF80  }
0x52: {  	[tilespmem:s19], [sflag:$0x1] =	stream.indirect.gather [hbm4b:s4+s18], $0x80, s3, s18, $0xb8;
	[tilespmem:$0x18890] =	vst v63  }
0x53: {  	_ =	swait.ge [sflag:s17], $0x4000  }
0x54: {  	[sflag:s17] =	ssyncset.done $0x0  }
0x55: {  	s24 =	sadd.s32 s23, s14;
	s23 =	smov.u32 s26;
	[sflag:s17] =	ssyncadd.s32 $0xFFFFC000  }
0x56: {  	[tilespmem:s3], [sflag:$0x1] =	stream.linear.gather [hbm4b:s24+s3], $0x80, $0x38;
	[tilespmem:$0x18890] =	vst v63  }
0x57: {  	_ =	swait.ge [sflag:s17], $0x80  }
.Ltmp3:
0x58: {  	[sflag:s17] =	ssyncset.done $0x0;
	(pc) =	sbr.rel @!p1 .LBB2_3-.Ltmp3, $4  }
0x59: {  	[sflag:s17] =	ssyncadd.s32 $0xFFFFFF80  }
0x5a: {  	[spmem:s1] =	stream.indirect.scatter.add.f32 [tilespmem:s19], [sflag:$0x1], $0x80, s3, s18, $0xb8;
	[tilespmem:$0x18890] =	vst v63  }
0x5b: {  	_ =	swait.ge [sflag:s17], $0x4000  }
0x5c: {  	s24 =	smov.u32 s28;
	[sflag:s17] =	ssyncset.done $0x0  }
0x5d: {  	s24 =	sadd.s32 s23, s15;
	[sflag:s17] =	ssyncadd.s32 $0xFFFFC000  }
0x5e: {  	[tilespmem:s3], [sflag:$0x1] =	stream.linear.gather [hbm4b:s24+s3], $0x80, $0x38;
	[tilespmem:$0x18890] =	vst v63  }
0x5f: {  	_ =	swait.ge [sflag:s17], $0x80  }
0x60: {  	[sflag:s17] =	ssyncset.done $0x0  }
0x61: {  	[sflag:s17] =	ssyncadd.s32 $0xFFFFFF80  }
0x62: {  	[tilespmem:s19], [sflag:$0x1] =	stream.indirect.gather [hbm4b:s4+s18], $0x80, s3, s18, $0xb8;
	[tilespmem:$0x18890] =	vst v63  }
0x63: {  	_ =	swait.ge [sflag:s17], $0x4000  }
0x64: {  	[sflag:s17] =	ssyncset.done $0x0  }
0x65: {  	s31 =	sadd.s32 s23, s14;
	[sflag:s17] =	ssyncadd.s32 $0xFFFFC000  }
0x66: {  	[tilespmem:s3], [sflag:$0x1] =	stream.linear.gather [hbm4b:s31+s3], $0x80, $0x38;
	[tilespmem:$0x18890] =	vst v63  }
0x67: {  	_ =	swait.ge [sflag:s17], $0x80  }
0x68: {  	[sflag:s17] =	ssyncset.done $0x0  }
.Ltmp4:
0x69: {  	[sflag:s17] =	ssyncadd.s32 $0xFFFFFF80;
	(pc) =	sbr.rel .LBB2_8-.Ltmp4, $4  }
0x6a: {  	[spmem:s1] =	stream.indirect.scatter.add.f32 [tilespmem:s19], [sflag:$0x1], $0x80, s3, s18, $0xb8;
	[tilespmem:$0x18890] =	vst v63  }
0x6b: {  	_ =	swait.ge [sflag:s17], $0x4000  }
0x6c: {  	[sflag:s17] =	ssyncset.done $0x0  }
0x6d: {  	s23 =	smov.u32 s7;
	s24 =	smov.u32 s4;
	[sflag:s17] =	ssyncadd.s32 $0xFFFFC000  }
.LBB2_5:
0x6e: {  	[tilespmem:s3], [sflag:$0x1] =	stream.linear.gather [hbm4b:s23+s3], $0x80, $0x38;
	[tilespmem:$0x18890] =	vst v63  }
0x6f: {  	_ =	swait.ge [sflag:s17], $0x80  }
0x70: {  	[sflag:s17] =	ssyncset.done $0x0  }
0x71: {  	[sflag:s17] =	ssyncadd.s32 $0xFFFFFF80  }
0x72: {  	[tilespmem:s19], [sflag:$0x1] =	stream.indirect.gather [hbm4b:s5+s18], $0x80, s3, s18, $0xb8;
	[tilespmem:$0x18890] =	vst v63  }
0x73: {  	_ =	swait.ge [sflag:s17], $0x4000  }
0x74: {  	[sflag:s17] =	ssyncset.done $0x0  }
0x75: {  	s31 =	sadd.s32 $0x0, s14;
	[sflag:s17] =	ssyncadd.s32 $0xFFFFC000  }
0x76: {  	[tilespmem:s3], [sflag:$0x1] =	stream.linear.gather [hbm4b:s31+s3], $0x80, $0x38;
	[tilespmem:$0x18890] =	vst v63  }
0x77: {  	_ =	swait.ge [sflag:s17], $0x80  }
0x78: {  	[sflag:s17] =	ssyncset.done $0x0  }
0x79: {  	[sflag:s17] =	ssyncadd.s32 $0xFFFFFF80  }
0x7a: {  	[spmem:s1] =	stream.indirect.scatter.add.f32 [tilespmem:s19], [sflag:$0x1], $0x80, s3, s18, $0xb8;
	[tilespmem:$0x18890] =	vst v63  }
0x7b: {  	_ =	swait.ge [sflag:s17], $0x4000  }
0x7c: {  	s23 =	simm.s32 $0x10;
	s24 =	simm.s32 $0x20;
	[sflag:s17] =	ssyncset.done $0x0  }
.LBB2_6:
0x7d: {  	s25 =	sadd.s32 s23, s15  }
0x7e: {  	[sflag:s17] =	ssyncadd.s32 $0xFFFFC000;
	s26 =	smov.u32 s24;
	s28 =	sadd.s32 $0x10, s24  }
0x7f: {  	[tilespmem:s3], [sflag:$0x1] =	stream.linear.gather [hbm4b:s25+s3], $0x80, $0x38;
	[tilespmem:$0x18890] =	vst v63  }
0x80: {  	p1 =	sne.s32 s24, $0x4D0;
	_ =	swait.ge [sflag:s17], $0x80  }
0x81: {  	[sflag:s17] =	ssyncset.done $0x0  }
0x82: {  	[sflag:s17] =	ssyncadd.s32 $0xFFFFFF80  }
0x83: {  	[tilespmem:s19], [sflag:$0x1] =	stream.indirect.gather [hbm4b:s5+s18], $0x80, s3, s18, $0xb8;
	[tilespmem:$0x18890] =	vst v63  }
0x84: {  	_ =	swait.ge [sflag:s17], $0x4000  }
0x85: {  	[sflag:s17] =	ssyncset.done $0x0  }
0x86: {  	s24 =	sadd.s32 s23, s14;
	s23 =	smov.u32 s26;
	[sflag:s17] =	ssyncadd.s32 $0xFFFFC000  }
0x87: {  	[tilespmem:s3], [sflag:$0x1] =	stream.linear.gather [hbm4b:s24+s3], $0x80, $0x38;
	[tilespmem:$0x18890] =	vst v63  }
0x88: {  	_ =	swait.ge [sflag:s17], $0x80  }
.Ltmp5:
0x89: {  	[sflag:s17] =	ssyncset.done $0x0;
	(pc) =	sbr.rel @p1 .LBB2_6-.Ltmp5, $4  }
0x8a: {  	[sflag:s17] =	ssyncadd.s32 $0xFFFFFF80  }
0x8b: {  	[spmem:s1] =	stream.indirect.scatter.add.f32 [tilespmem:s19], [sflag:$0x1], $0x80, s3, s18, $0xb8;
	[tilespmem:$0x18890] =	vst v63  }
0x8c: {  	_ =	swait.ge [sflag:s17], $0x4000  }
0x8d: {  	s24 =	smov.u32 s28;
	[sflag:s17] =	ssyncset.done $0x0  }
.Ltmp6:
0x8e: {  	_ = 	snop;
	(pc) =	sbr.rel .LBB2_7-.Ltmp6, $1  }
0x8f: {  	_ =	sdelay $0x3  }
.LBB2_9:
0x90: {  	_ =	sfence.sel $0x180000  }
0x91: {  	[bflag:$0x0] =	sbarrier.arrive $0xFFFF  }
0x92: {  	p0 =	sne.s32 s2, $0x0;
	_ =	strace $0x90000056  }
0x93: {  	s0 =	sadd.s32 @!p0 $0x100000, s0;
	[bflag:$0x2] =	sbarrier.arrive $0xFFFF  }
0x94: {  	[sflag:s0] =	ssyncadd.tile.s32 @!p0 $0x1;
	_ =	shalt  }
.Lfunc_end2:
_tile_overlayer_lowered:
.L_overlay_start_2:
0x95: {  	(tag) =	ssettag $0x2  }
0x96: {  	s0 =	rddreg [dreg:$0x0];
	s2 =	stileid.u32  }
0x97: {  	s1 =	rddreg [dreg:$0x1];
	p0 =	sne.s32 s2, $0x0  }
0x98: {  	s3 =	rddreg [dreg:$0x2];
	[bflag:$0x3] =	sbarrier.arrive $0xFFFF;
	s2 =	simm.s32 @!p0 $0x1C01  }
0x99: {  	[timem:s3], [sflag:s2] =	dma.local @!p0 [hbm:s0], s1  }
0x9a: {  	s0 =	simm.s32 @!p0 $0x1  }
0x9b: {  	_ =	swait.ge @!p0 [sflag:s0], s1  }
0x9c: {  	s1 =	ssub.s32 @!p0 $0x0, s1;
	[sflag:s0] =	ssyncset.done @!p0 $0x0  }
0x9d: {  	[sflag:s0] =	ssyncadd.s32 @!p0 s1  }
0x9e: {  	[bflag:$0x3] =	sbarrier.arrive $0xFFFF  }
0x9f: {  	_ =	shalt  }

// kernel: kernel.37.cloned.1.call-start
scs
__scs_entry_jumppad:
0x0: {  	(pc) =	sbr.rel $0x88, $3  }
0x1: {  	(tag) =	ssettag $0x0;
	lr =	simm.s32 $0x1  }
0x2: {  	[smem:$0x3F83] =	sst lr;
	_ =	strace $0xD0000000  }
0x3: {  	_ = 	snop  }
0x4: {  	_ = 	snop  }
0x5: {  	_ = 	snop  }
0x6: {  	_ = 	snop  }
0x7: {  	_ = 	snop  }
__scs_overlays_trampoline_lowered:
0x8: {  	[smem:$0x3F92] =	sst s0  }
0x9: {  	[smem:$0x3F93] =	sst s1  }
0xa: {  	[smem:$0x3F94] =	sst s2  }
0xb: {  	[smem:$0x3F95] =	sst s3  }
0xc: {  	[smem:$0x3F96] =	sst s4  }
0xd: {  	[smem:$0x3F97] =	sst s5  }
0xe: {  	[smem:$0x3F98] =	sst s6  }
0xf: {  	[smem:$0x3F99] =	sst s7  }
0x10: {  	[smem:$0x3F9A] =	sst s8  }
0x11: {  	[smem:$0x3F9B] =	sst s9;
	s0 =	simm.s32 @!p0 $0x0  }
0x12: {  	s1 =	sld [smem:$0x3F81];
	s0 =	simm.s32 @p0 $0x1  }
0x13: {  	[smem:$0x3F9C] =	sst s0;
	s0 =	simm.s32 @!p1 $0x0  }
0x14: {  	s2 =	sld [smem:$0x3F80];
	s0 =	simm.s32 @p1 $0x1  }
0x15: {  	[smem:$0x3F9D] =	sst s0;
	s0 =	simm.s32 @!p2 $0x0  }
0x16: {  	s3 =	sld [smem:$0x3FDB];
	s0 =	simm.s32 @p2 $0x1  }
0x17: {  	s4 =	simm.s32 $0x1BF5;
	[smem:$0x3F9F] =	sst s0  }
0x18: {  	s0 =	sld [smem:$0x3F82];
	_ =	swait.ge [sflag:s4], $0x0  }
0x19: {  	s7 =	sld [smem:$0x3F83]  }
0x1a: {  	s8 =	sadd.s32 $0xFFFFE003, lr  }
0x1b: {  	s9 =	sadd.s32 $0xFFFFFEF7, lr;
	s5 =	simm.s32 $0xFFFFFFFF;
	p2 =	slt.u32 s8, $0xFFFFF086  }
0x1c: {  	p1 =	slt.u32 s9, $0xF7A;
	s5 =	simm.s32 @!p2 $0x0  }
0x1d: {  	s5 =	simm.s32 @p1 $0x1;
	p0 =	seq.s32 s7, s2  }
0x1e: {  	s7 =	smul.u32 @!p0 $0xF7A, s2;
	p2 =	seq.s32 @!p0 s5, $0x0  }
0x1f: {  	s9 =	smul.u32 $0xF7A, s1;
	s8 =	simm.s32 @!p0 $0x1BF5;
	p2 =	por !p2, p0  }
0x20: {  	[sflag:s8] =	ssyncset.s32 @!p0 $0xFFFFF086;
	s6 =	sadd.s32 @!p0 s3, s7;
	s7 =	simm.s32 @!p0 $0x108  }
0x21: {  	s3 =	sadd.s32 s3, s9;
	s6 =	sadd.s32 @!p0 $0x88, s6;
	s7 =	simm.s32 @p2 $0x1082  }
0x22: {  	[simem:s7], [sflag:s8] =	dma.local @!p0 [hbm:s6], $0xF7A  }
0x23: {  	s9 =	sor.u32 $0xD0000000, s2;
	s6 =	simm.s32 $0x108;
	_ =	swait.ge @!p0 [sflag:s8], $0x0  }
0x24: {  	s3 =	sadd.s32 $0x88, s3;
	s6 =	simm.s32 @!p1 $0x1082;
	[sflag:s4] =	ssyncset.s32 $0xFFFFF086  }
0x25: {  	[simem:s6], [sflag:s4] =	dma.local [hbm:s3], $0xF7A  }
0x26: {  	[smem:$0x3F83] =	sst s1;
	(tag) =	ssettag s2;
	_ =	strace s9  }
0x27: {  	s1 =	sld [smem:$0x3F93]  }
0x28: {  	s2 =	sld [smem:$0x3F94]  }
0x29: {  	s4 =	sld [smem:$0x3F96]  }
0x2a: {  	p0 =	seq.s32 s5, $0x0;
	s5 =	sld [smem:$0x3F97]  }
0x2b: {  	s6 =	sld [smem:$0x3F98]  }
0x2c: {  	s7 =	sld [smem:$0x3F99]  }
0x2d: {  	s3 =	simm.s32 $0x108;
	s8 =	sld [smem:$0x3F9A]  }
0x2e: {  	s3 =	simm.s32 @!p0 $0x1082;
	s9 =	sld [smem:$0x3F9B]  }
0x2f: {  	lr =	sadd.s32 s0, s3;
	s0 =	sld [smem:$0x3F92]  }
0x30: {  	s3 =	sld [smem:$0x3F95]  }
0x31: {  	[smem:$0x3F9E] =	sst s10  }
0x32: {  	s10 =	sld [smem:$0x3F9C];
	_ =	sdelay $0x3  }
0x33: {  	p0 =	seq.s32 s10, $0x1;
	s10 =	sld [smem:$0x3F9E];
	_ =	sdelay $0x3  }
0x34: {  	[smem:$0x3F9E] =	sst s10  }
0x35: {  	s10 =	sld [smem:$0x3F9D];
	_ =	sdelay $0x3  }
0x36: {  	p1 =	seq.s32 s10, $0x1;
	s10 =	sld [smem:$0x3F9E];
	_ =	sdelay $0x3  }
0x37: {  	[smem:$0x3F9E] =	sst s10  }
0x38: {  	s10 =	sld [smem:$0x3F9F]  }
0x39: {  	_ = 	snop;
	(pc) =	sbr.ind lr, $3  }
0x3a: {  	_ = 	snop  }
0x3b: {  	_ = 	snop  }
0x3c: {  	p2 =	seq.s32 s10, $0x1;
	s10 =	sld [smem:$0x3F9E]  }
0x3d: {  	_ =	shalt  }
0x3e: {  	_ =	shalt  }
0x3f: {  	_ =	shalt  }
0x40: {  	_ =	shalt  }
0x41: {  	_ =	shalt  }
0x42: {  	_ =	shalt  }
0x43: {  	_ =	shalt  }
0x44: {  	_ =	shalt  }
0x45: {  	_ =	shalt  }
0x46: {  	_ =	shalt  }
0x47: {  	_ =	shalt  }
0x48: {  	_ =	shalt  }
0x49: {  	_ =	shalt  }
0x4a: {  	_ =	shalt  }
0x4b: {  	_ =	shalt  }
0x4c: {  	_ =	shalt  }
0x4d: {  	_ =	shalt  }
0x4e: {  	_ =	shalt  }
0x4f: {  	_ =	shalt  }
0x50: {  	_ =	shalt  }
0x51: {  	_ =	shalt  }
0x52: {  	_ =	shalt  }
0x53: {  	_ =	shalt  }
0x54: {  	_ =	shalt  }
0x55: {  	_ =	shalt  }
0x56: {  	_ =	shalt  }
0x57: {  	_ =	shalt  }
0x58: {  	_ =	shalt  }
0x59: {  	_ =	shalt  }
0x5a: {  	_ =	shalt  }
0x5b: {  	_ =	shalt  }
0x5c: {  	_ =	shalt  }
0x5d: {  	_ =	shalt  }
0x5e: {  	_ =	shalt  }
0x5f: {  	_ =	shalt  }
0x60: {  	_ =	shalt  }
0x61: {  	_ =	shalt  }
0x62: {  	_ =	shalt  }
0x63: {  	_ =	shalt  }
0x64: {  	_ =	shalt  }
0x65: {  	_ =	shalt  }
0x66: {  	_ =	shalt  }
0x67: {  	_ =	shalt  }
0x68: {  	_ =	shalt  }
0x69: {  	_ =	shalt  }
0x6a: {  	_ =	shalt  }
0x6b: {  	_ =	shalt  }
0x6c: {  	_ =	shalt  }
0x6d: {  	_ =	shalt  }
0x6e: {  	_ =	shalt  }
0x6f: {  	_ =	shalt  }
0x70: {  	_ =	shalt  }
0x71: {  	_ =	shalt  }
0x72: {  	_ =	shalt  }
0x73: {  	_ =	shalt  }
0x74: {  	_ =	shalt  }
0x75: {  	_ =	shalt  }
0x76: {  	_ =	shalt  }
0x77: {  	_ =	shalt  }
0x78: {  	_ =	shalt  }
0x79: {  	_ =	shalt  }
0x7a: {  	_ =	shalt  }
0x7b: {  	_ =	shalt  }
0x7c: {  	_ =	shalt  }
0x7d: {  	_ =	shalt  }
0x7e: {  	_ =	shalt  }
0x7f: {  	_ =	shalt  }
0x80: {  	_ =	shalt  }
0x81: {  	_ =	shalt  }
0x82: {  	_ =	shalt  }
0x83: {  	_ =	shalt  }
0x84: {  	_ =	shalt  }
0x85: {  	_ =	shalt  }
0x86: {  	_ =	shalt  }
0x87: {  	_ =	shalt  }
.Lfunc_end0:
.L_simem_size_0:
called_computation.6_lowered:
.L_overlay_start_0:
0x88: {  	s2 =	sld [smem:$0x3FD9]  }
0x89: {  	s3 =	sld [smem:$0x3FFE];
	_ =	sdelay $0x1  }
0x8a: {  	s1 =	srdreg.scid  }
0x8b: {  	s0 =	sand.u32 $0x1, s1  }
0x8c: {  	s16 =	sshll.u32 s0, $0xA;
	s2 =	sadd.s32 s3, s2  }
0x8d: {  	s2 =	sadd.s32 s2, s16  }
0x8e: {  	[smem:$0x3FAA] =	sst s2  }
0x8f: {  	_ = 	snop  }
0x90: {  	(tm) =	ssettm $0x1  }
0x91: {  	s17 =	sld [smem:$0x3FFB];
	_ =	sdelay $0x3  }
0x92: {  	_ =	strace s17  }
0x93: {  	s2 =	sld [smem:$0x3FFC];
	_ =	sdelay $0x3  }
0x94: {  	_ =	strace s2  }
0x95: {  	s2 =	sld [smem:$0x3FFD];
	_ =	sdelay $0x3  }
0x96: {  	_ =	strace s2  }
0x97: {  	_ =	strace $0x8FFFFFFF  }
0x98: {  	s18 =	sld [smem:$0x3FDB];
	_ =	sdelay $0x1  }
0x99: {  	s19 =	simm.s32 $_scs_section_size  }
0x9a: {  	s4 =	simm.s32 $_size__tile_overlayer_lowered;
	s5 =	simm.s32 $_tile_overlayer_lowered  }
0x9b: {  	s22 =	simm.s32 $0x1BFF;
	s21 =	sshll.u32 s5, $0x1;
	s2 =	sadd.s32 s19, s18  }
0x9c: {  	s6 =	simm.s32 $0x0;
	s20 =	sshll.u32 s4, $0x1;
	s4 =	sadd.s32 s21, s2  }
0x9d: {  	[timem:s6], [sflag:s22] =	dma.local [hbm:s4], s20  }
0x9e: {  	_ =	swait.ge [sflag:s22], s20  }
0x9f: {  	s3 =	ssub.s32 $0x0, s20;
	[sflag:s22] =	ssyncset.done $0x0  }
0xa0: {  	[sflag:s22] =	ssyncadd.s32 s3;
	_ =	sdelay $0x1  }
0xa1: {  	s23 =	simm.s32 $0x1B8B  }
0xa2: {  	_ =	swait.ge [sflag:s23], $0x1  }
0xa3: {  	[sflag:s23] =	ssyncset.done $0x0  }
0xa4: {  	s25 =	simm.s32 $0x1B8E;
	s24 =	sld [smem:$0x3FFE];
	[sflag:s23] =	ssyncadd.s32 $0xFFFFFFFF  }
0xa5: {  	s26 =	simm.s32 $execute0_lowered;
	[smem:$0x3FD2] =	sst s25  }
0xa6: {  	s4 =	sshll.u32 s26, $0x1;
	_ =	strace $0x80000058;
	[dreg:$0x1] =	wrdreg $0xFFFFFFFF  }
0xa7: {  	s28 =	simm.s32 $_size_execute0_lowered;
	s2 =	sadd.s32 s2, s4;
	[dreg:$0x0] =	wrdreg $0x0  }
0xa8: {  	s4 =	sshll.u32 s28, $0x1;
	[dreg:$0x2] =	wrdreg s2  }
0xa9: {  	[dreg:$0x3] =	wrdreg s4  }
0xaa: {  	[dreg:$0x4] =	wrdreg $0xC0  }
0xab: {  	_ =	task [dreg:s6], $0x5FFFF  }
0xac: {  	[dreg:$0x1] =	wrdreg $0xFFFFFFFF  }
0xad: {  	[dreg:$0x0] =	wrdreg $0x60  }
0xae: {  	[dreg:$0x2] =	wrdreg s24  }
0xaf: {  	[dreg:$0x3] =	wrdreg $0x48900  }
0xb0: {  	[dreg:$0x4] =	wrdreg $0x9  }
0xb1: {  	_ =	task.clear_ibuf [dreg:s6], $0x5FFFF;
	_ =	strace $0x90000058  }
0xb2: {  	s29 =	simm.s32 $0x9;
	_ =	strace $0x8000005A  }
0xb3: {  	_ =	swait.ge [sflag:s29], $0x1  }
0xb4: {  	[sflag:s29] =	ssyncadd.s32 $0xFFFFFFFF  }
0xb5: {  	_ =	strace $0x9000005A  }
0xb6: {  	_ =	sfence  }
0xb7: {  	s30 =	sld [smem:$0x0];
	_ =	sdelay $0x2  }
0xb8: {  	s31 =	sshll.u32 s1, $0xD;
	s1 =	sshrl.u32 s1, $0x2  }
0xb9: {  	s3 =	sand.u32 $0x4000, s31;
	s1 =	sadd.s32 s1, s30  }
0xba: {  	s0 =	sor.u32 s3, s0;
	s1 =	sshll.u32 s1, $0x11  }
0xbb: {  	s0 =	sor.u32 s1, s0  }
0xbc: {  	s0 =	sadd.s32 $0x8F2B, s0  }
0xbd: {  	[sflag:s0] =	ssyncadd.remote.s32 $0x1  }
0xbe: {  	_ =	sfence.sel $0xFFFF  }
0xbf: {  	[dreg:$0x0] =	wrdreg $0xFFFFFFFF;
	(pc) =	sbr.abs _section_cstart, $3  }
0xc0: {  	[dreg:$0x1] =	wrdreg $0xFFFFFFFF  }
0xc1: {  	_ =	task.clear_ibuf [dreg:s6], $0x2FFFF;
	_ =	strace $0x9FFFFFFF  }
0xc2: {  	(tm) =	ssettm $0x7FFFFFFF  }
0xc3: {  	_ =	shalt  }
tec
execute0_lowered:
.L_overlay_start_1:
0x0: {  	(tag) =	ssettag $0x1  }
0x1: {  	s8 =	rddreg [dreg:$0x0]  }
0x2: {  	s2 =	rddreg [dreg:$0x1]  }
0x3: {  	s0 =	rddreg [dreg:$0x2];
	s3 =	simm.s32 $0x0  }
0x4: {  	s1 =	stileid.u32;
	s7 =	srdreg.scid;
	s19 =	simm.s32 $0x90  }
0x5: {  	s20 =	simm.s32 $0x10;
	s21 =	simm.s32 $0x4090;
	s22 =	simm.s32 $0x0  }
0x6: {  	[smem:$0x7FF] =	sst s3;
	s4 =	sadd.s32 $0x3EE00, s8;
	s9 =	smul.u32 $0x14000, s1  }
0x7: {  	s5 =	sadd.s32 $0x8E000, s8;
	s15 =	sadd.s32 $0x11E00, s8;
	s14 =	sadd.s32 $0xCE00, s8  }
0x8: {  	s16 =	sand.u32 $0x1, s7;
	s12 =	smul.u32 $0x2710, s1;
	s7 =	sadd.s32 $0xB5200, s8  }
0x9: {  	s31 =	sshll.u32 s1, $0x6;
	s18 =	smul.u32 $0x4E2, s1;
	_ =	strace $0x80000059  }
0xa: {  	s11 =	ssub.s32 $0x2, s16;
	p0 =	sne.s32 s16, $0x0;
	s6 =	sshrl.u32 s9, $0x3  }
0xb: {  	s13 =	sshrl.u32 s11, $0x1;
	s17 =	sadd.s32 s9, s2;
	s30 =	sshrl.u32 s12, $0x3  }
.Ltmp0:
0xc: {  	s10 =	sadd.s32 s6, s8;
	s8 =	sadd.s32 $0x12C400, s8;
	(pc) =	sbr.rel .LBB2_1-.Ltmp0, $4  }
0xd: {  	s13 =	ssub.s32 s11, s13;
	s12 =	sadd.s32 $0x4E0, s30;
	s16 =	sshrl.u32 s17, $0x3  }
0xe: {  	s17 =	simm.s32 $0x1;
	s9 =	sadd.s32 $0x104400, s10;
	s10 =	sor.u32 $0x1C01, s31  }
0xf: {  	s11 =	sadd.s32 s15, s12;
	s12 =	sadd.s32 s14, s12;
	s13 =	smax.u32 s13, $0x1  }
0x10: {  	s14 =	sadd.s32 s18, s14;
	s15 =	sadd.s32 s18, s15;
	s18 =	simm.s32 $0x80  }
.LBB2_7:
0x11: {  	s24 =	sadd.s32 s23, s15;
	[sflag:s17] =	ssyncadd.s32 $0xFFFFC000  }
0x12: {  	[tilespmem:s3], [sflag:$0x1] =	stream.linear.gather [hbm4b:s24+s3], $0x80, $0x38;
	[tilespmem:$0x18890] =	vst v63  }
0x13: {  	_ =	swait.ge [sflag:s17], $0x80  }
0x14: {  	[sflag:s17] =	ssyncset.done $0x0  }
0x15: {  	[sflag:s17] =	ssyncadd.s32 $0xFFFFFF80  }
0x16: {  	[tilespmem:s19], [sflag:$0x1] =	stream.indirect.gather [hbm4b:s5+s18], $0x80, s3, s18, $0xb8;
	[tilespmem:$0x18890] =	vst v63  }
0x17: {  	_ =	swait.ge [sflag:s17], $0x4000  }
0x18: {  	[sflag:s17] =	ssyncset.done $0x0  }
0x19: {  	s31 =	sadd.s32 s23, s14;
	[sflag:s17] =	ssyncadd.s32 $0xFFFFC000  }
0x1a: {  	[tilespmem:s3], [sflag:$0x1] =	stream.linear.gather [hbm4b:s31+s3], $0x80, $0x38;
	[tilespmem:$0x18890] =	vst v63  }
0x1b: {  	_ =	swait.ge [sflag:s17], $0x80  }
0x1c: {  	[sflag:s17] =	ssyncset.done $0x0  }
0x1d: {  	[sflag:s17] =	ssyncadd.s32 $0xFFFFFF80  }
0x1e: {  	[spmem:s2] =	stream.indirect.scatter.add.f32 [tilespmem:s19], [sflag:$0x1], $0x80, s3, s18, $0xb8;
	[tilespmem:$0x18890] =	vst v63  }
0x1f: {  	_ =	swait.ge [sflag:s17], $0x4000  }
0x20: {  	[sflag:s17] =	ssyncset.done $0x0  }
0x21: {  	s23 =	smov.u32 s8;
	s24 =	smov.u32 s5;
	[sflag:s17] =	ssyncadd.s32 $0xFFFFC000  }
.LBB2_8:
0x22: {  	[tilespmem:s18], [sflag:$0x1] =	stream.linear.gather [hbm4b:s11+s3], $0x10, $0x38;
	[tilespmem:$0x18890] =	vst v63  }
0x23: {  	_ =	swait.ge [sflag:s17], $0x10  }
0x24: {  	[sflag:s17] =	ssyncset.done $0x0  }
0x25: {  	[sflag:s17] =	ssyncadd.s32 $0xFFFFFFF0  }
0x26: {  	[tilespmem:s21], [sflag:$0x1] =	stream.indirect.gather [hbm4b:s24+s20], $0x80, s18, s20, $0xb8;
	[tilespmem:$0x18890] =	vst v63  }
0x27: {  	_ =	swait.ge [sflag:s17], $0x800  }
0x28: {  	[sflag:s17] =	ssyncset.done $0x0  }
0x29: {  	[sflag:s17] =	ssyncadd.s32 $0xFFFFF800  }
0x2a: {  	[tilespmem:s18], [sflag:$0x1] =	stream.linear.gather [hbm4b:s12+s3], $0x10, $0x38;
	[tilespmem:$0x18890] =	vst v63  }
0x2b: {  	_ =	swait.ge [sflag:s17], $0x10  }
0x2c: {  	[sflag:s17] =	ssyncset.done $0x0  }
0x2d: {  	[sflag:s17] =	ssyncadd.s32 $0xFFFFFFF0  }
0x2e: {  	[spmem:s2] =	stream.indirect.scatter.add.f32 [tilespmem:s21], [sflag:$0x1], $0x80, s18, s20, $0xb8;
	[tilespmem:$0x18890] =	vst v63  }
0x2f: {  	_ =	swait.ge [sflag:s17], $0x800  }
0x30: {  	s22 =	sadd.s32 $0x1, s22;
	[sflag:s17] =	ssyncset.done $0x0  }
0x31: {  	p1 =	sne.s32 s22, s13;
	[sflag:s17] =	ssyncadd.s32 $0xFFFFF800  }
.Ltmp1:
0x32: {  	s23 =	sadd.s32 s23, s6;
	[bflag:$0x0] =	sbarrier.arrive $0xFFFF;
	(pc) =	sbr.rel @!p1 .LBB2_9-.Ltmp1, $4  }
0x33: {  	[hbm:s23], [sflag:s10] =	dma.local [spmem:s16], $0x2800  }
0x34: {  	_ =	swait.ge [sflag:s17], $0x2800  }
0x35: {  	[sflag:s17] =	ssyncset.done $0x0  }
0x36: {  	[sflag:s17] =	ssyncadd.s32 $0xFFFFD800  }
.LBB2_1:
0x37: {  	[spmem:s16], [sflag:s10] =	dma.local [hbm:s9], $0x2800  }
.Ltmp2:
0x38: {  	_ =	swait.ge [sflag:s17], $0x2800;
	(pc) =	sbr.rel @p0 .LBB2_5-.Ltmp2, $4  }
0x39: {  	[sflag:s17] =	ssyncset.done $0x0  }
0x3a: {  	[sflag:s17] =	ssyncadd.s32 $0xFFFFD800  }
0x3b: {  	[bflag:$0x0] =	sbarrier.arrive $0xFFFF  }
0x3c: {  	s23 =	sadd.s32 $0x0, s15  }
0x3d: {  	[tilespmem:s3], [sflag:$0x1] =	stream.linear.gather [hbm4b:s23+s3], $0x80, $0x38;
	[tilespmem:$0x18890] =	vst v63  }
0x3e: {  	_ =	swait.ge [sflag:s17], $0x80  }
0x3f: {  	[sflag:s17] =	ssyncset.done $0x0  }
0x40: {  	[sflag:s17] =	ssyncadd.s32 $0xFFFFFF80  }
0x41: {  	[tilespmem:s19], [sflag:$0x1] =	stream.indirect.gather [hbm4b:s4+s18], $0x80, s3, s18, $0xb8;
	[tilespmem:$0x18890] =	vst v63  }
0x42: {  	_ =	swait.ge [sflag:s17], $0x4000  }
0x43: {  	[sflag:s17] =	ssyncset.done $0x0  }
0x44: {  	s31 =	sadd.s32 $0x0, s14;
	[sflag:s17] =	ssyncadd.s32 $0xFFFFC000  }
0x45: {  	[tilespmem:s3], [sflag:$0x1] =	stream.linear.gather [hbm4b:s31+s3], $0x80, $0x38;
	[tilespmem:$0x18890] =	vst v63  }
0x46: {  	_ =	swait.ge [sflag:s17], $0x80  }
0x47: {  	[sflag:s17] =	ssyncset.done $0x0  }
0x48: {  	[sflag:s17] =	ssyncadd.s32 $0xFFFFFF80  }
0x49: {  	[spmem:s2] =	stream.indirect.scatter.add.f32 [tilespmem:s19], [sflag:$0x1], $0x80, s3, s18, $0xb8;
	[tilespmem:$0x18890] =	vst v63  }
0x4a: {  	_ =	swait.ge [sflag:s17], $0x4000  }
0x4b: {  	s23 =	simm.s32 $0x10;
	s24 =	simm.s32 $0x20;
	[sflag:s17] =	ssyncset.done $0x0  }
.LBB2_3:
0x4c: {  	s25 =	sadd.s32 s23, s15  }
0x4d: {  	[sflag:s17] =	ssyncadd.s32 $0xFFFFC000;
	s26 =	smov.u32 s24;
	s28 =	sadd.s32 $0x10, s24  }
0x4e: {  	[tilespmem:s3], [sflag:$0x1] =	stream.linear.gather [hbm4b:s25+s3], $0x80, $0x38;
	[tilespmem:$0x18890] =	vst v63  }
0x4f: {  	p1 =	seq.s32 s24, $0x4D0;
	_ =	swait.ge [sflag:s17], $0x80  }
0x50: {  	[sflag:s17] =	ssyncset.done $0x0  }
0x51: {  	[sflag:s17] =	ssyncadd.s32 $0xFFFFFF80  }
0x52: {  	[tilespmem:s19], [sflag:$0x1] =	stream.indirect.gather [hbm4b:s4+s18], $0x80, s3, s18, $0xb8;
	[tilespmem:$0x18890] =	vst v63  }
0x53: {  	_ =	swait.ge [sflag:s17], $0x4000  }
0x54: {  	[sflag:s17] =	ssyncset.done $0x0  }
0x55: {  	s24 =	sadd.s32 s23, s14;
	s23 =	smov.u32 s26;
	[sflag:s17] =	ssyncadd.s32 $0xFFFFC000  }
0x56: {  	[tilespmem:s3], [sflag:$0x1] =	stream.linear.gather [hbm4b:s24+s3], $0x80, $0x38;
	[tilespmem:$0x18890] =	vst v63  }
0x57: {  	_ =	swait.ge [sflag:s17], $0x80  }
.Ltmp3:
0x58: {  	[sflag:s17] =	ssyncset.done $0x0;
	(pc) =	sbr.rel @!p1 .LBB2_3-.Ltmp3, $4  }
0x59: {  	[sflag:s17] =	ssyncadd.s32 $0xFFFFFF80  }
0x5a: {  	[spmem:s2] =	stream.indirect.scatter.add.f32 [tilespmem:s19], [sflag:$0x1], $0x80, s3, s18, $0xb8;
	[tilespmem:$0x18890] =	vst v63  }
0x5b: {  	_ =	swait.ge [sflag:s17], $0x4000  }
0x5c: {  	s24 =	smov.u32 s28;
	[sflag:s17] =	ssyncset.done $0x0  }
0x5d: {  	s24 =	sadd.s32 s23, s15;
	[sflag:s17] =	ssyncadd.s32 $0xFFFFC000  }
0x5e: {  	[tilespmem:s3], [sflag:$0x1] =	stream.linear.gather [hbm4b:s24+s3], $0x80, $0x38;
	[tilespmem:$0x18890] =	vst v63  }
0x5f: {  	_ =	swait.ge [sflag:s17], $0x80  }
0x60: {  	[sflag:s17] =	ssyncset.done $0x0  }
0x61: {  	[sflag:s17] =	ssyncadd.s32 $0xFFFFFF80  }
0x62: {  	[tilespmem:s19], [sflag:$0x1] =	stream.indirect.gather [hbm4b:s4+s18], $0x80, s3, s18, $0xb8;
	[tilespmem:$0x18890] =	vst v63  }
0x63: {  	_ =	swait.ge [sflag:s17], $0x4000  }
0x64: {  	[sflag:s17] =	ssyncset.done $0x0  }
0x65: {  	s31 =	sadd.s32 s23, s14;
	[sflag:s17] =	ssyncadd.s32 $0xFFFFC000  }
0x66: {  	[tilespmem:s3], [sflag:$0x1] =	stream.linear.gather [hbm4b:s31+s3], $0x80, $0x38;
	[tilespmem:$0x18890] =	vst v63  }
0x67: {  	_ =	swait.ge [sflag:s17], $0x80  }
0x68: {  	[sflag:s17] =	ssyncset.done $0x0  }
.Ltmp4:
0x69: {  	[sflag:s17] =	ssyncadd.s32 $0xFFFFFF80;
	(pc) =	sbr.rel .LBB2_8-.Ltmp4, $4  }
0x6a: {  	[spmem:s2] =	stream.indirect.scatter.add.f32 [tilespmem:s19], [sflag:$0x1], $0x80, s3, s18, $0xb8;
	[tilespmem:$0x18890] =	vst v63  }
0x6b: {  	_ =	swait.ge [sflag:s17], $0x4000  }
0x6c: {  	[sflag:s17] =	ssyncset.done $0x0  }
0x6d: {  	s23 =	smov.u32 s7;
	s24 =	smov.u32 s4;
	[sflag:s17] =	ssyncadd.s32 $0xFFFFC000  }
.LBB2_5:
0x6e: {  	[tilespmem:s3], [sflag:$0x1] =	stream.linear.gather [hbm4b:s23+s3], $0x80, $0x38;
	[tilespmem:$0x18890] =	vst v63  }
0x6f: {  	_ =	swait.ge [sflag:s17], $0x80  }
0x70: {  	[sflag:s17] =	ssyncset.done $0x0  }
0x71: {  	[sflag:s17] =	ssyncadd.s32 $0xFFFFFF80  }
0x72: {  	[tilespmem:s19], [sflag:$0x1] =	stream.indirect.gather [hbm4b:s5+s18], $0x80, s3, s18, $0xb8;
	[tilespmem:$0x18890] =	vst v63  }
0x73: {  	_ =	swait.ge [sflag:s17], $0x4000  }
0x74: {  	[sflag:s17] =	ssyncset.done $0x0  }
0x75: {  	s31 =	sadd.s32 $0x0, s14;
	[sflag:s17] =	ssyncadd.s32 $0xFFFFC000  }
0x76: {  	[tilespmem:s3], [sflag:$0x1] =	stream.linear.gather [hbm4b:s31+s3], $0x80, $0x38;
	[tilespmem:$0x18890] =	vst v63  }
0x77: {  	_ =	swait.ge [sflag:s17], $0x80  }
0x78: {  	[sflag:s17] =	ssyncset.done $0x0  }
0x79: {  	[sflag:s17] =	ssyncadd.s32 $0xFFFFFF80  }
0x7a: {  	[spmem:s2] =	stream.indirect.scatter.add.f32 [tilespmem:s19], [sflag:$0x1], $0x80, s3, s18, $0xb8;
	[tilespmem:$0x18890] =	vst v63  }
0x7b: {  	_ =	swait.ge [sflag:s17], $0x4000  }
0x7c: {  	s23 =	simm.s32 $0x10;
	s24 =	simm.s32 $0x20;
	[sflag:s17] =	ssyncset.done $0x0  }
.LBB2_6:
0x7d: {  	s25 =	sadd.s32 s23, s15  }
0x7e: {  	[sflag:s17] =	ssyncadd.s32 $0xFFFFC000;
	s26 =	smov.u32 s24;
	s28 =	sadd.s32 $0x10, s24  }
0x7f: {  	[tilespmem:s3], [sflag:$0x1] =	stream.linear.gather [hbm4b:s25+s3], $0x80, $0x38;
	[tilespmem:$0x18890] =	vst v63  }
0x80: {  	p1 =	sne.s32 s24, $0x4D0;
	_ =	swait.ge [sflag:s17], $0x80  }
0x81: {  	[sflag:s17] =	ssyncset.done $0x0  }
0x82: {  	[sflag:s17] =	ssyncadd.s32 $0xFFFFFF80  }
0x83: {  	[tilespmem:s19], [sflag:$0x1] =	stream.indirect.gather [hbm4b:s5+s18], $0x80, s3, s18, $0xb8;
	[tilespmem:$0x18890] =	vst v63  }
0x84: {  	_ =	swait.ge [sflag:s17], $0x4000  }
0x85: {  	[sflag:s17] =	ssyncset.done $0x0  }
0x86: {  	s24 =	sadd.s32 s23, s14;
	s23 =	smov.u32 s26;
	[sflag:s17] =	ssyncadd.s32 $0xFFFFC000  }
0x87: {  	[tilespmem:s3], [sflag:$0x1] =	stream.linear.gather [hbm4b:s24+s3], $0x80, $0x38;
	[tilespmem:$0x18890] =	vst v63  }
0x88: {  	_ =	swait.ge [sflag:s17], $0x80  }
.Ltmp5:
0x89: {  	[sflag:s17] =	ssyncset.done $0x0;
	(pc) =	sbr.rel @p1 .LBB2_6-.Ltmp5, $4  }
0x8a: {  	[sflag:s17] =	ssyncadd.s32 $0xFFFFFF80  }
0x8b: {  	[spmem:s2] =	stream.indirect.scatter.add.f32 [tilespmem:s19], [sflag:$0x1], $0x80, s3, s18, $0xb8;
	[tilespmem:$0x18890] =	vst v63  }
0x8c: {  	_ =	swait.ge [sflag:s17], $0x4000  }
0x8d: {  	s24 =	smov.u32 s28;
	[sflag:s17] =	ssyncset.done $0x0  }
.Ltmp6:
0x8e: {  	_ = 	snop;
	(pc) =	sbr.rel .LBB2_7-.Ltmp6, $1  }
0x8f: {  	_ =	sdelay $0x3  }
.LBB2_9:
0x90: {  	_ =	sfence.sel $0x180000  }
0x91: {  	[bflag:$0x0] =	sbarrier.arrive $0xFFFF  }
0x92: {  	p0 =	sne.s32 s1, $0x0;
	_ =	strace $0x90000059  }
0x93: {  	s0 =	sadd.s32 @!p0 $0x100000, s0;
	[bflag:$0x2] =	sbarrier.arrive $0xFFFF  }
0x94: {  	[sflag:s0] =	ssyncadd.tile.s32 @!p0 $0x1;
	_ =	shalt  }
.Lfunc_end2:
_tile_overlayer_lowered:
.L_overlay_start_2:
0x95: {  	(tag) =	ssettag $0x2  }
0x96: {  	s0 =	rddreg [dreg:$0x0];
	s2 =	stileid.u32  }
0x97: {  	s1 =	rddreg [dreg:$0x1];
	p0 =	sne.s32 s2, $0x0  }
0x98: {  	s3 =	rddreg [dreg:$0x2];
	[bflag:$0x3] =	sbarrier.arrive $0xFFFF;
	s2 =	simm.s32 @!p0 $0x1C01  }
0x99: {  	[timem:s3], [sflag:s2] =	dma.local @!p0 [hbm:s0], s1  }
0x9a: {  	s0 =	simm.s32 @!p0 $0x1  }
0x9b: {  	_ =	swait.ge @!p0 [sflag:s0], s1  }
0x9c: {  	s1 =	ssub.s32 @!p0 $0x0, s1;
	[sflag:s0] =	ssyncset.done @!p0 $0x0  }
0x9d: {  	[sflag:s0] =	ssyncadd.s32 @!p0 s1  }
0x9e: {  	[bflag:$0x3] =	sbarrier.arrive $0xFFFF  }
0x9f: {  	_ =	shalt  }

</sc_bundles>
